<compile_context>
chip_gen: v7x
topology: tpu7x:2x2x1
jax: 0.10.2.dev20260603
libtpu: 0.0.44.dev20260713+nightly
codegen_flags: <defaults>
</compile_context>

<pallas_src>
import functools

import jax
import jax.numpy as jnp
import numpy as np
from jax import lax
from jax.experimental import pallas as pl
from jax.experimental.pallas import tpu as pltpu
from jax.experimental.pallas import tpu_sc as plsc

N = 10000
D = 128
E = 320000
T = 2
P = 768
B = 256
NH = 4
HD = D // NH

NC = 2
NS = 16
NW = NC * NS
CS = 128
NCH_H = 79
NCH_L = 79
HEAVY_CID = 0
E_PAD = NS * CS * (NCH_H + NCH_L)
NP = 10240
RPS = NP // NS

_mesh_cache = []


def _mesh():
  if not _mesh_cache:
    _mesh_cache.append(
        plsc.VectorSubcoreMesh(core_axis_name="c", subcore_axis_name="s",
                               num_cores=NC, num_subcores=NS))
  return _mesh_cache[0]


def _segmean_partials(x, src_idx, dst_idx, want_deg=True):

  @functools.partial(
      pl.kernel, mesh=_mesh(),
      out_type=[jax.ShapeDtypeStruct((NC, NP, D), jnp.float32),
                jax.ShapeDtypeStruct((NC, NP), jnp.float32)],
      scratch_types=[
          pltpu.VMEM((NCH_H, CS), jnp.int32),
          pltpu.VMEM((NCH_H, CS), jnp.int32),
          pltpu.VMEM((CS, D), jnp.float32),
          pltpu.VMEM((CS,), jnp.float32),
          pltpu.VMEM_SHARED((NP, D), jnp.float32),
          pltpu.VMEM_SHARED((NP,), jnp.float32),
          pltpu.SemaphoreType.DMA,
      ],
  )
  def k(x_hbm, src_hbm, dst_hbm, part_hbm, deg_hbm,
        src_v, dst_v, r0, ones_v, acc_sh, dacc_sh, s0):
    cid = lax.axis_index("c")
    sid = lax.axis_index("s")
    wid = sid * NC + cid

    zeros16 = jnp.zeros((16,), jnp.float32)
    ones16 = jnp.ones((16,), jnp.float32)

    @pl.loop(0, CS)
    def _(r):
      for c in range(D // 16):
        r0[r, pl.ds(c * 16, 16)] = zeros16
    if want_deg:
      for c in range(CS // 16):
        ones_v[pl.ds(c * 16, 16)] = ones16

    for t in range(RPS // CS):
      pltpu.sync_copy(r0, acc_sh.at[pl.ds(sid * RPS + t * CS, CS)])
    if want_deg:
      for t in range(RPS // D):
        pltpu.sync_copy(r0.at[0],
                        dacc_sh.at[pl.ds(sid * RPS + t * D, D)])
    plsc.subcore_barrier()

    pltpu.sync_copy(src_hbm.at[wid], src_v)
    pltpu.sync_copy(dst_hbm.at[wid], dst_v)

    @pl.loop(0, NCH_H)
    def _(j):
      pltpu.async_copy(x_hbm.at[src_v.at[j]], r0, s0).wait()
      pltpu.sync_copy(r0, acc_sh.at[dst_v.at[j]], add=True)
      if want_deg:
        pltpu.sync_copy(ones_v, dacc_sh.at[dst_v.at[j]], add=True)

    plsc.subcore_barrier()

    pltpu.sync_copy(acc_sh.at[pl.ds(sid * RPS, RPS)],
                    part_hbm.at[cid, pl.ds(sid * RPS, RPS)])
    if want_deg:
      pltpu.sync_copy(dacc_sh.at[pl.ds(sid * RPS, RPS)],
                      deg_hbm.at[cid, pl.ds(sid * RPS, RPS)])

  return k(x, src_idx, dst_idx)


_PPW = P // NW


def _gather_rows(table, idx):

  @functools.partial(
      pl.kernel, mesh=_mesh(),
      out_type=jax.ShapeDtypeStruct((P, D), jnp.float32),
      scratch_types=[
          pltpu.VMEM((_PPW,), jnp.int32),
          pltpu.VMEM((_PPW, D), jnp.float32),
          pltpu.SemaphoreType.DMA,
      ],
  )
  def k(tab_hbm, idx_hbm, out_hbm, idx_v, rows_v, sem):
    wid = lax.axis_index("s") * NC + lax.axis_index("c")
    base = wid * _PPW
    pltpu.sync_copy(idx_hbm.at[pl.ds(base, _PPW)], idx_v)
    pltpu.async_copy(tab_hbm.at[idx_v], rows_v, sem).wait()
    pltpu.sync_copy(rows_v, out_hbm.at[pl.ds(base, _PPW)])

  return k(table, idx)


_BR = 2000


def _sage_linear(part, degT, x, Wl, bl, Wr):

  def body(part_ref, degT_ref, x_ref, Wl_ref, bl_ref, Wr_ref, out_ref):
    p = part_ref[0] + part_ref[1]
    deg = degT_ref[:, 0] + degT_ref[:, 1]
    mean = p / jnp.maximum(deg, 1.0)[:, None]
    h = (jnp.dot(mean, Wl_ref[...], preferred_element_type=jnp.float32)
         + bl_ref[...]
         + jnp.dot(x_ref[...], Wr_ref[...], preferred_element_type=jnp.float32))
    out_ref[...] = jnp.maximum(h, 0.0)

  return pl.pallas_call(
      body,
      grid=(N // _BR,),
      in_specs=[
          pl.BlockSpec((NC, _BR, D), lambda i: (0, i, 0)),
          pl.BlockSpec((_BR, NC), lambda i: (i, 0)),
          pl.BlockSpec((_BR, D), lambda i: (i, 0)),
          pl.BlockSpec((D, D), lambda i: (0, 0)),
          pl.BlockSpec((1, D), lambda i: (0, 0)),
          pl.BlockSpec((D, D), lambda i: (0, 0)),
      ],
      out_specs=pl.BlockSpec((_BR, D), lambda i: (i, 0)),
      out_shape=jax.ShapeDtypeStruct((N, D), jnp.float32),
  )(part, degT, x, Wl, bl, Wr)


def _layer2_meta(part20, part21, degT0, degT1, h0, h1,
                 Wl20, bl20, Wr20, Wl21, bl21, Wr21, Wm, bm, vm):

  def body(p0_ref, p1_ref, d0_ref, d1_ref, h0_ref, h1_ref,
           Wl20_ref, bl20_ref, Wr20_ref, Wl21_ref, bl21_ref, Wr21_ref,
           Wm_ref, bm_ref, vm_ref, out_ref):
    h2 = []
    for (p_ref, d_ref, h_ref, Wl_ref, bl_ref, Wr_ref) in (
        (p0_ref, d0_ref, h0_ref, Wl20_ref, bl20_ref, Wr20_ref),
        (p1_ref, d1_ref, h1_ref, Wl21_ref, bl21_ref, Wr21_ref)):
      p = p_ref[0] + p_ref[1]
      deg = d_ref[:, 0] + d_ref[:, 1]
      mean = p / jnp.maximum(deg, 1.0)[:, None]
      h = (jnp.dot(mean, Wl_ref[...], preferred_element_type=jnp.float32)
           + bl_ref[...]
           + jnp.dot(h_ref[...], Wr_ref[...], preferred_element_type=jnp.float32))
      h2.append(jnp.maximum(h, 0.0))
    Wm_ = Wm_ref[...]
    bm_ = bm_ref[...]
    vm_ = vm_ref[...]
    s0 = jnp.dot(jnp.tanh(jnp.dot(h2[0], Wm_,
                                  preferred_element_type=jnp.float32) + bm_),
                 vm_, preferred_element_type=jnp.float32)
    s1 = jnp.dot(jnp.tanh(jnp.dot(h2[1], Wm_,
                                  preferred_element_type=jnp.float32) + bm_),
                 vm_, preferred_element_type=jnp.float32)
    m = jnp.maximum(s0, s1)
    e0 = jnp.exp(s0 - m)
    e1 = jnp.exp(s1 - m)
    w0 = e0 / (e0 + e1)
    out_ref[...] = w0 * h2[0] + (1.0 - w0) * h2[1]

  wspec = pl.BlockSpec((D, D), lambda i: (0, 0))
  bspec = pl.BlockSpec((1, D), lambda i: (0, 0))
  return pl.pallas_call(
      body,
      grid=(N // _BR,),
      in_specs=[
          pl.BlockSpec((NC, _BR, D), lambda i: (0, i, 0)),
          pl.BlockSpec((NC, _BR, D), lambda i: (0, i, 0)),
          pl.BlockSpec((_BR, NC), lambda i: (i, 0)),
          pl.BlockSpec((_BR, NC), lambda i: (i, 0)),
          pl.BlockSpec((_BR, D), lambda i: (i, 0)),
          pl.BlockSpec((_BR, D), lambda i: (i, 0)),
          wspec, bspec, wspec, wspec, bspec, wspec,
          wspec, bspec, pl.BlockSpec((D, 1), lambda i: (0, 0)),
      ],
      out_specs=pl.BlockSpec((_BR, D), lambda i: (i, 0)),
      out_shape=jax.ShapeDtypeStruct((N, D), jnp.float32),
  )(part20, part21, degT0, degT1, h0, h1,
    Wl20, bl20, Wr20, Wl21, bl21, Wr21, Wm, bm, vm)


def _hypersagnn(emb, bcol, brow, Wst, bst, Wq, bq, Wk, bk, Wv, bv, Wo, bo,
                beta, Wp, bp):

  def body(emb_ref, bcol_ref, brow_ref, Wst_ref, bst_ref,
           Wq_ref, bq_ref, Wk_ref, bk_ref, Wv_ref, bv_ref, Wo_ref, bo_ref,
           beta_ref, Wp_ref, bp_ref, out_ref):
    x = emb_ref[...]
    static = jnp.maximum(
        jnp.dot(x, Wst_ref[...], preferred_element_type=jnp.float32)
        + bst_ref[...], 0.0)
    bc = bcol_ref[...]
    br = brow_ref[...]
    ri = lax.broadcasted_iota(jnp.int32, (P, P), 0)
    ci = lax.broadcasted_iota(jnp.int32, (P, P), 1)
    valid = (bc == br) & (ri != ci)
    scale = 1.0 / np.sqrt(float(HD))
    for l in range(2):
      Q = jnp.dot(x, Wq_ref[l], preferred_element_type=jnp.float32) + bq_ref[l]
      K = jnp.dot(x, Wk_ref[l], preferred_element_type=jnp.float32) + bk_ref[l]
      V = jnp.dot(x, Wv_ref[l], preferred_element_type=jnp.float32) + bv_ref[l]
      cols = []
      for h in range(NH):
        Qh = Q[:, h * HD:(h + 1) * HD]
        Kh = K[:, h * HD:(h + 1) * HD]
        Vh = V[:, h * HD:(h + 1) * HD]
        a = lax.dot_general(Qh, Kh, (((1,), (1,)), ((), ())),
                            preferred_element_type=jnp.float32) * scale
        a = jnp.where(valid, a, -1e9)
        m = jnp.max(a, axis=1, keepdims=True)
        ex = jnp.exp(a - m)
        w = ex / jnp.sum(ex, axis=1, keepdims=True)
        cols.append(jnp.dot(w, Vh, preferred_element_type=jnp.float32))
      ctx = jnp.concatenate(cols, axis=1)
      x = x + beta_ref[l, 0] * (
          jnp.dot(ctx, Wo_ref[l], preferred_element_type=jnp.float32)
          + bo_ref[l])
    diff = x - static
    node = jnp.dot(diff * diff, Wp_ref[...],
                   preferred_element_type=jnp.float32) + bp_ref[...]
    colid = lax.broadcasted_iota(jnp.int32, (P, B), 1).astype(jnp.float32)
    onehot = (bc == colid).astype(jnp.float32)
    ssum = lax.dot_general(onehot, node, (((0,), (0,)), ((), ())),
                           preferred_element_type=jnp.float32)
    ones_col = jnp.ones((P, 1), jnp.float32)
    cnt = lax.dot_general(onehot, ones_col, (((0,), (0,)), ((), ())),
                          preferred_element_type=jnp.float32)
    out_ref[...] = ssum / jnp.maximum(cnt, 1.0)

  full = lambda s: pl.BlockSpec(s, lambda: tuple(0 for _ in s))
  return pl.pallas_call(
      body,
      in_specs=[
          full((P, D)), full((P, 1)), full((1, P)),
          full((D, D)), full((1, D)),
          full((2, D, D)), full((2, 1, D)),
          full((2, D, D)), full((2, 1, D)),
          full((2, D, D)), full((2, 1, D)),
          full((2, D, D)), full((2, 1, D)),
          full((2, 1)), full((D, 1)), full((1, 1)),
      ],
      out_specs=full((B, 1)),
      out_shape=jax.ShapeDtypeStruct((B, 1), jnp.float32),
  )(emb, bcol, brow, Wst, bst, Wq, bq, Wk, bk, Wv, bv, Wo, bo, beta, Wp, bp)


def _arrange(v, fill):
  EH = NS * NCH_H * CS
  heavy = v[:EH].reshape(NS, NCH_H, CS)
  light = jnp.concatenate(
      [v[EH:].reshape(NS, NCH_L, CS),
       jnp.full((NS, NCH_H - NCH_L, CS), fill, jnp.int32)], axis=1)
  pair = (light, heavy) if HEAVY_CID == 1 else (heavy, light)
  return jnp.stack(pair, axis=1).reshape(NW, NCH_H, CS)


def _prep_edges(src, dst):
  pad = E_PAD - E
  src = jnp.concatenate([src.astype(jnp.int32), jnp.zeros((pad,), jnp.int32)])
  dst = jnp.concatenate([dst.astype(jnp.int32),
                         jnp.full((pad,), NP - 1, jnp.int32)])
  return _arrange(src, 0), _arrange(dst, NP - 1)


def kernel(edge_index, pert_indices, batch_indices, gene_emb,
           Wl1, bl1, Wr1, Wl2, bl2, Wr2, Wm, bm, vm, Wst, bst,
           Wq, bq, Wk, bk, Wv, bv, Wo, bo, beta, Wp, bp):
  src0, dst0 = _prep_edges(edge_index[0, 0], edge_index[0, 1])
  src1, dst1 = _prep_edges(edge_index[1, 0], edge_index[1, 1])

  part10, deg0 = _segmean_partials(gene_emb, src0, dst0)
  part11, deg1 = _segmean_partials(gene_emb, src1, dst1)
  degT0 = deg0.T
  degT1 = deg1.T

  h10 = _sage_linear(part10, degT0, gene_emb,
                     Wl1[0], bl1[0].reshape(1, D), Wr1[0])
  h11 = _sage_linear(part11, degT1, gene_emb,
                     Wl1[1], bl1[1].reshape(1, D), Wr1[1])

  part20, _ = _segmean_partials(h10, src0, dst0, want_deg=False)
  part21, _ = _segmean_partials(h11, src1, dst1, want_deg=False)

  meta = _layer2_meta(part20, part21, degT0, degT1, h10, h11,
                      Wl2[0], bl2[0].reshape(1, D), Wr2[0],
                      Wl2[1], bl2[1].reshape(1, D), Wr2[1],
                      Wm, bm.reshape(1, D), vm.reshape(D, 1))

  emb = _gather_rows(meta, pert_indices.astype(jnp.int32))

  bf = batch_indices.astype(jnp.float32)
  scores = _hypersagnn(emb, bf.reshape(P, 1), bf.reshape(1, P),
                       Wst, bst.reshape(1, D),
                       Wq, bq.reshape(2, 1, D), Wk, bk.reshape(2, 1, D),
                       Wv, bv.reshape(2, 1, D), Wo, bo.reshape(2, 1, D),
                       beta.reshape(2, 1), Wp, bp.reshape(1, 1))
  return scores[:, 0]

# --- scband reference (transcript-rebuilt; emitter-appended) ---
"""Pipeline reference for scband-dango-51900384805109 (READ-ONLY COPY).

The authoritative reference and input builder live on the scoring server;
editing this copy changes nothing except your own understanding.
"""

import jax, jax.numpy as jnp
import numpy as np

N = 10000
D = 128
E = 320000
T = 2
P = 768
B = 256
NH = 4
HD = D // NH


def setup_inputs(seed: int = 0):
    key = jax.random.key(seed)
    ks = jax.random.split(key, 30)
    def p(i, shape):
        return jax.random.normal(ks[i], shape, dtype=jnp.float32) * 0.1
    inp = {}
    inp["edge_index"] = jax.random.randint(ks[0], (T, 2, E), 0, N)
    inp["pert_indices"] = jax.random.randint(ks[1], (P,), 0, N)
    inp["batch_indices"] = jnp.sort(jax.random.randint(ks[2], (P,), 0, B))
    inp["gene_emb"] = p(3, (N, D))
    inp["Wl1"] = p(4, (T, D, D)); inp["bl1"] = jnp.zeros((T, D), jnp.float32); inp["Wr1"] = p(5, (T, D, D))
    inp["Wl2"] = p(6, (T, D, D)); inp["bl2"] = jnp.zeros((T, D), jnp.float32); inp["Wr2"] = p(7, (T, D, D))
    inp["Wm"] = p(8, (D, D)); inp["bm"] = jnp.zeros((D,), jnp.float32); inp["vm"] = p(9, (D,))
    inp["Wst"] = p(10, (D, D)); inp["bst"] = jnp.zeros((D,), jnp.float32)
    inp["Wq"] = p(11, (2, D, D)); inp["bq"] = jnp.zeros((2, D), jnp.float32)
    inp["Wk"] = p(12, (2, D, D)); inp["bk"] = jnp.zeros((2, D), jnp.float32)
    inp["Wv"] = p(13, (2, D, D)); inp["bv"] = jnp.zeros((2, D), jnp.float32)
    inp["Wo"] = p(14, (2, D, D)); inp["bo"] = jnp.zeros((2, D), jnp.float32)
    inp["beta"] = jnp.full((2,), 0.1, jnp.float32)
    inp["Wp"] = p(15, (D, 1)); inp["bp"] = jnp.zeros((1,), jnp.float32)
    return inp


def _sage(x, ei, Wl, bl, Wr):
    # PyG SAGEConv(normalize=False, project=False): mean-aggregate neighbor messages, then lin_l(agg) + lin_r(x)
    src, dst = ei[0], ei[1]
    agg = jax.ops.segment_sum(x[src], dst, num_segments=N)
    deg = jax.ops.segment_sum(jnp.ones((ei.shape[1],), jnp.float32), dst, num_segments=N)
    mean = agg / jnp.clip(deg, 1.0)[:, None]
    return mean @ Wl + bl + x @ Wr


def _attn(x, valid, Wq, bq, Wk, bk, Wv, bv, Wo, bo, beta):
    n = x.shape[0]
    Q = (x @ Wq + bq).reshape(n, NH, HD).transpose(1, 0, 2)
    K = (x @ Wk + bk).reshape(n, NH, HD).transpose(1, 0, 2)
    V = (x @ Wv + bv).reshape(n, NH, HD).transpose(1, 0, 2)
    a = jnp.einsum('hnd,hmd->hnm', Q, K) / jnp.sqrt(float(HD))
    a = jnp.where(valid[None, :, :], a, -1e9)
    w = jax.nn.softmax(a, axis=-1)
    ctx = jnp.einsum('hnm,hmd->hnd', w, V).transpose(1, 0, 2).reshape(n, D)
    return x + beta * (ctx @ Wo + bo)


def reference(edge_index, pert_indices, batch_indices, gene_emb, Wl1, bl1, Wr1, Wl2, bl2, Wr2, Wm, bm, vm, Wst, bst, Wq, bq, Wk, bk, Wv, bv, Wo, bo, beta, Wp, bp):
    # DangoPreTrain: 2-layer SAGE per PPI edge type over shared gene embedding
    Hs = []
    for t in range(T):
        h1 = jax.nn.relu(_sage(gene_emb, edge_index[t], Wl1[t], bl1[t], Wr1[t]))
        h2 = jax.nn.relu(_sage(h1, edge_index[t], Wl2[t], bl2[t], Wr2[t]))
        Hs.append(h2)
    H = jnp.stack(Hs, axis=0)  # [T, N, D]
    # MetaEmbedding: attention-weighted combination across networks
    s = jnp.tanh(H @ Wm + bm) @ vm  # [T, N]
    wgt = jax.nn.softmax(s, axis=0)
    meta = jnp.sum(wgt[:, :, None] * H, axis=0)  # [N, D]
    # Gather perturbation-set gene embeddings
    emb = meta[pert_indices]  # [P, D]
    # HyperSAGNN
    static = jax.nn.relu(emb @ Wst + bst)
    same = batch_indices[:, None] == batch_indices[None, :]
    valid = same & (~jnp.eye(P, dtype=bool))
    x = emb
    for l in range(2):
        x = _attn(x, valid, Wq[l], bq[l], Wk[l], bk[l], Wv[l], bv[l], Wo[l], bo[l], beta[l])
    node = (((x - static) ** 2) @ Wp + bp)[:, 0]
    cnt = jax.ops.segment_sum(jnp.ones((P,), jnp.float32), batch_indices, num_segments=B)
    scores = jax.ops.segment_sum(node, batch_indices, num_segments=B) / jnp.clip(cnt, 1.0)
    return scores

if __name__ == "__main__":
    import jax
    _d = setup_inputs()
    print(jax.jit(kernel)(*tuple(_d.values())))

</pallas_src>

<mosaic_0001>
#map = affine_map<(d0, d1) -> (0, 0)>
#map1 = affine_map<(d0, d1) -> (0, 0, 0)>
module attributes {stable_mosaic.version = 14 : i64} {
  func.func @k(%arg0: i32, %arg1: i32, %arg2: memref<10000x128xf32, #tpu.memory_space<hbm>>, %arg3: memref<32x79x128xi32, #tpu.memory_space<hbm>>, %arg4: memref<32x79x128xi32, #tpu.memory_space<hbm>>, %arg5: memref<2x10240x128xf32, #tpu.memory_space<hbm>>, %arg6: memref<2x10240xf32, #tpu.memory_space<hbm>>, %arg7: memref<79x128xi32, #tpu.memory_space<vmem>>, %arg8: memref<79x128xi32, #tpu.memory_space<vmem>>, %arg9: memref<128x128xf32, #tpu.memory_space<vmem>>, %arg10: memref<128xf32, #tpu.memory_space<vmem>>, %arg11: memref<10240x128xf32, #tpu.memory_space<vmem_shared>>, %arg12: memref<10240xf32, #tpu.memory_space<vmem_shared>>, %arg13: memref<!tpu.dma_semaphore, #tpu.memory_space<semaphore_mem>>) attributes {dimension_semantics = [#tpu.dimension_semantics<core_parallel>, #tpu.dimension_semantics<subcore_parallel>], iteration_bounds = array<i64: 2, 16>, scalar_prefetch = 0 : i64, scratch_operands = 7 : i64, tpu.core_type = #tpu.core_type<sc_vector_subcore>, window_params = [{transform_indices = #map}, {transform_indices = #map1}, {transform_indices = #map1}, {transform_indices = #map1}, {transform_indices = #map}]} {
    %mul3A = arith.constant 2 : i32
    %mul3A_0 = arith.muli %arg1, %mul3A : i32
    %add3A = arith.addi %mul3A_0, %arg0 : i32
    %broadcast_in_dim3A = arith.constant 0.000000e+00 : f32
    %broadcast_in_dim3A_1 = vector.broadcast %broadcast_in_dim3A : f32 to vector<16xf32>
    %broadcast_in_dim3A_2 = arith.constant 1.000000e+00 : f32
    %broadcast_in_dim3A_3 = vector.broadcast %broadcast_in_dim3A_2 : f32 to vector<16xf32>
    %scan3A = arith.constant 0 : i32
    %scan3A_4 = arith.constant 128 : i32
    %scan3A_5 = arith.addi %scan3A, %scan3A_4 : i32
    %scan3A_6 = arith.constant 1 : i32
    scf.for %scan3A_38 = %scan3A to %scan3A_5 step %scan3A_6  : i32 {
      %mul3A_39 = arith.constant 1 : i32
      %mul3A_40 = arith.muli %scan3A_38, %mul3A_39 : i32
      %add3A_41 = arith.constant 0 : i32
      %add3A_42 = arith.addi %add3A_41, %mul3A_40 : i32
      %swap3A = arith.index_cast %add3A_42 : i32 to index
      %swap3A_43 = arith.constant 0 : index
      %swap3A_44 = tpu.vector_load %arg9[%swap3A, %swap3A_43] {strides = array<i32>} : memref<128x128xf32, #tpu.memory_space<vmem>>, vector<1x16xf32>,
      %swap3A_45 = vector.shape_cast %swap3A_44 : vector<1x16xf32> to vector<16xf32>
      %swap3A_46 = vector.shape_cast %broadcast_in_dim3A_1 : vector<16xf32> to vector<1x16xf32>
      tpu.vector_store %arg9[%swap3A, %swap3A_43], %swap3A_46 {strides = array<i32>} : memref<128x128xf32, #tpu.memory_space<vmem>>, vector<1x16xf32>,
      %swap3A_47 = arith.index_cast %add3A_42 : i32 to index
      %swap3A_48 = arith.constant 16 : index
      %swap3A_49 = tpu.vector_load %arg9[%swap3A_47, %swap3A_48] {strides = array<i32>} : memref<128x128xf32, #tpu.memory_space<vmem>>, vector<1x16xf32>,
      %swap3A_50 = vector.shape_cast %swap3A_49 : vector<1x16xf32> to vector<16xf32>
      %swap3A_51 = vector.shape_cast %broadcast_in_dim3A_1 : vector<16xf32> to vector<1x16xf32>
      tpu.vector_store %arg9[%swap3A_47, %swap3A_48], %swap3A_51 {strides = array<i32>} : memref<128x128xf32, #tpu.memory_space<vmem>>, vector<1x16xf32>,
      %swap3A_52 = arith.index_cast %add3A_42 : i32 to index
      %swap3A_53 = arith.constant 32 : index
      %swap3A_54 = tpu.vector_load %arg9[%swap3A_52, %swap3A_53] {strides = array<i32>} : memref<128x128xf32, #tpu.memory_space<vmem>>, vector<1x16xf32>,
      %swap3A_55 = vector.shape_cast %swap3A_54 : vector<1x16xf32> to vector<16xf32>
      %swap3A_56 = vector.shape_cast %broadcast_in_dim3A_1 : vector<16xf32> to vector<1x16xf32>
      tpu.vector_store %arg9[%swap3A_52, %swap3A_53], %swap3A_56 {strides = array<i32>} : memref<128x128xf32, #tpu.memory_space<vmem>>, vector<1x16xf32>,
      %swap3A_57 = arith.index_cast %add3A_42 : i32 to index
      %swap3A_58 = arith.constant 48 : index
      %swap3A_59 = tpu.vector_load %arg9[%swap3A_57, %swap3A_58] {strides = array<i32>} : memref<128x128xf32, #tpu.memory_space<vmem>>, vector<1x16xf32>,
      %swap3A_60 = vector.shape_cast %swap3A_59 : vector<1x16xf32> to vector<16xf32>
      %swap3A_61 = vector.shape_cast %broadcast_in_dim3A_1 : vector<16xf32> to vector<1x16xf32>
      tpu.vector_store %arg9[%swap3A_57, %swap3A_58], %swap3A_61 {strides = array<i32>} : memref<128x128xf32, #tpu.memory_space<vmem>>, vector<1x16xf32>,
      %swap3A_62 = arith.index_cast %add3A_42 : i32 to index
      %swap3A_63 = arith.constant 64 : index
      %swap3A_64 = tpu.vector_load %arg9[%swap3A_62, %swap3A_63] {strides = array<i32>} : memref<128x128xf32, #tpu.memory_space<vmem>>, vector<1x16xf32>,
      %swap3A_65 = vector.shape_cast %swap3A_64 : vector<1x16xf32> to vector<16xf32>
      %swap3A_66 = vector.shape_cast %broadcast_in_dim3A_1 : vector<16xf32> to vector<1x16xf32>
      tpu.vector_store %arg9[%swap3A_62, %swap3A_63], %swap3A_66 {strides = array<i32>} : memref<128x128xf32, #tpu.memory_space<vmem>>, vector<1x16xf32>,
      %swap3A_67 = arith.index_cast %add3A_42 : i32 to index
      %swap3A_68 = arith.constant 80 : index
      %swap3A_69 = tpu.vector_load %arg9[%swap3A_67, %swap3A_68] {strides = array<i32>} : memref<128x128xf32, #tpu.memory_space<vmem>>, vector<1x16xf32>,
      %swap3A_70 = vector.shape_cast %swap3A_69 : vector<1x16xf32> to vector<16xf32>
      %swap3A_71 = vector.shape_cast %broadcast_in_dim3A_1 : vector<16xf32> to vector<1x16xf32>
      tpu.vector_store %arg9[%swap3A_67, %swap3A_68], %swap3A_71 {strides = array<i32>} : memref<128x128xf32, #tpu.memory_space<vmem>>, vector<1x16xf32>,
      %swap3A_72 = arith.index_cast %add3A_42 : i32 to index
      %swap3A_73 = arith.constant 96 : index
      %swap3A_74 = tpu.vector_load %arg9[%swap3A_72, %swap3A_73] {strides = array<i32>} : memref<128x128xf32, #tpu.memory_space<vmem>>, vector<1x16xf32>,
      %swap3A_75 = vector.shape_cast %swap3A_74 : vector<1x16xf32> to vector<16xf32>
      %swap3A_76 = vector.shape_cast %broadcast_in_dim3A_1 : vector<16xf32> to vector<1x16xf32>
      tpu.vector_store %arg9[%swap3A_72, %swap3A_73], %swap3A_76 {strides = array<i32>} : memref<128x128xf32, #tpu.memory_space<vmem>>, vector<1x16xf32>,
      %swap3A_77 = arith.index_cast %add3A_42 : i32 to index
      %swap3A_78 = arith.constant 112 : index
      %swap3A_79 = tpu.vector_load %arg9[%swap3A_77, %swap3A_78] {strides = array<i32>} : memref<128x128xf32, #tpu.memory_space<vmem>>, vector<1x16xf32>,
      %swap3A_80 = vector.shape_cast %swap3A_79 : vector<1x16xf32> to vector<16xf32>
      %swap3A_81 = vector.shape_cast %broadcast_in_dim3A_1 : vector<16xf32> to vector<1x16xf32>
      tpu.vector_store %arg9[%swap3A_77, %swap3A_78], %swap3A_81 {strides = array<i32>} : memref<128x128xf32, #tpu.memory_space<vmem>>, vector<1x16xf32>,
    }
    %scan3A_7 = arith.constant 128 : i32
    %mul3A_8 = arith.constant 640 : i32
    %mul3A_9 = arith.muli %arg1, %mul3A_8 : i32
    %add3A_10 = arith.constant 0 : i32
    %add3A_11 = arith.addi %mul3A_9, %add3A_10 : i32
    "tpu.region"() ({
      %run_scoped3A = tpu.sem_alloc : memref<!tpu.dma_semaphore, #tpu.memory_space<semaphore_mem>>
      %dma_start3A = arith.constant 0 : i32
      %dma_start3A_38 = tpu.memref_slice %arg11[%add3A_11, %dma_start3A] : memref<10240x128xf32, #tpu.memory_space<vmem_shared>> -> memref<128x128xf32, #tpu.memory_space<vmem_shared>>
      %dma_start3A_39 = arith.constant 0 : i32
      %dma_start3A_40 = tpu.memref_slice %arg11[%add3A_11, %dma_start3A_39] : memref<10240x128xf32, #tpu.memory_space<vmem_shared>> -> memref<128x128xf32, #tpu.memory_space<vmem_shared>>
      tpu.enqueue_dma source(%arg9 : memref<128x128xf32, #tpu.memory_space<vmem>>) target(%dma_start3A_40 : memref<128x128xf32, #tpu.memory_space<vmem_shared>>) target_semaphore(%run_scoped3A : memref<!tpu.dma_semaphore, #tpu.memory_space<semaphore_mem>>)
      %dma_wait3A = arith.constant 0 : i32
      %dma_wait3A_41 = tpu.memref_slice %arg11[%add3A_11, %dma_wait3A] : memref<10240x128xf32, #tpu.memory_space<vmem_shared>> -> memref<128x128xf32, #tpu.memory_space<vmem_shared>>
      %dma_wait3A_42 = arith.constant 0 : i32
      %dma_wait3A_43 = tpu.memref_slice %arg11[%add3A_11, %dma_wait3A_42] : memref<10240x128xf32, #tpu.memory_space<vmem_shared>> -> memref<128x128xf32, #tpu.memory_space<vmem_shared>>
      tpu.wait_dma2 semaphore(%run_scoped3A : memref<!tpu.dma_semaphore, #tpu.memory_space<semaphore_mem>>) src(%arg9 : memref<128x128xf32, #tpu.memory_space<vmem>>) dst(%dma_wait3A_43 : memref<128x128xf32, #tpu.memory_space<vmem_shared>>)
      tpu.yield
    }) : () -> ()
    %mul3A_12 = arith.constant 640 : i32
    %mul3A_13 = arith.muli %arg1, %mul3A_12 : i32
    %add3A_14 = arith.constant 128 : i32
    %add3A_15 = arith.addi %mul3A_13, %add3A_14 : i32
    "tpu.region"() ({
      %run_scoped3A = tpu.sem_alloc : memref<!tpu.dma_semaphore, #tpu.memory_space<semaphore_mem>>
      %dma_start3A = arith.constant 0 : i32
      %dma_start3A_38 = tpu.memref_slice %arg11[%add3A_15, %dma_start3A] : memref<10240x128xf32, #tpu.memory_space<vmem_shared>> -> memref<128x128xf32, #tpu.memory_space<vmem_shared>>
      %dma_start3A_39 = arith.constant 0 : i32
      %dma_start3A_40 = tpu.memref_slice %arg11[%add3A_15, %dma_start3A_39] : memref<10240x128xf32, #tpu.memory_space<vmem_shared>> -> memref<128x128xf32, #tpu.memory_space<vmem_shared>>
      tpu.enqueue_dma source(%arg9 : memref<128x128xf32, #tpu.memory_space<vmem>>) target(%dma_start3A_40 : memref<128x128xf32, #tpu.memory_space<vmem_shared>>) target_semaphore(%run_scoped3A : memref<!tpu.dma_semaphore, #tpu.memory_space<semaphore_mem>>)
      %dma_wait3A = arith.constant 0 : i32
      %dma_wait3A_41 = tpu.memref_slice %arg11[%add3A_15, %dma_wait3A] : memref<10240x128xf32, #tpu.memory_space<vmem_shared>> -> memref<128x128xf32, #tpu.memory_space<vmem_shared>>
      %dma_wait3A_42 = arith.constant 0 : i32
      %dma_wait3A_43 = tpu.memref_slice %arg11[%add3A_15, %dma_wait3A_42] : memref<10240x128xf32, #tpu.memory_space<vmem_shared>> -> memref<128x128xf32, #tpu.memory_space<vmem_shared>>
      tpu.wait_dma2 semaphore(%run_scoped3A : memref<!tpu.dma_semaphore, #tpu.memory_space<semaphore_mem>>) src(%arg9 : memref<128x128xf32, #tpu.memory_space<vmem>>) dst(%dma_wait3A_43 : memref<128x128xf32, #tpu.memory_space<vmem_shared>>)
      tpu.yield
    }) : () -> ()
    %mul3A_16 = arith.constant 640 : i32
    %mul3A_17 = arith.muli %arg1, %mul3A_16 : i32
    %add3A_18 = arith.constant 256 : i32
    %add3A_19 = arith.addi %mul3A_17, %add3A_18 : i32
    "tpu.region"() ({
      %run_scoped3A = tpu.sem_alloc : memref<!tpu.dma_semaphore, #tpu.memory_space<semaphore_mem>>
      %dma_start3A = arith.constant 0 : i32
      %dma_start3A_38 = tpu.memref_slice %arg11[%add3A_19, %dma_start3A] : memref<10240x128xf32, #tpu.memory_space<vmem_shared>> -> memref<128x128xf32, #tpu.memory_space<vmem_shared>>
      %dma_start3A_39 = arith.constant 0 : i32
      %dma_start3A_40 = tpu.memref_slice %arg11[%add3A_19, %dma_start3A_39] : memref<10240x128xf32, #tpu.memory_space<vmem_shared>> -> memref<128x128xf32, #tpu.memory_space<vmem_shared>>
      tpu.enqueue_dma source(%arg9 : memref<128x128xf32, #tpu.memory_space<vmem>>) target(%dma_start3A_40 : memref<128x128xf32, #tpu.memory_space<vmem_shared>>) target_semaphore(%run_scoped3A : memref<!tpu.dma_semaphore, #tpu.memory_space<semaphore_mem>>)
      %dma_wait3A = arith.constant 0 : i32
      %dma_wait3A_41 = tpu.memref_slice %arg11[%add3A_19, %dma_wait3A] : memref<10240x128xf32, #tpu.memory_space<vmem_shared>> -> memref<128x128xf32, #tpu.memory_space<vmem_shared>>
      %dma_wait3A_42 = arith.constant 0 : i32
      %dma_wait3A_43 = tpu.memref_slice %arg11[%add3A_19, %dma_wait3A_42] : memref<10240x128xf32, #tpu.memory_space<vmem_shared>> -> memref<128x128xf32, #tpu.memory_space<vmem_shared>>
      tpu.wait_dma2 semaphore(%run_scoped3A : memref<!tpu.dma_semaphore, #tpu.memory_space<semaphore_mem>>) src(%arg9 : memref<128x128xf32, #tpu.memory_space<vmem>>) dst(%dma_wait3A_43 : memref<128x128xf32, #tpu.memory_space<vmem_shared>>)
      tpu.yield
    }) : () -> ()
    %mul3A_20 = arith.constant 640 : i32
    %mul3A_21 = arith.muli %arg1, %mul3A_20 : i32
    %add3A_22 = arith.constant 384 : i32
    %add3A_23 = arith.addi %mul3A_21, %add3A_22 : i32
    "tpu.region"() ({
      %run_scoped3A = tpu.sem_alloc : memref<!tpu.dma_semaphore, #tpu.memory_space<semaphore_mem>>
      %dma_start3A = arith.constant 0 : i32
      %dma_start3A_38 = tpu.memref_slice %arg11[%add3A_23, %dma_start3A] : memref<10240x128xf32, #tpu.memory_space<vmem_shared>> -> memref<128x128xf32, #tpu.memory_space<vmem_shared>>
      %dma_start3A_39 = arith.constant 0 : i32
      %dma_start3A_40 = tpu.memref_slice %arg11[%add3A_23, %dma_start3A_39] : memref<10240x128xf32, #tpu.memory_space<vmem_shared>> -> memref<128x128xf32, #tpu.memory_space<vmem_shared>>
      tpu.enqueue_dma source(%arg9 : memref<128x128xf32, #tpu.memory_space<vmem>>) target(%dma_start3A_40 : memref<128x128xf32, #tpu.memory_space<vmem_shared>>) target_semaphore(%run_scoped3A : memref<!tpu.dma_semaphore, #tpu.memory_space<semaphore_mem>>)
      %dma_wait3A = arith.constant 0 : i32
      %dma_wait3A_41 = tpu.memref_slice %arg11[%add3A_23, %dma_wait3A] : memref<10240x128xf32, #tpu.memory_space<vmem_shared>> -> memref<128x128xf32, #tpu.memory_space<vmem_shared>>
      %dma_wait3A_42 = arith.constant 0 : i32
      %dma_wait3A_43 = tpu.memref_slice %arg11[%add3A_23, %dma_wait3A_42] : memref<10240x128xf32, #tpu.memory_space<vmem_shared>> -> memref<128x128xf32, #tpu.memory_space<vmem_shared>>
      tpu.wait_dma2 semaphore(%run_scoped3A : memref<!tpu.dma_semaphore, #tpu.memory_space<semaphore_mem>>) src(%arg9 : memref<128x128xf32, #tpu.memory_space<vmem>>) dst(%dma_wait3A_43 : memref<128x128xf32, #tpu.memory_space<vmem_shared>>)
      tpu.yield
    }) : () -> ()
    %mul3A_24 = arith.constant 640 : i32
    %mul3A_25 = arith.muli %arg1, %mul3A_24 : i32
    %add3A_26 = arith.constant 512 : i32
    %add3A_27 = arith.addi %mul3A_25, %add3A_26 : i32
    "tpu.region"() ({
      %run_scoped3A = tpu.sem_alloc : memref<!tpu.dma_semaphore, #tpu.memory_space<semaphore_mem>>
      %dma_start3A = arith.constant 0 : i32
      %dma_start3A_38 = tpu.memref_slice %arg11[%add3A_27, %dma_start3A] : memref<10240x128xf32, #tpu.memory_space<vmem_shared>> -> memref<128x128xf32, #tpu.memory_space<vmem_shared>>
      %dma_start3A_39 = arith.constant 0 : i32
      %dma_start3A_40 = tpu.memref_slice %arg11[%add3A_27, %dma_start3A_39] : memref<10240x128xf32, #tpu.memory_space<vmem_shared>> -> memref<128x128xf32, #tpu.memory_space<vmem_shared>>
      tpu.enqueue_dma source(%arg9 : memref<128x128xf32, #tpu.memory_space<vmem>>) target(%dma_start3A_40 : memref<128x128xf32, #tpu.memory_space<vmem_shared>>) target_semaphore(%run_scoped3A : memref<!tpu.dma_semaphore, #tpu.memory_space<semaphore_mem>>)
      %dma_wait3A = arith.constant 0 : i32
      %dma_wait3A_41 = tpu.memref_slice %arg11[%add3A_27, %dma_wait3A] : memref<10240x128xf32, #tpu.memory_space<vmem_shared>> -> memref<128x128xf32, #tpu.memory_space<vmem_shared>>
      %dma_wait3A_42 = arith.constant 0 : i32
      %dma_wait3A_43 = tpu.memref_slice %arg11[%add3A_27, %dma_wait3A_42] : memref<10240x128xf32, #tpu.memory_space<vmem_shared>> -> memref<128x128xf32, #tpu.memory_space<vmem_shared>>
      tpu.wait_dma2 semaphore(%run_scoped3A : memref<!tpu.dma_semaphore, #tpu.memory_space<semaphore_mem>>) src(%arg9 : memref<128x128xf32, #tpu.memory_space<vmem>>) dst(%dma_wait3A_43 : memref<128x128xf32, #tpu.memory_space<vmem_shared>>)
      tpu.yield
    }) : () -> ()
    %barrier3A = arith.constant 0 : index
    tpu.barrier barrier_id(%barrier3A)
    "tpu.region"() ({
      %run_scoped3A = tpu.sem_alloc : memref<!tpu.dma_semaphore, #tpu.memory_space<semaphore_mem>>
      %dma_start3A = arith.constant 0 : i32
      %dma_start3A_38 = arith.constant 0 : i32
      %dma_start3A_39 = tpu.memref_slice %arg3[%add3A, %dma_start3A, %dma_start3A_38] : memref<32x79x128xi32, #tpu.memory_space<hbm>> -> memref<1x79x128xi32, #tpu.memory_space<hbm>>
      %dma_start3A_40 = tpu.memref_squeeze %dma_start3A_39 : memref<1x79x128xi32, #tpu.memory_space<hbm>> -> memref<79x128xi32, #tpu.memory_space<hbm>>
      %dma_start3A_41 = arith.constant 0 : i32
      %dma_start3A_42 = arith.constant 0 : i32
      %dma_start3A_43 = tpu.memref_slice %arg3[%add3A, %dma_start3A_41, %dma_start3A_42] : memref<32x79x128xi32, #tpu.memory_space<hbm>> -> memref<1x79x128xi32, #tpu.memory_space<hbm>>
      %dma_start3A_44 = tpu.memref_squeeze %dma_start3A_43 : memref<1x79x128xi32, #tpu.memory_space<hbm>> -> memref<79x128xi32, #tpu.memory_space<hbm>>
      tpu.enqueue_dma source(%dma_start3A_44 : memref<79x128xi32, #tpu.memory_space<hbm>>) target(%arg7 : memref<79x128xi32, #tpu.memory_space<vmem>>) target_semaphore(%run_scoped3A : memref<!tpu.dma_semaphore, #tpu.memory_space<semaphore_mem>>)
      %dma_wait3A = arith.constant 0 : i32
      %dma_wait3A_45 = arith.constant 0 : i32
      %dma_wait3A_46 = tpu.memref_slice %arg3[%add3A, %dma_wait3A, %dma_wait3A_45] : memref<32x79x128xi32, #tpu.memory_space<hbm>> -> memref<1x79x128xi32, #tpu.memory_space<hbm>>
      %dma_wait3A_47 = tpu.memref_squeeze %dma_wait3A_46 : memref<1x79x128xi32, #tpu.memory_space<hbm>> -> memref<79x128xi32, #tpu.memory_space<hbm>>
      %dma_wait3A_48 = arith.constant 0 : i32
      %dma_wait3A_49 = arith.constant 0 : i32
      %dma_wait3A_50 = tpu.memref_slice %arg3[%add3A, %dma_wait3A_48, %dma_wait3A_49] : memref<32x79x128xi32, #tpu.memory_space<hbm>> -> memref<1x79x128xi32, #tpu.memory_space<hbm>>
      %dma_wait3A_51 = tpu.memref_squeeze %dma_wait3A_50 : memref<1x79x128xi32, #tpu.memory_space<hbm>> -> memref<79x128xi32, #tpu.memory_space<hbm>>
      tpu.wait_dma2 semaphore(%run_scoped3A : memref<!tpu.dma_semaphore, #tpu.memory_space<semaphore_mem>>) src(%dma_wait3A_51 : memref<79x128xi32, #tpu.memory_space<hbm>>) dst(%arg7 : memref<79x128xi32, #tpu.memory_space<vmem>>)
      tpu.yield
    }) : () -> ()
    "tpu.region"() ({
      %run_scoped3A = tpu.sem_alloc : memref<!tpu.dma_semaphore, #tpu.memory_space<semaphore_mem>>
      %dma_start3A = arith.constant 0 : i32
      %dma_start3A_38 = arith.constant 0 : i32
      %dma_start3A_39 = tpu.memref_slice %arg4[%add3A, %dma_start3A, %dma_start3A_38] : memref<32x79x128xi32, #tpu.memory_space<hbm>> -> memref<1x79x128xi32, #tpu.memory_space<hbm>>
      %dma_start3A_40 = tpu.memref_squeeze %dma_start3A_39 : memref<1x79x128xi32, #tpu.memory_space<hbm>> -> memref<79x128xi32, #tpu.memory_space<hbm>>
      %dma_start3A_41 = arith.constant 0 : i32
      %dma_start3A_42 = arith.constant 0 : i32
      %dma_start3A_43 = tpu.memref_slice %arg4[%add3A, %dma_start3A_41, %dma_start3A_42] : memref<32x79x128xi32, #tpu.memory_space<hbm>> -> memref<1x79x128xi32, #tpu.memory_space<hbm>>
      %dma_start3A_44 = tpu.memref_squeeze %dma_start3A_43 : memref<1x79x128xi32, #tpu.memory_space<hbm>> -> memref<79x128xi32, #tpu.memory_space<hbm>>
      tpu.enqueue_dma source(%dma_start3A_44 : memref<79x128xi32, #tpu.memory_space<hbm>>) target(%arg8 : memref<79x128xi32, #tpu.memory_space<vmem>>) target_semaphore(%run_scoped3A : memref<!tpu.dma_semaphore, #tpu.memory_space<semaphore_mem>>)
      %dma_wait3A = arith.constant 0 : i32
      %dma_wait3A_45 = arith.constant 0 : i32
      %dma_wait3A_46 = tpu.memref_slice %arg4[%add3A, %dma_wait3A, %dma_wait3A_45] : memref<32x79x128xi32, #tpu.memory_space<hbm>> -> memref<1x79x128xi32, #tpu.memory_space<hbm>>
      %dma_wait3A_47 = tpu.memref_squeeze %dma_wait3A_46 : memref<1x79x128xi32, #tpu.memory_space<hbm>> -> memref<79x128xi32, #tpu.memory_space<hbm>>
      %dma_wait3A_48 = arith.constant 0 : i32
      %dma_wait3A_49 = arith.constant 0 : i32
      %dma_wait3A_50 = tpu.memref_slice %arg4[%add3A, %dma_wait3A_48, %dma_wait3A_49] : memref<32x79x128xi32, #tpu.memory_space<hbm>> -> memref<1x79x128xi32, #tpu.memory_space<hbm>>
      %dma_wait3A_51 = tpu.memref_squeeze %dma_wait3A_50 : memref<1x79x128xi32, #tpu.memory_space<hbm>> -> memref<79x128xi32, #tpu.memory_space<hbm>>
      tpu.wait_dma2 semaphore(%run_scoped3A : memref<!tpu.dma_semaphore, #tpu.memory_space<semaphore_mem>>) src(%dma_wait3A_51 : memref<79x128xi32, #tpu.memory_space<hbm>>) dst(%arg8 : memref<79x128xi32, #tpu.memory_space<vmem>>)
      tpu.yield
    }) : () -> ()
    %scan3A_28 = arith.constant 0 : i32
    %scan3A_29 = arith.constant 79 : i32
    %scan3A_30 = arith.addi %scan3A_28, %scan3A_29 : i32
    %scan3A_31 = arith.constant 1 : i32
    scf.for %scan3A_38 = %scan3A_28 to %scan3A_30 step %scan3A_31  : i32 {
      %mul3A_39 = arith.constant 1 : i32
      %mul3A_40 = arith.muli %scan3A_38, %mul3A_39 : i32
      %add3A_41 = arith.constant 0 : i32
      %add3A_42 = arith.addi %add3A_41, %mul3A_40 : i32
      %dma_start3A = arith.constant 0 : i32
      %dma_start3A_43 = tpu.memref_slice %arg7[%add3A_42, %dma_start3A] : memref<79x128xi32, #tpu.memory_space<vmem>> -> memref<1x128xi32, #tpu.memory_space<vmem>>
      %dma_start3A_44 = tpu.memref_squeeze %dma_start3A_43 : memref<1x128xi32, #tpu.memory_space<vmem>> -> memref<128xi32, #tpu.memory_space<vmem>>
      %dma_start3A_45 = arith.constant 0 : i32
      %dma_start3A_46 = arith.constant 0 : i32
      %dma_start3A_47 = tpu.memref_slice %arg2[%dma_start3A_45, %dma_start3A_46] : memref<10000x128xf32, #tpu.memory_space<hbm>> -> memref<10000x128xf32, #tpu.memory_space<hbm>>
      tpu.enqueue_indirect_dma source(%dma_start3A_47 : memref<10000x128xf32, #tpu.memory_space<hbm>>) target(%arg9 : memref<128x128xf32, #tpu.memory_space<vmem>>) offsets(%dma_start3A_44 : memref<128xi32, #tpu.memory_space<vmem>>) semaphore(%arg13 : memref<!tpu.dma_semaphore, #tpu.memory_space<semaphore_mem>>)
      %dma_wait3A = arith.constant 0 : i32
      %dma_wait3A_48 = tpu.memref_slice %arg7[%add3A_42, %dma_wait3A] : memref<79x128xi32, #tpu.memory_space<vmem>> -> memref<1x128xi32, #tpu.memory_space<vmem>>
      %dma_wait3A_49 = tpu.memref_squeeze %dma_wait3A_48 : memref<1x128xi32, #tpu.memory_space<vmem>> -> memref<128xi32, #tpu.memory_space<vmem>>
      %dma_wait3A_50 = arith.constant 0 : i32
      %dma_wait3A_51 = arith.constant 0 : i32
      %dma_wait3A_52 = tpu.memref_slice %arg2[%dma_wait3A_50, %dma_wait3A_51] : memref<10000x128xf32, #tpu.memory_space<hbm>> -> memref<10000x128xf32, #tpu.memory_space<hbm>>
      tpu.wait_indirect_dma semaphore(%arg13 : memref<!tpu.dma_semaphore, #tpu.memory_space<semaphore_mem>>) src(%dma_wait3A_52 : memref<10000x128xf32, #tpu.memory_space<hbm>>) dst(%arg9 : memref<128x128xf32, #tpu.memory_space<vmem>>)
      "tpu.region"() ({
        %run_scoped3A = tpu.sem_alloc : memref<!tpu.dma_semaphore, #tpu.memory_space<semaphore_mem>>
        %dma_start3A_53 = arith.constant 0 : i32
        %dma_start3A_54 = tpu.memref_slice %arg8[%add3A_42, %dma_start3A_53] : memref<79x128xi32, #tpu.memory_space<vmem>> -> memref<1x128xi32, #tpu.memory_space<vmem>>
        %dma_start3A_55 = tpu.memref_squeeze %dma_start3A_54 : memref<1x128xi32, #tpu.memory_space<vmem>> -> memref<128xi32, #tpu.memory_space<vmem>>
        %dma_start3A_56 = arith.constant 0 : i32
        %dma_start3A_57 = arith.constant 0 : i32
        %dma_start3A_58 = tpu.memref_slice %arg11[%dma_start3A_56, %dma_start3A_57] : memref<10240x128xf32, #tpu.memory_space<vmem_shared>> -> memref<10240x128xf32, #tpu.memory_space<vmem_shared>>
        tpu.enqueue_indirect_dma source(%arg9 : memref<128x128xf32, #tpu.memory_space<vmem>>) target(%dma_start3A_58 : memref<10240x128xf32, #tpu.memory_space<vmem_shared>>) offsets(%dma_start3A_55 : memref<128xi32, #tpu.memory_space<vmem>>) semaphore(%run_scoped3A : memref<!tpu.dma_semaphore, #tpu.memory_space<semaphore_mem>>) {add = true}
        %dma_wait3A_59 = arith.constant 0 : i32
        %dma_wait3A_60 = tpu.memref_slice %arg8[%add3A_42, %dma_wait3A_59] : memref<79x128xi32, #tpu.memory_space<vmem>> -> memref<1x128xi32, #tpu.memory_space<vmem>>
        %dma_wait3A_61 = tpu.memref_squeeze %dma_wait3A_60 : memref<1x128xi32, #tpu.memory_space<vmem>> -> memref<128xi32, #tpu.memory_space<vmem>>
        %dma_wait3A_62 = arith.constant 0 : i32
        %dma_wait3A_63 = arith.constant 0 : i32
        %dma_wait3A_64 = tpu.memref_slice %arg11[%dma_wait3A_62, %dma_wait3A_63] : memref<10240x128xf32, #tpu.memory_space<vmem_shared>> -> memref<10240x128xf32, #tpu.memory_space<vmem_shared>>
        tpu.wait_indirect_dma semaphore(%run_scoped3A : memref<!tpu.dma_semaphore, #tpu.memory_space<semaphore_mem>>) src(%arg9 : memref<128x128xf32, #tpu.memory_space<vmem>>) dst(%dma_wait3A_64 : memref<10240x128xf32, #tpu.memory_space<vmem_shared>>)
        tpu.yield
      }) : () -> ()
    }
    %scan3A_32 = arith.constant 79 : i32
    %barrier3A_33 = arith.constant 0 : index
    tpu.barrier barrier_id(%barrier3A_33)
    %mul3A_34 = arith.constant 640 : i32
    %mul3A_35 = arith.muli %arg1, %mul3A_34 : i32
    %mul3A_36 = arith.constant 640 : i32
    %mul3A_37 = arith.muli %arg1, %mul3A_36 : i32
    "tpu.region"() ({
      %run_scoped3A = tpu.sem_alloc : memref<!tpu.dma_semaphore, #tpu.memory_space<semaphore_mem>>
      %dma_start3A = arith.constant 0 : i32
      %dma_start3A_38 = tpu.memref_slice %arg5[%arg0, %mul3A_37, %dma_start3A] : memref<2x10240x128xf32, #tpu.memory_space<hbm>> -> memref<1x640x128xf32, #tpu.memory_space<hbm>>
      %dma_start3A_39 = tpu.memref_squeeze %dma_start3A_38 : memref<1x640x128xf32, #tpu.memory_space<hbm>> -> memref<640x128xf32, #tpu.memory_space<hbm>>
      %dma_start3A_40 = arith.constant 0 : i32
      %dma_start3A_41 = tpu.memref_slice %arg11[%mul3A_35, %dma_start3A_40] : memref<10240x128xf32, #tpu.memory_space<vmem_shared>> -> memref<640x128xf32, #tpu.memory_space<vmem_shared>>
      tpu.enqueue_dma source(%dma_start3A_41 : memref<640x128xf32, #tpu.memory_space<vmem_shared>>) target(%dma_start3A_39 : memref<640x128xf32, #tpu.memory_space<hbm>>) target_semaphore(%run_scoped3A : memref<!tpu.dma_semaphore, #tpu.memory_space<semaphore_mem>>)
      %dma_wait3A = arith.constant 0 : i32
      %dma_wait3A_42 = tpu.memref_slice %arg5[%arg0, %mul3A_37, %dma_wait3A] : memref<2x10240x128xf32, #tpu.memory_space<hbm>> -> memref<1x640x128xf32, #tpu.memory_space<hbm>>
      %dma_wait3A_43 = tpu.memref_squeeze %dma_wait3A_42 : memref<1x640x128xf32, #tpu.memory_space<hbm>> -> memref<640x128xf32, #tpu.memory_space<hbm>>
      %dma_wait3A_44 = arith.constant 0 : i32
      %dma_wait3A_45 = tpu.memref_slice %arg11[%mul3A_35, %dma_wait3A_44] : memref<10240x128xf32, #tpu.memory_space<vmem_shared>> -> memref<640x128xf32, #tpu.memory_space<vmem_shared>>
      tpu.wait_dma2 semaphore(%run_scoped3A : memref<!tpu.dma_semaphore, #tpu.memory_space<semaphore_mem>>) src(%dma_wait3A_45 : memref<640x128xf32, #tpu.memory_space<vmem_shared>>) dst(%dma_wait3A_43 : memref<640x128xf32, #tpu.memory_space<hbm>>)
      tpu.yield
    }) : () -> ()
    return
  }
}

#map = affine_map<(d0, d1) -> (0, 0)>
#map1 = affine_map<(d0, d1) -> (0, 0, 0)>
module attributes {stable_mosaic.version = 14 : i64} {
  func.func @k(%arg0: i32, %arg1: i32, %arg2: memref<10000x128xf32, #tpu.memory_space<hbm>>, %arg3: memref<32x79x128xi32, #tpu.memory_space<hbm>>, %arg4: memref<32x79x128xi32, #tpu.memory_space<hbm>>, %arg5: memref<2x10240x128xf32, #tpu.memory_space<hbm>>, %arg6: memref<2x10240xf32, #tpu.memory_space<hbm>>, %arg7: memref<79x128xi32, #tpu.memory_space<vmem>>, %arg8: memref<79x128xi32, #tpu.memory_space<vmem>>, %arg9: memref<128x128xf32, #tpu.memory_space<vmem>>, %arg10: memref<128xf32, #tpu.memory_space<vmem>>, %arg11: memref<10240x128xf32, #tpu.memory_space<vmem_shared>>, %arg12: memref<10240xf32, #tpu.memory_space<vmem_shared>>, %arg13: memref<!tpu.dma_semaphore, #tpu.memory_space<semaphore_mem>>) attributes {dimension_semantics = [#tpu.dimension_semantics<core_parallel>, #tpu.dimension_semantics<subcore_parallel>], iteration_bounds = array<i64: 2, 16>, scalar_prefetch = 0 : i64, scratch_operands = 7 : i64, tpu.core_type = #tpu.core_type<sc_vector_subcore>, window_params = [{transform_indices = #map}, {transform_indices = #map1}, {transform_indices = #map1}, {transform_indices = #map1}, {transform_indices = #map}]} {
    %mul3A = arith.constant 2 : i32
    %mul3A_0 = arith.muli %arg1, %mul3A : i32
    %add3A = arith.addi %mul3A_0, %arg0 : i32
    %broadcast_in_dim3A = arith.constant 0.000000e+00 : f32
    %broadcast_in_dim3A_1 = vector.broadcast %broadcast_in_dim3A : f32 to vector<16xf32>
    %broadcast_in_dim3A_2 = arith.constant 1.000000e+00 : f32
    %broadcast_in_dim3A_3 = vector.broadcast %broadcast_in_dim3A_2 : f32 to vector<16xf32>
    %scan3A = arith.constant 0 : i32
    %scan3A_4 = arith.constant 128 : i32
    %scan3A_5 = arith.addi %scan3A, %scan3A_4 : i32
    %scan3A_6 = arith.constant 1 : i32
    scf.for %scan3A_97 = %scan3A to %scan3A_5 step %scan3A_6  : i32 {
      %mul3A_98 = arith.constant 1 : i32
      %mul3A_99 = arith.muli %scan3A_97, %mul3A_98 : i32
      %add3A_100 = arith.constant 0 : i32
      %add3A_101 = arith.addi %add3A_100, %mul3A_99 : i32
      %swap3A_102 = arith.index_cast %add3A_101 : i32 to index
      %swap3A_103 = arith.constant 0 : index
      %swap3A_104 = tpu.vector_load %arg9[%swap3A_102, %swap3A_103] {strides = array<i32>} : memref<128x128xf32, #tpu.memory_space<vmem>>, vector<1x16xf32>,
      %swap3A_105 = vector.shape_cast %swap3A_104 : vector<1x16xf32> to vector<16xf32>
      %swap3A_106 = vector.shape_cast %broadcast_in_dim3A_1 : vector<16xf32> to vector<1x16xf32>
      tpu.vector_store %arg9[%swap3A_102, %swap3A_103], %swap3A_106 {strides = array<i32>} : memref<128x128xf32, #tpu.memory_space<vmem>>, vector<1x16xf32>,
      %swap3A_107 = arith.index_cast %add3A_101 : i32 to index
      %swap3A_108 = arith.constant 16 : index
      %swap3A_109 = tpu.vector_load %arg9[%swap3A_107, %swap3A_108] {strides = array<i32>} : memref<128x128xf32, #tpu.memory_space<vmem>>, vector<1x16xf32>,
      %swap3A_110 = vector.shape_cast %swap3A_109 : vector<1x16xf32> to vector<16xf32>
      %swap3A_111 = vector.shape_cast %broadcast_in_dim3A_1 : vector<16xf32> to vector<1x16xf32>
      tpu.vector_store %arg9[%swap3A_107, %swap3A_108], %swap3A_111 {strides = array<i32>} : memref<128x128xf32, #tpu.memory_space<vmem>>, vector<1x16xf32>,
      %swap3A_112 = arith.index_cast %add3A_101 : i32 to index
      %swap3A_113 = arith.constant 32 : index
      %swap3A_114 = tpu.vector_load %arg9[%swap3A_112, %swap3A_113] {strides = array<i32>} : memref<128x128xf32, #tpu.memory_space<vmem>>, vector<1x16xf32>,
      %swap3A_115 = vector.shape_cast %swap3A_114 : vector<1x16xf32> to vector<16xf32>
      %swap3A_116 = vector.shape_cast %broadcast_in_dim3A_1 : vector<16xf32> to vector<1x16xf32>
      tpu.vector_store %arg9[%swap3A_112, %swap3A_113], %swap3A_116 {strides = array<i32>} : memref<128x128xf32, #tpu.memory_space<vmem>>, vector<1x16xf32>,
      %swap3A_117 = arith.index_cast %add3A_101 : i32 to index
      %swap3A_118 = arith.constant 48 : index
      %swap3A_119 = tpu.vector_load %arg9[%swap3A_117, %swap3A_118] {strides = array<i32>} : memref<128x128xf32, #tpu.memory_space<vmem>>, vector<1x16xf32>,
      %swap3A_120 = vector.shape_cast %swap3A_119 : vector<1x16xf32> to vector<16xf32>
      %swap3A_121 = vector.shape_cast %broadcast_in_dim3A_1 : vector<16xf32> to vector<1x16xf32>
      tpu.vector_store %arg9[%swap3A_117, %swap3A_118], %swap3A_121 {strides = array<i32>} : memref<128x128xf32, #tpu.memory_space<vmem>>, vector<1x16xf32>,
      %swap3A_122 = arith.index_cast %add3A_101 : i32 to index
      %swap3A_123 = arith.constant 64 : index
      %swap3A_124 = tpu.vector_load %arg9[%swap3A_122, %swap3A_123] {strides = array<i32>} : memref<128x128xf32, #tpu.memory_space<vmem>>, vector<1x16xf32>,
      %swap3A_125 = vector.shape_cast %swap3A_124 : vector<1x16xf32> to vector<16xf32>
      %swap3A_126 = vector.shape_cast %broadcast_in_dim3A_1 : vector<16xf32> to vector<1x16xf32>
      tpu.vector_store %arg9[%swap3A_122, %swap3A_123], %swap3A_126 {strides = array<i32>} : memref<128x128xf32, #tpu.memory_space<vmem>>, vector<1x16xf32>,
      %swap3A_127 = arith.index_cast %add3A_101 : i32 to index
      %swap3A_128 = arith.constant 80 : index
      %swap3A_129 = tpu.vector_load %arg9[%swap3A_127, %swap3A_128] {strides = array<i32>} : memref<128x128xf32, #tpu.memory_space<vmem>>, vector<1x16xf32>,
      %swap3A_130 = vector.shape_cast %swap3A_129 : vector<1x16xf32> to vector<16xf32>
      %swap3A_131 = vector.shape_cast %broadcast_in_dim3A_1 : vector<16xf32> to vector<1x16xf32>
      tpu.vector_store %arg9[%swap3A_127, %swap3A_128], %swap3A_131 {strides = array<i32>} : memref<128x128xf32, #tpu.memory_space<vmem>>, vector<1x16xf32>,
      %swap3A_132 = arith.index_cast %add3A_101 : i32 to index
      %swap3A_133 = arith.constant 96 : index
      %swap3A_134 = tpu.vector_load %arg9[%swap3A_132, %swap3A_133] {strides = array<i32>} : memref<128x128xf32, #tpu.memory_space<vmem>>, vector<1x16xf32>,
      %swap3A_135 = vector.shape_cast %swap3A_134 : vector<1x16xf32> to vector<16xf32>
      %swap3A_136 = vector.shape_cast %broadcast_in_dim3A_1 : vector<16xf32> to vector<1x16xf32>
      tpu.vector_store %arg9[%swap3A_132, %swap3A_133], %swap3A_136 {strides = array<i32>} : memref<128x128xf32, #tpu.memory_space<vmem>>, vector<1x16xf32>,
      %swap3A_137 = arith.index_cast %add3A_101 : i32 to index
      %swap3A_138 = arith.constant 112 : index
      %swap3A_139 = tpu.vector_load %arg9[%swap3A_137, %swap3A_138] {strides = array<i32>} : memref<128x128xf32, #tpu.memory_space<vmem>>, vector<1x16xf32>,
      %swap3A_140 = vector.shape_cast %swap3A_139 : vector<1x16xf32> to vector<16xf32>
      %swap3A_141 = vector.shape_cast %broadcast_in_dim3A_1 : vector<16xf32> to vector<1x16xf32>
      tpu.vector_store %arg9[%swap3A_137, %swap3A_138], %swap3A_141 {strides = array<i32>} : memref<128x128xf32, #tpu.memory_space<vmem>>, vector<1x16xf32>,
    }
    %scan3A_7 = arith.constant 128 : i32
    %swap3A = arith.constant 0 : index
    %swap3A_8 = tpu.vector_load %arg10[%swap3A] {strides = array<i32>} : memref<128xf32, #tpu.memory_space<vmem>>, vector<16xf32>,
    %swap3A_9 = vector.shape_cast %swap3A_8 : vector<16xf32> to vector<16xf32>
    %swap3A_10 = vector.shape_cast %broadcast_in_dim3A_3 : vector<16xf32> to vector<16xf32>
    tpu.vector_store %arg10[%swap3A], %swap3A_10 {strides = array<i32>} : memref<128xf32, #tpu.memory_space<vmem>>, vector<16xf32>,
    %swap3A_11 = arith.constant 16 : index
    %swap3A_12 = tpu.vector_load %arg10[%swap3A_11] {strides = array<i32>} : memref<128xf32, #tpu.memory_space<vmem>>, vector<16xf32>,
    %swap3A_13 = vector.shape_cast %swap3A_12 : vector<16xf32> to vector<16xf32>
    %swap3A_14 = vector.shape_cast %broadcast_in_dim3A_3 : vector<16xf32> to vector<16xf32>
    tpu.vector_store %arg10[%swap3A_11], %swap3A_14 {strides = array<i32>} : memref<128xf32, #tpu.memory_space<vmem>>, vector<16xf32>,
    %swap3A_15 = arith.constant 32 : index
    %swap3A_16 = tpu.vector_load %arg10[%swap3A_15] {strides = array<i32>} : memref<128xf32, #tpu.memory_space<vmem>>, vector<16xf32>,
    %swap3A_17 = vector.shape_cast %swap3A_16 : vector<16xf32> to vector<16xf32>
    %swap3A_18 = vector.shape_cast %broadcast_in_dim3A_3 : vector<16xf32> to vector<16xf32>
    tpu.vector_store %arg10[%swap3A_15], %swap3A_18 {strides = array<i32>} : memref<128xf32, #tpu.memory_space<vmem>>, vector<16xf32>,
    %swap3A_19 = arith.constant 48 : index
    %swap3A_20 = tpu.vector_load %arg10[%swap3A_19] {strides = array<i32>} : memref<128xf32, #tpu.memory_space<vmem>>, vector<16xf32>,
    %swap3A_21 = vector.shape_cast %swap3A_20 : vector<16xf32> to vector<16xf32>
    %swap3A_22 = vector.shape_cast %broadcast_in_dim3A_3 : vector<16xf32> to vector<16xf32>
    tpu.vector_store %arg10[%swap3A_19], %swap3A_22 {strides = array<i32>} : memref<128xf32, #tpu.memory_space<vmem>>, vector<16xf32>,
    %swap3A_23 = arith.constant 64 : index
    %swap3A_24 = tpu.vector_load %arg10[%swap3A_23] {strides = array<i32>} : memref<128xf32, #tpu.memory_space<vmem>>, vector<16xf32>,
    %swap3A_25 = vector.shape_cast %swap3A_24 : vector<16xf32> to vector<16xf32>
    %swap3A_26 = vector.shape_cast %broadcast_in_dim3A_3 : vector<16xf32> to vector<16xf32>
    tpu.vector_store %arg10[%swap3A_23], %swap3A_26 {strides = array<i32>} : memref<128xf32, #tpu.memory_space<vmem>>, vector<16xf32>,
    %swap3A_27 = arith.constant 80 : index
    %swap3A_28 = tpu.vector_load %arg10[%swap3A_27] {strides = array<i32>} : memref<128xf32, #tpu.memory_space<vmem>>, vector<16xf32>,
    %swap3A_29 = vector.shape_cast %swap3A_28 : vector<16xf32> to vector<16xf32>
    %swap3A_30 = vector.shape_cast %broadcast_in_dim3A_3 : vector<16xf32> to vector<16xf32>
    tpu.vector_store %arg10[%swap3A_27], %swap3A_30 {strides = array<i32>} : memref<128xf32, #tpu.memory_space<vmem>>, vector<16xf32>,
    %swap3A_31 = arith.constant 96 : index
    %swap3A_32 = tpu.vector_load %arg10[%swap3A_31] {strides = array<i32>} : memref<128xf32, #tpu.memory_space<vmem>>, vector<16xf32>,
    %swap3A_33 = vector.shape_cast %swap3A_32 : vector<16xf32> to vector<16xf32>
    %swap3A_34 = vector.shape_cast %broadcast_in_dim3A_3 : vector<16xf32> to vector<16xf32>
    tpu.vector_store %arg10[%swap3A_31], %swap3A_34 {strides = array<i32>} : memref<128xf32, #tpu.memory_space<vmem>>, vector<16xf32>,
    %swap3A_35 = arith.constant 112 : index
    %swap3A_36 = tpu.vector_load %arg10[%swap3A_35] {strides = array<i32>} : memref<128xf32, #tpu.memory_space<vmem>>, vector<16xf32>,
    %swap3A_37 = vector.shape_cast %swap3A_36 : vector<16xf32> to vector<16xf32>
    %swap3A_38 = vector.shape_cast %broadcast_in_dim3A_3 : vector<16xf32> to vector<16xf32>
    tpu.vector_store %arg10[%swap3A_35], %swap3A_38 {strides = array<i32>} : memref<128xf32, #tpu.memory_space<vmem>>, vector<16xf32>,
    %mul3A_39 = arith.constant 640 : i32
    %mul3A_40 = arith.muli %arg1, %mul3A_39 : i32
    %add3A_41 = arith.constant 0 : i32
    %add3A_42 = arith.addi %mul3A_40, %add3A_41 : i32
    "tpu.region"() ({
      %run_scoped3A_97 = tpu.sem_alloc : memref<!tpu.dma_semaphore, #tpu.memory_space<semaphore_mem>>
      %dma_start3A = arith.constant 0 : i32
      %dma_start3A_98 = tpu.memref_slice %arg11[%add3A_42, %dma_start3A] : memref<10240x128xf32, #tpu.memory_space<vmem_shared>> -> memref<128x128xf32, #tpu.memory_space<vmem_shared>>
      %dma_start3A_99 = arith.constant 0 : i32
      %dma_start3A_100 = tpu.memref_slice %arg11[%add3A_42, %dma_start3A_99] : memref<10240x128xf32, #tpu.memory_space<vmem_shared>> -> memref<128x128xf32, #tpu.memory_space<vmem_shared>>
      tpu.enqueue_dma source(%arg9 : memref<128x128xf32, #tpu.memory_space<vmem>>) target(%dma_start3A_100 : memref<128x128xf32, #tpu.memory_space<vmem_shared>>) target_semaphore(%run_scoped3A_97 : memref<!tpu.dma_semaphore, #tpu.memory_space<semaphore_mem>>)
      %dma_wait3A = arith.constant 0 : i32
      %dma_wait3A_101 = tpu.memref_slice %arg11[%add3A_42, %dma_wait3A] : memref<10240x128xf32, #tpu.memory_space<vmem_shared>> -> memref<128x128xf32, #tpu.memory_space<vmem_shared>>
      %dma_wait3A_102 = arith.constant 0 : i32
      %dma_wait3A_103 = tpu.memref_slice %arg11[%add3A_42, %dma_wait3A_102] : memref<10240x128xf32, #tpu.memory_space<vmem_shared>> -> memref<128x128xf32, #tpu.memory_space<vmem_shared>>
      tpu.wait_dma2 semaphore(%run_scoped3A_97 : memref<!tpu.dma_semaphore, #tpu.memory_space<semaphore_mem>>) src(%arg9 : memref<128x128xf32, #tpu.memory_space<vmem>>) dst(%dma_wait3A_103 : memref<128x128xf32, #tpu.memory_space<vmem_shared>>)
      tpu.yield
    }) : () -> ()
    %mul3A_43 = arith.constant 640 : i32
    %mul3A_44 = arith.muli %arg1, %mul3A_43 : i32
    %add3A_45 = arith.constant 128 : i32
    %add3A_46 = arith.addi %mul3A_44, %add3A_45 : i32
    "tpu.region"() ({
      %run_scoped3A_97 = tpu.sem_alloc : memref<!tpu.dma_semaphore, #tpu.memory_space<semaphore_mem>>
      %dma_start3A = arith.constant 0 : i32
      %dma_start3A_98 = tpu.memref_slice %arg11[%add3A_46, %dma_start3A] : memref<10240x128xf32, #tpu.memory_space<vmem_shared>> -> memref<128x128xf32, #tpu.memory_space<vmem_shared>>
      %dma_start3A_99 = arith.constant 0 : i32
      %dma_start3A_100 = tpu.memref_slice %arg11[%add3A_46, %dma_start3A_99] : memref<10240x128xf32, #tpu.memory_space<vmem_shared>> -> memref<128x128xf32, #tpu.memory_space<vmem_shared>>
      tpu.enqueue_dma source(%arg9 : memref<128x128xf32, #tpu.memory_space<vmem>>) target(%dma_start3A_100 : memref<128x128xf32, #tpu.memory_space<vmem_shared>>) target_semaphore(%run_scoped3A_97 : memref<!tpu.dma_semaphore, #tpu.memory_space<semaphore_mem>>)
      %dma_wait3A = arith.constant 0 : i32
      %dma_wait3A_101 = tpu.memref_slice %arg11[%add3A_46, %dma_wait3A] : memref<10240x128xf32, #tpu.memory_space<vmem_shared>> -> memref<128x128xf32, #tpu.memory_space<vmem_shared>>
      %dma_wait3A_102 = arith.constant 0 : i32
      %dma_wait3A_103 = tpu.memref_slice %arg11[%add3A_46, %dma_wait3A_102] : memref<10240x128xf32, #tpu.memory_space<vmem_shared>> -> memref<128x128xf32, #tpu.memory_space<vmem_shared>>
      tpu.wait_dma2 semaphore(%run_scoped3A_97 : memref<!tpu.dma_semaphore, #tpu.memory_space<semaphore_mem>>) src(%arg9 : memref<128x128xf32, #tpu.memory_space<vmem>>) dst(%dma_wait3A_103 : memref<128x128xf32, #tpu.memory_space<vmem_shared>>)
      tpu.yield
    }) : () -> ()
    %mul3A_47 = arith.constant 640 : i32
    %mul3A_48 = arith.muli %arg1, %mul3A_47 : i32
    %add3A_49 = arith.constant 256 : i32
    %add3A_50 = arith.addi %mul3A_48, %add3A_49 : i32
    "tpu.region"() ({
      %run_scoped3A_97 = tpu.sem_alloc : memref<!tpu.dma_semaphore, #tpu.memory_space<semaphore_mem>>
      %dma_start3A = arith.constant 0 : i32
      %dma_start3A_98 = tpu.memref_slice %arg11[%add3A_50, %dma_start3A] : memref<10240x128xf32, #tpu.memory_space<vmem_shared>> -> memref<128x128xf32, #tpu.memory_space<vmem_shared>>
      %dma_start3A_99 = arith.constant 0 : i32
      %dma_start3A_100 = tpu.memref_slice %arg11[%add3A_50, %dma_start3A_99] : memref<10240x128xf32, #tpu.memory_space<vmem_shared>> -> memref<128x128xf32, #tpu.memory_space<vmem_shared>>
      tpu.enqueue_dma source(%arg9 : memref<128x128xf32, #tpu.memory_space<vmem>>) target(%dma_start3A_100 : memref<128x128xf32, #tpu.memory_space<vmem_shared>>) target_semaphore(%run_scoped3A_97 : memref<!tpu.dma_semaphore, #tpu.memory_space<semaphore_mem>>)
      %dma_wait3A = arith.constant 0 : i32
      %dma_wait3A_101 = tpu.memref_slice %arg11[%add3A_50, %dma_wait3A] : memref<10240x128xf32, #tpu.memory_space<vmem_shared>> -> memref<128x128xf32, #tpu.memory_space<vmem_shared>>
      %dma_wait3A_102 = arith.constant 0 : i32
      %dma_wait3A_103 = tpu.memref_slice %arg11[%add3A_50, %dma_wait3A_102] : memref<10240x128xf32, #tpu.memory_space<vmem_shared>> -> memref<128x128xf32, #tpu.memory_space<vmem_shared>>
      tpu.wait_dma2 semaphore(%run_scoped3A_97 : memref<!tpu.dma_semaphore, #tpu.memory_space<semaphore_mem>>) src(%arg9 : memref<128x128xf32, #tpu.memory_space<vmem>>) dst(%dma_wait3A_103 : memref<128x128xf32, #tpu.memory_space<vmem_shared>>)
      tpu.yield
    }) : () -> ()
    %mul3A_51 = arith.constant 640 : i32
    %mul3A_52 = arith.muli %arg1, %mul3A_51 : i32
    %add3A_53 = arith.constant 384 : i32
    %add3A_54 = arith.addi %mul3A_52, %add3A_53 : i32
    "tpu.region"() ({
      %run_scoped3A_97 = tpu.sem_alloc : memref<!tpu.dma_semaphore, #tpu.memory_space<semaphore_mem>>
      %dma_start3A = arith.constant 0 : i32
      %dma_start3A_98 = tpu.memref_slice %arg11[%add3A_54, %dma_start3A] : memref<10240x128xf32, #tpu.memory_space<vmem_shared>> -> memref<128x128xf32, #tpu.memory_space<vmem_shared>>
      %dma_start3A_99 = arith.constant 0 : i32
      %dma_start3A_100 = tpu.memref_slice %arg11[%add3A_54, %dma_start3A_99] : memref<10240x128xf32, #tpu.memory_space<vmem_shared>> -> memref<128x128xf32, #tpu.memory_space<vmem_shared>>
      tpu.enqueue_dma source(%arg9 : memref<128x128xf32, #tpu.memory_space<vmem>>) target(%dma_start3A_100 : memref<128x128xf32, #tpu.memory_space<vmem_shared>>) target_semaphore(%run_scoped3A_97 : memref<!tpu.dma_semaphore, #tpu.memory_space<semaphore_mem>>)
      %dma_wait3A = arith.constant 0 : i32
      %dma_wait3A_101 = tpu.memref_slice %arg11[%add3A_54, %dma_wait3A] : memref<10240x128xf32, #tpu.memory_space<vmem_shared>> -> memref<128x128xf32, #tpu.memory_space<vmem_shared>>
      %dma_wait3A_102 = arith.constant 0 : i32
      %dma_wait3A_103 = tpu.memref_slice %arg11[%add3A_54, %dma_wait3A_102] : memref<10240x128xf32, #tpu.memory_space<vmem_shared>> -> memref<128x128xf32, #tpu.memory_space<vmem_shared>>
      tpu.wait_dma2 semaphore(%run_scoped3A_97 : memref<!tpu.dma_semaphore, #tpu.memory_space<semaphore_mem>>) src(%arg9 : memref<128x128xf32, #tpu.memory_space<vmem>>) dst(%dma_wait3A_103 : memref<128x128xf32, #tpu.memory_space<vmem_shared>>)
      tpu.yield
    }) : () -> ()
    %mul3A_55 = arith.constant 640 : i32
    %mul3A_56 = arith.muli %arg1, %mul3A_55 : i32
    %add3A_57 = arith.constant 512 : i32
    %add3A_58 = arith.addi %mul3A_56, %add3A_57 : i32
    "tpu.region"() ({
      %run_scoped3A_97 = tpu.sem_alloc : memref<!tpu.dma_semaphore, #tpu.memory_space<semaphore_mem>>
      %dma_start3A = arith.constant 0 : i32
      %dma_start3A_98 = tpu.memref_slice %arg11[%add3A_58, %dma_start3A] : memref<10240x128xf32, #tpu.memory_space<vmem_shared>> -> memref<128x128xf32, #tpu.memory_space<vmem_shared>>
      %dma_start3A_99 = arith.constant 0 : i32
      %dma_start3A_100 = tpu.memref_slice %arg11[%add3A_58, %dma_start3A_99] : memref<10240x128xf32, #tpu.memory_space<vmem_shared>> -> memref<128x128xf32, #tpu.memory_space<vmem_shared>>
      tpu.enqueue_dma source(%arg9 : memref<128x128xf32, #tpu.memory_space<vmem>>) target(%dma_start3A_100 : memref<128x128xf32, #tpu.memory_space<vmem_shared>>) target_semaphore(%run_scoped3A_97 : memref<!tpu.dma_semaphore, #tpu.memory_space<semaphore_mem>>)
      %dma_wait3A = arith.constant 0 : i32
      %dma_wait3A_101 = tpu.memref_slice %arg11[%add3A_58, %dma_wait3A] : memref<10240x128xf32, #tpu.memory_space<vmem_shared>> -> memref<128x128xf32, #tpu.memory_space<vmem_shared>>
      %dma_wait3A_102 = arith.constant 0 : i32
      %dma_wait3A_103 = tpu.memref_slice %arg11[%add3A_58, %dma_wait3A_102] : memref<10240x128xf32, #tpu.memory_space<vmem_shared>> -> memref<128x128xf32, #tpu.memory_space<vmem_shared>>
      tpu.wait_dma2 semaphore(%run_scoped3A_97 : memref<!tpu.dma_semaphore, #tpu.memory_space<semaphore_mem>>) src(%arg9 : memref<128x128xf32, #tpu.memory_space<vmem>>) dst(%dma_wait3A_103 : memref<128x128xf32, #tpu.memory_space<vmem_shared>>)
      tpu.yield
    }) : () -> ()
    %mul3A_59 = arith.constant 640 : i32
    %mul3A_60 = arith.muli %arg1, %mul3A_59 : i32
    %add3A_61 = arith.constant 0 : i32
    %add3A_62 = arith.addi %mul3A_60, %add3A_61 : i32
    %run_scoped3A = arith.constant 0 : i32
    "tpu.region"() ({
      %run_scoped3A_97 = tpu.sem_alloc : memref<!tpu.dma_semaphore, #tpu.memory_space<semaphore_mem>>
      %dma_start3A = arith.constant 0 : i32
      %dma_start3A_98 = tpu.memref_slice %arg9[%run_scoped3A, %dma_start3A] : memref<128x128xf32, #tpu.memory_space<vmem>> -> memref<1x128xf32, #tpu.memory_space<vmem>>
      %dma_start3A_99 = tpu.memref_squeeze %dma_start3A_98 : memref<1x128xf32, #tpu.memory_space<vmem>> -> memref<128xf32, #tpu.memory_space<vmem>>
      %dma_start3A_100 = tpu.memref_slice %arg12[%add3A_62] : memref<10240xf32, #tpu.memory_space<vmem_shared>> -> memref<128xf32, #tpu.memory_space<vmem_shared>>
      %dma_start3A_101 = tpu.memref_slice %arg12[%add3A_62] : memref<10240xf32, #tpu.memory_space<vmem_shared>> -> memref<128xf32, #tpu.memory_space<vmem_shared>>
      %dma_start3A_102 = arith.constant 0 : i32
      %dma_start3A_103 = tpu.memref_slice %arg9[%run_scoped3A, %dma_start3A_102] : memref<128x128xf32, #tpu.memory_space<vmem>> -> memref<1x128xf32, #tpu.memory_space<vmem>>
      %dma_start3A_104 = tpu.memref_squeeze %dma_start3A_103 : memref<1x128xf32, #tpu.memory_space<vmem>> -> memref<128xf32, #tpu.memory_space<vmem>>
      tpu.enqueue_dma source(%dma_start3A_104 : memref<128xf32, #tpu.memory_space<vmem>>) target(%dma_start3A_101 : memref<128xf32, #tpu.memory_space<vmem_shared>>) target_semaphore(%run_scoped3A_97 : memref<!tpu.dma_semaphore, #tpu.memory_space<semaphore_mem>>)
      %dma_wait3A = arith.constant 0 : i32
      %dma_wait3A_105 = tpu.memref_slice %arg9[%run_scoped3A, %dma_wait3A] : memref<128x128xf32, #tpu.memory_space<vmem>> -> memref<1x128xf32, #tpu.memory_space<vmem>>
      %dma_wait3A_106 = tpu.memref_squeeze %dma_wait3A_105 : memref<1x128xf32, #tpu.memory_space<vmem>> -> memref<128xf32, #tpu.memory_space<vmem>>
      %dma_wait3A_107 = tpu.memref_slice %arg12[%add3A_62] : memref<10240xf32, #tpu.memory_space<vmem_shared>> -> memref<128xf32, #tpu.memory_space<vmem_shared>>
      %dma_wait3A_108 = tpu.memref_slice %arg12[%add3A_62] : memref<10240xf32, #tpu.memory_space<vmem_shared>> -> memref<128xf32, #tpu.memory_space<vmem_shared>>
      %dma_wait3A_109 = arith.constant 0 : i32
      %dma_wait3A_110 = tpu.memref_slice %arg9[%run_scoped3A, %dma_wait3A_109] : memref<128x128xf32, #tpu.memory_space<vmem>> -> memref<1x128xf32, #tpu.memory_space<vmem>>
      %dma_wait3A_111 = tpu.memref_squeeze %dma_wait3A_110 : memref<1x128xf32, #tpu.memory_space<vmem>> -> memref<128xf32, #tpu.memory_space<vmem>>
      tpu.wait_dma2 semaphore(%run_scoped3A_97 : memref<!tpu.dma_semaphore, #tpu.memory_space<semaphore_mem>>) src(%dma_wait3A_111 : memref<128xf32, #tpu.memory_space<vmem>>) dst(%dma_wait3A_108 : memref<128xf32, #tpu.memory_space<vmem_shared>>)
      tpu.yield
    }) : () -> ()
    %mul3A_63 = arith.constant 640 : i32
    %mul3A_64 = arith.muli %arg1, %mul3A_63 : i32
    %add3A_65 = arith.constant 128 : i32
    %add3A_66 = arith.addi %mul3A_64, %add3A_65 : i32
    %run_scoped3A_67 = arith.constant 0 : i32
    "tpu.region"() ({
      %run_scoped3A_97 = tpu.sem_alloc : memref<!tpu.dma_semaphore, #tpu.memory_space<semaphore_mem>>
      %dma_start3A = arith.constant 0 : i32
      %dma_start3A_98 = tpu.memref_slice %arg9[%run_scoped3A_67, %dma_start3A] : memref<128x128xf32, #tpu.memory_space<vmem>> -> memref<1x128xf32, #tpu.memory_space<vmem>>
      %dma_start3A_99 = tpu.memref_squeeze %dma_start3A_98 : memref<1x128xf32, #tpu.memory_space<vmem>> -> memref<128xf32, #tpu.memory_space<vmem>>
      %dma_start3A_100 = tpu.memref_slice %arg12[%add3A_66] : memref<10240xf32, #tpu.memory_space<vmem_shared>> -> memref<128xf32, #tpu.memory_space<vmem_shared>>
      %dma_start3A_101 = tpu.memref_slice %arg12[%add3A_66] : memref<10240xf32, #tpu.memory_space<vmem_shared>> -> memref<128xf32, #tpu.memory_space<vmem_shared>>
      %dma_start3A_102 = arith.constant 0 : i32
      %dma_start3A_103 = tpu.memref_slice %arg9[%run_scoped3A_67, %dma_start3A_102] : memref<128x128xf32, #tpu.memory_space<vmem>> -> memref<1x128xf32, #tpu.memory_space<vmem>>
      %dma_start3A_104 = tpu.memref_squeeze %dma_start3A_103 : memref<1x128xf32, #tpu.memory_space<vmem>> -> memref<128xf32, #tpu.memory_space<vmem>>
      tpu.enqueue_dma source(%dma_start3A_104 : memref<128xf32, #tpu.memory_space<vmem>>) target(%dma_start3A_101 : memref<128xf32, #tpu.memory_space<vmem_shared>>) target_semaphore(%run_scoped3A_97 : memref<!tpu.dma_semaphore, #tpu.memory_space<semaphore_mem>>)
      %dma_wait3A = arith.constant 0 : i32
      %dma_wait3A_105 = tpu.memref_slice %arg9[%run_scoped3A_67, %dma_wait3A] : memref<128x128xf32, #tpu.memory_space<vmem>> -> memref<1x128xf32, #tpu.memory_space<vmem>>
      %dma_wait3A_106 = tpu.memref_squeeze %dma_wait3A_105 : memref<1x128xf32, #tpu.memory_space<vmem>> -> memref<128xf32, #tpu.memory_space<vmem>>
      %dma_wait3A_107 = tpu.memref_slice %arg12[%add3A_66] : memref<10240xf32, #tpu.memory_space<vmem_shared>> -> memref<128xf32, #tpu.memory_space<vmem_shared>>
      %dma_wait3A_108 = tpu.memref_slice %arg12[%add3A_66] : memref<10240xf32, #tpu.memory_space<vmem_shared>> -> memref<128xf32, #tpu.memory_space<vmem_shared>>
      %dma_wait3A_109 = arith.constant 0 : i32
      %dma_wait3A_110 = tpu.memref_slice %arg9[%run_scoped3A_67, %dma_wait3A_109] : memref<128x128xf32, #tpu.memory_space<vmem>> -> memref<1x128xf32, #tpu.memory_space<vmem>>
      %dma_wait3A_111 = tpu.memref_squeeze %dma_wait3A_110 : memref<1x128xf32, #tpu.memory_space<vmem>> -> memref<128xf32, #tpu.memory_space<vmem>>
      tpu.wait_dma2 semaphore(%run_scoped3A_97 : memref<!tpu.dma_semaphore, #tpu.memory_space<semaphore_mem>>) src(%dma_wait3A_111 : memref<128xf32, #tpu.memory_space<vmem>>) dst(%dma_wait3A_108 : memref<128xf32, #tpu.memory_space<vmem_shared>>)
      tpu.yield
    }) : () -> ()
    %mul3A_68 = arith.constant 640 : i32
    %mul3A_69 = arith.muli %arg1, %mul3A_68 : i32
    %add3A_70 = arith.constant 256 : i32
    %add3A_71 = arith.addi %mul3A_69, %add3A_70 : i32
    %run_scoped3A_72 = arith.constant 0 : i32
    "tpu.region"() ({
      %run_scoped3A_97 = tpu.sem_alloc : memref<!tpu.dma_semaphore, #tpu.memory_space<semaphore_mem>>
      %dma_start3A = arith.constant 0 : i32
      %dma_start3A_98 = tpu.memref_slice %arg9[%run_scoped3A_72, %dma_start3A] : memref<128x128xf32, #tpu.memory_space<vmem>> -> memref<1x128xf32, #tpu.memory_space<vmem>>
      %dma_start3A_99 = tpu.memref_squeeze %dma_start3A_98 : memref<1x128xf32, #tpu.memory_space<vmem>> -> memref<128xf32, #tpu.memory_space<vmem>>
      %dma_start3A_100 = tpu.memref_slice %arg12[%add3A_71] : memref<10240xf32, #tpu.memory_space<vmem_shared>> -> memref<128xf32, #tpu.memory_space<vmem_shared>>
      %dma_start3A_101 = tpu.memref_slice %arg12[%add3A_71] : memref<10240xf32, #tpu.memory_space<vmem_shared>> -> memref<128xf32, #tpu.memory_space<vmem_shared>>
      %dma_start3A_102 = arith.constant 0 : i32
      %dma_start3A_103 = tpu.memref_slice %arg9[%run_scoped3A_72, %dma_start3A_102] : memref<128x128xf32, #tpu.memory_space<vmem>> -> memref<1x128xf32, #tpu.memory_space<vmem>>
      %dma_start3A_104 = tpu.memref_squeeze %dma_start3A_103 : memref<1x128xf32, #tpu.memory_space<vmem>> -> memref<128xf32, #tpu.memory_space<vmem>>
      tpu.enqueue_dma source(%dma_start3A_104 : memref<128xf32, #tpu.memory_space<vmem>>) target(%dma_start3A_101 : memref<128xf32, #tpu.memory_space<vmem_shared>>) target_semaphore(%run_scoped3A_97 : memref<!tpu.dma_semaphore, #tpu.memory_space<semaphore_mem>>)
      %dma_wait3A = arith.constant 0 : i32
      %dma_wait3A_105 = tpu.memref_slice %arg9[%run_scoped3A_72, %dma_wait3A] : memref<128x128xf32, #tpu.memory_space<vmem>> -> memref<1x128xf32, #tpu.memory_space<vmem>>
      %dma_wait3A_106 = tpu.memref_squeeze %dma_wait3A_105 : memref<1x128xf32, #tpu.memory_space<vmem>> -> memref<128xf32, #tpu.memory_space<vmem>>
      %dma_wait3A_107 = tpu.memref_slice %arg12[%add3A_71] : memref<10240xf32, #tpu.memory_space<vmem_shared>> -> memref<128xf32, #tpu.memory_space<vmem_shared>>
      %dma_wait3A_108 = tpu.memref_slice %arg12[%add3A_71] : memref<10240xf32, #tpu.memory_space<vmem_shared>> -> memref<128xf32, #tpu.memory_space<vmem_shared>>
      %dma_wait3A_109 = arith.constant 0 : i32
      %dma_wait3A_110 = tpu.memref_slice %arg9[%run_scoped3A_72, %dma_wait3A_109] : memref<128x128xf32, #tpu.memory_space<vmem>> -> memref<1x128xf32, #tpu.memory_space<vmem>>
      %dma_wait3A_111 = tpu.memref_squeeze %dma_wait3A_110 : memref<1x128xf32, #tpu.memory_space<vmem>> -> memref<128xf32, #tpu.memory_space<vmem>>
      tpu.wait_dma2 semaphore(%run_scoped3A_97 : memref<!tpu.dma_semaphore, #tpu.memory_space<semaphore_mem>>) src(%dma_wait3A_111 : memref<128xf32, #tpu.memory_space<vmem>>) dst(%dma_wait3A_108 : memref<128xf32, #tpu.memory_space<vmem_shared>>)
      tpu.yield
    }) : () -> ()
    %mul3A_73 = arith.constant 640 : i32
    %mul3A_74 = arith.muli %arg1, %mul3A_73 : i32
    %add3A_75 = arith.constant 384 : i32
    %add3A_76 = arith.addi %mul3A_74, %add3A_75 : i32
    %run_scoped3A_77 = arith.constant 0 : i32
    "tpu.region"() ({
      %run_scoped3A_97 = tpu.sem_alloc : memref<!tpu.dma_semaphore, #tpu.memory_space<semaphore_mem>>
      %dma_start3A = arith.constant 0 : i32
      %dma_start3A_98 = tpu.memref_slice %arg9[%run_scoped3A_77, %dma_start3A] : memref<128x128xf32, #tpu.memory_space<vmem>> -> memref<1x128xf32, #tpu.memory_space<vmem>>
      %dma_start3A_99 = tpu.memref_squeeze %dma_start3A_98 : memref<1x128xf32, #tpu.memory_space<vmem>> -> memref<128xf32, #tpu.memory_space<vmem>>
      %dma_start3A_100 = tpu.memref_slice %arg12[%add3A_76] : memref<10240xf32, #tpu.memory_space<vmem_shared>> -> memref<128xf32, #tpu.memory_space<vmem_shared>>
      %dma_start3A_101 = tpu.memref_slice %arg12[%add3A_76] : memref<10240xf32, #tpu.memory_space<vmem_shared>> -> memref<128xf32, #tpu.memory_space<vmem_shared>>
      %dma_start3A_102 = arith.constant 0 : i32
      %dma_start3A_103 = tpu.memref_slice %arg9[%run_scoped3A_77, %dma_start3A_102] : memref<128x128xf32, #tpu.memory_space<vmem>> -> memref<1x128xf32, #tpu.memory_space<vmem>>
      %dma_start3A_104 = tpu.memref_squeeze %dma_start3A_103 : memref<1x128xf32, #tpu.memory_space<vmem>> -> memref<128xf32, #tpu.memory_space<vmem>>
      tpu.enqueue_dma source(%dma_start3A_104 : memref<128xf32, #tpu.memory_space<vmem>>) target(%dma_start3A_101 : memref<128xf32, #tpu.memory_space<vmem_shared>>) target_semaphore(%run_scoped3A_97 : memref<!tpu.dma_semaphore, #tpu.memory_space<semaphore_mem>>)
      %dma_wait3A = arith.constant 0 : i32
      %dma_wait3A_105 = tpu.memref_slice %arg9[%run_scoped3A_77, %dma_wait3A] : memref<128x128xf32, #tpu.memory_space<vmem>> -> memref<1x128xf32, #tpu.memory_space<vmem>>
      %dma_wait3A_106 = tpu.memref_squeeze %dma_wait3A_105 : memref<1x128xf32, #tpu.memory_space<vmem>> -> memref<128xf32, #tpu.memory_space<vmem>>
      %dma_wait3A_107 = tpu.memref_slice %arg12[%add3A_76] : memref<10240xf32, #tpu.memory_space<vmem_shared>> -> memref<128xf32, #tpu.memory_space<vmem_shared>>
      %dma_wait3A_108 = tpu.memref_slice %arg12[%add3A_76] : memref<10240xf32, #tpu.memory_space<vmem_shared>> -> memref<128xf32, #tpu.memory_space<vmem_shared>>
      %dma_wait3A_109 = arith.constant 0 : i32
      %dma_wait3A_110 = tpu.memref_slice %arg9[%run_scoped3A_77, %dma_wait3A_109] : memref<128x128xf32, #tpu.memory_space<vmem>> -> memref<1x128xf32, #tpu.memory_space<vmem>>
      %dma_wait3A_111 = tpu.memref_squeeze %dma_wait3A_110 : memref<1x128xf32, #tpu.memory_space<vmem>> -> memref<128xf32, #tpu.memory_space<vmem>>
      tpu.wait_dma2 semaphore(%run_scoped3A_97 : memref<!tpu.dma_semaphore, #tpu.memory_space<semaphore_mem>>) src(%dma_wait3A_111 : memref<128xf32, #tpu.memory_space<vmem>>) dst(%dma_wait3A_108 : memref<128xf32, #tpu.memory_space<vmem_shared>>)
      tpu.yield
    }) : () -> ()
    %mul3A_78 = arith.constant 640 : i32
    %mul3A_79 = arith.muli %arg1, %mul3A_78 : i32
    %add3A_80 = arith.constant 512 : i32
    %add3A_81 = arith.addi %mul3A_79, %add3A_80 : i32
    %run_scoped3A_82 = arith.constant 0 : i32
    "tpu.region"() ({
      %run_scoped3A_97 = tpu.sem_alloc : memref<!tpu.dma_semaphore, #tpu.memory_space<semaphore_mem>>
      %dma_start3A = arith.constant 0 : i32
      %dma_start3A_98 = tpu.memref_slice %arg9[%run_scoped3A_82, %dma_start3A] : memref<128x128xf32, #tpu.memory_space<vmem>> -> memref<1x128xf32, #tpu.memory_space<vmem>>
      %dma_start3A_99 = tpu.memref_squeeze %dma_start3A_98 : memref<1x128xf32, #tpu.memory_space<vmem>> -> memref<128xf32, #tpu.memory_space<vmem>>
      %dma_start3A_100 = tpu.memref_slice %arg12[%add3A_81] : memref<10240xf32, #tpu.memory_space<vmem_shared>> -> memref<128xf32, #tpu.memory_space<vmem_shared>>
      %dma_start3A_101 = tpu.memref_slice %arg12[%add3A_81] : memref<10240xf32, #tpu.memory_space<vmem_shared>> -> memref<128xf32, #tpu.memory_space<vmem_shared>>
      %dma_start3A_102 = arith.constant 0 : i32
      %dma_start3A_103 = tpu.memref_slice %arg9[%run_scoped3A_82, %dma_start3A_102] : memref<128x128xf32, #tpu.memory_space<vmem>> -> memref<1x128xf32, #tpu.memory_space<vmem>>
      %dma_start3A_104 = tpu.memref_squeeze %dma_start3A_103 : memref<1x128xf32, #tpu.memory_space<vmem>> -> memref<128xf32, #tpu.memory_space<vmem>>
      tpu.enqueue_dma source(%dma_start3A_104 : memref<128xf32, #tpu.memory_space<vmem>>) target(%dma_start3A_101 : memref<128xf32, #tpu.memory_space<vmem_shared>>) target_semaphore(%run_scoped3A_97 : memref<!tpu.dma_semaphore, #tpu.memory_space<semaphore_mem>>)
      %dma_wait3A = arith.constant 0 : i32
      %dma_wait3A_105 = tpu.memref_slice %arg9[%run_scoped3A_82, %dma_wait3A] : memref<128x128xf32, #tpu.memory_space<vmem>> -> memref<1x128xf32, #tpu.memory_space<vmem>>
      %dma_wait3A_106 = tpu.memref_squeeze %dma_wait3A_105 : memref<1x128xf32, #tpu.memory_space<vmem>> -> memref<128xf32, #tpu.memory_space<vmem>>
      %dma_wait3A_107 = tpu.memref_slice %arg12[%add3A_81] : memref<10240xf32, #tpu.memory_space<vmem_shared>> -> memref<128xf32, #tpu.memory_space<vmem_shared>>
      %dma_wait3A_108 = tpu.memref_slice %arg12[%add3A_81] : memref<10240xf32, #tpu.memory_space<vmem_shared>> -> memref<128xf32, #tpu.memory_space<vmem_shared>>
      %dma_wait3A_109 = arith.constant 0 : i32
      %dma_wait3A_110 = tpu.memref_slice %arg9[%run_scoped3A_82, %dma_wait3A_109] : memref<128x128xf32, #tpu.memory_space<vmem>> -> memref<1x128xf32, #tpu.memory_space<vmem>>
      %dma_wait3A_111 = tpu.memref_squeeze %dma_wait3A_110 : memref<1x128xf32, #tpu.memory_space<vmem>> -> memref<128xf32, #tpu.memory_space<vmem>>
      tpu.wait_dma2 semaphore(%run_scoped3A_97 : memref<!tpu.dma_semaphore, #tpu.memory_space<semaphore_mem>>) src(%dma_wait3A_111 : memref<128xf32, #tpu.memory_space<vmem>>) dst(%dma_wait3A_108 : memref<128xf32, #tpu.memory_space<vmem_shared>>)
      tpu.yield
    }) : () -> ()
    %barrier3A = arith.constant 0 : index
    tpu.barrier barrier_id(%barrier3A)
    "tpu.region"() ({
      %run_scoped3A_97 = tpu.sem_alloc : memref<!tpu.dma_semaphore, #tpu.memory_space<semaphore_mem>>
      %dma_start3A = arith.constant 0 : i32
      %dma_start3A_98 = arith.constant 0 : i32
      %dma_start3A_99 = tpu.memref_slice %arg3[%add3A, %dma_start3A, %dma_start3A_98] : memref<32x79x128xi32, #tpu.memory_space<hbm>> -> memref<1x79x128xi32, #tpu.memory_space<hbm>>
      %dma_start3A_100 = tpu.memref_squeeze %dma_start3A_99 : memref<1x79x128xi32, #tpu.memory_space<hbm>> -> memref<79x128xi32, #tpu.memory_space<hbm>>
      %dma_start3A_101 = arith.constant 0 : i32
      %dma_start3A_102 = arith.constant 0 : i32
      %dma_start3A_103 = tpu.memref_slice %arg3[%add3A, %dma_start3A_101, %dma_start3A_102] : memref<32x79x128xi32, #tpu.memory_space<hbm>> -> memref<1x79x128xi32, #tpu.memory_space<hbm>>
      %dma_start3A_104 = tpu.memref_squeeze %dma_start3A_103 : memref<1x79x128xi32, #tpu.memory_space<hbm>> -> memref<79x128xi32, #tpu.memory_space<hbm>>
      tpu.enqueue_dma source(%dma_start3A_104 : memref<79x128xi32, #tpu.memory_space<hbm>>) target(%arg7 : memref<79x128xi32, #tpu.memory_space<vmem>>) target_semaphore(%run_scoped3A_97 : memref<!tpu.dma_semaphore, #tpu.memory_space<semaphore_mem>>)
      %dma_wait3A = arith.constant 0 : i32
      %dma_wait3A_105 = arith.constant 0 : i32
      %dma_wait3A_106 = tpu.memref_slice %arg3[%add3A, %dma_wait3A, %dma_wait3A_105] : memref<32x79x128xi32, #tpu.memory_space<hbm>> -> memref<1x79x128xi32, #tpu.memory_space<hbm>>
      %dma_wait3A_107 = tpu.memref_squeeze %dma_wait3A_106 : memref<1x79x128xi32, #tpu.memory_space<hbm>> -> memref<79x128xi32, #tpu.memory_space<hbm>>
      %dma_wait3A_108 = arith.constant 0 : i32
      %dma_wait3A_109 = arith.constant 0 : i32
      %dma_wait3A_110 = tpu.memref_slice %arg3[%add3A, %dma_wait3A_108, %dma_wait3A_109] : memref<32x79x128xi32, #tpu.memory_space<hbm>> -> memref<1x79x128xi32, #tpu.memory_space<hbm>>
      %dma_wait3A_111 = tpu.memref_squeeze %dma_wait3A_110 : memref<1x79x128xi32, #tpu.memory_space<hbm>> -> memref<79x128xi32, #tpu.memory_space<hbm>>
      tpu.wait_dma2 semaphore(%run_scoped3A_97 : memref<!tpu.dma_semaphore, #tpu.memory_space<semaphore_mem>>) src(%dma_wait3A_111 : memref<79x128xi32, #tpu.memory_space<hbm>>) dst(%arg7 : memref<79x128xi32, #tpu.memory_space<vmem>>)
      tpu.yield
    }) : () -> ()
    "tpu.region"() ({
      %run_scoped3A_97 = tpu.sem_alloc : memref<!tpu.dma_semaphore, #tpu.memory_space<semaphore_mem>>
      %dma_start3A = arith.constant 0 : i32
      %dma_start3A_98 = arith.constant 0 : i32
      %dma_start3A_99 = tpu.memref_slice %arg4[%add3A, %dma_start3A, %dma_start3A_98] : memref<32x79x128xi32, #tpu.memory_space<hbm>> -> memref<1x79x128xi32, #tpu.memory_space<hbm>>
      %dma_start3A_100 = tpu.memref_squeeze %dma_start3A_99 : memref<1x79x128xi32, #tpu.memory_space<hbm>> -> memref<79x128xi32, #tpu.memory_space<hbm>>
      %dma_start3A_101 = arith.constant 0 : i32
      %dma_start3A_102 = arith.constant 0 : i32
      %dma_start3A_103 = tpu.memref_slice %arg4[%add3A, %dma_start3A_101, %dma_start3A_102] : memref<32x79x128xi32, #tpu.memory_space<hbm>> -> memref<1x79x128xi32, #tpu.memory_space<hbm>>
      %dma_start3A_104 = tpu.memref_squeeze %dma_start3A_103 : memref<1x79x128xi32, #tpu.memory_space<hbm>> -> memref<79x128xi32, #tpu.memory_space<hbm>>
      tpu.enqueue_dma source(%dma_start3A_104 : memref<79x128xi32, #tpu.memory_space<hbm>>) target(%arg8 : memref<79x128xi32, #tpu.memory_space<vmem>>) target_semaphore(%run_scoped3A_97 : memref<!tpu.dma_semaphore, #tpu.memory_space<semaphore_mem>>)
      %dma_wait3A = arith.constant 0 : i32
      %dma_wait3A_105 = arith.constant 0 : i32
      %dma_wait3A_106 = tpu.memref_slice %arg4[%add3A, %dma_wait3A, %dma_wait3A_105] : memref<32x79x128xi32, #tpu.memory_space<hbm>> -> memref<1x79x128xi32, #tpu.memory_space<hbm>>
      %dma_wait3A_107 = tpu.memref_squeeze %dma_wait3A_106 : memref<1x79x128xi32, #tpu.memory_space<hbm>> -> memref<79x128xi32, #tpu.memory_space<hbm>>
      %dma_wait3A_108 = arith.constant 0 : i32
      %dma_wait3A_109 = arith.constant 0 : i32
      %dma_wait3A_110 = tpu.memref_slice %arg4[%add3A, %dma_wait3A_108, %dma_wait3A_109] : memref<32x79x128xi32, #tpu.memory_space<hbm>> -> memref<1x79x128xi32, #tpu.memory_space<hbm>>
      %dma_wait3A_111 = tpu.memref_squeeze %dma_wait3A_110 : memref<1x79x128xi32, #tpu.memory_space<hbm>> -> memref<79x128xi32, #tpu.memory_space<hbm>>
      tpu.wait_dma2 semaphore(%run_scoped3A_97 : memref<!tpu.dma_semaphore, #tpu.memory_space<semaphore_mem>>) src(%dma_wait3A_111 : memref<79x128xi32, #tpu.memory_space<hbm>>) dst(%arg8 : memref<79x128xi32, #tpu.memory_space<vmem>>)
      tpu.yield
    }) : () -> ()
    %scan3A_83 = arith.constant 0 : i32
    %scan3A_84 = arith.constant 79 : i32
    %scan3A_85 = arith.addi %scan3A_83, %scan3A_84 : i32
    %scan3A_86 = arith.constant 1 : i32
    scf.for %scan3A_97 = %scan3A_83 to %scan3A_85 step %scan3A_86  : i32 {
      %mul3A_98 = arith.constant 1 : i32
      %mul3A_99 = arith.muli %scan3A_97, %mul3A_98 : i32
      %add3A_100 = arith.constant 0 : i32
      %add3A_101 = arith.addi %add3A_100, %mul3A_99 : i32
      %dma_start3A = arith.constant 0 : i32
      %dma_start3A_102 = tpu.memref_slice %arg7[%add3A_101, %dma_start3A] : memref<79x128xi32, #tpu.memory_space<vmem>> -> memref<1x128xi32, #tpu.memory_space<vmem>>
      %dma_start3A_103 = tpu.memref_squeeze %dma_start3A_102 : memref<1x128xi32, #tpu.memory_space<vmem>> -> memref<128xi32, #tpu.memory_space<vmem>>
      %dma_start3A_104 = arith.constant 0 : i32
      %dma_start3A_105 = arith.constant 0 : i32
      %dma_start3A_106 = tpu.memref_slice %arg2[%dma_start3A_104, %dma_start3A_105] : memref<10000x128xf32, #tpu.memory_space<hbm>> -> memref<10000x128xf32, #tpu.memory_space<hbm>>
      tpu.enqueue_indirect_dma source(%dma_start3A_106 : memref<10000x128xf32, #tpu.memory_space<hbm>>) target(%arg9 : memref<128x128xf32, #tpu.memory_space<vmem>>) offsets(%dma_start3A_103 : memref<128xi32, #tpu.memory_space<vmem>>) semaphore(%arg13 : memref<!tpu.dma_semaphore, #tpu.memory_space<semaphore_mem>>)
      %dma_wait3A = arith.constant 0 : i32
      %dma_wait3A_107 = tpu.memref_slice %arg7[%add3A_101, %dma_wait3A] : memref<79x128xi32, #tpu.memory_space<vmem>> -> memref<1x128xi32, #tpu.memory_space<vmem>>
      %dma_wait3A_108 = tpu.memref_squeeze %dma_wait3A_107 : memref<1x128xi32, #tpu.memory_space<vmem>> -> memref<128xi32, #tpu.memory_space<vmem>>
      %dma_wait3A_109 = arith.constant 0 : i32
      %dma_wait3A_110 = arith.constant 0 : i32
      %dma_wait3A_111 = tpu.memref_slice %arg2[%dma_wait3A_109, %dma_wait3A_110] : memref<10000x128xf32, #tpu.memory_space<hbm>> -> memref<10000x128xf32, #tpu.memory_space<hbm>>
      tpu.wait_indirect_dma semaphore(%arg13 : memref<!tpu.dma_semaphore, #tpu.memory_space<semaphore_mem>>) src(%dma_wait3A_111 : memref<10000x128xf32, #tpu.memory_space<hbm>>) dst(%arg9 : memref<128x128xf32, #tpu.memory_space<vmem>>)
      "tpu.region"() ({
        %run_scoped3A_112 = tpu.sem_alloc : memref<!tpu.dma_semaphore, #tpu.memory_space<semaphore_mem>>
        %dma_start3A_113 = arith.constant 0 : i32
        %dma_start3A_114 = tpu.memref_slice %arg8[%add3A_101, %dma_start3A_113] : memref<79x128xi32, #tpu.memory_space<vmem>> -> memref<1x128xi32, #tpu.memory_space<vmem>>
        %dma_start3A_115 = tpu.memref_squeeze %dma_start3A_114 : memref<1x128xi32, #tpu.memory_space<vmem>> -> memref<128xi32, #tpu.memory_space<vmem>>
        %dma_start3A_116 = arith.constant 0 : i32
        %dma_start3A_117 = arith.constant 0 : i32
        %dma_start3A_118 = tpu.memref_slice %arg11[%dma_start3A_116, %dma_start3A_117] : memref<10240x128xf32, #tpu.memory_space<vmem_shared>> -> memref<10240x128xf32, #tpu.memory_space<vmem_shared>>
        tpu.enqueue_indirect_dma source(%arg9 : memref<128x128xf32, #tpu.memory_space<vmem>>) target(%dma_start3A_118 : memref<10240x128xf32, #tpu.memory_space<vmem_shared>>) offsets(%dma_start3A_115 : memref<128xi32, #tpu.memory_space<vmem>>) semaphore(%run_scoped3A_112 : memref<!tpu.dma_semaphore, #tpu.memory_space<semaphore_mem>>) {add = true}
        %dma_wait3A_119 = arith.constant 0 : i32
        %dma_wait3A_120 = tpu.memref_slice %arg8[%add3A_101, %dma_wait3A_119] : memref<79x128xi32, #tpu.memory_space<vmem>> -> memref<1x128xi32, #tpu.memory_space<vmem>>
        %dma_wait3A_121 = tpu.memref_squeeze %dma_wait3A_120 : memref<1x128xi32, #tpu.memory_space<vmem>> -> memref<128xi32, #tpu.memory_space<vmem>>
        %dma_wait3A_122 = arith.constant 0 : i32
        %dma_wait3A_123 = arith.constant 0 : i32
        %dma_wait3A_124 = tpu.memref_slice %arg11[%dma_wait3A_122, %dma_wait3A_123] : memref<10240x128xf32, #tpu.memory_space<vmem_shared>> -> memref<10240x128xf32, #tpu.memory_space<vmem_shared>>
        tpu.wait_indirect_dma semaphore(%run_scoped3A_112 : memref<!tpu.dma_semaphore, #tpu.memory_space<semaphore_mem>>) src(%arg9 : memref<128x128xf32, #tpu.memory_space<vmem>>) dst(%dma_wait3A_124 : memref<10240x128xf32, #tpu.memory_space<vmem_shared>>)
        tpu.yield
      }) : () -> ()
      "tpu.region"() ({
        %run_scoped3A_112 = tpu.sem_alloc : memref<!tpu.dma_semaphore, #tpu.memory_space<semaphore_mem>>
        %dma_start3A_113 = arith.constant 0 : i32
        %dma_start3A_114 = tpu.memref_slice %arg8[%add3A_101, %dma_start3A_113] : memref<79x128xi32, #tpu.memory_space<vmem>> -> memref<1x128xi32, #tpu.memory_space<vmem>>
        %dma_start3A_115 = tpu.memref_squeeze %dma_start3A_114 : memref<1x128xi32, #tpu.memory_space<vmem>> -> memref<128xi32, #tpu.memory_space<vmem>>
        %dma_start3A_116 = arith.constant 0 : i32
        %dma_start3A_117 = tpu.memref_slice %arg12[%dma_start3A_116] : memref<10240xf32, #tpu.memory_space<vmem_shared>> -> memref<10240xf32, #tpu.memory_space<vmem_shared>>
        tpu.enqueue_indirect_dma source(%arg10 : memref<128xf32, #tpu.memory_space<vmem>>) target(%dma_start3A_117 : memref<10240xf32, #tpu.memory_space<vmem_shared>>) offsets(%dma_start3A_115 : memref<128xi32, #tpu.memory_space<vmem>>) semaphore(%run_scoped3A_112 : memref<!tpu.dma_semaphore, #tpu.memory_space<semaphore_mem>>) {add = true}
        %dma_wait3A_118 = arith.constant 0 : i32
        %dma_wait3A_119 = tpu.memref_slice %arg8[%add3A_101, %dma_wait3A_118] : memref<79x128xi32, #tpu.memory_space<vmem>> -> memref<1x128xi32, #tpu.memory_space<vmem>>
        %dma_wait3A_120 = tpu.memref_squeeze %dma_wait3A_119 : memref<1x128xi32, #tpu.memory_space<vmem>> -> memref<128xi32, #tpu.memory_space<vmem>>
        %dma_wait3A_121 = arith.constant 0 : i32
        %dma_wait3A_122 = tpu.memref_slice %arg12[%dma_wait3A_121] : memref<10240xf32, #tpu.memory_space<vmem_shared>> -> memref<10240xf32, #tpu.memory_space<vmem_shared>>
        tpu.wait_indirect_dma semaphore(%run_scoped3A_112 : memref<!tpu.dma_semaphore, #tpu.memory_space<semaphore_mem>>) src(%arg10 : memref<128xf32, #tpu.memory_space<vmem>>) dst(%dma_wait3A_122 : memref<10240xf32, #tpu.memory_space<vmem_shared>>)
        tpu.yield
      }) : () -> ()
    }
    %scan3A_87 = arith.constant 79 : i32
    %barrier3A_88 = arith.constant 0 : index
    tpu.barrier barrier_id(%barrier3A_88)
    %mul3A_89 = arith.constant 640 : i32
    %mul3A_90 = arith.muli %arg1, %mul3A_89 : i32
    %mul3A_91 = arith.constant 640 : i32
    %mul3A_92 = arith.muli %arg1, %mul3A_91 : i32
    "tpu.region"() ({
      %run_scoped3A_97 = tpu.sem_alloc : memref<!tpu.dma_semaphore, #tpu.memory_space<semaphore_mem>>
      %dma_start3A = arith.constant 0 : i32
      %dma_start3A_98 = tpu.memref_slice %arg5[%arg0, %mul3A_92, %dma_start3A] : memref<2x10240x128xf32, #tpu.memory_space<hbm>> -> memref<1x640x128xf32, #tpu.memory_space<hbm>>
      %dma_start3A_99 = tpu.memref_squeeze %dma_start3A_98 : memref<1x640x128xf32, #tpu.memory_space<hbm>> -> memref<640x128xf32, #tpu.memory_space<hbm>>
      %dma_start3A_100 = arith.constant 0 : i32
      %dma_start3A_101 = tpu.memref_slice %arg11[%mul3A_90, %dma_start3A_100] : memref<10240x128xf32, #tpu.memory_space<vmem_shared>> -> memref<640x128xf32, #tpu.memory_space<vmem_shared>>
      tpu.enqueue_dma source(%dma_start3A_101 : memref<640x128xf32, #tpu.memory_space<vmem_shared>>) target(%dma_start3A_99 : memref<640x128xf32, #tpu.memory_space<hbm>>) target_semaphore(%run_scoped3A_97 : memref<!tpu.dma_semaphore, #tpu.memory_space<semaphore_mem>>)
      %dma_wait3A = arith.constant 0 : i32
      %dma_wait3A_102 = tpu.memref_slice %arg5[%arg0, %mul3A_92, %dma_wait3A] : memref<2x10240x128xf32, #tpu.memory_space<hbm>> -> memref<1x640x128xf32, #tpu.memory_space<hbm>>
      %dma_wait3A_103 = tpu.memref_squeeze %dma_wait3A_102 : memref<1x640x128xf32, #tpu.memory_space<hbm>> -> memref<640x128xf32, #tpu.memory_space<hbm>>
      %dma_wait3A_104 = arith.constant 0 : i32
      %dma_wait3A_105 = tpu.memref_slice %arg11[%mul3A_90, %dma_wait3A_104] : memref<10240x128xf32, #tpu.memory_space<vmem_shared>> -> memref<640x128xf32, #tpu.memory_space<vmem_shared>>
      tpu.wait_dma2 semaphore(%run_scoped3A_97 : memref<!tpu.dma_semaphore, #tpu.memory_space<semaphore_mem>>) src(%dma_wait3A_105 : memref<640x128xf32, #tpu.memory_space<vmem_shared>>) dst(%dma_wait3A_103 : memref<640x128xf32, #tpu.memory_space<hbm>>)
      tpu.yield
    }) : () -> ()
    %mul3A_93 = arith.constant 640 : i32
    %mul3A_94 = arith.muli %arg1, %mul3A_93 : i32
    %mul3A_95 = arith.constant 640 : i32
    %mul3A_96 = arith.muli %arg1, %mul3A_95 : i32
    "tpu.region"() ({
      %run_scoped3A_97 = tpu.sem_alloc : memref<!tpu.dma_semaphore, #tpu.memory_space<semaphore_mem>>
      %dma_start3A = tpu.memref_slice %arg6[%arg0, %mul3A_96] : memref<2x10240xf32, #tpu.memory_space<hbm>> -> memref<1x640xf32, #tpu.memory_space<hbm>>
      %dma_start3A_98 = tpu.memref_squeeze %dma_start3A : memref<1x640xf32, #tpu.memory_space<hbm>> -> memref<640xf32, #tpu.memory_space<hbm>>
      %dma_start3A_99 = tpu.memref_slice %arg12[%mul3A_94] : memref<10240xf32, #tpu.memory_space<vmem_shared>> -> memref<640xf32, #tpu.memory_space<vmem_shared>>
      tpu.enqueue_dma source(%dma_start3A_99 : memref<640xf32, #tpu.memory_space<vmem_shared>>) target(%dma_start3A_98 : memref<640xf32, #tpu.memory_space<hbm>>) target_semaphore(%run_scoped3A_97 : memref<!tpu.dma_semaphore, #tpu.memory_space<semaphore_mem>>)
      %dma_wait3A = tpu.memref_slice %arg6[%arg0, %mul3A_96] : memref<2x10240xf32, #tpu.memory_space<hbm>> -> memref<1x640xf32, #tpu.memory_space<hbm>>
      %dma_wait3A_100 = tpu.memref_squeeze %dma_wait3A : memref<1x640xf32, #tpu.memory_space<hbm>> -> memref<640xf32, #tpu.memory_space<hbm>>
      %dma_wait3A_101 = tpu.memref_slice %arg12[%mul3A_94] : memref<10240xf32, #tpu.memory_space<vmem_shared>> -> memref<640xf32, #tpu.memory_space<vmem_shared>>
      tpu.wait_dma2 semaphore(%run_scoped3A_97 : memref<!tpu.dma_semaphore, #tpu.memory_space<semaphore_mem>>) src(%dma_wait3A_101 : memref<640xf32, #tpu.memory_space<vmem_shared>>) dst(%dma_wait3A_100 : memref<640xf32, #tpu.memory_space<hbm>>)
      tpu.yield
    }) : () -> ()
    return
  }
}

#map = affine_map<(d0, d1) -> (0, 0)>
#map1 = affine_map<(d0, d1) -> (0, 0, 0)>
module attributes {stable_mosaic.version = 14 : i64} {
  func.func @k(%arg0: i32, %arg1: i32, %arg2: memref<10000x128xf32, #tpu.memory_space<hbm>>, %arg3: memref<32x79x128xi32, #tpu.memory_space<hbm>>, %arg4: memref<32x79x128xi32, #tpu.memory_space<hbm>>, %arg5: memref<2x10240x128xf32, #tpu.memory_space<hbm>>, %arg6: memref<2x10240xf32, #tpu.memory_space<hbm>>, %arg7: memref<79x128xi32, #tpu.memory_space<vmem>>, %arg8: memref<79x128xi32, #tpu.memory_space<vmem>>, %arg9: memref<128x128xf32, #tpu.memory_space<vmem>>, %arg10: memref<128xf32, #tpu.memory_space<vmem>>, %arg11: memref<10240x128xf32, #tpu.memory_space<vmem_shared>>, %arg12: memref<10240xf32, #tpu.memory_space<vmem_shared>>, %arg13: memref<!tpu.dma_semaphore, #tpu.memory_space<semaphore_mem>>) attributes {dimension_semantics = [#tpu.dimension_semantics<core_parallel>, #tpu.dimension_semantics<subcore_parallel>], iteration_bounds = array<i64: 2, 16>, scalar_prefetch = 0 : i64, scratch_operands = 7 : i64, tpu.core_type = #tpu.core_type<sc_vector_subcore>, window_params = [{transform_indices = #map}, {transform_indices = #map1}, {transform_indices = #map1}, {transform_indices = #map1}, {transform_indices = #map}]} {
    %mul3A = arith.constant 2 : i32
    %mul3A_0 = arith.muli %arg1, %mul3A : i32
    %add3A = arith.addi %mul3A_0, %arg0 : i32
    %broadcast_in_dim3A = arith.constant 0.000000e+00 : f32
    %broadcast_in_dim3A_1 = vector.broadcast %broadcast_in_dim3A : f32 to vector<16xf32>
    %broadcast_in_dim3A_2 = arith.constant 1.000000e+00 : f32
    %broadcast_in_dim3A_3 = vector.broadcast %broadcast_in_dim3A_2 : f32 to vector<16xf32>
    %scan3A = arith.constant 0 : i32
    %scan3A_4 = arith.constant 128 : i32
    %scan3A_5 = arith.addi %scan3A, %scan3A_4 : i32
    %scan3A_6 = arith.constant 1 : i32
    scf.for %scan3A_97 = %scan3A to %scan3A_5 step %scan3A_6  : i32 {
      %mul3A_98 = arith.constant 1 : i32
      %mul3A_99 = arith.muli %scan3A_97, %mul3A_98 : i32
      %add3A_100 = arith.constant 0 : i32
      %add3A_101 = arith.addi %add3A_100, %mul3A_99 : i32
      %swap3A_102 = arith.index_cast %add3A_101 : i32 to index
      %swap3A_103 = arith.constant 0 : index
      %swap3A_104 = tpu.vector_load %arg9[%swap3A_102, %swap3A_103] {strides = array<i32>} : memref<128x128xf32, #tpu.memory_space<vmem>>, vector<1x16xf32>,
      %swap3A_105 = vector.shape_cast %swap3A_104 : vector<1x16xf32> to vector<16xf32>
      %swap3A_106 = vector.shape_cast %broadcast_in_dim3A_1 : vector<16xf32> to vector<1x16xf32>
      tpu.vector_store %arg9[%swap3A_102, %swap3A_103], %swap3A_106 {strides = array<i32>} : memref<128x128xf32, #tpu.memory_space<vmem>>, vector<1x16xf32>,
      %swap3A_107 = arith.index_cast %add3A_101 : i32 to index
      %swap3A_108 = arith.constant 16 : index
      %swap3A_109 = tpu.vector_load %arg9[%swap3A_107, %swap3A_108] {strides = array<i32>} : memref<128x128xf32, #tpu.memory_space<vmem>>, vector<1x16xf32>,
      %swap3A_110 = vector.shape_cast %swap3A_109 : vector<1x16xf32> to vector<16xf32>
      %swap3A_111 = vector.shape_cast %broadcast_in_dim3A_1 : vector<16xf32> to vector<1x16xf32>
      tpu.vector_store %arg9[%swap3A_107, %swap3A_108], %swap3A_111 {strides = array<i32>} : memref<128x128xf32, #tpu.memory_space<vmem>>, vector<1x16xf32>,
      %swap3A_112 = arith.index_cast %add3A_101 : i32 to index
      %swap3A_113 = arith.constant 32 : index
      %swap3A_114 = tpu.vector_load %arg9[%swap3A_112, %swap3A_113] {strides = array<i32>} : memref<128x128xf32, #tpu.memory_space<vmem>>, vector<1x16xf32>,
      %swap3A_115 = vector.shape_cast %swap3A_114 : vector<1x16xf32> to vector<16xf32>
      %swap3A_116 = vector.shape_cast %broadcast_in_dim3A_1 : vector<16xf32> to vector<1x16xf32>
      tpu.vector_store %arg9[%swap3A_112, %swap3A_113], %swap3A_116 {strides = array<i32>} : memref<128x128xf32, #tpu.memory_space<vmem>>, vector<1x16xf32>,
      %swap3A_117 = arith.index_cast %add3A_101 : i32 to index
      %swap3A_118 = arith.constant 48 : index
      %swap3A_119 = tpu.vector_load %arg9[%swap3A_117, %swap3A_118] {strides = array<i32>} : memref<128x128xf32, #tpu.memory_space<vmem>>, vector<1x16xf32>,
      %swap3A_120 = vector.shape_cast %swap3A_119 : vector<1x16xf32> to vector<16xf32>
      %swap3A_121 = vector.shape_cast %broadcast_in_dim3A_1 : vector<16xf32> to vector<1x16xf32>
      tpu.vector_store %arg9[%swap3A_117, %swap3A_118], %swap3A_121 {strides = array<i32>} : memref<128x128xf32, #tpu.memory_space<vmem>>, vector<1x16xf32>,
      %swap3A_122 = arith.index_cast %add3A_101 : i32 to index
      %swap3A_123 = arith.constant 64 : index
      %swap3A_124 = tpu.vector_load %arg9[%swap3A_122, %swap3A_123] {strides = array<i32>} : memref<128x128xf32, #tpu.memory_space<vmem>>, vector<1x16xf32>,
      %swap3A_125 = vector.shape_cast %swap3A_124 : vector<1x16xf32> to vector<16xf32>
      %swap3A_126 = vector.shape_cast %broadcast_in_dim3A_1 : vector<16xf32> to vector<1x16xf32>
      tpu.vector_store %arg9[%swap3A_122, %swap3A_123], %swap3A_126 {strides = array<i32>} : memref<128x128xf32, #tpu.memory_space<vmem>>, vector<1x16xf32>,
      %swap3A_127 = arith.index_cast %add3A_101 : i32 to index
      %swap3A_128 = arith.constant 80 : index
      %swap3A_129 = tpu.vector_load %arg9[%swap3A_127, %swap3A_128] {strides = array<i32>} : memref<128x128xf32, #tpu.memory_space<vmem>>, vector<1x16xf32>,
      %swap3A_130 = vector.shape_cast %swap3A_129 : vector<1x16xf32> to vector<16xf32>
      %swap3A_131 = vector.shape_cast %broadcast_in_dim3A_1 : vector<16xf32> to vector<1x16xf32>
      tpu.vector_store %arg9[%swap3A_127, %swap3A_128], %swap3A_131 {strides = array<i32>} : memref<128x128xf32, #tpu.memory_space<vmem>>, vector<1x16xf32>,
      %swap3A_132 = arith.index_cast %add3A_101 : i32 to index
      %swap3A_133 = arith.constant 96 : index
      %swap3A_134 = tpu.vector_load %arg9[%swap3A_132, %swap3A_133] {strides = array<i32>} : memref<128x128xf32, #tpu.memory_space<vmem>>, vector<1x16xf32>,
      %swap3A_135 = vector.shape_cast %swap3A_134 : vector<1x16xf32> to vector<16xf32>
      %swap3A_136 = vector.shape_cast %broadcast_in_dim3A_1 : vector<16xf32> to vector<1x16xf32>
      tpu.vector_store %arg9[%swap3A_132, %swap3A_133], %swap3A_136 {strides = array<i32>} : memref<128x128xf32, #tpu.memory_space<vmem>>, vector<1x16xf32>,
      %swap3A_137 = arith.index_cast %add3A_101 : i32 to index
      %swap3A_138 = arith.constant 112 : index
      %swap3A_139 = tpu.vector_load %arg9[%swap3A_137, %swap3A_138] {strides = array<i32>} : memref<128x128xf32, #tpu.memory_space<vmem>>, vector<1x16xf32>,
      %swap3A_140 = vector.shape_cast %swap3A_139 : vector<1x16xf32> to vector<16xf32>
      %swap3A_141 = vector.shape_cast %broadcast_in_dim3A_1 : vector<16xf32> to vector<1x16xf32>
      tpu.vector_store %arg9[%swap3A_137, %swap3A_138], %swap3A_141 {strides = array<i32>} : memref<128x128xf32, #tpu.memory_space<vmem>>, vector<1x16xf32>,
    }
    %scan3A_7 = arith.constant 128 : i32
    %swap3A = arith.constant 0 : index
    %swap3A_8 = tpu.vector_load %arg10[%swap3A] {strides = array<i32>} : memref<128xf32, #tpu.memory_space<vmem>>, vector<16xf32>,
    %swap3A_9 = vector.shape_cast %swap3A_8 : vector<16xf32> to vector<16xf32>
    %swap3A_10 = vector.shape_cast %broadcast_in_dim3A_3 : vector<16xf32> to vector<16xf32>
    tpu.vector_store %arg10[%swap3A], %swap3A_10 {strides = array<i32>} : memref<128xf32, #tpu.memory_space<vmem>>, vector<16xf32>,
    %swap3A_11 = arith.constant 16 : index
    %swap3A_12 = tpu.vector_load %arg10[%swap3A_11] {strides = array<i32>} : memref<128xf32, #tpu.memory_space<vmem>>, vector<16xf32>,
    %swap3A_13 = vector.shape_cast %swap3A_12 : vector<16xf32> to vector<16xf32>
    %swap3A_14 = vector.shape_cast %broadcast_in_dim3A_3 : vector<16xf32> to vector<16xf32>
    tpu.vector_store %arg10[%swap3A_11], %swap3A_14 {strides = array<i32>} : memref<128xf32, #tpu.memory_space<vmem>>, vector<16xf32>,
    %swap3A_15 = arith.constant 32 : index
    %swap3A_16 = tpu.vector_load %arg10[%swap3A_15] {strides = array<i32>} : memref<128xf32, #tpu.memory_space<vmem>>, vector<16xf32>,
    %swap3A_17 = vector.shape_cast %swap3A_16 : vector<16xf32> to vector<16xf32>
    %swap3A_18 = vector.shape_cast %broadcast_in_dim3A_3 : vector<16xf32> to vector<16xf32>
    tpu.vector_store %arg10[%swap3A_15], %swap3A_18 {strides = array<i32>} : memref<128xf32, #tpu.memory_space<vmem>>, vector<16xf32>,
    %swap3A_19 = arith.constant 48 : index
    %swap3A_20 = tpu.vector_load %arg10[%swap3A_19] {strides = array<i32>} : memref<128xf32, #tpu.memory_space<vmem>>, vector<16xf32>,
    %swap3A_21 = vector.shape_cast %swap3A_20 : vector<16xf32> to vector<16xf32>
    %swap3A_22 = vector.shape_cast %broadcast_in_dim3A_3 : vector<16xf32> to vector<16xf32>
    tpu.vector_store %arg10[%swap3A_19], %swap3A_22 {strides = array<i32>} : memref<128xf32, #tpu.memory_space<vmem>>, vector<16xf32>,
    %swap3A_23 = arith.constant 64 : index
    %swap3A_24 = tpu.vector_load %arg10[%swap3A_23] {strides = array<i32>} : memref<128xf32, #tpu.memory_space<vmem>>, vector<16xf32>,
    %swap3A_25 = vector.shape_cast %swap3A_24 : vector<16xf32> to vector<16xf32>
    %swap3A_26 = vector.shape_cast %broadcast_in_dim3A_3 : vector<16xf32> to vector<16xf32>
    tpu.vector_store %arg10[%swap3A_23], %swap3A_26 {strides = array<i32>} : memref<128xf32, #tpu.memory_space<vmem>>, vector<16xf32>,
    %swap3A_27 = arith.constant 80 : index
    %swap3A_28 = tpu.vector_load %arg10[%swap3A_27] {strides = array<i32>} : memref<128xf32, #tpu.memory_space<vmem>>, vector<16xf32>,
    %swap3A_29 = vector.shape_cast %swap3A_28 : vector<16xf32> to vector<16xf32>
    %swap3A_30 = vector.shape_cast %broadcast_in_dim3A_3 : vector<16xf32> to vector<16xf32>
    tpu.vector_store %arg10[%swap3A_27], %swap3A_30 {strides = array<i32>} : memref<128xf32, #tpu.memory_space<vmem>>, vector<16xf32>,
    %swap3A_31 = arith.constant 96 : index
    %swap3A_32 = tpu.vector_load %arg10[%swap3A_31] {strides = array<i32>} : memref<128xf32, #tpu.memory_space<vmem>>, vector<16xf32>,
    %swap3A_33 = vector.shape_cast %swap3A_32 : vector<16xf32> to vector<16xf32>
    %swap3A_34 = vector.shape_cast %broadcast_in_dim3A_3 : vector<16xf32> to vector<16xf32>
    tpu.vector_store %arg10[%swap3A_31], %swap3A_34 {strides = array<i32>} : memref<128xf32, #tpu.memory_space<vmem>>, vector<16xf32>,
    %swap3A_35 = arith.constant 112 : index
    %swap3A_36 = tpu.vector_load %arg10[%swap3A_35] {strides = array<i32>} : memref<128xf32, #tpu.memory_space<vmem>>, vector<16xf32>,
    %swap3A_37 = vector.shape_cast %swap3A_36 : vector<16xf32> to vector<16xf32>
    %swap3A_38 = vector.shape_cast %broadcast_in_dim3A_3 : vector<16xf32> to vector<16xf32>
    tpu.vector_store %arg10[%swap3A_35], %swap3A_38 {strides = array<i32>} : memref<128xf32, #tpu.memory_space<vmem>>, vector<16xf32>,
    %mul3A_39 = arith.constant 640 : i32
    %mul3A_40 = arith.muli %arg1, %mul3A_39 : i32
    %add3A_41 = arith.constant 0 : i32
    %add3A_42 = arith.addi %mul3A_40, %add3A_41 : i32
    "tpu.region"() ({
      %run_scoped3A_97 = tpu.sem_alloc : memref<!tpu.dma_semaphore, #tpu.memory_space<semaphore_mem>>
      %dma_start3A = arith.constant 0 : i32
      %dma_start3A_98 = tpu.memref_slice %arg11[%add3A_42, %dma_start3A] : memref<10240x128xf32, #tpu.memory_space<vmem_shared>> -> memref<128x128xf32, #tpu.memory_space<vmem_shared>>
      %dma_start3A_99 = arith.constant 0 : i32
      %dma_start3A_100 = tpu.memref_slice %arg11[%add3A_42, %dma_start3A_99] : memref<10240x128xf32, #tpu.memory_space<vmem_shared>> -> memref<128x128xf32, #tpu.memory_space<vmem_shared>>
      tpu.enqueue_dma source(%arg9 : memref<128x128xf32, #tpu.memory_space<vmem>>) target(%dma_start3A_100 : memref<128x128xf32, #tpu.memory_space<vmem_shared>>) target_semaphore(%run_scoped3A_97 : memref<!tpu.dma_semaphore, #tpu.memory_space<semaphore_mem>>)
      %dma_wait3A = arith.constant 0 : i32
      %dma_wait3A_101 = tpu.memref_slice %arg11[%add3A_42, %dma_wait3A] : memref<10240x128xf32, #tpu.memory_space<vmem_shared>> -> memref<128x128xf32, #tpu.memory_space<vmem_shared>>
      %dma_wait3A_102 = arith.constant 0 : i32
      %dma_wait3A_103 = tpu.memref_slice %arg11[%add3A_42, %dma_wait3A_102] : memref<10240x128xf32, #tpu.memory_space<vmem_shared>> -> memref<128x128xf32, #tpu.memory_space<vmem_shared>>
      tpu.wait_dma2 semaphore(%run_scoped3A_97 : memref<!tpu.dma_semaphore, #tpu.memory_space<semaphore_mem>>) src(%arg9 : memref<128x128xf32, #tpu.memory_space<vmem>>) dst(%dma_wait3A_103 : memref<128x128xf32, #tpu.memory_space<vmem_shared>>)
      tpu.yield
    }) : () -> ()
    %mul3A_43 = arith.constant 640 : i32
    %mul3A_44 = arith.muli %arg1, %mul3A_43 : i32
    %add3A_45 = arith.constant 128 : i32
    %add3A_46 = arith.addi %mul3A_44, %add3A_45 : i32
    "tpu.region"() ({
      %run_scoped3A_97 = tpu.sem_alloc : memref<!tpu.dma_semaphore, #tpu.memory_space<semaphore_mem>>
      %dma_start3A = arith.constant 0 : i32
      %dma_start3A_98 = tpu.memref_slice %arg11[%add3A_46, %dma_start3A] : memref<10240x128xf32, #tpu.memory_space<vmem_shared>> -> memref<128x128xf32, #tpu.memory_space<vmem_shared>>
      %dma_start3A_99 = arith.constant 0 : i32
      %dma_start3A_100 = tpu.memref_slice %arg11[%add3A_46, %dma_start3A_99] : memref<10240x128xf32, #tpu.memory_space<vmem_shared>> -> memref<128x128xf32, #tpu.memory_space<vmem_shared>>
      tpu.enqueue_dma source(%arg9 : memref<128x128xf32, #tpu.memory_space<vmem>>) target(%dma_start3A_100 : memref<128x128xf32, #tpu.memory_space<vmem_shared>>) target_semaphore(%run_scoped3A_97 : memref<!tpu.dma_semaphore, #tpu.memory_space<semaphore_mem>>)
      %dma_wait3A = arith.constant 0 : i32
      %dma_wait3A_101 = tpu.memref_slice %arg11[%add3A_46, %dma_wait3A] : memref<10240x128xf32, #tpu.memory_space<vmem_shared>> -> memref<128x128xf32, #tpu.memory_space<vmem_shared>>
      %dma_wait3A_102 = arith.constant 0 : i32
      %dma_wait3A_103 = tpu.memref_slice %arg11[%add3A_46, %dma_wait3A_102] : memref<10240x128xf32, #tpu.memory_space<vmem_shared>> -> memref<128x128xf32, #tpu.memory_space<vmem_shared>>
      tpu.wait_dma2 semaphore(%run_scoped3A_97 : memref<!tpu.dma_semaphore, #tpu.memory_space<semaphore_mem>>) src(%arg9 : memref<128x128xf32, #tpu.memory_space<vmem>>) dst(%dma_wait3A_103 : memref<128x128xf32, #tpu.memory_space<vmem_shared>>)
      tpu.yield
    }) : () -> ()
    %mul3A_47 = arith.constant 640 : i32
    %mul3A_48 = arith.muli %arg1, %mul3A_47 : i32
    %add3A_49 = arith.constant 256 : i32
    %add3A_50 = arith.addi %mul3A_48, %add3A_49 : i32
    "tpu.region"() ({
      %run_scoped3A_97 = tpu.sem_alloc : memref<!tpu.dma_semaphore, #tpu.memory_space<semaphore_mem>>
      %dma_start3A = arith.constant 0 : i32
      %dma_start3A_98 = tpu.memref_slice %arg11[%add3A_50, %dma_start3A] : memref<10240x128xf32, #tpu.memory_space<vmem_shared>> -> memref<128x128xf32, #tpu.memory_space<vmem_shared>>
      %dma_start3A_99 = arith.constant 0 : i32
      %dma_start3A_100 = tpu.memref_slice %arg11[%add3A_50, %dma_start3A_99] : memref<10240x128xf32, #tpu.memory_space<vmem_shared>> -> memref<128x128xf32, #tpu.memory_space<vmem_shared>>
      tpu.enqueue_dma source(%arg9 : memref<128x128xf32, #tpu.memory_space<vmem>>) target(%dma_start3A_100 : memref<128x128xf32, #tpu.memory_space<vmem_shared>>) target_semaphore(%run_scoped3A_97 : memref<!tpu.dma_semaphore, #tpu.memory_space<semaphore_mem>>)
      %dma_wait3A = arith.constant 0 : i32
      %dma_wait3A_101 = tpu.memref_slice %arg11[%add3A_50, %dma_wait3A] : memref<10240x128xf32, #tpu.memory_space<vmem_shared>> -> memref<128x128xf32, #tpu.memory_space<vmem_shared>>
      %dma_wait3A_102 = arith.constant 0 : i32
      %dma_wait3A_103 = tpu.memref_slice %arg11[%add3A_50, %dma_wait3A_102] : memref<10240x128xf32, #tpu.memory_space<vmem_shared>> -> memref<128x128xf32, #tpu.memory_space<vmem_shared>>
      tpu.wait_dma2 semaphore(%run_scoped3A_97 : memref<!tpu.dma_semaphore, #tpu.memory_space<semaphore_mem>>) src(%arg9 : memref<128x128xf32, #tpu.memory_space<vmem>>) dst(%dma_wait3A_103 : memref<128x128xf32, #tpu.memory_space<vmem_shared>>)
      tpu.yield
    }) : () -> ()
    %mul3A_51 = arith.constant 640 : i32
    %mul3A_52 = arith.muli %arg1, %mul3A_51 : i32
    %add3A_53 = arith.constant 384 : i32
    %add3A_54 = arith.addi %mul3A_52, %add3A_53 : i32
    "tpu.region"() ({
      %run_scoped3A_97 = tpu.sem_alloc : memref<!tpu.dma_semaphore, #tpu.memory_space<semaphore_mem>>
      %dma_start3A = arith.constant 0 : i32
      %dma_start3A_98 = tpu.memref_slice %arg11[%add3A_54, %dma_start3A] : memref<10240x128xf32, #tpu.memory_space<vmem_shared>> -> memref<128x128xf32, #tpu.memory_space<vmem_shared>>
      %dma_start3A_99 = arith.constant 0 : i32
      %dma_start3A_100 = tpu.memref_slice %arg11[%add3A_54, %dma_start3A_99] : memref<10240x128xf32, #tpu.memory_space<vmem_shared>> -> memref<128x128xf32, #tpu.memory_space<vmem_shared>>
      tpu.enqueue_dma source(%arg9 : memref<128x128xf32, #tpu.memory_space<vmem>>) target(%dma_start3A_100 : memref<128x128xf32, #tpu.memory_space<vmem_shared>>) target_semaphore(%run_scoped3A_97 : memref<!tpu.dma_semaphore, #tpu.memory_space<semaphore_mem>>)
      %dma_wait3A = arith.constant 0 : i32
      %dma_wait3A_101 = tpu.memref_slice %arg11[%add3A_54, %dma_wait3A] : memref<10240x128xf32, #tpu.memory_space<vmem_shared>> -> memref<128x128xf32, #tpu.memory_space<vmem_shared>>
      %dma_wait3A_102 = arith.constant 0 : i32
      %dma_wait3A_103 = tpu.memref_slice %arg11[%add3A_54, %dma_wait3A_102] : memref<10240x128xf32, #tpu.memory_space<vmem_shared>> -> memref<128x128xf32, #tpu.memory_space<vmem_shared>>
      tpu.wait_dma2 semaphore(%run_scoped3A_97 : memref<!tpu.dma_semaphore, #tpu.memory_space<semaphore_mem>>) src(%arg9 : memref<128x128xf32, #tpu.memory_space<vmem>>) dst(%dma_wait3A_103 : memref<128x128xf32, #tpu.memory_space<vmem_shared>>)
      tpu.yield
    }) : () -> ()
    %mul3A_55 = arith.constant 640 : i32
    %mul3A_56 = arith.muli %arg1, %mul3A_55 : i32
    %add3A_57 = arith.constant 512 : i32
    %add3A_58 = arith.addi %mul3A_56, %add3A_57 : i32
    "tpu.region"() ({
      %run_scoped3A_97 = tpu.sem_alloc : memref<!tpu.dma_semaphore, #tpu.memory_space<semaphore_mem>>
      %dma_start3A = arith.constant 0 : i32
      %dma_start3A_98 = tpu.memref_slice %arg11[%add3A_58, %dma_start3A] : memref<10240x128xf32, #tpu.memory_space<vmem_shared>> -> memref<128x128xf32, #tpu.memory_space<vmem_shared>>
      %dma_start3A_99 = arith.constant 0 : i32
      %dma_start3A_100 = tpu.memref_slice %arg11[%add3A_58, %dma_start3A_99] : memref<10240x128xf32, #tpu.memory_space<vmem_shared>> -> memref<128x128xf32, #tpu.memory_space<vmem_shared>>
      tpu.enqueue_dma source(%arg9 : memref<128x128xf32, #tpu.memory_space<vmem>>) target(%dma_start3A_100 : memref<128x128xf32, #tpu.memory_space<vmem_shared>>) target_semaphore(%run_scoped3A_97 : memref<!tpu.dma_semaphore, #tpu.memory_space<semaphore_mem>>)
      %dma_wait3A = arith.constant 0 : i32
      %dma_wait3A_101 = tpu.memref_slice %arg11[%add3A_58, %dma_wait3A] : memref<10240x128xf32, #tpu.memory_space<vmem_shared>> -> memref<128x128xf32, #tpu.memory_space<vmem_shared>>
      %dma_wait3A_102 = arith.constant 0 : i32
      %dma_wait3A_103 = tpu.memref_slice %arg11[%add3A_58, %dma_wait3A_102] : memref<10240x128xf32, #tpu.memory_space<vmem_shared>> -> memref<128x128xf32, #tpu.memory_space<vmem_shared>>
      tpu.wait_dma2 semaphore(%run_scoped3A_97 : memref<!tpu.dma_semaphore, #tpu.memory_space<semaphore_mem>>) src(%arg9 : memref<128x128xf32, #tpu.memory_space<vmem>>) dst(%dma_wait3A_103 : memref<128x128xf32, #tpu.memory_space<vmem_shared>>)
      tpu.yield
    }) : () -> ()
    %mul3A_59 = arith.constant 640 : i32
    %mul3A_60 = arith.muli %arg1, %mul3A_59 : i32
    %add3A_61 = arith.constant 0 : i32
    %add3A_62 = arith.addi %mul3A_60, %add3A_61 : i32
    %run_scoped3A = arith.constant 0 : i32
    "tpu.region"() ({
      %run_scoped3A_97 = tpu.sem_alloc : memref<!tpu.dma_semaphore, #tpu.memory_space<semaphore_mem>>
      %dma_start3A = arith.constant 0 : i32
      %dma_start3A_98 = tpu.memref_slice %arg9[%run_scoped3A, %dma_start3A] : memref<128x128xf32, #tpu.memory_space<vmem>> -> memref<1x128xf32, #tpu.memory_space<vmem>>
      %dma_start3A_99 = tpu.memref_squeeze %dma_start3A_98 : memref<1x128xf32, #tpu.memory_space<vmem>> -> memref<128xf32, #tpu.memory_space<vmem>>
      %dma_start3A_100 = tpu.memref_slice %arg12[%add3A_62] : memref<10240xf32, #tpu.memory_space<vmem_shared>> -> memref<128xf32, #tpu.memory_space<vmem_shared>>
      %dma_start3A_101 = tpu.memref_slice %arg12[%add3A_62] : memref<10240xf32, #tpu.memory_space<vmem_shared>> -> memref<128xf32, #tpu.memory_space<vmem_shared>>
      %dma_start3A_102 = arith.constant 0 : i32
      %dma_start3A_103 = tpu.memref_slice %arg9[%run_scoped3A, %dma_start3A_102] : memref<128x128xf32, #tpu.memory_space<vmem>> -> memref<1x128xf32, #tpu.memory_space<vmem>>
      %dma_start3A_104 = tpu.memref_squeeze %dma_start3A_103 : memref<1x128xf32, #tpu.memory_space<vmem>> -> memref<128xf32, #tpu.memory_space<vmem>>
      tpu.enqueue_dma source(%dma_start3A_104 : memref<128xf32, #tpu.memory_space<vmem>>) target(%dma_start3A_101 : memref<128xf32, #tpu.memory_space<vmem_shared>>) target_semaphore(%run_scoped3A_97 : memref<!tpu.dma_semaphore, #tpu.memory_space<semaphore_mem>>)
      %dma_wait3A = arith.constant 0 : i32
      %dma_wait3A_105 = tpu.memref_slice %arg9[%run_scoped3A, %dma_wait3A] : memref<128x128xf32, #tpu.memory_space<vmem>> -> memref<1x128xf32, #tpu.memory_space<vmem>>
      %dma_wait3A_106 = tpu.memref_squeeze %dma_wait3A_105 : memref<1x128xf32, #tpu.memory_space<vmem>> -> memref<128xf32, #tpu.memory_space<vmem>>
      %dma_wait3A_107 = tpu.memref_slice %arg12[%add3A_62] : memref<10240xf32, #tpu.memory_space<vmem_shared>> -> memref<128xf32, #tpu.memory_space<vmem_shared>>
      %dma_wait3A_108 = tpu.memref_slice %arg12[%add3A_62] : memref<10240xf32, #tpu.memory_space<vmem_shared>> -> memref<128xf32, #tpu.memory_space<vmem_shared>>
      %dma_wait3A_109 = arith.constant 0 : i32
      %dma_wait3A_110 = tpu.memref_slice %arg9[%run_scoped3A, %dma_wait3A_109] : memref<128x128xf32, #tpu.memory_space<vmem>> -> memref<1x128xf32, #tpu.memory_space<vmem>>
      %dma_wait3A_111 = tpu.memref_squeeze %dma_wait3A_110 : memref<1x128xf32, #tpu.memory_space<vmem>> -> memref<128xf32, #tpu.memory_space<vmem>>
      tpu.wait_dma2 semaphore(%run_scoped3A_97 : memref<!tpu.dma_semaphore, #tpu.memory_space<semaphore_mem>>) src(%dma_wait3A_111 : memref<128xf32, #tpu.memory_space<vmem>>) dst(%dma_wait3A_108 : memref<128xf32, #tpu.memory_space<vmem_shared>>)
      tpu.yield
    }) : () -> ()
    %mul3A_63 = arith.constant 640 : i32
    %mul3A_64 = arith.muli %arg1, %mul3A_63 : i32
    %add3A_65 = arith.constant 128 : i32
    %add3A_66 = arith.addi %mul3A_64, %add3A_65 : i32
    %run_scoped3A_67 = arith.constant 0 : i32
    "tpu.region"() ({
      %run_scoped3A_97 = tpu.sem_alloc : memref<!tpu.dma_semaphore, #tpu.memory_space<semaphore_mem>>
      %dma_start3A = arith.constant 0 : i32
      %dma_start3A_98 = tpu.memref_slice %arg9[%run_scoped3A_67, %dma_start3A] : memref<128x128xf32, #tpu.memory_space<vmem>> -> memref<1x128xf32, #tpu.memory_space<vmem>>
      %dma_start3A_99 = tpu.memref_squeeze %dma_start3A_98 : memref<1x128xf32, #tpu.memory_space<vmem>> -> memref<128xf32, #tpu.memory_space<vmem>>
      %dma_start3A_100 = tpu.memref_slice %arg12[%add3A_66] : memref<10240xf32, #tpu.memory_space<vmem_shared>> -> memref<128xf32, #tpu.memory_space<vmem_shared>>
      %dma_start3A_101 = tpu.memref_slice %arg12[%add3A_66] : memref<10240xf32, #tpu.memory_space<vmem_shared>> -> memref<128xf32, #tpu.memory_space<vmem_shared>>
      %dma_start3A_102 = arith.constant 0 : i32
      %dma_start3A_103 = tpu.memref_slice %arg9[%run_scoped3A_67, %dma_start3A_102] : memref<128x128xf32, #tpu.memory_space<vmem>> -> memref<1x128xf32, #tpu.memory_space<vmem>>
      %dma_start3A_104 = tpu.memref_squeeze %dma_start3A_103 : memref<1x128xf32, #tpu.memory_space<vmem>> -> memref<128xf32, #tpu.memory_space<vmem>>
      tpu.enqueue_dma source(%dma_start3A_104 : memref<128xf32, #tpu.memory_space<vmem>>) target(%dma_start3A_101 : memref<128xf32, #tpu.memory_space<vmem_shared>>) target_semaphore(%run_scoped3A_97 : memref<!tpu.dma_semaphore, #tpu.memory_space<semaphore_mem>>)
      %dma_wait3A = arith.constant 0 : i32
      %dma_wait3A_105 = tpu.memref_slice %arg9[%run_scoped3A_67, %dma_wait3A] : memref<128x128xf32, #tpu.memory_space<vmem>> -> memref<1x128xf32, #tpu.memory_space<vmem>>
      %dma_wait3A_106 = tpu.memref_squeeze %dma_wait3A_105 : memref<1x128xf32, #tpu.memory_space<vmem>> -> memref<128xf32, #tpu.memory_space<vmem>>
      %dma_wait3A_107 = tpu.memref_slice %arg12[%add3A_66] : memref<10240xf32, #tpu.memory_space<vmem_shared>> -> memref<128xf32, #tpu.memory_space<vmem_shared>>
      %dma_wait3A_108 = tpu.memref_slice %arg12[%add3A_66] : memref<10240xf32, #tpu.memory_space<vmem_shared>> -> memref<128xf32, #tpu.memory_space<vmem_shared>>
      %dma_wait3A_109 = arith.constant 0 : i32
      %dma_wait3A_110 = tpu.memref_slice %arg9[%run_scoped3A_67, %dma_wait3A_109] : memref<128x128xf32, #tpu.memory_space<vmem>> -> memref<1x128xf32, #tpu.memory_space<vmem>>
      %dma_wait3A_111 = tpu.memref_squeeze %dma_wait3A_110 : memref<1x128xf32, #tpu.memory_space<vmem>> -> memref<128xf32, #tpu.memory_space<vmem>>
      tpu.wait_dma2 semaphore(%run_scoped3A_97 : memref<!tpu.dma_semaphore, #tpu.memory_space<semaphore_mem>>) src(%dma_wait3A_111 : memref<128xf32, #tpu.memory_space<vmem>>) dst(%dma_wait3A_108 : memref<128xf32, #tpu.memory_space<vmem_shared>>)
      tpu.yield
    }) : () -> ()
    %mul3A_68 = arith.constant 640 : i32
    %mul3A_69 = arith.muli %arg1, %mul3A_68 : i32
    %add3A_70 = arith.constant 256 : i32
    %add3A_71 = arith.addi %mul3A_69, %add3A_70 : i32
    %run_scoped3A_72 = arith.constant 0 : i32
    "tpu.region"() ({
      %run_scoped3A_97 = tpu.sem_alloc : memref<!tpu.dma_semaphore, #tpu.memory_space<semaphore_mem>>
      %dma_start3A = arith.constant 0 : i32
      %dma_start3A_98 = tpu.memref_slice %arg9[%run_scoped3A_72, %dma_start3A] : memref<128x128xf32, #tpu.memory_space<vmem>> -> memref<1x128xf32, #tpu.memory_space<vmem>>
      %dma_start3A_99 = tpu.memref_squeeze %dma_start3A_98 : memref<1x128xf32, #tpu.memory_space<vmem>> -> memref<128xf32, #tpu.memory_space<vmem>>
      %dma_start3A_100 = tpu.memref_slice %arg12[%add3A_71] : memref<10240xf32, #tpu.memory_space<vmem_shared>> -> memref<128xf32, #tpu.memory_space<vmem_shared>>
      %dma_start3A_101 = tpu.memref_slice %arg12[%add3A_71] : memref<10240xf32, #tpu.memory_space<vmem_shared>> -> memref<128xf32, #tpu.memory_space<vmem_shared>>
      %dma_start3A_102 = arith.constant 0 : i32
      %dma_start3A_103 = tpu.memref_slice %arg9[%run_scoped3A_72, %dma_start3A_102] : memref<128x128xf32, #tpu.memory_space<vmem>> -> memref<1x128xf32, #tpu.memory_space<vmem>>
      %dma_start3A_104 = tpu.memref_squeeze %dma_start3A_103 : memref<1x128xf32, #tpu.memory_space<vmem>> -> memref<128xf32, #tpu.memory_space<vmem>>
      tpu.enqueue_dma source(%dma_start3A_104 : memref<128xf32, #tpu.memory_space<vmem>>) target(%dma_start3A_101 : memref<128xf32, #tpu.memory_space<vmem_shared>>) target_semaphore(%run_scoped3A_97 : memref<!tpu.dma_semaphore, #tpu.memory_space<semaphore_mem>>)
      %dma_wait3A = arith.constant 0 : i32
      %dma_wait3A_105 = tpu.memref_slice %arg9[%run_scoped3A_72, %dma_wait3A] : memref<128x128xf32, #tpu.memory_space<vmem>> -> memref<1x128xf32, #tpu.memory_space<vmem>>
      %dma_wait3A_106 = tpu.memref_squeeze %dma_wait3A_105 : memref<1x128xf32, #tpu.memory_space<vmem>> -> memref<128xf32, #tpu.memory_space<vmem>>
      %dma_wait3A_107 = tpu.memref_slice %arg12[%add3A_71] : memref<10240xf32, #tpu.memory_space<vmem_shared>> -> memref<128xf32, #tpu.memory_space<vmem_shared>>
      %dma_wait3A_108 = tpu.memref_slice %arg12[%add3A_71] : memref<10240xf32, #tpu.memory_space<vmem_shared>> -> memref<128xf32, #tpu.memory_space<vmem_shared>>
      %dma_wait3A_109 = arith.constant 0 : i32
      %dma_wait3A_110 = tpu.memref_slice %arg9[%run_scoped3A_72, %dma_wait3A_109] : memref<128x128xf32, #tpu.memory_space<vmem>> -> memref<1x128xf32, #tpu.memory_space<vmem>>
      %dma_wait3A_111 = tpu.memref_squeeze %dma_wait3A_110 : memref<1x128xf32, #tpu.memory_space<vmem>> -> memref<128xf32, #tpu.memory_space<vmem>>
      tpu.wait_dma2 semaphore(%run_scoped3A_97 : memref<!tpu.dma_semaphore, #tpu.memory_space<semaphore_mem>>) src(%dma_wait3A_111 : memref<128xf32, #tpu.memory_space<vmem>>) dst(%dma_wait3A_108 : memref<128xf32, #tpu.memory_space<vmem_shared>>)
      tpu.yield
    }) : () -> ()
    %mul3A_73 = arith.constant 640 : i32
    %mul3A_74 = arith.muli %arg1, %mul3A_73 : i32
    %add3A_75 = arith.constant 384 : i32
    %add3A_76 = arith.addi %mul3A_74, %add3A_75 : i32
    %run_scoped3A_77 = arith.constant 0 : i32
    "tpu.region"() ({
      %run_scoped3A_97 = tpu.sem_alloc : memref<!tpu.dma_semaphore, #tpu.memory_space<semaphore_mem>>
      %dma_start3A = arith.constant 0 : i32
      %dma_start3A_98 = tpu.memref_slice %arg9[%run_scoped3A_77, %dma_start3A] : memref<128x128xf32, #tpu.memory_space<vmem>> -> memref<1x128xf32, #tpu.memory_space<vmem>>
      %dma_start3A_99 = tpu.memref_squeeze %dma_start3A_98 : memref<1x128xf32, #tpu.memory_space<vmem>> -> memref<128xf32, #tpu.memory_space<vmem>>
      %dma_start3A_100 = tpu.memref_slice %arg12[%add3A_76] : memref<10240xf32, #tpu.memory_space<vmem_shared>> -> memref<128xf32, #tpu.memory_space<vmem_shared>>
      %dma_start3A_101 = tpu.memref_slice %arg12[%add3A_76] : memref<10240xf32, #tpu.memory_space<vmem_shared>> -> memref<128xf32, #tpu.memory_space<vmem_shared>>
      %dma_start3A_102 = arith.constant 0 : i32
      %dma_start3A_103 = tpu.memref_slice %arg9[%run_scoped3A_77, %dma_start3A_102] : memref<128x128xf32, #tpu.memory_space<vmem>> -> memref<1x128xf32, #tpu.memory_space<vmem>>
      %dma_start3A_104 = tpu.memref_squeeze %dma_start3A_103 : memref<1x128xf32, #tpu.memory_space<vmem>> -> memref<128xf32, #tpu.memory_space<vmem>>
      tpu.enqueue_dma source(%dma_start3A_104 : memref<128xf32, #tpu.memory_space<vmem>>) target(%dma_start3A_101 : memref<128xf32, #tpu.memory_space<vmem_shared>>) target_semaphore(%run_scoped3A_97 : memref<!tpu.dma_semaphore, #tpu.memory_space<semaphore_mem>>)
      %dma_wait3A = arith.constant 0 : i32
      %dma_wait3A_105 = tpu.memref_slice %arg9[%run_scoped3A_77, %dma_wait3A] : memref<128x128xf32, #tpu.memory_space<vmem>> -> memref<1x128xf32, #tpu.memory_space<vmem>>
      %dma_wait3A_106 = tpu.memref_squeeze %dma_wait3A_105 : memref<1x128xf32, #tpu.memory_space<vmem>> -> memref<128xf32, #tpu.memory_space<vmem>>
      %dma_wait3A_107 = tpu.memref_slice %arg12[%add3A_76] : memref<10240xf32, #tpu.memory_space<vmem_shared>> -> memref<128xf32, #tpu.memory_space<vmem_shared>>
      %dma_wait3A_108 = tpu.memref_slice %arg12[%add3A_76] : memref<10240xf32, #tpu.memory_space<vmem_shared>> -> memref<128xf32, #tpu.memory_space<vmem_shared>>
      %dma_wait3A_109 = arith.constant 0 : i32
      %dma_wait3A_110 = tpu.memref_slice %arg9[%run_scoped3A_77, %dma_wait3A_109] : memref<128x128xf32, #tpu.memory_space<vmem>> -> memref<1x128xf32, #tpu.memory_space<vmem>>
      %dma_wait3A_111 = tpu.memref_squeeze %dma_wait3A_110 : memref<1x128xf32, #tpu.memory_space<vmem>> -> memref<128xf32, #tpu.memory_space<vmem>>
      tpu.wait_dma2 semaphore(%run_scoped3A_97 : memref<!tpu.dma_semaphore, #tpu.memory_space<semaphore_mem>>) src(%dma_wait3A_111 : memref<128xf32, #tpu.memory_space<vmem>>) dst(%dma_wait3A_108 : memref<128xf32, #tpu.memory_space<vmem_shared>>)
      tpu.yield
    }) : () -> ()
    %mul3A_78 = arith.constant 640 : i32
    %mul3A_79 = arith.muli %arg1, %mul3A_78 : i32
    %add3A_80 = arith.constant 512 : i32
    %add3A_81 = arith.addi %mul3A_79, %add3A_80 : i32
    %run_scoped3A_82 = arith.constant 0 : i32
    "tpu.region"() ({
      %run_scoped3A_97 = tpu.sem_alloc : memref<!tpu.dma_semaphore, #tpu.memory_space<semaphore_mem>>
      %dma_start3A = arith.constant 0 : i32
      %dma_start3A_98 = tpu.memref_slice %arg9[%run_scoped3A_82, %dma_start3A] : memref<128x128xf32, #tpu.memory_space<vmem>> -> memref<1x128xf32, #tpu.memory_space<vmem>>
      %dma_start3A_99 = tpu.memref_squeeze %dma_start3A_98 : memref<1x128xf32, #tpu.memory_space<vmem>> -> memref<128xf32, #tpu.memory_space<vmem>>
      %dma_start3A_100 = tpu.memref_slice %arg12[%add3A_81] : memref<10240xf32, #tpu.memory_space<vmem_shared>> -> memref<128xf32, #tpu.memory_space<vmem_shared>>
      %dma_start3A_101 = tpu.memref_slice %arg12[%add3A_81] : memref<10240xf32, #tpu.memory_space<vmem_shared>> -> memref<128xf32, #tpu.memory_space<vmem_shared>>
      %dma_start3A_102 = arith.constant 0 : i32
      %dma_start3A_103 = tpu.memref_slice %arg9[%run_scoped3A_82, %dma_start3A_102] : memref<128x128xf32, #tpu.memory_space<vmem>> -> memref<1x128xf32, #tpu.memory_space<vmem>>
      %dma_start3A_104 = tpu.memref_squeeze %dma_start3A_103 : memref<1x128xf32, #tpu.memory_space<vmem>> -> memref<128xf32, #tpu.memory_space<vmem>>
      tpu.enqueue_dma source(%dma_start3A_104 : memref<128xf32, #tpu.memory_space<vmem>>) target(%dma_start3A_101 : memref<128xf32, #tpu.memory_space<vmem_shared>>) target_semaphore(%run_scoped3A_97 : memref<!tpu.dma_semaphore, #tpu.memory_space<semaphore_mem>>)
      %dma_wait3A = arith.constant 0 : i32
      %dma_wait3A_105 = tpu.memref_slice %arg9[%run_scoped3A_82, %dma_wait3A] : memref<128x128xf32, #tpu.memory_space<vmem>> -> memref<1x128xf32, #tpu.memory_space<vmem>>
      %dma_wait3A_106 = tpu.memref_squeeze %dma_wait3A_105 : memref<1x128xf32, #tpu.memory_space<vmem>> -> memref<128xf32, #tpu.memory_space<vmem>>
      %dma_wait3A_107 = tpu.memref_slice %arg12[%add3A_81] : memref<10240xf32, #tpu.memory_space<vmem_shared>> -> memref<128xf32, #tpu.memory_space<vmem_shared>>
      %dma_wait3A_108 = tpu.memref_slice %arg12[%add3A_81] : memref<10240xf32, #tpu.memory_space<vmem_shared>> -> memref<128xf32, #tpu.memory_space<vmem_shared>>
      %dma_wait3A_109 = arith.constant 0 : i32
      %dma_wait3A_110 = tpu.memref_slice %arg9[%run_scoped3A_82, %dma_wait3A_109] : memref<128x128xf32, #tpu.memory_space<vmem>> -> memref<1x128xf32, #tpu.memory_space<vmem>>
      %dma_wait3A_111 = tpu.memref_squeeze %dma_wait3A_110 : memref<1x128xf32, #tpu.memory_space<vmem>> -> memref<128xf32, #tpu.memory_space<vmem>>
      tpu.wait_dma2 semaphore(%run_scoped3A_97 : memref<!tpu.dma_semaphore, #tpu.memory_space<semaphore_mem>>) src(%dma_wait3A_111 : memref<128xf32, #tpu.memory_space<vmem>>) dst(%dma_wait3A_108 : memref<128xf32, #tpu.memory_space<vmem_shared>>)
      tpu.yield
    }) : () -> ()
    %barrier3A = arith.constant 0 : index
    tpu.barrier barrier_id(%barrier3A)
    "tpu.region"() ({
      %run_scoped3A_97 = tpu.sem_alloc : memref<!tpu.dma_semaphore, #tpu.memory_space<semaphore_mem>>
      %dma_start3A = arith.constant 0 : i32
      %dma_start3A_98 = arith.constant 0 : i32
      %dma_start3A_99 = tpu.memref_slice %arg3[%add3A, %dma_start3A, %dma_start3A_98] : memref<32x79x128xi32, #tpu.memory_space<hbm>> -> memref<1x79x128xi32, #tpu.memory_space<hbm>>
      %dma_start3A_100 = tpu.memref_squeeze %dma_start3A_99 : memref<1x79x128xi32, #tpu.memory_space<hbm>> -> memref<79x128xi32, #tpu.memory_space<hbm>>
      %dma_start3A_101 = arith.constant 0 : i32
      %dma_start3A_102 = arith.constant 0 : i32
      %dma_start3A_103 = tpu.memref_slice %arg3[%add3A, %dma_start3A_101, %dma_start3A_102] : memref<32x79x128xi32, #tpu.memory_space<hbm>> -> memref<1x79x128xi32, #tpu.memory_space<hbm>>
      %dma_start3A_104 = tpu.memref_squeeze %dma_start3A_103 : memref<1x79x128xi32, #tpu.memory_space<hbm>> -> memref<79x128xi32, #tpu.memory_space<hbm>>
      tpu.enqueue_dma source(%dma_start3A_104 : memref<79x128xi32, #tpu.memory_space<hbm>>) target(%arg7 : memref<79x128xi32, #tpu.memory_space<vmem>>) target_semaphore(%run_scoped3A_97 : memref<!tpu.dma_semaphore, #tpu.memory_space<semaphore_mem>>)
      %dma_wait3A = arith.constant 0 : i32
      %dma_wait3A_105 = arith.constant 0 : i32
      %dma_wait3A_106 = tpu.memref_slice %arg3[%add3A, %dma_wait3A, %dma_wait3A_105] : memref<32x79x128xi32, #tpu.memory_space<hbm>> -> memref<1x79x128xi32, #tpu.memory_space<hbm>>
      %dma_wait3A_107 = tpu.memref_squeeze %dma_wait3A_106 : memref<1x79x128xi32, #tpu.memory_space<hbm>> -> memref<79x128xi32, #tpu.memory_space<hbm>>
      %dma_wait3A_108 = arith.constant 0 : i32
      %dma_wait3A_109 = arith.constant 0 : i32
      %dma_wait3A_110 = tpu.memref_slice %arg3[%add3A, %dma_wait3A_108, %dma_wait3A_109] : memref<32x79x128xi32, #tpu.memory_space<hbm>> -> memref<1x79x128xi32, #tpu.memory_space<hbm>>
      %dma_wait3A_111 = tpu.memref_squeeze %dma_wait3A_110 : memref<1x79x128xi32, #tpu.memory_space<hbm>> -> memref<79x128xi32, #tpu.memory_space<hbm>>
      tpu.wait_dma2 semaphore(%run_scoped3A_97 : memref<!tpu.dma_semaphore, #tpu.memory_space<semaphore_mem>>) src(%dma_wait3A_111 : memref<79x128xi32, #tpu.memory_space<hbm>>) dst(%arg7 : memref<79x128xi32, #tpu.memory_space<vmem>>)
      tpu.yield
    }) : () -> ()
    "tpu.region"() ({
      %run_scoped3A_97 = tpu.sem_alloc : memref<!tpu.dma_semaphore, #tpu.memory_space<semaphore_mem>>
      %dma_start3A = arith.constant 0 : i32
      %dma_start3A_98 = arith.constant 0 : i32
      %dma_start3A_99 = tpu.memref_slice %arg4[%add3A, %dma_start3A, %dma_start3A_98] : memref<32x79x128xi32, #tpu.memory_space<hbm>> -> memref<1x79x128xi32, #tpu.memory_space<hbm>>
      %dma_start3A_100 = tpu.memref_squeeze %dma_start3A_99 : memref<1x79x128xi32, #tpu.memory_space<hbm>> -> memref<79x128xi32, #tpu.memory_space<hbm>>
      %dma_start3A_101 = arith.constant 0 : i32
      %dma_start3A_102 = arith.constant 0 : i32
      %dma_start3A_103 = tpu.memref_slice %arg4[%add3A, %dma_start3A_101, %dma_start3A_102] : memref<32x79x128xi32, #tpu.memory_space<hbm>> -> memref<1x79x128xi32, #tpu.memory_space<hbm>>
      %dma_start3A_104 = tpu.memref_squeeze %dma_start3A_103 : memref<1x79x128xi32, #tpu.memory_space<hbm>> -> memref<79x128xi32, #tpu.memory_space<hbm>>
      tpu.enqueue_dma source(%dma_start3A_104 : memref<79x128xi32, #tpu.memory_space<hbm>>) target(%arg8 : memref<79x128xi32, #tpu.memory_space<vmem>>) target_semaphore(%run_scoped3A_97 : memref<!tpu.dma_semaphore, #tpu.memory_space<semaphore_mem>>)
      %dma_wait3A = arith.constant 0 : i32
      %dma_wait3A_105 = arith.constant 0 : i32
      %dma_wait3A_106 = tpu.memref_slice %arg4[%add3A, %dma_wait3A, %dma_wait3A_105] : memref<32x79x128xi32, #tpu.memory_space<hbm>> -> memref<1x79x128xi32, #tpu.memory_space<hbm>>
      %dma_wait3A_107 = tpu.memref_squeeze %dma_wait3A_106 : memref<1x79x128xi32, #tpu.memory_space<hbm>> -> memref<79x128xi32, #tpu.memory_space<hbm>>
      %dma_wait3A_108 = arith.constant 0 : i32
      %dma_wait3A_109 = arith.constant 0 : i32
      %dma_wait3A_110 = tpu.memref_slice %arg4[%add3A, %dma_wait3A_108, %dma_wait3A_109] : memref<32x79x128xi32, #tpu.memory_space<hbm>> -> memref<1x79x128xi32, #tpu.memory_space<hbm>>
      %dma_wait3A_111 = tpu.memref_squeeze %dma_wait3A_110 : memref<1x79x128xi32, #tpu.memory_space<hbm>> -> memref<79x128xi32, #tpu.memory_space<hbm>>
      tpu.wait_dma2 semaphore(%run_scoped3A_97 : memref<!tpu.dma_semaphore, #tpu.memory_space<semaphore_mem>>) src(%dma_wait3A_111 : memref<79x128xi32, #tpu.memory_space<hbm>>) dst(%arg8 : memref<79x128xi32, #tpu.memory_space<vmem>>)
      tpu.yield
    }) : () -> ()
    %scan3A_83 = arith.constant 0 : i32
    %scan3A_84 = arith.constant 79 : i32
    %scan3A_85 = arith.addi %scan3A_83, %scan3A_84 : i32
    %scan3A_86 = arith.constant 1 : i32
    scf.for %scan3A_97 = %scan3A_83 to %scan3A_85 step %scan3A_86  : i32 {
      %mul3A_98 = arith.constant 1 : i32
      %mul3A_99 = arith.muli %scan3A_97, %mul3A_98 : i32
      %add3A_100 = arith.constant 0 : i32
      %add3A_101 = arith.addi %add3A_100, %mul3A_99 : i32
      %dma_start3A = arith.constant 0 : i32
      %dma_start3A_102 = tpu.memref_slice %arg7[%add3A_101, %dma_start3A] : memref<79x128xi32, #tpu.memory_space<vmem>> -> memref<1x128xi32, #tpu.memory_space<vmem>>
      %dma_start3A_103 = tpu.memref_squeeze %dma_start3A_102 : memref<1x128xi32, #tpu.memory_space<vmem>> -> memref<128xi32, #tpu.memory_space<vmem>>
      %dma_start3A_104 = arith.constant 0 : i32
      %dma_start3A_105 = arith.constant 0 : i32
      %dma_start3A_106 = tpu.memref_slice %arg2[%dma_start3A_104, %dma_start3A_105] : memref<10000x128xf32, #tpu.memory_space<hbm>> -> memref<10000x128xf32, #tpu.memory_space<hbm>>
      tpu.enqueue_indirect_dma source(%dma_start3A_106 : memref<10000x128xf32, #tpu.memory_space<hbm>>) target(%arg9 : memref<128x128xf32, #tpu.memory_space<vmem>>) offsets(%dma_start3A_103 : memref<128xi32, #tpu.memory_space<vmem>>) semaphore(%arg13 : memref<!tpu.dma_semaphore, #tpu.memory_space<semaphore_mem>>)
      %dma_wait3A = arith.constant 0 : i32
      %dma_wait3A_107 = tpu.memref_slice %arg7[%add3A_101, %dma_wait3A] : memref<79x128xi32, #tpu.memory_space<vmem>> -> memref<1x128xi32, #tpu.memory_space<vmem>>
      %dma_wait3A_108 = tpu.memref_squeeze %dma_wait3A_107 : memref<1x128xi32, #tpu.memory_space<vmem>> -> memref<128xi32, #tpu.memory_space<vmem>>
      %dma_wait3A_109 = arith.constant 0 : i32
      %dma_wait3A_110 = arith.constant 0 : i32
      %dma_wait3A_111 = tpu.memref_slice %arg2[%dma_wait3A_109, %dma_wait3A_110] : memref<10000x128xf32, #tpu.memory_space<hbm>> -> memref<10000x128xf32, #tpu.memory_space<hbm>>
      tpu.wait_indirect_dma semaphore(%arg13 : memref<!tpu.dma_semaphore, #tpu.memory_space<semaphore_mem>>) src(%dma_wait3A_111 : memref<10000x128xf32, #tpu.memory_space<hbm>>) dst(%arg9 : memref<128x128xf32, #tpu.memory_space<vmem>>)
      "tpu.region"() ({
        %run_scoped3A_112 = tpu.sem_alloc : memref<!tpu.dma_semaphore, #tpu.memory_space<semaphore_mem>>
        %dma_start3A_113 = arith.constant 0 : i32
        %dma_start3A_114 = tpu.memref_slice %arg8[%add3A_101, %dma_start3A_113] : memref<79x128xi32, #tpu.memory_space<vmem>> -> memref<1x128xi32, #tpu.memory_space<vmem>>
        %dma_start3A_115 = tpu.memref_squeeze %dma_start3A_114 : memref<1x128xi32, #tpu.memory_space<vmem>> -> memref<128xi32, #tpu.memory_space<vmem>>
        %dma_start3A_116 = arith.constant 0 : i32
        %dma_start3A_117 = arith.constant 0 : i32
        %dma_start3A_118 = tpu.memref_slice %arg11[%dma_start3A_116, %dma_start3A_117] : memref<10240x128xf32, #tpu.memory_space<vmem_shared>> -> memref<10240x128xf32, #tpu.memory_space<vmem_shared>>
        tpu.enqueue_indirect_dma source(%arg9 : memref<128x128xf32, #tpu.memory_space<vmem>>) target(%dma_start3A_118 : memref<10240x128xf32, #tpu.memory_space<vmem_shared>>) offsets(%dma_start3A_115 : memref<128xi32, #tpu.memory_space<vmem>>) semaphore(%run_scoped3A_112 : memref<!tpu.dma_semaphore, #tpu.memory_space<semaphore_mem>>) {add = true}
        %dma_wait3A_119 = arith.constant 0 : i32
        %dma_wait3A_120 = tpu.memref_slice %arg8[%add3A_101, %dma_wait3A_119] : memref<79x128xi32, #tpu.memory_space<vmem>> -> memref<1x128xi32, #tpu.memory_space<vmem>>
        %dma_wait3A_121 = tpu.memref_squeeze %dma_wait3A_120 : memref<1x128xi32, #tpu.memory_space<vmem>> -> memref<128xi32, #tpu.memory_space<vmem>>
        %dma_wait3A_122 = arith.constant 0 : i32
        %dma_wait3A_123 = arith.constant 0 : i32
        %dma_wait3A_124 = tpu.memref_slice %arg11[%dma_wait3A_122, %dma_wait3A_123] : memref<10240x128xf32, #tpu.memory_space<vmem_shared>> -> memref<10240x128xf32, #tpu.memory_space<vmem_shared>>
        tpu.wait_indirect_dma semaphore(%run_scoped3A_112 : memref<!tpu.dma_semaphore, #tpu.memory_space<semaphore_mem>>) src(%arg9 : memref<128x128xf32, #tpu.memory_space<vmem>>) dst(%dma_wait3A_124 : memref<10240x128xf32, #tpu.memory_space<vmem_shared>>)
        tpu.yield
      }) : () -> ()
      "tpu.region"() ({
        %run_scoped3A_112 = tpu.sem_alloc : memref<!tpu.dma_semaphore, #tpu.memory_space<semaphore_mem>>
        %dma_start3A_113 = arith.constant 0 : i32
        %dma_start3A_114 = tpu.memref_slice %arg8[%add3A_101, %dma_start3A_113] : memref<79x128xi32, #tpu.memory_space<vmem>> -> memref<1x128xi32, #tpu.memory_space<vmem>>
        %dma_start3A_115 = tpu.memref_squeeze %dma_start3A_114 : memref<1x128xi32, #tpu.memory_space<vmem>> -> memref<128xi32, #tpu.memory_space<vmem>>
        %dma_start3A_116 = arith.constant 0 : i32
        %dma_start3A_117 = tpu.memref_slice %arg12[%dma_start3A_116] : memref<10240xf32, #tpu.memory_space<vmem_shared>> -> memref<10240xf32, #tpu.memory_space<vmem_shared>>
        tpu.enqueue_indirect_dma source(%arg10 : memref<128xf32, #tpu.memory_space<vmem>>) target(%dma_start3A_117 : memref<10240xf32, #tpu.memory_space<vmem_shared>>) offsets(%dma_start3A_115 : memref<128xi32, #tpu.memory_space<vmem>>) semaphore(%run_scoped3A_112 : memref<!tpu.dma_semaphore, #tpu.memory_space<semaphore_mem>>) {add = true}
        %dma_wait3A_118 = arith.constant 0 : i32
        %dma_wait3A_119 = tpu.memref_slice %arg8[%add3A_101, %dma_wait3A_118] : memref<79x128xi32, #tpu.memory_space<vmem>> -> memref<1x128xi32, #tpu.memory_space<vmem>>
        %dma_wait3A_120 = tpu.memref_squeeze %dma_wait3A_119 : memref<1x128xi32, #tpu.memory_space<vmem>> -> memref<128xi32, #tpu.memory_space<vmem>>
        %dma_wait3A_121 = arith.constant 0 : i32
        %dma_wait3A_122 = tpu.memref_slice %arg12[%dma_wait3A_121] : memref<10240xf32, #tpu.memory_space<vmem_shared>> -> memref<10240xf32, #tpu.memory_space<vmem_shared>>
        tpu.wait_indirect_dma semaphore(%run_scoped3A_112 : memref<!tpu.dma_semaphore, #tpu.memory_space<semaphore_mem>>) src(%arg10 : memref<128xf32, #tpu.memory_space<vmem>>) dst(%dma_wait3A_122 : memref<10240xf32, #tpu.memory_space<vmem_shared>>)
        tpu.yield
      }) : () -> ()
    }
    %scan3A_87 = arith.constant 79 : i32
    %barrier3A_88 = arith.constant 0 : index
    tpu.barrier barrier_id(%barrier3A_88)
    %mul3A_89 = arith.constant 640 : i32
    %mul3A_90 = arith.muli %arg1, %mul3A_89 : i32
    %mul3A_91 = arith.constant 640 : i32
    %mul3A_92 = arith.muli %arg1, %mul3A_91 : i32
    "tpu.region"() ({
      %run_scoped3A_97 = tpu.sem_alloc : memref<!tpu.dma_semaphore, #tpu.memory_space<semaphore_mem>>
      %dma_start3A = arith.constant 0 : i32
      %dma_start3A_98 = tpu.memref_slice %arg5[%arg0, %mul3A_92, %dma_start3A] : memref<2x10240x128xf32, #tpu.memory_space<hbm>> -> memref<1x640x128xf32, #tpu.memory_space<hbm>>
      %dma_start3A_99 = tpu.memref_squeeze %dma_start3A_98 : memref<1x640x128xf32, #tpu.memory_space<hbm>> -> memref<640x128xf32, #tpu.memory_space<hbm>>
      %dma_start3A_100 = arith.constant 0 : i32
      %dma_start3A_101 = tpu.memref_slice %arg11[%mul3A_90, %dma_start3A_100] : memref<10240x128xf32, #tpu.memory_space<vmem_shared>> -> memref<640x128xf32, #tpu.memory_space<vmem_shared>>
      tpu.enqueue_dma source(%dma_start3A_101 : memref<640x128xf32, #tpu.memory_space<vmem_shared>>) target(%dma_start3A_99 : memref<640x128xf32, #tpu.memory_space<hbm>>) target_semaphore(%run_scoped3A_97 : memref<!tpu.dma_semaphore, #tpu.memory_space<semaphore_mem>>)
      %dma_wait3A = arith.constant 0 : i32
      %dma_wait3A_102 = tpu.memref_slice %arg5[%arg0, %mul3A_92, %dma_wait3A] : memref<2x10240x128xf32, #tpu.memory_space<hbm>> -> memref<1x640x128xf32, #tpu.memory_space<hbm>>
      %dma_wait3A_103 = tpu.memref_squeeze %dma_wait3A_102 : memref<1x640x128xf32, #tpu.memory_space<hbm>> -> memref<640x128xf32, #tpu.memory_space<hbm>>
      %dma_wait3A_104 = arith.constant 0 : i32
      %dma_wait3A_105 = tpu.memref_slice %arg11[%mul3A_90, %dma_wait3A_104] : memref<10240x128xf32, #tpu.memory_space<vmem_shared>> -> memref<640x128xf32, #tpu.memory_space<vmem_shared>>
      tpu.wait_dma2 semaphore(%run_scoped3A_97 : memref<!tpu.dma_semaphore, #tpu.memory_space<semaphore_mem>>) src(%dma_wait3A_105 : memref<640x128xf32, #tpu.memory_space<vmem_shared>>) dst(%dma_wait3A_103 : memref<640x128xf32, #tpu.memory_space<hbm>>)
      tpu.yield
    }) : () -> ()
    %mul3A_93 = arith.constant 640 : i32
    %mul3A_94 = arith.muli %arg1, %mul3A_93 : i32
    %mul3A_95 = arith.constant 640 : i32
    %mul3A_96 = arith.muli %arg1, %mul3A_95 : i32
    "tpu.region"() ({
      %run_scoped3A_97 = tpu.sem_alloc : memref<!tpu.dma_semaphore, #tpu.memory_space<semaphore_mem>>
      %dma_start3A = tpu.memref_slice %arg6[%arg0, %mul3A_96] : memref<2x10240xf32, #tpu.memory_space<hbm>> -> memref<1x640xf32, #tpu.memory_space<hbm>>
      %dma_start3A_98 = tpu.memref_squeeze %dma_start3A : memref<1x640xf32, #tpu.memory_space<hbm>> -> memref<640xf32, #tpu.memory_space<hbm>>
      %dma_start3A_99 = tpu.memref_slice %arg12[%mul3A_94] : memref<10240xf32, #tpu.memory_space<vmem_shared>> -> memref<640xf32, #tpu.memory_space<vmem_shared>>
      tpu.enqueue_dma source(%dma_start3A_99 : memref<640xf32, #tpu.memory_space<vmem_shared>>) target(%dma_start3A_98 : memref<640xf32, #tpu.memory_space<hbm>>) target_semaphore(%run_scoped3A_97 : memref<!tpu.dma_semaphore, #tpu.memory_space<semaphore_mem>>)
      %dma_wait3A = tpu.memref_slice %arg6[%arg0, %mul3A_96] : memref<2x10240xf32, #tpu.memory_space<hbm>> -> memref<1x640xf32, #tpu.memory_space<hbm>>
      %dma_wait3A_100 = tpu.memref_squeeze %dma_wait3A : memref<1x640xf32, #tpu.memory_space<hbm>> -> memref<640xf32, #tpu.memory_space<hbm>>
      %dma_wait3A_101 = tpu.memref_slice %arg12[%mul3A_94] : memref<10240xf32, #tpu.memory_space<vmem_shared>> -> memref<640xf32, #tpu.memory_space<vmem_shared>>
      tpu.wait_dma2 semaphore(%run_scoped3A_97 : memref<!tpu.dma_semaphore, #tpu.memory_space<semaphore_mem>>) src(%dma_wait3A_101 : memref<640xf32, #tpu.memory_space<vmem_shared>>) dst(%dma_wait3A_100 : memref<640xf32, #tpu.memory_space<hbm>>)
      tpu.yield
    }) : () -> ()
    return
  }
}

#map = affine_map<(d0, d1) -> (0, 0)>
#map1 = affine_map<(d0, d1) -> (0, 0, 0)>
module attributes {stable_mosaic.version = 14 : i64} {
  func.func @k(%arg0: i32, %arg1: i32, %arg2: memref<10000x128xf32, #tpu.memory_space<hbm>>, %arg3: memref<32x79x128xi32, #tpu.memory_space<hbm>>, %arg4: memref<32x79x128xi32, #tpu.memory_space<hbm>>, %arg5: memref<2x10240x128xf32, #tpu.memory_space<hbm>>, %arg6: memref<2x10240xf32, #tpu.memory_space<hbm>>, %arg7: memref<79x128xi32, #tpu.memory_space<vmem>>, %arg8: memref<79x128xi32, #tpu.memory_space<vmem>>, %arg9: memref<128x128xf32, #tpu.memory_space<vmem>>, %arg10: memref<128xf32, #tpu.memory_space<vmem>>, %arg11: memref<10240x128xf32, #tpu.memory_space<vmem_shared>>, %arg12: memref<10240xf32, #tpu.memory_space<vmem_shared>>, %arg13: memref<!tpu.dma_semaphore, #tpu.memory_space<semaphore_mem>>) attributes {dimension_semantics = [#tpu.dimension_semantics<core_parallel>, #tpu.dimension_semantics<subcore_parallel>], iteration_bounds = array<i64: 2, 16>, scalar_prefetch = 0 : i64, scratch_operands = 7 : i64, tpu.core_type = #tpu.core_type<sc_vector_subcore>, window_params = [{transform_indices = #map}, {transform_indices = #map1}, {transform_indices = #map1}, {transform_indices = #map1}, {transform_indices = #map}]} {
    %mul3A = arith.constant 2 : i32
    %mul3A_0 = arith.muli %arg1, %mul3A : i32
    %add3A = arith.addi %mul3A_0, %arg0 : i32
    %broadcast_in_dim3A = arith.constant 0.000000e+00 : f32
    %broadcast_in_dim3A_1 = vector.broadcast %broadcast_in_dim3A : f32 to vector<16xf32>
    %broadcast_in_dim3A_2 = arith.constant 1.000000e+00 : f32
    %broadcast_in_dim3A_3 = vector.broadcast %broadcast_in_dim3A_2 : f32 to vector<16xf32>
    %scan3A = arith.constant 0 : i32
    %scan3A_4 = arith.constant 128 : i32
    %scan3A_5 = arith.addi %scan3A, %scan3A_4 : i32
    %scan3A_6 = arith.constant 1 : i32
    scf.for %scan3A_38 = %scan3A to %scan3A_5 step %scan3A_6  : i32 {
      %mul3A_39 = arith.constant 1 : i32
      %mul3A_40 = arith.muli %scan3A_38, %mul3A_39 : i32
      %add3A_41 = arith.constant 0 : i32
      %add3A_42 = arith.addi %add3A_41, %mul3A_40 : i32
      %swap3A = arith.index_cast %add3A_42 : i32 to index
      %swap3A_43 = arith.constant 0 : index
      %swap3A_44 = tpu.vector_load %arg9[%swap3A, %swap3A_43] {strides = array<i32>} : memref<128x128xf32, #tpu.memory_space<vmem>>, vector<1x16xf32>,
      %swap3A_45 = vector.shape_cast %swap3A_44 : vector<1x16xf32> to vector<16xf32>
      %swap3A_46 = vector.shape_cast %broadcast_in_dim3A_1 : vector<16xf32> to vector<1x16xf32>
      tpu.vector_store %arg9[%swap3A, %swap3A_43], %swap3A_46 {strides = array<i32>} : memref<128x128xf32, #tpu.memory_space<vmem>>, vector<1x16xf32>,
      %swap3A_47 = arith.index_cast %add3A_42 : i32 to index
      %swap3A_48 = arith.constant 16 : index
      %swap3A_49 = tpu.vector_load %arg9[%swap3A_47, %swap3A_48] {strides = array<i32>} : memref<128x128xf32, #tpu.memory_space<vmem>>, vector<1x16xf32>,
      %swap3A_50 = vector.shape_cast %swap3A_49 : vector<1x16xf32> to vector<16xf32>
      %swap3A_51 = vector.shape_cast %broadcast_in_dim3A_1 : vector<16xf32> to vector<1x16xf32>
      tpu.vector_store %arg9[%swap3A_47, %swap3A_48], %swap3A_51 {strides = array<i32>} : memref<128x128xf32, #tpu.memory_space<vmem>>, vector<1x16xf32>,
      %swap3A_52 = arith.index_cast %add3A_42 : i32 to index
      %swap3A_53 = arith.constant 32 : index
      %swap3A_54 = tpu.vector_load %arg9[%swap3A_52, %swap3A_53] {strides = array<i32>} : memref<128x128xf32, #tpu.memory_space<vmem>>, vector<1x16xf32>,
      %swap3A_55 = vector.shape_cast %swap3A_54 : vector<1x16xf32> to vector<16xf32>
      %swap3A_56 = vector.shape_cast %broadcast_in_dim3A_1 : vector<16xf32> to vector<1x16xf32>
      tpu.vector_store %arg9[%swap3A_52, %swap3A_53], %swap3A_56 {strides = array<i32>} : memref<128x128xf32, #tpu.memory_space<vmem>>, vector<1x16xf32>,
      %swap3A_57 = arith.index_cast %add3A_42 : i32 to index
      %swap3A_58 = arith.constant 48 : index
      %swap3A_59 = tpu.vector_load %arg9[%swap3A_57, %swap3A_58] {strides = array<i32>} : memref<128x128xf32, #tpu.memory_space<vmem>>, vector<1x16xf32>,
      %swap3A_60 = vector.shape_cast %swap3A_59 : vector<1x16xf32> to vector<16xf32>
      %swap3A_61 = vector.shape_cast %broadcast_in_dim3A_1 : vector<16xf32> to vector<1x16xf32>
      tpu.vector_store %arg9[%swap3A_57, %swap3A_58], %swap3A_61 {strides = array<i32>} : memref<128x128xf32, #tpu.memory_space<vmem>>, vector<1x16xf32>,
      %swap3A_62 = arith.index_cast %add3A_42 : i32 to index
      %swap3A_63 = arith.constant 64 : index
      %swap3A_64 = tpu.vector_load %arg9[%swap3A_62, %swap3A_63] {strides = array<i32>} : memref<128x128xf32, #tpu.memory_space<vmem>>, vector<1x16xf32>,
      %swap3A_65 = vector.shape_cast %swap3A_64 : vector<1x16xf32> to vector<16xf32>
      %swap3A_66 = vector.shape_cast %broadcast_in_dim3A_1 : vector<16xf32> to vector<1x16xf32>
      tpu.vector_store %arg9[%swap3A_62, %swap3A_63], %swap3A_66 {strides = array<i32>} : memref<128x128xf32, #tpu.memory_space<vmem>>, vector<1x16xf32>,
      %swap3A_67 = arith.index_cast %add3A_42 : i32 to index
      %swap3A_68 = arith.constant 80 : index
      %swap3A_69 = tpu.vector_load %arg9[%swap3A_67, %swap3A_68] {strides = array<i32>} : memref<128x128xf32, #tpu.memory_space<vmem>>, vector<1x16xf32>,
      %swap3A_70 = vector.shape_cast %swap3A_69 : vector<1x16xf32> to vector<16xf32>
      %swap3A_71 = vector.shape_cast %broadcast_in_dim3A_1 : vector<16xf32> to vector<1x16xf32>
      tpu.vector_store %arg9[%swap3A_67, %swap3A_68], %swap3A_71 {strides = array<i32>} : memref<128x128xf32, #tpu.memory_space<vmem>>, vector<1x16xf32>,
      %swap3A_72 = arith.index_cast %add3A_42 : i32 to index
      %swap3A_73 = arith.constant 96 : index
      %swap3A_74 = tpu.vector_load %arg9[%swap3A_72, %swap3A_73] {strides = array<i32>} : memref<128x128xf32, #tpu.memory_space<vmem>>, vector<1x16xf32>,
      %swap3A_75 = vector.shape_cast %swap3A_74 : vector<1x16xf32> to vector<16xf32>
      %swap3A_76 = vector.shape_cast %broadcast_in_dim3A_1 : vector<16xf32> to vector<1x16xf32>
      tpu.vector_store %arg9[%swap3A_72, %swap3A_73], %swap3A_76 {strides = array<i32>} : memref<128x128xf32, #tpu.memory_space<vmem>>, vector<1x16xf32>,
      %swap3A_77 = arith.index_cast %add3A_42 : i32 to index
      %swap3A_78 = arith.constant 112 : index
      %swap3A_79 = tpu.vector_load %arg9[%swap3A_77, %swap3A_78] {strides = array<i32>} : memref<128x128xf32, #tpu.memory_space<vmem>>, vector<1x16xf32>,
      %swap3A_80 = vector.shape_cast %swap3A_79 : vector<1x16xf32> to vector<16xf32>
      %swap3A_81 = vector.shape_cast %broadcast_in_dim3A_1 : vector<16xf32> to vector<1x16xf32>
      tpu.vector_store %arg9[%swap3A_77, %swap3A_78], %swap3A_81 {strides = array<i32>} : memref<128x128xf32, #tpu.memory_space<vmem>>, vector<1x16xf32>,
    }
    %scan3A_7 = arith.constant 128 : i32
    %mul3A_8 = arith.constant 640 : i32
    %mul3A_9 = arith.muli %arg1, %mul3A_8 : i32
    %add3A_10 = arith.constant 0 : i32
    %add3A_11 = arith.addi %mul3A_9, %add3A_10 : i32
    "tpu.region"() ({
      %run_scoped3A = tpu.sem_alloc : memref<!tpu.dma_semaphore, #tpu.memory_space<semaphore_mem>>
      %dma_start3A = arith.constant 0 : i32
      %dma_start3A_38 = tpu.memref_slice %arg11[%add3A_11, %dma_start3A] : memref<10240x128xf32, #tpu.memory_space<vmem_shared>> -> memref<128x128xf32, #tpu.memory_space<vmem_shared>>
      %dma_start3A_39 = arith.constant 0 : i32
      %dma_start3A_40 = tpu.memref_slice %arg11[%add3A_11, %dma_start3A_39] : memref<10240x128xf32, #tpu.memory_space<vmem_shared>> -> memref<128x128xf32, #tpu.memory_space<vmem_shared>>
      tpu.enqueue_dma source(%arg9 : memref<128x128xf32, #tpu.memory_space<vmem>>) target(%dma_start3A_40 : memref<128x128xf32, #tpu.memory_space<vmem_shared>>) target_semaphore(%run_scoped3A : memref<!tpu.dma_semaphore, #tpu.memory_space<semaphore_mem>>)
      %dma_wait3A = arith.constant 0 : i32
      %dma_wait3A_41 = tpu.memref_slice %arg11[%add3A_11, %dma_wait3A] : memref<10240x128xf32, #tpu.memory_space<vmem_shared>> -> memref<128x128xf32, #tpu.memory_space<vmem_shared>>
      %dma_wait3A_42 = arith.constant 0 : i32
      %dma_wait3A_43 = tpu.memref_slice %arg11[%add3A_11, %dma_wait3A_42] : memref<10240x128xf32, #tpu.memory_space<vmem_shared>> -> memref<128x128xf32, #tpu.memory_space<vmem_shared>>
      tpu.wait_dma2 semaphore(%run_scoped3A : memref<!tpu.dma_semaphore, #tpu.memory_space<semaphore_mem>>) src(%arg9 : memref<128x128xf32, #tpu.memory_space<vmem>>) dst(%dma_wait3A_43 : memref<128x128xf32, #tpu.memory_space<vmem_shared>>)
      tpu.yield
    }) : () -> ()
    %mul3A_12 = arith.constant 640 : i32
    %mul3A_13 = arith.muli %arg1, %mul3A_12 : i32
    %add3A_14 = arith.constant 128 : i32
    %add3A_15 = arith.addi %mul3A_13, %add3A_14 : i32
    "tpu.region"() ({
      %run_scoped3A = tpu.sem_alloc : memref<!tpu.dma_semaphore, #tpu.memory_space<semaphore_mem>>
      %dma_start3A = arith.constant 0 : i32
      %dma_start3A_38 = tpu.memref_slice %arg11[%add3A_15, %dma_start3A] : memref<10240x128xf32, #tpu.memory_space<vmem_shared>> -> memref<128x128xf32, #tpu.memory_space<vmem_shared>>
      %dma_start3A_39 = arith.constant 0 : i32
      %dma_start3A_40 = tpu.memref_slice %arg11[%add3A_15, %dma_start3A_39] : memref<10240x128xf32, #tpu.memory_space<vmem_shared>> -> memref<128x128xf32, #tpu.memory_space<vmem_shared>>
      tpu.enqueue_dma source(%arg9 : memref<128x128xf32, #tpu.memory_space<vmem>>) target(%dma_start3A_40 : memref<128x128xf32, #tpu.memory_space<vmem_shared>>) target_semaphore(%run_scoped3A : memref<!tpu.dma_semaphore, #tpu.memory_space<semaphore_mem>>)
      %dma_wait3A = arith.constant 0 : i32
      %dma_wait3A_41 = tpu.memref_slice %arg11[%add3A_15, %dma_wait3A] : memref<10240x128xf32, #tpu.memory_space<vmem_shared>> -> memref<128x128xf32, #tpu.memory_space<vmem_shared>>
      %dma_wait3A_42 = arith.constant 0 : i32
      %dma_wait3A_43 = tpu.memref_slice %arg11[%add3A_15, %dma_wait3A_42] : memref<10240x128xf32, #tpu.memory_space<vmem_shared>> -> memref<128x128xf32, #tpu.memory_space<vmem_shared>>
      tpu.wait_dma2 semaphore(%run_scoped3A : memref<!tpu.dma_semaphore, #tpu.memory_space<semaphore_mem>>) src(%arg9 : memref<128x128xf32, #tpu.memory_space<vmem>>) dst(%dma_wait3A_43 : memref<128x128xf32, #tpu.memory_space<vmem_shared>>)
      tpu.yield
    }) : () -> ()
    %mul3A_16 = arith.constant 640 : i32
    %mul3A_17 = arith.muli %arg1, %mul3A_16 : i32
    %add3A_18 = arith.constant 256 : i32
    %add3A_19 = arith.addi %mul3A_17, %add3A_18 : i32
    "tpu.region"() ({
      %run_scoped3A = tpu.sem_alloc : memref<!tpu.dma_semaphore, #tpu.memory_space<semaphore_mem>>
      %dma_start3A = arith.constant 0 : i32
      %dma_start3A_38 = tpu.memref_slice %arg11[%add3A_19, %dma_start3A] : memref<10240x128xf32, #tpu.memory_space<vmem_shared>> -> memref<128x128xf32, #tpu.memory_space<vmem_shared>>
      %dma_start3A_39 = arith.constant 0 : i32
      %dma_start3A_40 = tpu.memref_slice %arg11[%add3A_19, %dma_start3A_39] : memref<10240x128xf32, #tpu.memory_space<vmem_shared>> -> memref<128x128xf32, #tpu.memory_space<vmem_shared>>
      tpu.enqueue_dma source(%arg9 : memref<128x128xf32, #tpu.memory_space<vmem>>) target(%dma_start3A_40 : memref<128x128xf32, #tpu.memory_space<vmem_shared>>) target_semaphore(%run_scoped3A : memref<!tpu.dma_semaphore, #tpu.memory_space<semaphore_mem>>)
      %dma_wait3A = arith.constant 0 : i32
      %dma_wait3A_41 = tpu.memref_slice %arg11[%add3A_19, %dma_wait3A] : memref<10240x128xf32, #tpu.memory_space<vmem_shared>> -> memref<128x128xf32, #tpu.memory_space<vmem_shared>>
      %dma_wait3A_42 = arith.constant 0 : i32
      %dma_wait3A_43 = tpu.memref_slice %arg11[%add3A_19, %dma_wait3A_42] : memref<10240x128xf32, #tpu.memory_space<vmem_shared>> -> memref<128x128xf32, #tpu.memory_space<vmem_shared>>
      tpu.wait_dma2 semaphore(%run_scoped3A : memref<!tpu.dma_semaphore, #tpu.memory_space<semaphore_mem>>) src(%arg9 : memref<128x128xf32, #tpu.memory_space<vmem>>) dst(%dma_wait3A_43 : memref<128x128xf32, #tpu.memory_space<vmem_shared>>)
      tpu.yield
    }) : () -> ()
    %mul3A_20 = arith.constant 640 : i32
    %mul3A_21 = arith.muli %arg1, %mul3A_20 : i32
    %add3A_22 = arith.constant 384 : i32
    %add3A_23 = arith.addi %mul3A_21, %add3A_22 : i32
    "tpu.region"() ({
      %run_scoped3A = tpu.sem_alloc : memref<!tpu.dma_semaphore, #tpu.memory_space<semaphore_mem>>
      %dma_start3A = arith.constant 0 : i32
      %dma_start3A_38 = tpu.memref_slice %arg11[%add3A_23, %dma_start3A] : memref<10240x128xf32, #tpu.memory_space<vmem_shared>> -> memref<128x128xf32, #tpu.memory_space<vmem_shared>>
      %dma_start3A_39 = arith.constant 0 : i32
      %dma_start3A_40 = tpu.memref_slice %arg11[%add3A_23, %dma_start3A_39] : memref<10240x128xf32, #tpu.memory_space<vmem_shared>> -> memref<128x128xf32, #tpu.memory_space<vmem_shared>>
      tpu.enqueue_dma source(%arg9 : memref<128x128xf32, #tpu.memory_space<vmem>>) target(%dma_start3A_40 : memref<128x128xf32, #tpu.memory_space<vmem_shared>>) target_semaphore(%run_scoped3A : memref<!tpu.dma_semaphore, #tpu.memory_space<semaphore_mem>>)
      %dma_wait3A = arith.constant 0 : i32
      %dma_wait3A_41 = tpu.memref_slice %arg11[%add3A_23, %dma_wait3A] : memref<10240x128xf32, #tpu.memory_space<vmem_shared>> -> memref<128x128xf32, #tpu.memory_space<vmem_shared>>
      %dma_wait3A_42 = arith.constant 0 : i32
      %dma_wait3A_43 = tpu.memref_slice %arg11[%add3A_23, %dma_wait3A_42] : memref<10240x128xf32, #tpu.memory_space<vmem_shared>> -> memref<128x128xf32, #tpu.memory_space<vmem_shared>>
      tpu.wait_dma2 semaphore(%run_scoped3A : memref<!tpu.dma_semaphore, #tpu.memory_space<semaphore_mem>>) src(%arg9 : memref<128x128xf32, #tpu.memory_space<vmem>>) dst(%dma_wait3A_43 : memref<128x128xf32, #tpu.memory_space<vmem_shared>>)
      tpu.yield
    }) : () -> ()
    %mul3A_24 = arith.constant 640 : i32
    %mul3A_25 = arith.muli %arg1, %mul3A_24 : i32
    %add3A_26 = arith.constant 512 : i32
    %add3A_27 = arith.addi %mul3A_25, %add3A_26 : i32
    "tpu.region"() ({
      %run_scoped3A = tpu.sem_alloc : memref<!tpu.dma_semaphore, #tpu.memory_space<semaphore_mem>>
      %dma_start3A = arith.constant 0 : i32
      %dma_start3A_38 = tpu.memref_slice %arg11[%add3A_27, %dma_start3A] : memref<10240x128xf32, #tpu.memory_space<vmem_shared>> -> memref<128x128xf32, #tpu.memory_space<vmem_shared>>
      %dma_start3A_39 = arith.constant 0 : i32
      %dma_start3A_40 = tpu.memref_slice %arg11[%add3A_27, %dma_start3A_39] : memref<10240x128xf32, #tpu.memory_space<vmem_shared>> -> memref<128x128xf32, #tpu.memory_space<vmem_shared>>
      tpu.enqueue_dma source(%arg9 : memref<128x128xf32, #tpu.memory_space<vmem>>) target(%dma_start3A_40 : memref<128x128xf32, #tpu.memory_space<vmem_shared>>) target_semaphore(%run_scoped3A : memref<!tpu.dma_semaphore, #tpu.memory_space<semaphore_mem>>)
      %dma_wait3A = arith.constant 0 : i32
      %dma_wait3A_41 = tpu.memref_slice %arg11[%add3A_27, %dma_wait3A] : memref<10240x128xf32, #tpu.memory_space<vmem_shared>> -> memref<128x128xf32, #tpu.memory_space<vmem_shared>>
      %dma_wait3A_42 = arith.constant 0 : i32
      %dma_wait3A_43 = tpu.memref_slice %arg11[%add3A_27, %dma_wait3A_42] : memref<10240x128xf32, #tpu.memory_space<vmem_shared>> -> memref<128x128xf32, #tpu.memory_space<vmem_shared>>
      tpu.wait_dma2 semaphore(%run_scoped3A : memref<!tpu.dma_semaphore, #tpu.memory_space<semaphore_mem>>) src(%arg9 : memref<128x128xf32, #tpu.memory_space<vmem>>) dst(%dma_wait3A_43 : memref<128x128xf32, #tpu.memory_space<vmem_shared>>)
      tpu.yield
    }) : () -> ()
    %barrier3A = arith.constant 0 : index
    tpu.barrier barrier_id(%barrier3A)
    "tpu.region"() ({
      %run_scoped3A = tpu.sem_alloc : memref<!tpu.dma_semaphore, #tpu.memory_space<semaphore_mem>>
      %dma_start3A = arith.constant 0 : i32
      %dma_start3A_38 = arith.constant 0 : i32
      %dma_start3A_39 = tpu.memref_slice %arg3[%add3A, %dma_start3A, %dma_start3A_38] : memref<32x79x128xi32, #tpu.memory_space<hbm>> -> memref<1x79x128xi32, #tpu.memory_space<hbm>>
      %dma_start3A_40 = tpu.memref_squeeze %dma_start3A_39 : memref<1x79x128xi32, #tpu.memory_space<hbm>> -> memref<79x128xi32, #tpu.memory_space<hbm>>
      %dma_start3A_41 = arith.constant 0 : i32
      %dma_start3A_42 = arith.constant 0 : i32
      %dma_start3A_43 = tpu.memref_slice %arg3[%add3A, %dma_start3A_41, %dma_start3A_42] : memref<32x79x128xi32, #tpu.memory_space<hbm>> -> memref<1x79x128xi32, #tpu.memory_space<hbm>>
      %dma_start3A_44 = tpu.memref_squeeze %dma_start3A_43 : memref<1x79x128xi32, #tpu.memory_space<hbm>> -> memref<79x128xi32, #tpu.memory_space<hbm>>
      tpu.enqueue_dma source(%dma_start3A_44 : memref<79x128xi32, #tpu.memory_space<hbm>>) target(%arg7 : memref<79x128xi32, #tpu.memory_space<vmem>>) target_semaphore(%run_scoped3A : memref<!tpu.dma_semaphore, #tpu.memory_space<semaphore_mem>>)
      %dma_wait3A = arith.constant 0 : i32
      %dma_wait3A_45 = arith.constant 0 : i32
      %dma_wait3A_46 = tpu.memref_slice %arg3[%add3A, %dma_wait3A, %dma_wait3A_45] : memref<32x79x128xi32, #tpu.memory_space<hbm>> -> memref<1x79x128xi32, #tpu.memory_space<hbm>>
      %dma_wait3A_47 = tpu.memref_squeeze %dma_wait3A_46 : memref<1x79x128xi32, #tpu.memory_space<hbm>> -> memref<79x128xi32, #tpu.memory_space<hbm>>
      %dma_wait3A_48 = arith.constant 0 : i32
      %dma_wait3A_49 = arith.constant 0 : i32
      %dma_wait3A_50 = tpu.memref_slice %arg3[%add3A, %dma_wait3A_48, %dma_wait3A_49] : memref<32x79x128xi32, #tpu.memory_space<hbm>> -> memref<1x79x128xi32, #tpu.memory_space<hbm>>
      %dma_wait3A_51 = tpu.memref_squeeze %dma_wait3A_50 : memref<1x79x128xi32, #tpu.memory_space<hbm>> -> memref<79x128xi32, #tpu.memory_space<hbm>>
      tpu.wait_dma2 semaphore(%run_scoped3A : memref<!tpu.dma_semaphore, #tpu.memory_space<semaphore_mem>>) src(%dma_wait3A_51 : memref<79x128xi32, #tpu.memory_space<hbm>>) dst(%arg7 : memref<79x128xi32, #tpu.memory_space<vmem>>)
      tpu.yield
    }) : () -> ()
    "tpu.region"() ({
      %run_scoped3A = tpu.sem_alloc : memref<!tpu.dma_semaphore, #tpu.memory_space<semaphore_mem>>
      %dma_start3A = arith.constant 0 : i32
      %dma_start3A_38 = arith.constant 0 : i32
      %dma_start3A_39 = tpu.memref_slice %arg4[%add3A, %dma_start3A, %dma_start3A_38] : memref<32x79x128xi32, #tpu.memory_space<hbm>> -> memref<1x79x128xi32, #tpu.memory_space<hbm>>
      %dma_start3A_40 = tpu.memref_squeeze %dma_start3A_39 : memref<1x79x128xi32, #tpu.memory_space<hbm>> -> memref<79x128xi32, #tpu.memory_space<hbm>>
      %dma_start3A_41 = arith.constant 0 : i32
      %dma_start3A_42 = arith.constant 0 : i32
      %dma_start3A_43 = tpu.memref_slice %arg4[%add3A, %dma_start3A_41, %dma_start3A_42] : memref<32x79x128xi32, #tpu.memory_space<hbm>> -> memref<1x79x128xi32, #tpu.memory_space<hbm>>
      %dma_start3A_44 = tpu.memref_squeeze %dma_start3A_43 : memref<1x79x128xi32, #tpu.memory_space<hbm>> -> memref<79x128xi32, #tpu.memory_space<hbm>>
      tpu.enqueue_dma source(%dma_start3A_44 : memref<79x128xi32, #tpu.memory_space<hbm>>) target(%arg8 : memref<79x128xi32, #tpu.memory_space<vmem>>) target_semaphore(%run_scoped3A : memref<!tpu.dma_semaphore, #tpu.memory_space<semaphore_mem>>)
      %dma_wait3A = arith.constant 0 : i32
      %dma_wait3A_45 = arith.constant 0 : i32
      %dma_wait3A_46 = tpu.memref_slice %arg4[%add3A, %dma_wait3A, %dma_wait3A_45] : memref<32x79x128xi32, #tpu.memory_space<hbm>> -> memref<1x79x128xi32, #tpu.memory_space<hbm>>
      %dma_wait3A_47 = tpu.memref_squeeze %dma_wait3A_46 : memref<1x79x128xi32, #tpu.memory_space<hbm>> -> memref<79x128xi32, #tpu.memory_space<hbm>>
      %dma_wait3A_48 = arith.constant 0 : i32
      %dma_wait3A_49 = arith.constant 0 : i32
      %dma_wait3A_50 = tpu.memref_slice %arg4[%add3A, %dma_wait3A_48, %dma_wait3A_49] : memref<32x79x128xi32, #tpu.memory_space<hbm>> -> memref<1x79x128xi32, #tpu.memory_space<hbm>>
      %dma_wait3A_51 = tpu.memref_squeeze %dma_wait3A_50 : memref<1x79x128xi32, #tpu.memory_space<hbm>> -> memref<79x128xi32, #tpu.memory_space<hbm>>
      tpu.wait_dma2 semaphore(%run_scoped3A : memref<!tpu.dma_semaphore, #tpu.memory_space<semaphore_mem>>) src(%dma_wait3A_51 : memref<79x128xi32, #tpu.memory_space<hbm>>) dst(%arg8 : memref<79x128xi32, #tpu.memory_space<vmem>>)
      tpu.yield
    }) : () -> ()
    %scan3A_28 = arith.constant 0 : i32
    %scan3A_29 = arith.constant 79 : i32
    %scan3A_30 = arith.addi %scan3A_28, %scan3A_29 : i32
    %scan3A_31 = arith.constant 1 : i32
    scf.for %scan3A_38 = %scan3A_28 to %scan3A_30 step %scan3A_31  : i32 {
      %mul3A_39 = arith.constant 1 : i32
      %mul3A_40 = arith.muli %scan3A_38, %mul3A_39 : i32
      %add3A_41 = arith.constant 0 : i32
      %add3A_42 = arith.addi %add3A_41, %mul3A_40 : i32
      %dma_start3A = arith.constant 0 : i32
      %dma_start3A_43 = tpu.memref_slice %arg7[%add3A_42, %dma_start3A] : memref<79x128xi32, #tpu.memory_space<vmem>> -> memref<1x128xi32, #tpu.memory_space<vmem>>
      %dma_start3A_44 = tpu.memref_squeeze %dma_start3A_43 : memref<1x128xi32, #tpu.memory_space<vmem>> -> memref<128xi32, #tpu.memory_space<vmem>>
      %dma_start3A_45 = arith.constant 0 : i32
      %dma_start3A_46 = arith.constant 0 : i32
      %dma_start3A_47 = tpu.memref_slice %arg2[%dma_start3A_45, %dma_start3A_46] : memref<10000x128xf32, #tpu.memory_space<hbm>> -> memref<10000x128xf32, #tpu.memory_space<hbm>>
      tpu.enqueue_indirect_dma source(%dma_start3A_47 : memref<10000x128xf32, #tpu.memory_space<hbm>>) target(%arg9 : memref<128x128xf32, #tpu.memory_space<vmem>>) offsets(%dma_start3A_44 : memref<128xi32, #tpu.memory_space<vmem>>) semaphore(%arg13 : memref<!tpu.dma_semaphore, #tpu.memory_space<semaphore_mem>>)
      %dma_wait3A = arith.constant 0 : i32
      %dma_wait3A_48 = tpu.memref_slice %arg7[%add3A_42, %dma_wait3A] : memref<79x128xi32, #tpu.memory_space<vmem>> -> memref<1x128xi32, #tpu.memory_space<vmem>>
      %dma_wait3A_49 = tpu.memref_squeeze %dma_wait3A_48 : memref<1x128xi32, #tpu.memory_space<vmem>> -> memref<128xi32, #tpu.memory_space<vmem>>
      %dma_wait3A_50 = arith.constant 0 : i32
      %dma_wait3A_51 = arith.constant 0 : i32
      %dma_wait3A_52 = tpu.memref_slice %arg2[%dma_wait3A_50, %dma_wait3A_51] : memref<10000x128xf32, #tpu.memory_space<hbm>> -> memref<10000x128xf32, #tpu.memory_space<hbm>>
      tpu.wait_indirect_dma semaphore(%arg13 : memref<!tpu.dma_semaphore, #tpu.memory_space<semaphore_mem>>) src(%dma_wait3A_52 : memref<10000x128xf32, #tpu.memory_space<hbm>>) dst(%arg9 : memref<128x128xf32, #tpu.memory_space<vmem>>)
      "tpu.region"() ({
        %run_scoped3A = tpu.sem_alloc : memref<!tpu.dma_semaphore, #tpu.memory_space<semaphore_mem>>
        %dma_start3A_53 = arith.constant 0 : i32
        %dma_start3A_54 = tpu.memref_slice %arg8[%add3A_42, %dma_start3A_53] : memref<79x128xi32, #tpu.memory_space<vmem>> -> memref<1x128xi32, #tpu.memory_space<vmem>>
        %dma_start3A_55 = tpu.memref_squeeze %dma_start3A_54 : memref<1x128xi32, #tpu.memory_space<vmem>> -> memref<128xi32, #tpu.memory_space<vmem>>
        %dma_start3A_56 = arith.constant 0 : i32
        %dma_start3A_57 = arith.constant 0 : i32
        %dma_start3A_58 = tpu.memref_slice %arg11[%dma_start3A_56, %dma_start3A_57] : memref<10240x128xf32, #tpu.memory_space<vmem_shared>> -> memref<10240x128xf32, #tpu.memory_space<vmem_shared>>
        tpu.enqueue_indirect_dma source(%arg9 : memref<128x128xf32, #tpu.memory_space<vmem>>) target(%dma_start3A_58 : memref<10240x128xf32, #tpu.memory_space<vmem_shared>>) offsets(%dma_start3A_55 : memref<128xi32, #tpu.memory_space<vmem>>) semaphore(%run_scoped3A : memref<!tpu.dma_semaphore, #tpu.memory_space<semaphore_mem>>) {add = true}
        %dma_wait3A_59 = arith.constant 0 : i32
        %dma_wait3A_60 = tpu.memref_slice %arg8[%add3A_42, %dma_wait3A_59] : memref<79x128xi32, #tpu.memory_space<vmem>> -> memref<1x128xi32, #tpu.memory_space<vmem>>
        %dma_wait3A_61 = tpu.memref_squeeze %dma_wait3A_60 : memref<1x128xi32, #tpu.memory_space<vmem>> -> memref<128xi32, #tpu.memory_space<vmem>>
        %dma_wait3A_62 = arith.constant 0 : i32
        %dma_wait3A_63 = arith.constant 0 : i32
        %dma_wait3A_64 = tpu.memref_slice %arg11[%dma_wait3A_62, %dma_wait3A_63] : memref<10240x128xf32, #tpu.memory_space<vmem_shared>> -> memref<10240x128xf32, #tpu.memory_space<vmem_shared>>
        tpu.wait_indirect_dma semaphore(%run_scoped3A : memref<!tpu.dma_semaphore, #tpu.memory_space<semaphore_mem>>) src(%arg9 : memref<128x128xf32, #tpu.memory_space<vmem>>) dst(%dma_wait3A_64 : memref<10240x128xf32, #tpu.memory_space<vmem_shared>>)
        tpu.yield
      }) : () -> ()
    }
    %scan3A_32 = arith.constant 79 : i32
    %barrier3A_33 = arith.constant 0 : index
    tpu.barrier barrier_id(%barrier3A_33)
    %mul3A_34 = arith.constant 640 : i32
    %mul3A_35 = arith.muli %arg1, %mul3A_34 : i32
    %mul3A_36 = arith.constant 640 : i32
    %mul3A_37 = arith.muli %arg1, %mul3A_36 : i32
    "tpu.region"() ({
      %run_scoped3A = tpu.sem_alloc : memref<!tpu.dma_semaphore, #tpu.memory_space<semaphore_mem>>
      %dma_start3A = arith.constant 0 : i32
      %dma_start3A_38 = tpu.memref_slice %arg5[%arg0, %mul3A_37, %dma_start3A] : memref<2x10240x128xf32, #tpu.memory_space<hbm>> -> memref<1x640x128xf32, #tpu.memory_space<hbm>>
      %dma_start3A_39 = tpu.memref_squeeze %dma_start3A_38 : memref<1x640x128xf32, #tpu.memory_space<hbm>> -> memref<640x128xf32, #tpu.memory_space<hbm>>
      %dma_start3A_40 = arith.constant 0 : i32
      %dma_start3A_41 = tpu.memref_slice %arg11[%mul3A_35, %dma_start3A_40] : memref<10240x128xf32, #tpu.memory_space<vmem_shared>> -> memref<640x128xf32, #tpu.memory_space<vmem_shared>>
      tpu.enqueue_dma source(%dma_start3A_41 : memref<640x128xf32, #tpu.memory_space<vmem_shared>>) target(%dma_start3A_39 : memref<640x128xf32, #tpu.memory_space<hbm>>) target_semaphore(%run_scoped3A : memref<!tpu.dma_semaphore, #tpu.memory_space<semaphore_mem>>)
      %dma_wait3A = arith.constant 0 : i32
      %dma_wait3A_42 = tpu.memref_slice %arg5[%arg0, %mul3A_37, %dma_wait3A] : memref<2x10240x128xf32, #tpu.memory_space<hbm>> -> memref<1x640x128xf32, #tpu.memory_space<hbm>>
      %dma_wait3A_43 = tpu.memref_squeeze %dma_wait3A_42 : memref<1x640x128xf32, #tpu.memory_space<hbm>> -> memref<640x128xf32, #tpu.memory_space<hbm>>
      %dma_wait3A_44 = arith.constant 0 : i32
      %dma_wait3A_45 = tpu.memref_slice %arg11[%mul3A_35, %dma_wait3A_44] : memref<10240x128xf32, #tpu.memory_space<vmem_shared>> -> memref<640x128xf32, #tpu.memory_space<vmem_shared>>
      tpu.wait_dma2 semaphore(%run_scoped3A : memref<!tpu.dma_semaphore, #tpu.memory_space<semaphore_mem>>) src(%dma_wait3A_45 : memref<640x128xf32, #tpu.memory_space<vmem_shared>>) dst(%dma_wait3A_43 : memref<640x128xf32, #tpu.memory_space<hbm>>)
      tpu.yield
    }) : () -> ()
    return
  }
}

#map = affine_map<(d0, d1) -> (0, 0)>
#map1 = affine_map<(d0, d1) -> (0)>
module attributes {stable_mosaic.version = 14 : i64} {
  func.func @k(%arg0: i32, %arg1: i32, %arg2: memref<10000x128xf32, #tpu.memory_space<hbm>>, %arg3: memref<768xi32, #tpu.memory_space<hbm>>, %arg4: memref<768x128xf32, #tpu.memory_space<hbm>>, %arg5: memref<24xi32, #tpu.memory_space<vmem>>, %arg6: memref<24x128xf32, #tpu.memory_space<vmem>>, %arg7: memref<!tpu.dma_semaphore, #tpu.memory_space<semaphore_mem>>) attributes {dimension_semantics = [#tpu.dimension_semantics<core_parallel>, #tpu.dimension_semantics<subcore_parallel>], iteration_bounds = array<i64: 2, 16>, scalar_prefetch = 0 : i64, scratch_operands = 3 : i64, tpu.core_type = #tpu.core_type<sc_vector_subcore>, window_params = [{transform_indices = #map}, {transform_indices = #map1}, {transform_indices = #map}]} {
    %mul3A = arith.constant 2 : i32
    %mul3A_0 = arith.muli %arg1, %mul3A : i32
    %add3A = arith.addi %mul3A_0, %arg0 : i32
    %mul3A_1 = arith.constant 24 : i32
    %mul3A_2 = arith.muli %add3A, %mul3A_1 : i32
    "tpu.region"() ({
      %run_scoped3A = tpu.sem_alloc : memref<!tpu.dma_semaphore, #tpu.memory_space<semaphore_mem>>
      %dma_start3A_7 = tpu.memref_slice %arg3[%mul3A_2] : memref<768xi32, #tpu.memory_space<hbm>> -> memref<24xi32, #tpu.memory_space<hbm>>
      %dma_start3A_8 = tpu.memref_slice %arg3[%mul3A_2] : memref<768xi32, #tpu.memory_space<hbm>> -> memref<24xi32, #tpu.memory_space<hbm>>
      tpu.enqueue_dma source(%dma_start3A_8 : memref<24xi32, #tpu.memory_space<hbm>>) target(%arg5 : memref<24xi32, #tpu.memory_space<vmem>>) target_semaphore(%run_scoped3A : memref<!tpu.dma_semaphore, #tpu.memory_space<semaphore_mem>>)
      %dma_wait3A_9 = tpu.memref_slice %arg3[%mul3A_2] : memref<768xi32, #tpu.memory_space<hbm>> -> memref<24xi32, #tpu.memory_space<hbm>>
      %dma_wait3A_10 = tpu.memref_slice %arg3[%mul3A_2] : memref<768xi32, #tpu.memory_space<hbm>> -> memref<24xi32, #tpu.memory_space<hbm>>
      tpu.wait_dma2 semaphore(%run_scoped3A : memref<!tpu.dma_semaphore, #tpu.memory_space<semaphore_mem>>) src(%dma_wait3A_10 : memref<24xi32, #tpu.memory_space<hbm>>) dst(%arg5 : memref<24xi32, #tpu.memory_space<vmem>>)
      tpu.yield
    }) : () -> ()
    %dma_start3A = arith.constant 0 : i32
    %dma_start3A_3 = arith.constant 0 : i32
    %dma_start3A_4 = tpu.memref_slice %arg2[%dma_start3A, %dma_start3A_3] : memref<10000x128xf32, #tpu.memory_space<hbm>> -> memref<10000x128xf32, #tpu.memory_space<hbm>>
    tpu.enqueue_indirect_dma source(%dma_start3A_4 : memref<10000x128xf32, #tpu.memory_space<hbm>>) target(%arg6 : memref<24x128xf32, #tpu.memory_space<vmem>>) offsets(%arg5 : memref<24xi32, #tpu.memory_space<vmem>>) semaphore(%arg7 : memref<!tpu.dma_semaphore, #tpu.memory_space<semaphore_mem>>)
    %dma_wait3A = arith.constant 0 : i32
    %dma_wait3A_5 = arith.constant 0 : i32
    %dma_wait3A_6 = tpu.memref_slice %arg2[%dma_wait3A, %dma_wait3A_5] : memref<10000x128xf32, #tpu.memory_space<hbm>> -> memref<10000x128xf32, #tpu.memory_space<hbm>>
    tpu.wait_indirect_dma semaphore(%arg7 : memref<!tpu.dma_semaphore, #tpu.memory_space<semaphore_mem>>) src(%dma_wait3A_6 : memref<10000x128xf32, #tpu.memory_space<hbm>>) dst(%arg6 : memref<24x128xf32, #tpu.memory_space<vmem>>)
    "tpu.region"() ({
      %run_scoped3A = tpu.sem_alloc : memref<!tpu.dma_semaphore, #tpu.memory_space<semaphore_mem>>
      %dma_start3A_7 = arith.constant 0 : i32
      %dma_start3A_8 = tpu.memref_slice %arg4[%mul3A_2, %dma_start3A_7] : memref<768x128xf32, #tpu.memory_space<hbm>> -> memref<24x128xf32, #tpu.memory_space<hbm>>
      %dma_start3A_9 = arith.constant 0 : i32
      %dma_start3A_10 = tpu.memref_slice %arg4[%mul3A_2, %dma_start3A_9] : memref<768x128xf32, #tpu.memory_space<hbm>> -> memref<24x128xf32, #tpu.memory_space<hbm>>
      tpu.enqueue_dma source(%arg6 : memref<24x128xf32, #tpu.memory_space<vmem>>) target(%dma_start3A_10 : memref<24x128xf32, #tpu.memory_space<hbm>>) target_semaphore(%run_scoped3A : memref<!tpu.dma_semaphore, #tpu.memory_space<semaphore_mem>>)
      %dma_wait3A_11 = arith.constant 0 : i32
      %dma_wait3A_12 = tpu.memref_slice %arg4[%mul3A_2, %dma_wait3A_11] : memref<768x128xf32, #tpu.memory_space<hbm>> -> memref<24x128xf32, #tpu.memory_space<hbm>>
      %dma_wait3A_13 = arith.constant 0 : i32
      %dma_wait3A_14 = tpu.memref_slice %arg4[%mul3A_2, %dma_wait3A_13] : memref<768x128xf32, #tpu.memory_space<hbm>> -> memref<24x128xf32, #tpu.memory_space<hbm>>
      tpu.wait_dma2 semaphore(%run_scoped3A : memref<!tpu.dma_semaphore, #tpu.memory_space<semaphore_mem>>) src(%arg6 : memref<24x128xf32, #tpu.memory_space<vmem>>) dst(%dma_wait3A_14 : memref<24x128xf32, #tpu.memory_space<hbm>>)
      tpu.yield
    }) : () -> ()
    return
  }
}

module attributes {stable_mosaic.version = 14 : i64} {
  func.func @body(%arg0: i32, %arg1: memref<2x2000x128xf32, #tpu.memory_space<vmem>>, %arg2: memref<2000x2xf32, #tpu.memory_space<vmem>>, %arg3: memref<2000x128xf32, #tpu.memory_space<vmem>>, %arg4: memref<128x128xf32, #tpu.memory_space<vmem>>, %arg5: memref<1x128xf32, #tpu.memory_space<vmem>>, %arg6: memref<128x128xf32, #tpu.memory_space<vmem>>, %arg7: memref<2000x128xf32, #tpu.memory_space<vmem>>) attributes {dimension_semantics = [#tpu.dimension_semantics<arbitrary>], iteration_bounds = array<i64: 5>, scalar_prefetch = 0 : i64, scratch_operands = 0 : i64, tpu.core_type = #tpu.core_type<tc>, window_params = [{transform_indices = @transform_0, window_bounds = array<i64: 2, 2000, 128>}, {transform_indices = @transform_1, window_bounds = array<i64: 2000, 2>}, {transform_indices = @transform_2, window_bounds = array<i64: 2000, 128>}, {pipeline_mode = #tpu.pipeline_mode<synchronous>, transform_indices = @transform_3, window_bounds = array<i64: 128, 128>}, {pipeline_mode = #tpu.pipeline_mode<synchronous>, transform_indices = @transform_4, window_bounds = array<i64: 1, 128>}, {pipeline_mode = #tpu.pipeline_mode<synchronous>, transform_indices = @transform_5, window_bounds = array<i64: 128, 128>}, {transform_indices = @transform_6, window_bounds = array<i64: 2000, 128>}]} {
    %get3A = arith.constant 0 : index
    %get3A_0 = arith.constant 0 : index
    %get3A_1 = arith.constant 0 : index
    %get3A_2 = vector.load %arg1[%get3A, %get3A_0, %get3A_1] : memref<2x2000x128xf32, #tpu.memory_space<vmem>>, vector<1x2000x128xf32>
    %get3A_3 = vector.shape_cast %get3A_2 : vector<1x2000x128xf32> to vector<2000x128xf32>
    %get3A_4 = arith.constant 1 : index
    %get3A_5 = arith.constant 0 : index
    %get3A_6 = arith.constant 0 : index
    %get3A_7 = vector.load %arg1[%get3A_4, %get3A_5, %get3A_6] : memref<2x2000x128xf32, #tpu.memory_space<vmem>>, vector<1x2000x128xf32>
    %get3A_8 = vector.shape_cast %get3A_7 : vector<1x2000x128xf32> to vector<2000x128xf32>
    %add3A = arith.addf %get3A_3, %get3A_8 : vector<2000x128xf32>
    %get3A_9 = arith.constant 0 : index
    %get3A_10 = arith.constant 0 : index
    %get3A_11 = vector.load %arg2[%get3A_9, %get3A_10] : memref<2000x2xf32, #tpu.memory_space<vmem>>, vector<2000x1xf32>
    %get3A_12 = vector.shape_cast %get3A_11 : vector<2000x1xf32> to vector<2000xf32>
    %get3A_13 = arith.constant 0 : index
    %get3A_14 = arith.constant 1 : index
    %get3A_15 = vector.load %arg2[%get3A_13, %get3A_14] : memref<2000x2xf32, #tpu.memory_space<vmem>>, vector<2000x1xf32>
    %get3A_16 = vector.shape_cast %get3A_15 : vector<2000x1xf32> to vector<2000xf32>
    %add3A_17 = arith.addf %get3A_12, %get3A_16 : vector<2000xf32>
    %max3A = arith.constant 1.000000e+00 : f32
    %max3A_18 = vector.broadcast %max3A : f32 to vector<2000xf32>
    %max3A_19 = arith.maximumf %add3A_17, %max3A_18 : vector<2000xf32>
    %broadcast_in_dim3A = vector.shape_cast %max3A_19 : vector<2000xf32> to vector<2000x1xf32>
    %div3A = vector.broadcast %broadcast_in_dim3A : vector<2000x1xf32> to vector<2000x128xf32>
    %div3A_20 = arith.divf %add3A, %div3A : vector<2000x128xf32>
    %get3A_21 = arith.constant 0 : index
    %get3A_22 = arith.constant 0 : index
    %get3A_23 = vector.load %arg4[%get3A_21, %get3A_22] : memref<128x128xf32, #tpu.memory_space<vmem>>, vector<128x128xf32>
    %dot_general3A = arith.constant dense<0.000000e+00> : vector<2000x128xf32>
    %dot_general3A_24 = tpu.matmul %div3A_20, %get3A_23, %dot_general3A {dimension_numbers = #tpu.dot_dimension_numbers<[1], [0], [0], [1], [0, 0, 1, 1], [], []>, transpose_lhs_hint = false} : vector<2000x128xf32>, vector<128x128xf32>, vector<2000x128xf32> -> vector<2000x128xf32>
    %get3A_25 = arith.constant 0 : index
    %get3A_26 = arith.constant 0 : index
    %get3A_27 = vector.load %arg5[%get3A_25, %get3A_26] : memref<1x128xf32, #tpu.memory_space<vmem>>, vector<1x128xf32>
    %add3A_28 = vector.broadcast %get3A_27 : vector<1x128xf32> to vector<2000x128xf32>
    %add3A_29 = arith.addf %dot_general3A_24, %add3A_28 : vector<2000x128xf32>
    %get3A_30 = arith.constant 0 : index
    %get3A_31 = arith.constant 0 : index
    %get3A_32 = vector.load %arg3[%get3A_30, %get3A_31] : memref<2000x128xf32, #tpu.memory_space<vmem>>, vector<2000x128xf32>
    %get3A_33 = arith.constant 0 : index
    %get3A_34 = arith.constant 0 : index
    %get3A_35 = vector.load %arg6[%get3A_33, %get3A_34] : memref<128x128xf32, #tpu.memory_space<vmem>>, vector<128x128xf32>
    %dot_general3A_36 = arith.constant dense<0.000000e+00> : vector<2000x128xf32>
    %dot_general3A_37 = tpu.matmul %get3A_32, %get3A_35, %dot_general3A_36 {dimension_numbers = #tpu.dot_dimension_numbers<[1], [0], [0], [1], [0, 0, 1, 1], [], []>, transpose_lhs_hint = false} : vector<2000x128xf32>, vector<128x128xf32>, vector<2000x128xf32> -> vector<2000x128xf32>
    %add3A_38 = arith.addf %add3A_29, %dot_general3A_37 : vector<2000x128xf32>
    %max3A_39 = arith.constant 0.000000e+00 : f32
    %max3A_40 = vector.broadcast %max3A_39 : f32 to vector<2000x128xf32>
    %max3A_41 = arith.maximumf %add3A_38, %max3A_40 : vector<2000x128xf32>
    %swap3A = arith.constant 0 : index
    %swap3A_42 = arith.constant 0 : index
    %swap3A_43 = vector.load %arg7[%swap3A, %swap3A_42] : memref<2000x128xf32, #tpu.memory_space<vmem>>, vector<2000x128xf32>
    tpu.vector_store %arg7[%swap3A, %swap3A_42], %max3A_41 {strides = array<i32>} : memref<2000x128xf32, #tpu.memory_space<vmem>>, vector<2000x128xf32>,
    return
  }
  func.func @transform_0(%arg0: i32) -> (i32, i32, i32) {
    %c0_i32 = arith.constant 0 : i32
    %c0_i32_0 = arith.constant 0 : i32
    %c0_i32_1 = arith.constant 0 : i32
    return %c0_i32, %arg0, %c0_i32_0 : i32, i32, i32
  }
  func.func @transform_1(%arg0: i32) -> (i32, i32) {
    %c0_i32 = arith.constant 0 : i32
    %c0_i32_0 = arith.constant 0 : i32
    return %arg0, %c0_i32 : i32, i32
  }
  func.func @transform_2(%arg0: i32) -> (i32, i32) {
    %c0_i32 = arith.constant 0 : i32
    %c0_i32_0 = arith.constant 0 : i32
    return %arg0, %c0_i32 : i32, i32
  }
  func.func @transform_3(%arg0: i32) -> (i32, i32) {
    %c0_i32 = arith.constant 0 : i32
    %c0_i32_0 = arith.constant 0 : i32
    %c0_i32_1 = arith.constant 0 : i32
    return %c0_i32, %c0_i32_0 : i32, i32
  }
  func.func @transform_4(%arg0: i32) -> (i32, i32) {
    %c0_i32 = arith.constant 0 : i32
    %c0_i32_0 = arith.constant 0 : i32
    %c0_i32_1 = arith.constant 0 : i32
    return %c0_i32, %c0_i32_0 : i32, i32
  }
  func.func @transform_5(%arg0: i32) -> (i32, i32) {
    %c0_i32 = arith.constant 0 : i32
    %c0_i32_0 = arith.constant 0 : i32
    %c0_i32_1 = arith.constant 0 : i32
    return %c0_i32, %c0_i32_0 : i32, i32
  }
  func.func @transform_6(%arg0: i32) -> (i32, i32) {
    %c0_i32 = arith.constant 0 : i32
    %c0_i32_0 = arith.constant 0 : i32
    return %arg0, %c0_i32 : i32, i32
  }
}

module attributes {stable_mosaic.version = 14 : i64} {
  func.func @body(%arg0: i32, %arg1: memref<2x2000x128xf32, #tpu.memory_space<vmem>>, %arg2: memref<2x2000x128xf32, #tpu.memory_space<vmem>>, %arg3: memref<2000x2xf32, #tpu.memory_space<vmem>>, %arg4: memref<2000x2xf32, #tpu.memory_space<vmem>>, %arg5: memref<2000x128xf32, #tpu.memory_space<vmem>>, %arg6: memref<2000x128xf32, #tpu.memory_space<vmem>>, %arg7: memref<128x128xf32, #tpu.memory_space<vmem>>, %arg8: memref<1x128xf32, #tpu.memory_space<vmem>>, %arg9: memref<128x128xf32, #tpu.memory_space<vmem>>, %arg10: memref<128x128xf32, #tpu.memory_space<vmem>>, %arg11: memref<1x128xf32, #tpu.memory_space<vmem>>, %arg12: memref<128x128xf32, #tpu.memory_space<vmem>>, %arg13: memref<128x128xf32, #tpu.memory_space<vmem>>, %arg14: memref<1x128xf32, #tpu.memory_space<vmem>>, %arg15: memref<128x1xf32, #tpu.memory_space<vmem>>, %arg16: memref<2000x128xf32, #tpu.memory_space<vmem>>) attributes {dimension_semantics = [#tpu.dimension_semantics<arbitrary>], iteration_bounds = array<i64: 5>, scalar_prefetch = 0 : i64, scratch_operands = 0 : i64, tpu.core_type = #tpu.core_type<tc>, window_params = [{transform_indices = @transform_0, window_bounds = array<i64: 2, 2000, 128>}, {transform_indices = @transform_1, window_bounds = array<i64: 2, 2000, 128>}, {transform_indices = @transform_2, window_bounds = array<i64: 2000, 2>}, {transform_indices = @transform_3, window_bounds = array<i64: 2000, 2>}, {transform_indices = @transform_4, window_bounds = array<i64: 2000, 128>}, {transform_indices = @transform_5, window_bounds = array<i64: 2000, 128>}, {pipeline_mode = #tpu.pipeline_mode<synchronous>, transform_indices = @transform_6, window_bounds = array<i64: 128, 128>}, {pipeline_mode = #tpu.pipeline_mode<synchronous>, transform_indices = @transform_7, window_bounds = array<i64: 1, 128>}, {pipeline_mode = #tpu.pipeline_mode<synchronous>, transform_indices = @transform_8, window_bounds = array<i64: 128, 128>}, {pipeline_mode = #tpu.pipeline_mode<synchronous>, transform_indices = @transform_9, window_bounds = array<i64: 128, 128>}, {pipeline_mode = #tpu.pipeline_mode<synchronous>, transform_indices = @transform_10, window_bounds = array<i64: 1, 128>}, {pipeline_mode = #tpu.pipeline_mode<synchronous>, transform_indices = @transform_11, window_bounds = array<i64: 128, 128>}, {pipeline_mode = #tpu.pipeline_mode<synchronous>, transform_indices = @transform_12, window_bounds = array<i64: 128, 128>}, {pipeline_mode = #tpu.pipeline_mode<synchronous>, transform_indices = @transform_13, window_bounds = array<i64: 1, 128>}, {pipeline_mode = #tpu.pipeline_mode<synchronous>, transform_indices = @transform_14, window_bounds = array<i64: 128, 1>}, {transform_indices = @transform_15, window_bounds = array<i64: 2000, 128>}]} {
    %get3A = arith.constant 0 : index
    %get3A_0 = arith.constant 0 : index
    %get3A_1 = arith.constant 0 : index
    %get3A_2 = vector.load %arg1[%get3A, %get3A_0, %get3A_1] : memref<2x2000x128xf32, #tpu.memory_space<vmem>>, vector<1x2000x128xf32>
    %get3A_3 = vector.shape_cast %get3A_2 : vector<1x2000x128xf32> to vector<2000x128xf32>
    %get3A_4 = arith.constant 1 : index
    %get3A_5 = arith.constant 0 : index
    %get3A_6 = arith.constant 0 : index
    %get3A_7 = vector.load %arg1[%get3A_4, %get3A_5, %get3A_6] : memref<2x2000x128xf32, #tpu.memory_space<vmem>>, vector<1x2000x128xf32>
    %get3A_8 = vector.shape_cast %get3A_7 : vector<1x2000x128xf32> to vector<2000x128xf32>
    %add3A = arith.addf %get3A_3, %get3A_8 : vector<2000x128xf32>
    %get3A_9 = arith.constant 0 : index
    %get3A_10 = arith.constant 0 : index
    %get3A_11 = vector.load %arg3[%get3A_9, %get3A_10] : memref<2000x2xf32, #tpu.memory_space<vmem>>, vector<2000x1xf32>
    %get3A_12 = vector.shape_cast %get3A_11 : vector<2000x1xf32> to vector<2000xf32>
    %get3A_13 = arith.constant 0 : index
    %get3A_14 = arith.constant 1 : index
    %get3A_15 = vector.load %arg3[%get3A_13, %get3A_14] : memref<2000x2xf32, #tpu.memory_space<vmem>>, vector<2000x1xf32>
    %get3A_16 = vector.shape_cast %get3A_15 : vector<2000x1xf32> to vector<2000xf32>
    %add3A_17 = arith.addf %get3A_12, %get3A_16 : vector<2000xf32>
    %max3A = arith.constant 1.000000e+00 : f32
    %max3A_18 = vector.broadcast %max3A : f32 to vector<2000xf32>
    %max3A_19 = arith.maximumf %add3A_17, %max3A_18 : vector<2000xf32>
    %broadcast_in_dim3A = vector.shape_cast %max3A_19 : vector<2000xf32> to vector<2000x1xf32>
    %div3A = vector.broadcast %broadcast_in_dim3A : vector<2000x1xf32> to vector<2000x128xf32>
    %div3A_20 = arith.divf %add3A, %div3A : vector<2000x128xf32>
    %get3A_21 = arith.constant 0 : index
    %get3A_22 = arith.constant 0 : index
    %get3A_23 = vector.load %arg7[%get3A_21, %get3A_22] : memref<128x128xf32, #tpu.memory_space<vmem>>, vector<128x128xf32>
    %dot_general3A = arith.constant dense<0.000000e+00> : vector<2000x128xf32>
    %dot_general3A_24 = tpu.matmul %div3A_20, %get3A_23, %dot_general3A {dimension_numbers = #tpu.dot_dimension_numbers<[1], [0], [0], [1], [0, 0, 1, 1], [], []>, transpose_lhs_hint = false} : vector<2000x128xf32>, vector<128x128xf32>, vector<2000x128xf32> -> vector<2000x128xf32>
    %get3A_25 = arith.constant 0 : index
    %get3A_26 = arith.constant 0 : index
    %get3A_27 = vector.load %arg8[%get3A_25, %get3A_26] : memref<1x128xf32, #tpu.memory_space<vmem>>, vector<1x128xf32>
    %add3A_28 = vector.broadcast %get3A_27 : vector<1x128xf32> to vector<2000x128xf32>
    %add3A_29 = arith.addf %dot_general3A_24, %add3A_28 : vector<2000x128xf32>
    %get3A_30 = arith.constant 0 : index
    %get3A_31 = arith.constant 0 : index
    %get3A_32 = vector.load %arg5[%get3A_30, %get3A_31] : memref<2000x128xf32, #tpu.memory_space<vmem>>, vector<2000x128xf32>
    %get3A_33 = arith.constant 0 : index
    %get3A_34 = arith.constant 0 : index
    %get3A_35 = vector.load %arg9[%get3A_33, %get3A_34] : memref<128x128xf32, #tpu.memory_space<vmem>>, vector<128x128xf32>
    %dot_general3A_36 = arith.constant dense<0.000000e+00> : vector<2000x128xf32>
    %dot_general3A_37 = tpu.matmul %get3A_32, %get3A_35, %dot_general3A_36 {dimension_numbers = #tpu.dot_dimension_numbers<[1], [0], [0], [1], [0, 0, 1, 1], [], []>, transpose_lhs_hint = false} : vector<2000x128xf32>, vector<128x128xf32>, vector<2000x128xf32> -> vector<2000x128xf32>
    %add3A_38 = arith.addf %add3A_29, %dot_general3A_37 : vector<2000x128xf32>
    %max3A_39 = arith.constant 0.000000e+00 : f32
    %max3A_40 = vector.broadcast %max3A_39 : f32 to vector<2000x128xf32>
    %max3A_41 = arith.maximumf %add3A_38, %max3A_40 : vector<2000x128xf32>
    %get3A_42 = arith.constant 0 : index
    %get3A_43 = arith.constant 0 : index
    %get3A_44 = arith.constant 0 : index
    %get3A_45 = vector.load %arg2[%get3A_42, %get3A_43, %get3A_44] : memref<2x2000x128xf32, #tpu.memory_space<vmem>>, vector<1x2000x128xf32>
    %get3A_46 = vector.shape_cast %get3A_45 : vector<1x2000x128xf32> to vector<2000x128xf32>
    %get3A_47 = arith.constant 1 : index
    %get3A_48 = arith.constant 0 : index
    %get3A_49 = arith.constant 0 : index
    %get3A_50 = vector.load %arg2[%get3A_47, %get3A_48, %get3A_49] : memref<2x2000x128xf32, #tpu.memory_space<vmem>>, vector<1x2000x128xf32>
    %get3A_51 = vector.shape_cast %get3A_50 : vector<1x2000x128xf32> to vector<2000x128xf32>
    %add3A_52 = arith.addf %get3A_46, %get3A_51 : vector<2000x128xf32>
    %get3A_53 = arith.constant 0 : index
    %get3A_54 = arith.constant 0 : index
    %get3A_55 = vector.load %arg4[%get3A_53, %get3A_54] : memref<2000x2xf32, #tpu.memory_space<vmem>>, vector<2000x1xf32>
    %get3A_56 = vector.shape_cast %get3A_55 : vector<2000x1xf32> to vector<2000xf32>
    %get3A_57 = arith.constant 0 : index
    %get3A_58 = arith.constant 1 : index
    %get3A_59 = vector.load %arg4[%get3A_57, %get3A_58] : memref<2000x2xf32, #tpu.memory_space<vmem>>, vector<2000x1xf32>
    %get3A_60 = vector.shape_cast %get3A_59 : vector<2000x1xf32> to vector<2000xf32>
    %add3A_61 = arith.addf %get3A_56, %get3A_60 : vector<2000xf32>
    %max3A_62 = arith.constant 1.000000e+00 : f32
    %max3A_63 = vector.broadcast %max3A_62 : f32 to vector<2000xf32>
    %max3A_64 = arith.maximumf %add3A_61, %max3A_63 : vector<2000xf32>
    %broadcast_in_dim3A_65 = vector.shape_cast %max3A_64 : vector<2000xf32> to vector<2000x1xf32>
    %div3A_66 = vector.broadcast %broadcast_in_dim3A_65 : vector<2000x1xf32> to vector<2000x128xf32>
    %div3A_67 = arith.divf %add3A_52, %div3A_66 : vector<2000x128xf32>
    %get3A_68 = arith.constant 0 : index
    %get3A_69 = arith.constant 0 : index
    %get3A_70 = vector.load %arg10[%get3A_68, %get3A_69] : memref<128x128xf32, #tpu.memory_space<vmem>>, vector<128x128xf32>
    %dot_general3A_71 = arith.constant dense<0.000000e+00> : vector<2000x128xf32>
    %dot_general3A_72 = tpu.matmul %div3A_67, %get3A_70, %dot_general3A_71 {dimension_numbers = #tpu.dot_dimension_numbers<[1], [0], [0], [1], [0, 0, 1, 1], [], []>, transpose_lhs_hint = false} : vector<2000x128xf32>, vector<128x128xf32>, vector<2000x128xf32> -> vector<2000x128xf32>
    %get3A_73 = arith.constant 0 : index
    %get3A_74 = arith.constant 0 : index
    %get3A_75 = vector.load %arg11[%get3A_73, %get3A_74] : memref<1x128xf32, #tpu.memory_space<vmem>>, vector<1x128xf32>
    %add3A_76 = vector.broadcast %get3A_75 : vector<1x128xf32> to vector<2000x128xf32>
    %add3A_77 = arith.addf %dot_general3A_72, %add3A_76 : vector<2000x128xf32>
    %get3A_78 = arith.constant 0 : index
    %get3A_79 = arith.constant 0 : index
    %get3A_80 = vector.load %arg6[%get3A_78, %get3A_79] : memref<2000x128xf32, #tpu.memory_space<vmem>>, vector<2000x128xf32>
    %get3A_81 = arith.constant 0 : index
    %get3A_82 = arith.constant 0 : index
    %get3A_83 = vector.load %arg12[%get3A_81, %get3A_82] : memref<128x128xf32, #tpu.memory_space<vmem>>, vector<128x128xf32>
    %dot_general3A_84 = arith.constant dense<0.000000e+00> : vector<2000x128xf32>
    %dot_general3A_85 = tpu.matmul %get3A_80, %get3A_83, %dot_general3A_84 {dimension_numbers = #tpu.dot_dimension_numbers<[1], [0], [0], [1], [0, 0, 1, 1], [], []>, transpose_lhs_hint = false} : vector<2000x128xf32>, vector<128x128xf32>, vector<2000x128xf32> -> vector<2000x128xf32>
    %add3A_86 = arith.addf %add3A_77, %dot_general3A_85 : vector<2000x128xf32>
    %max3A_87 = arith.constant 0.000000e+00 : f32
    %max3A_88 = vector.broadcast %max3A_87 : f32 to vector<2000x128xf32>
    %max3A_89 = arith.maximumf %add3A_86, %max3A_88 : vector<2000x128xf32>
    %get3A_90 = arith.constant 0 : index
    %get3A_91 = arith.constant 0 : index
    %get3A_92 = vector.load %arg13[%get3A_90, %get3A_91] : memref<128x128xf32, #tpu.memory_space<vmem>>, vector<128x128xf32>
    %get3A_93 = arith.constant 0 : index
    %get3A_94 = arith.constant 0 : index
    %get3A_95 = vector.load %arg14[%get3A_93, %get3A_94] : memref<1x128xf32, #tpu.memory_space<vmem>>, vector<1x128xf32>
    %get3A_96 = arith.constant 0 : index
    %get3A_97 = arith.constant 0 : index
    %get3A_98 = vector.load %arg15[%get3A_96, %get3A_97] : memref<128x1xf32, #tpu.memory_space<vmem>>, vector<128x1xf32>
    %dot_general3A_99 = arith.constant dense<0.000000e+00> : vector<2000x128xf32>
    %dot_general3A_100 = tpu.matmul %max3A_41, %get3A_92, %dot_general3A_99 {dimension_numbers = #tpu.dot_dimension_numbers<[1], [0], [0], [1], [0, 0, 1, 1], [], []>, transpose_lhs_hint = false} : vector<2000x128xf32>, vector<128x128xf32>, vector<2000x128xf32> -> vector<2000x128xf32>
    %add3A_101 = vector.broadcast %get3A_95 : vector<1x128xf32> to vector<2000x128xf32>
    %add3A_102 = arith.addf %dot_general3A_100, %add3A_101 : vector<2000x128xf32>
    %tanh3A = math.tanh %add3A_102 : vector<2000x128xf32>
    %dot_general3A_103 = arith.constant dense<0.000000e+00> : vector<2000x1xf32>
    %dot_general3A_104 = tpu.matmul %tanh3A, %get3A_98, %dot_general3A_103 {dimension_numbers = #tpu.dot_dimension_numbers<[1], [0], [0], [1], [0, 0, 1, 1], [], []>, transpose_lhs_hint = false} : vector<2000x128xf32>, vector<128x1xf32>, vector<2000x1xf32> -> vector<2000x1xf32>
    %dot_general3A_105 = arith.constant dense<0.000000e+00> : vector<2000x128xf32>
    %dot_general3A_106 = tpu.matmul %max3A_89, %get3A_92, %dot_general3A_105 {dimension_numbers = #tpu.dot_dimension_numbers<[1], [0], [0], [1], [0, 0, 1, 1], [], []>, transpose_lhs_hint = false} : vector<2000x128xf32>, vector<128x128xf32>, vector<2000x128xf32> -> vector<2000x128xf32>
    %add3A_107 = vector.broadcast %get3A_95 : vector<1x128xf32> to vector<2000x128xf32>
    %add3A_108 = arith.addf %dot_general3A_106, %add3A_107 : vector<2000x128xf32>
    %tanh3A_109 = math.tanh %add3A_108 : vector<2000x128xf32>
    %dot_general3A_110 = arith.constant dense<0.000000e+00> : vector<2000x1xf32>
    %dot_general3A_111 = tpu.matmul %tanh3A_109, %get3A_98, %dot_general3A_110 {dimension_numbers = #tpu.dot_dimension_numbers<[1], [0], [0], [1], [0, 0, 1, 1], [], []>, transpose_lhs_hint = false} : vector<2000x128xf32>, vector<128x1xf32>, vector<2000x1xf32> -> vector<2000x1xf32>
    %max3A_112 = arith.maximumf %dot_general3A_104, %dot_general3A_111 : vector<2000x1xf32>
    %sub3A = arith.subf %dot_general3A_104, %max3A_112 : vector<2000x1xf32>
    %exp3A = math.exp %sub3A : vector<2000x1xf32>
    %sub3A_113 = arith.subf %dot_general3A_111, %max3A_112 : vector<2000x1xf32>
    %exp3A_114 = math.exp %sub3A_113 : vector<2000x1xf32>
    %add3A_115 = arith.addf %exp3A, %exp3A_114 : vector<2000x1xf32>
    %div3A_116 = arith.divf %exp3A, %add3A_115 : vector<2000x1xf32>
    %mul3A = vector.broadcast %div3A_116 : vector<2000x1xf32> to vector<2000x128xf32>
    %mul3A_117 = arith.mulf %mul3A, %max3A_41 : vector<2000x128xf32>
    %sub3A_118 = arith.constant 1.000000e+00 : f32
    %sub3A_119 = vector.broadcast %sub3A_118 : f32 to vector<2000x1xf32>
    %sub3A_120 = arith.subf %sub3A_119, %div3A_116 : vector<2000x1xf32>
    %mul3A_121 = vector.broadcast %sub3A_120 : vector<2000x1xf32> to vector<2000x128xf32>
    %mul3A_122 = arith.mulf %mul3A_121, %max3A_89 : vector<2000x128xf32>
    %add3A_123 = arith.addf %mul3A_117, %mul3A_122 : vector<2000x128xf32>
    %swap3A = arith.constant 0 : index
    %swap3A_124 = arith.constant 0 : index
    %swap3A_125 = vector.load %arg16[%swap3A, %swap3A_124] : memref<2000x128xf32, #tpu.memory_space<vmem>>, vector<2000x128xf32>
    tpu.vector_store %arg16[%swap3A, %swap3A_124], %add3A_123 {strides = array<i32>} : memref<2000x128xf32, #tpu.memory_space<vmem>>, vector<2000x128xf32>,
    return
  }
  func.func @transform_0(%arg0: i32) -> (i32, i32, i32) {
    %c0_i32 = arith.constant 0 : i32
    %c0_i32_0 = arith.constant 0 : i32
    %c0_i32_1 = arith.constant 0 : i32
    return %c0_i32, %arg0, %c0_i32_0 : i32, i32, i32
  }
  func.func @transform_1(%arg0: i32) -> (i32, i32, i32) {
    %c0_i32 = arith.constant 0 : i32
    %c0_i32_0 = arith.constant 0 : i32
    %c0_i32_1 = arith.constant 0 : i32
    return %c0_i32, %arg0, %c0_i32_0 : i32, i32, i32
  }
  func.func @transform_2(%arg0: i32) -> (i32, i32) {
    %c0_i32 = arith.constant 0 : i32
    %c0_i32_0 = arith.constant 0 : i32
    return %arg0, %c0_i32 : i32, i32
  }
  func.func @transform_3(%arg0: i32) -> (i32, i32) {
    %c0_i32 = arith.constant 0 : i32
    %c0_i32_0 = arith.constant 0 : i32
    return %arg0, %c0_i32 : i32, i32
  }
  func.func @transform_4(%arg0: i32) -> (i32, i32) {
    %c0_i32 = arith.constant 0 : i32
    %c0_i32_0 = arith.constant 0 : i32
    return %arg0, %c0_i32 : i32, i32
  }
  func.func @transform_5(%arg0: i32) -> (i32, i32) {
    %c0_i32 = arith.constant 0 : i32
    %c0_i32_0 = arith.constant 0 : i32
    return %arg0, %c0_i32 : i32, i32
  }
  func.func @transform_6(%arg0: i32) -> (i32, i32) {
    %c0_i32 = arith.constant 0 : i32
    %c0_i32_0 = arith.constant 0 : i32
    %c0_i32_1 = arith.constant 0 : i32
    return %c0_i32, %c0_i32_0 : i32, i32
  }
  func.func @transform_7(%arg0: i32) -> (i32, i32) {
    %c0_i32 = arith.constant 0 : i32
    %c0_i32_0 = arith.constant 0 : i32
    %c0_i32_1 = arith.constant 0 : i32
    return %c0_i32, %c0_i32_0 : i32, i32
  }
  func.func @transform_8(%arg0: i32) -> (i32, i32) {
    %c0_i32 = arith.constant 0 : i32
    %c0_i32_0 = arith.constant 0 : i32
    %c0_i32_1 = arith.constant 0 : i32
    return %c0_i32, %c0_i32_0 : i32, i32
  }
  func.func @transform_9(%arg0: i32) -> (i32, i32) {
    %c0_i32 = arith.constant 0 : i32
    %c0_i32_0 = arith.constant 0 : i32
    %c0_i32_1 = arith.constant 0 : i32
    return %c0_i32, %c0_i32_0 : i32, i32
  }
  func.func @transform_10(%arg0: i32) -> (i32, i32) {
    %c0_i32 = arith.constant 0 : i32
    %c0_i32_0 = arith.constant 0 : i32
    %c0_i32_1 = arith.constant 0 : i32
    return %c0_i32, %c0_i32_0 : i32, i32
  }
  func.func @transform_11(%arg0: i32) -> (i32, i32) {
    %c0_i32 = arith.constant 0 : i32
    %c0_i32_0 = arith.constant 0 : i32
    %c0_i32_1 = arith.constant 0 : i32
    return %c0_i32, %c0_i32_0 : i32, i32
  }
  func.func @transform_12(%arg0: i32) -> (i32, i32) {
    %c0_i32 = arith.constant 0 : i32
    %c0_i32_0 = arith.constant 0 : i32
    %c0_i32_1 = arith.constant 0 : i32
    return %c0_i32, %c0_i32_0 : i32, i32
  }
  func.func @transform_13(%arg0: i32) -> (i32, i32) {
    %c0_i32 = arith.constant 0 : i32
    %c0_i32_0 = arith.constant 0 : i32
    %c0_i32_1 = arith.constant 0 : i32
    return %c0_i32, %c0_i32_0 : i32, i32
  }
  func.func @transform_14(%arg0: i32) -> (i32, i32) {
    %c0_i32 = arith.constant 0 : i32
    %c0_i32_0 = arith.constant 0 : i32
    %c0_i32_1 = arith.constant 0 : i32
    return %c0_i32, %c0_i32_0 : i32, i32
  }
  func.func @transform_15(%arg0: i32) -> (i32, i32) {
    %c0_i32 = arith.constant 0 : i32
    %c0_i32_0 = arith.constant 0 : i32
    return %arg0, %c0_i32 : i32, i32
  }
}

module attributes {stable_mosaic.version = 14 : i64} {
  func.func @body(%arg0: memref<768x128xf32, #tpu.memory_space<vmem>>, %arg1: memref<768x1xf32, #tpu.memory_space<vmem>>, %arg2: memref<1x768xf32, #tpu.memory_space<vmem>>, %arg3: memref<128x128xf32, #tpu.memory_space<vmem>>, %arg4: memref<1x128xf32, #tpu.memory_space<vmem>>, %arg5: memref<2x128x128xf32, #tpu.memory_space<vmem>>, %arg6: memref<2x1x128xf32, #tpu.memory_space<vmem>>, %arg7: memref<2x128x128xf32, #tpu.memory_space<vmem>>, %arg8: memref<2x1x128xf32, #tpu.memory_space<vmem>>, %arg9: memref<2x128x128xf32, #tpu.memory_space<vmem>>, %arg10: memref<2x1x128xf32, #tpu.memory_space<vmem>>, %arg11: memref<2x128x128xf32, #tpu.memory_space<vmem>>, %arg12: memref<2x1x128xf32, #tpu.memory_space<vmem>>, %arg13: memref<2x1xf32, #tpu.memory_space<vmem>>, %arg14: memref<128x1xf32, #tpu.memory_space<vmem>>, %arg15: memref<1x1xf32, #tpu.memory_space<vmem>>, %arg16: memref<256x1xf32, #tpu.memory_space<vmem>>) attributes {dimension_semantics = [], scalar_prefetch = 0 : i64, scratch_operands = 0 : i64, tpu.core_type = #tpu.core_type<tc>} {
    %get3A = arith.constant 0 : index
    %get3A_0 = arith.constant 0 : index
    %get3A_1 = vector.load %arg0[%get3A, %get3A_0] : memref<768x128xf32, #tpu.memory_space<vmem>>, vector<768x128xf32>
    %get3A_2 = arith.constant 0 : index
    %get3A_3 = arith.constant 0 : index
    %get3A_4 = vector.load %arg3[%get3A_2, %get3A_3] : memref<128x128xf32, #tpu.memory_space<vmem>>, vector<128x128xf32>
    %dot_general3A = arith.constant dense<0.000000e+00> : vector<768x128xf32>
    %dot_general3A_5 = tpu.matmul %get3A_1, %get3A_4, %dot_general3A {dimension_numbers = #tpu.dot_dimension_numbers<[1], [0], [0], [1], [0, 0, 1, 1], [], []>, transpose_lhs_hint = false} : vector<768x128xf32>, vector<128x128xf32>, vector<768x128xf32> -> vector<768x128xf32>
    %get3A_6 = arith.constant 0 : index
    %get3A_7 = arith.constant 0 : index
    %get3A_8 = vector.load %arg4[%get3A_6, %get3A_7] : memref<1x128xf32, #tpu.memory_space<vmem>>, vector<1x128xf32>
    %add3A = vector.broadcast %get3A_8 : vector<1x128xf32> to vector<768x128xf32>
    %add3A_9 = arith.addf %dot_general3A_5, %add3A : vector<768x128xf32>
    %max3A = arith.constant 0.000000e+00 : f32
    %max3A_10 = vector.broadcast %max3A : f32 to vector<768x128xf32>
    %max3A_11 = arith.maximumf %add3A_9, %max3A_10 : vector<768x128xf32>
    %get3A_12 = arith.constant 0 : index
    %get3A_13 = arith.constant 0 : index
    %get3A_14 = vector.load %arg1[%get3A_12, %get3A_13] : memref<768x1xf32, #tpu.memory_space<vmem>>, vector<768x1xf32>
    %get3A_15 = arith.constant 0 : index
    %get3A_16 = arith.constant 0 : index
    %get3A_17 = vector.load %arg2[%get3A_15, %get3A_16] : memref<1x768xf32, #tpu.memory_space<vmem>>, vector<1x768xf32>
    %iota3A = tpu.iota {dimensions = array<i32: 0>} : vector<768x768xi32>
    %iota3A_18 = tpu.iota {dimensions = array<i32: 1>} : vector<768x768xi32>
    %eq3A = vector.broadcast %get3A_14 : vector<768x1xf32> to vector<768x768xf32>
    %eq3A_19 = vector.broadcast %get3A_17 : vector<1x768xf32> to vector<768x768xf32>
    %eq3A_20 = arith.cmpf oeq, %eq3A, %eq3A_19 : vector<768x768xf32>
    %ne3A = arith.cmpi ne, %iota3A, %iota3A_18 : vector<768x768xi32>
    %and3A = arith.andi %eq3A_20, %ne3A : vector<768x768xi1>
    %get3A_21 = arith.constant 0 : index
    %get3A_22 = arith.constant 0 : index
    %get3A_23 = arith.constant 0 : index
    %get3A_24 = vector.load %arg5[%get3A_21, %get3A_22, %get3A_23] : memref<2x128x128xf32, #tpu.memory_space<vmem>>, vector<1x128x128xf32>
    %get3A_25 = vector.shape_cast %get3A_24 : vector<1x128x128xf32> to vector<128x128xf32>
    %dot_general3A_26 = arith.constant dense<0.000000e+00> : vector<768x128xf32>
    %dot_general3A_27 = tpu.matmul %get3A_1, %get3A_25, %dot_general3A_26 {dimension_numbers = #tpu.dot_dimension_numbers<[1], [0], [0], [1], [0, 0, 1, 1], [], []>, transpose_lhs_hint = false} : vector<768x128xf32>, vector<128x128xf32>, vector<768x128xf32> -> vector<768x128xf32>
    %get3A_28 = arith.constant 0 : index
    %get3A_29 = arith.constant 0 : index
    %get3A_30 = arith.constant 0 : index
    %get3A_31 = vector.load %arg6[%get3A_28, %get3A_29, %get3A_30] : memref<2x1x128xf32, #tpu.memory_space<vmem>>, vector<1x1x128xf32>
    %get3A_32 = vector.shape_cast %get3A_31 : vector<1x1x128xf32> to vector<1x128xf32>
    %add3A_33 = vector.broadcast %get3A_32 : vector<1x128xf32> to vector<768x128xf32>
    %add3A_34 = arith.addf %dot_general3A_27, %add3A_33 : vector<768x128xf32>
    %get3A_35 = arith.constant 0 : index
    %get3A_36 = arith.constant 0 : index
    %get3A_37 = arith.constant 0 : index
    %get3A_38 = vector.load %arg7[%get3A_35, %get3A_36, %get3A_37] : memref<2x128x128xf32, #tpu.memory_space<vmem>>, vector<1x128x128xf32>
    %get3A_39 = vector.shape_cast %get3A_38 : vector<1x128x128xf32> to vector<128x128xf32>
    %dot_general3A_40 = arith.constant dense<0.000000e+00> : vector<768x128xf32>
    %dot_general3A_41 = tpu.matmul %get3A_1, %get3A_39, %dot_general3A_40 {dimension_numbers = #tpu.dot_dimension_numbers<[1], [0], [0], [1], [0, 0, 1, 1], [], []>, transpose_lhs_hint = false} : vector<768x128xf32>, vector<128x128xf32>, vector<768x128xf32> -> vector<768x128xf32>
    %get3A_42 = arith.constant 0 : index
    %get3A_43 = arith.constant 0 : index
    %get3A_44 = arith.constant 0 : index
    %get3A_45 = vector.load %arg8[%get3A_42, %get3A_43, %get3A_44] : memref<2x1x128xf32, #tpu.memory_space<vmem>>, vector<1x1x128xf32>
    %get3A_46 = vector.shape_cast %get3A_45 : vector<1x1x128xf32> to vector<1x128xf32>
    %add3A_47 = vector.broadcast %get3A_46 : vector<1x128xf32> to vector<768x128xf32>
    %add3A_48 = arith.addf %dot_general3A_41, %add3A_47 : vector<768x128xf32>
    %get3A_49 = arith.constant 0 : index
    %get3A_50 = arith.constant 0 : index
    %get3A_51 = arith.constant 0 : index
    %get3A_52 = vector.load %arg9[%get3A_49, %get3A_50, %get3A_51] : memref<2x128x128xf32, #tpu.memory_space<vmem>>, vector<1x128x128xf32>
    %get3A_53 = vector.shape_cast %get3A_52 : vector<1x128x128xf32> to vector<128x128xf32>
    %dot_general3A_54 = arith.constant dense<0.000000e+00> : vector<768x128xf32>
    %dot_general3A_55 = tpu.matmul %get3A_1, %get3A_53, %dot_general3A_54 {dimension_numbers = #tpu.dot_dimension_numbers<[1], [0], [0], [1], [0, 0, 1, 1], [], []>, transpose_lhs_hint = false} : vector<768x128xf32>, vector<128x128xf32>, vector<768x128xf32> -> vector<768x128xf32>
    %get3A_56 = arith.constant 0 : index
    %get3A_57 = arith.constant 0 : index
    %get3A_58 = arith.constant 0 : index
    %get3A_59 = vector.load %arg10[%get3A_56, %get3A_57, %get3A_58] : memref<2x1x128xf32, #tpu.memory_space<vmem>>, vector<1x1x128xf32>
    %get3A_60 = vector.shape_cast %get3A_59 : vector<1x1x128xf32> to vector<1x128xf32>
    %add3A_61 = vector.broadcast %get3A_60 : vector<1x128xf32> to vector<768x128xf32>
    %add3A_62 = arith.addf %dot_general3A_55, %add3A_61 : vector<768x128xf32>
    %slice3A = vector.extract_strided_slice %add3A_34 {offsets = [0, 0], sizes = [768, 32], strides = [1, 1]} : vector<768x128xf32> to vector<768x32xf32>
    %slice3A_63 = vector.extract_strided_slice %add3A_48 {offsets = [0, 0], sizes = [768, 32], strides = [1, 1]} : vector<768x128xf32> to vector<768x32xf32>
    %slice3A_64 = vector.extract_strided_slice %add3A_62 {offsets = [0, 0], sizes = [768, 32], strides = [1, 1]} : vector<768x128xf32> to vector<768x32xf32>
    %dot_general3A_65 = arith.constant dense<0.000000e+00> : vector<768x768xf32>
    %dot_general3A_66 = tpu.matmul %slice3A, %slice3A_63, %dot_general3A_65 {dimension_numbers = #tpu.dot_dimension_numbers<[1], [1], [0], [0], [0, 0, 1, 0], [], []>, transpose_lhs_hint = false} : vector<768x32xf32>, vector<768x32xf32>, vector<768x768xf32> -> vector<768x768xf32>
    %mul3A = arith.constant 0.176776692 : f32
    %mul3A_67 = vector.broadcast %mul3A : f32 to vector<768x768xf32>
    %mul3A_68 = arith.mulf %dot_general3A_66, %mul3A_67 : vector<768x768xf32>
    %jit3A = arith.constant -1.000000e+09 : f32
    %broadcast_in_dim3A = vector.broadcast %jit3A : f32 to vector<768x768xf32>
    %select_n3A = arith.select %and3A, %mul3A_68, %broadcast_in_dim3A : vector<768x768xi1>, vector<768x768xf32>
    %reduce_max3A = arith.constant dense<0xFF800000> : vector<768xf32>
    %reduce_max3A_69 = vector.multi_reduction <maximumf>, %select_n3A, %reduce_max3A [1] : vector<768x768xf32> to vector<768xf32>
    %broadcast_in_dim3A_70 = vector.shape_cast %reduce_max3A_69 : vector<768xf32> to vector<768x1xf32>
    %sub3A = vector.broadcast %broadcast_in_dim3A_70 : vector<768x1xf32> to vector<768x768xf32>
    %sub3A_71 = arith.subf %select_n3A, %sub3A : vector<768x768xf32>
    %exp3A = math.exp %sub3A_71 : vector<768x768xf32>
    %reduce_sum3A = arith.constant dense<0.000000e+00> : vector<768xf32>
    %reduce_sum3A_72 = vector.multi_reduction <add>, %exp3A, %reduce_sum3A [1] : vector<768x768xf32> to vector<768xf32>
    %broadcast_in_dim3A_73 = vector.shape_cast %reduce_sum3A_72 : vector<768xf32> to vector<768x1xf32>
    %div3A = vector.broadcast %broadcast_in_dim3A_73 : vector<768x1xf32> to vector<768x768xf32>
    %div3A_74 = arith.divf %exp3A, %div3A : vector<768x768xf32>
    %dot_general3A_75 = arith.constant dense<0.000000e+00> : vector<768x32xf32>
    %dot_general3A_76 = tpu.matmul %div3A_74, %slice3A_64, %dot_general3A_75 {dimension_numbers = #tpu.dot_dimension_numbers<[1], [0], [0], [1], [0, 0, 1, 1], [], []>, transpose_lhs_hint = false} : vector<768x768xf32>, vector<768x32xf32>, vector<768x32xf32> -> vector<768x32xf32>
    %slice3A_77 = vector.extract_strided_slice %add3A_34 {offsets = [0, 32], sizes = [768, 32], strides = [1, 1]} : vector<768x128xf32> to vector<768x32xf32>
    %slice3A_78 = vector.extract_strided_slice %add3A_48 {offsets = [0, 32], sizes = [768, 32], strides = [1, 1]} : vector<768x128xf32> to vector<768x32xf32>
    %slice3A_79 = vector.extract_strided_slice %add3A_62 {offsets = [0, 32], sizes = [768, 32], strides = [1, 1]} : vector<768x128xf32> to vector<768x32xf32>
    %dot_general3A_80 = arith.constant dense<0.000000e+00> : vector<768x768xf32>
    %dot_general3A_81 = tpu.matmul %slice3A_77, %slice3A_78, %dot_general3A_80 {dimension_numbers = #tpu.dot_dimension_numbers<[1], [1], [0], [0], [0, 0, 1, 0], [], []>, transpose_lhs_hint = false} : vector<768x32xf32>, vector<768x32xf32>, vector<768x768xf32> -> vector<768x768xf32>
    %mul3A_82 = arith.constant 0.176776692 : f32
    %mul3A_83 = vector.broadcast %mul3A_82 : f32 to vector<768x768xf32>
    %mul3A_84 = arith.mulf %dot_general3A_81, %mul3A_83 : vector<768x768xf32>
    %jit3A_85 = arith.constant -1.000000e+09 : f32
    %broadcast_in_dim3A_86 = vector.broadcast %jit3A_85 : f32 to vector<768x768xf32>
    %select_n3A_87 = arith.select %and3A, %mul3A_84, %broadcast_in_dim3A_86 : vector<768x768xi1>, vector<768x768xf32>
    %reduce_max3A_88 = arith.constant dense<0xFF800000> : vector<768xf32>
    %reduce_max3A_89 = vector.multi_reduction <maximumf>, %select_n3A_87, %reduce_max3A_88 [1] : vector<768x768xf32> to vector<768xf32>
    %broadcast_in_dim3A_90 = vector.shape_cast %reduce_max3A_89 : vector<768xf32> to vector<768x1xf32>
    %sub3A_91 = vector.broadcast %broadcast_in_dim3A_90 : vector<768x1xf32> to vector<768x768xf32>
    %sub3A_92 = arith.subf %select_n3A_87, %sub3A_91 : vector<768x768xf32>
    %exp3A_93 = math.exp %sub3A_92 : vector<768x768xf32>
    %reduce_sum3A_94 = arith.constant dense<0.000000e+00> : vector<768xf32>
    %reduce_sum3A_95 = vector.multi_reduction <add>, %exp3A_93, %reduce_sum3A_94 [1] : vector<768x768xf32> to vector<768xf32>
    %broadcast_in_dim3A_96 = vector.shape_cast %reduce_sum3A_95 : vector<768xf32> to vector<768x1xf32>
    %div3A_97 = vector.broadcast %broadcast_in_dim3A_96 : vector<768x1xf32> to vector<768x768xf32>
    %div3A_98 = arith.divf %exp3A_93, %div3A_97 : vector<768x768xf32>
    %dot_general3A_99 = arith.constant dense<0.000000e+00> : vector<768x32xf32>
    %dot_general3A_100 = tpu.matmul %div3A_98, %slice3A_79, %dot_general3A_99 {dimension_numbers = #tpu.dot_dimension_numbers<[1], [0], [0], [1], [0, 0, 1, 1], [], []>, transpose_lhs_hint = false} : vector<768x768xf32>, vector<768x32xf32>, vector<768x32xf32> -> vector<768x32xf32>
    %slice3A_101 = vector.extract_strided_slice %add3A_34 {offsets = [0, 64], sizes = [768, 32], strides = [1, 1]} : vector<768x128xf32> to vector<768x32xf32>
    %slice3A_102 = vector.extract_strided_slice %add3A_48 {offsets = [0, 64], sizes = [768, 32], strides = [1, 1]} : vector<768x128xf32> to vector<768x32xf32>
    %slice3A_103 = vector.extract_strided_slice %add3A_62 {offsets = [0, 64], sizes = [768, 32], strides = [1, 1]} : vector<768x128xf32> to vector<768x32xf32>
    %dot_general3A_104 = arith.constant dense<0.000000e+00> : vector<768x768xf32>
    %dot_general3A_105 = tpu.matmul %slice3A_101, %slice3A_102, %dot_general3A_104 {dimension_numbers = #tpu.dot_dimension_numbers<[1], [1], [0], [0], [0, 0, 1, 0], [], []>, transpose_lhs_hint = false} : vector<768x32xf32>, vector<768x32xf32>, vector<768x768xf32> -> vector<768x768xf32>
    %mul3A_106 = arith.constant 0.176776692 : f32
    %mul3A_107 = vector.broadcast %mul3A_106 : f32 to vector<768x768xf32>
    %mul3A_108 = arith.mulf %dot_general3A_105, %mul3A_107 : vector<768x768xf32>
    %jit3A_109 = arith.constant -1.000000e+09 : f32
    %broadcast_in_dim3A_110 = vector.broadcast %jit3A_109 : f32 to vector<768x768xf32>
    %select_n3A_111 = arith.select %and3A, %mul3A_108, %broadcast_in_dim3A_110 : vector<768x768xi1>, vector<768x768xf32>
    %reduce_max3A_112 = arith.constant dense<0xFF800000> : vector<768xf32>
    %reduce_max3A_113 = vector.multi_reduction <maximumf>, %select_n3A_111, %reduce_max3A_112 [1] : vector<768x768xf32> to vector<768xf32>
    %broadcast_in_dim3A_114 = vector.shape_cast %reduce_max3A_113 : vector<768xf32> to vector<768x1xf32>
    %sub3A_115 = vector.broadcast %broadcast_in_dim3A_114 : vector<768x1xf32> to vector<768x768xf32>
    %sub3A_116 = arith.subf %select_n3A_111, %sub3A_115 : vector<768x768xf32>
    %exp3A_117 = math.exp %sub3A_116 : vector<768x768xf32>
    %reduce_sum3A_118 = arith.constant dense<0.000000e+00> : vector<768xf32>
    %reduce_sum3A_119 = vector.multi_reduction <add>, %exp3A_117, %reduce_sum3A_118 [1] : vector<768x768xf32> to vector<768xf32>
    %broadcast_in_dim3A_120 = vector.shape_cast %reduce_sum3A_119 : vector<768xf32> to vector<768x1xf32>
    %div3A_121 = vector.broadcast %broadcast_in_dim3A_120 : vector<768x1xf32> to vector<768x768xf32>
    %div3A_122 = arith.divf %exp3A_117, %div3A_121 : vector<768x768xf32>
    %dot_general3A_123 = arith.constant dense<0.000000e+00> : vector<768x32xf32>
    %dot_general3A_124 = tpu.matmul %div3A_122, %slice3A_103, %dot_general3A_123 {dimension_numbers = #tpu.dot_dimension_numbers<[1], [0], [0], [1], [0, 0, 1, 1], [], []>, transpose_lhs_hint = false} : vector<768x768xf32>, vector<768x32xf32>, vector<768x32xf32> -> vector<768x32xf32>
    %slice3A_125 = vector.extract_strided_slice %add3A_34 {offsets = [0, 96], sizes = [768, 32], strides = [1, 1]} : vector<768x128xf32> to vector<768x32xf32>
    %slice3A_126 = vector.extract_strided_slice %add3A_48 {offsets = [0, 96], sizes = [768, 32], strides = [1, 1]} : vector<768x128xf32> to vector<768x32xf32>
    %slice3A_127 = vector.extract_strided_slice %add3A_62 {offsets = [0, 96], sizes = [768, 32], strides = [1, 1]} : vector<768x128xf32> to vector<768x32xf32>
    %dot_general3A_128 = arith.constant dense<0.000000e+00> : vector<768x768xf32>
    %dot_general3A_129 = tpu.matmul %slice3A_125, %slice3A_126, %dot_general3A_128 {dimension_numbers = #tpu.dot_dimension_numbers<[1], [1], [0], [0], [0, 0, 1, 0], [], []>, transpose_lhs_hint = false} : vector<768x32xf32>, vector<768x32xf32>, vector<768x768xf32> -> vector<768x768xf32>
    %mul3A_130 = arith.constant 0.176776692 : f32
    %mul3A_131 = vector.broadcast %mul3A_130 : f32 to vector<768x768xf32>
    %mul3A_132 = arith.mulf %dot_general3A_129, %mul3A_131 : vector<768x768xf32>
    %jit3A_133 = arith.constant -1.000000e+09 : f32
    %broadcast_in_dim3A_134 = vector.broadcast %jit3A_133 : f32 to vector<768x768xf32>
    %select_n3A_135 = arith.select %and3A, %mul3A_132, %broadcast_in_dim3A_134 : vector<768x768xi1>, vector<768x768xf32>
    %reduce_max3A_136 = arith.constant dense<0xFF800000> : vector<768xf32>
    %reduce_max3A_137 = vector.multi_reduction <maximumf>, %select_n3A_135, %reduce_max3A_136 [1] : vector<768x768xf32> to vector<768xf32>
    %broadcast_in_dim3A_138 = vector.shape_cast %reduce_max3A_137 : vector<768xf32> to vector<768x1xf32>
    %sub3A_139 = vector.broadcast %broadcast_in_dim3A_138 : vector<768x1xf32> to vector<768x768xf32>
    %sub3A_140 = arith.subf %select_n3A_135, %sub3A_139 : vector<768x768xf32>
    %exp3A_141 = math.exp %sub3A_140 : vector<768x768xf32>
    %reduce_sum3A_142 = arith.constant dense<0.000000e+00> : vector<768xf32>
    %reduce_sum3A_143 = vector.multi_reduction <add>, %exp3A_141, %reduce_sum3A_142 [1] : vector<768x768xf32> to vector<768xf32>
    %broadcast_in_dim3A_144 = vector.shape_cast %reduce_sum3A_143 : vector<768xf32> to vector<768x1xf32>
    %div3A_145 = vector.broadcast %broadcast_in_dim3A_144 : vector<768x1xf32> to vector<768x768xf32>
    %div3A_146 = arith.divf %exp3A_141, %div3A_145 : vector<768x768xf32>
    %dot_general3A_147 = arith.constant dense<0.000000e+00> : vector<768x32xf32>
    %dot_general3A_148 = tpu.matmul %div3A_146, %slice3A_127, %dot_general3A_147 {dimension_numbers = #tpu.dot_dimension_numbers<[1], [0], [0], [1], [0, 0, 1, 1], [], []>, transpose_lhs_hint = false} : vector<768x768xf32>, vector<768x32xf32>, vector<768x32xf32> -> vector<768x32xf32>
    %concatenate3A = tpu.concatenate %dot_general3A_76, %dot_general3A_100, %dot_general3A_124, %dot_general3A_148 in 1 : vector<768x32xf32>, vector<768x32xf32>, vector<768x32xf32>, vector<768x32xf32> -> vector<768x128xf32>
    %get3A_149 = arith.constant 0 : index
    %get3A_150 = arith.constant 0 : index
    %get3A_151 = vector.load %arg13[%get3A_149, %get3A_150] : memref<2x1xf32, #tpu.memory_space<vmem>>, vector<1x1xf32>
    %get3A_152 = vector.extract %get3A_151[0, 0] : f32 from vector<1x1xf32>
    %get3A_153 = arith.constant 0 : index
    %get3A_154 = arith.constant 0 : index
    %get3A_155 = arith.constant 0 : index
    %get3A_156 = vector.load %arg11[%get3A_153, %get3A_154, %get3A_155] : memref<2x128x128xf32, #tpu.memory_space<vmem>>, vector<1x128x128xf32>
    %get3A_157 = vector.shape_cast %get3A_156 : vector<1x128x128xf32> to vector<128x128xf32>
    %dot_general3A_158 = arith.constant dense<0.000000e+00> : vector<768x128xf32>
    %dot_general3A_159 = tpu.matmul %concatenate3A, %get3A_157, %dot_general3A_158 {dimension_numbers = #tpu.dot_dimension_numbers<[1], [0], [0], [1], [0, 0, 1, 1], [], []>, transpose_lhs_hint = false} : vector<768x128xf32>, vector<128x128xf32>, vector<768x128xf32> -> vector<768x128xf32>
    %get3A_160 = arith.constant 0 : index
    %get3A_161 = arith.constant 0 : index
    %get3A_162 = arith.constant 0 : index
    %get3A_163 = vector.load %arg12[%get3A_160, %get3A_161, %get3A_162] : memref<2x1x128xf32, #tpu.memory_space<vmem>>, vector<1x1x128xf32>
    %get3A_164 = vector.shape_cast %get3A_163 : vector<1x1x128xf32> to vector<1x128xf32>
    %add3A_165 = vector.broadcast %get3A_164 : vector<1x128xf32> to vector<768x128xf32>
    %add3A_166 = arith.addf %dot_general3A_159, %add3A_165 : vector<768x128xf32>
    %mul3A_167 = vector.broadcast %get3A_152 : f32 to vector<768x128xf32>
    %mul3A_168 = arith.mulf %mul3A_167, %add3A_166 : vector<768x128xf32>
    %add3A_169 = arith.addf %get3A_1, %mul3A_168 : vector<768x128xf32>
    %get3A_170 = arith.constant 1 : index
    %get3A_171 = arith.constant 0 : index
    %get3A_172 = arith.constant 0 : index
    %get3A_173 = vector.load %arg5[%get3A_170, %get3A_171, %get3A_172] : memref<2x128x128xf32, #tpu.memory_space<vmem>>, vector<1x128x128xf32>
    %get3A_174 = vector.shape_cast %get3A_173 : vector<1x128x128xf32> to vector<128x128xf32>
    %dot_general3A_175 = arith.constant dense<0.000000e+00> : vector<768x128xf32>
    %dot_general3A_176 = tpu.matmul %add3A_169, %get3A_174, %dot_general3A_175 {dimension_numbers = #tpu.dot_dimension_numbers<[1], [0], [0], [1], [0, 0, 1, 1], [], []>, transpose_lhs_hint = false} : vector<768x128xf32>, vector<128x128xf32>, vector<768x128xf32> -> vector<768x128xf32>
    %get3A_177 = arith.constant 1 : index
    %get3A_178 = arith.constant 0 : index
    %get3A_179 = arith.constant 0 : index
    %get3A_180 = vector.load %arg6[%get3A_177, %get3A_178, %get3A_179] : memref<2x1x128xf32, #tpu.memory_space<vmem>>, vector<1x1x128xf32>
    %get3A_181 = vector.shape_cast %get3A_180 : vector<1x1x128xf32> to vector<1x128xf32>
    %add3A_182 = vector.broadcast %get3A_181 : vector<1x128xf32> to vector<768x128xf32>
    %add3A_183 = arith.addf %dot_general3A_176, %add3A_182 : vector<768x128xf32>
    %get3A_184 = arith.constant 1 : index
    %get3A_185 = arith.constant 0 : index
    %get3A_186 = arith.constant 0 : index
    %get3A_187 = vector.load %arg7[%get3A_184, %get3A_185, %get3A_186] : memref<2x128x128xf32, #tpu.memory_space<vmem>>, vector<1x128x128xf32>
    %get3A_188 = vector.shape_cast %get3A_187 : vector<1x128x128xf32> to vector<128x128xf32>
    %dot_general3A_189 = arith.constant dense<0.000000e+00> : vector<768x128xf32>
    %dot_general3A_190 = tpu.matmul %add3A_169, %get3A_188, %dot_general3A_189 {dimension_numbers = #tpu.dot_dimension_numbers<[1], [0], [0], [1], [0, 0, 1, 1], [], []>, transpose_lhs_hint = false} : vector<768x128xf32>, vector<128x128xf32>, vector<768x128xf32> -> vector<768x128xf32>
    %get3A_191 = arith.constant 1 : index
    %get3A_192 = arith.constant 0 : index
    %get3A_193 = arith.constant 0 : index
    %get3A_194 = vector.load %arg8[%get3A_191, %get3A_192, %get3A_193] : memref<2x1x128xf32, #tpu.memory_space<vmem>>, vector<1x1x128xf32>
    %get3A_195 = vector.shape_cast %get3A_194 : vector<1x1x128xf32> to vector<1x128xf32>
    %add3A_196 = vector.broadcast %get3A_195 : vector<1x128xf32> to vector<768x128xf32>
    %add3A_197 = arith.addf %dot_general3A_190, %add3A_196 : vector<768x128xf32>
    %get3A_198 = arith.constant 1 : index
    %get3A_199 = arith.constant 0 : index
    %get3A_200 = arith.constant 0 : index
    %get3A_201 = vector.load %arg9[%get3A_198, %get3A_199, %get3A_200] : memref<2x128x128xf32, #tpu.memory_space<vmem>>, vector<1x128x128xf32>
    %get3A_202 = vector.shape_cast %get3A_201 : vector<1x128x128xf32> to vector<128x128xf32>
    %dot_general3A_203 = arith.constant dense<0.000000e+00> : vector<768x128xf32>
    %dot_general3A_204 = tpu.matmul %add3A_169, %get3A_202, %dot_general3A_203 {dimension_numbers = #tpu.dot_dimension_numbers<[1], [0], [0], [1], [0, 0, 1, 1], [], []>, transpose_lhs_hint = false} : vector<768x128xf32>, vector<128x128xf32>, vector<768x128xf32> -> vector<768x128xf32>
    %get3A_205 = arith.constant 1 : index
    %get3A_206 = arith.constant 0 : index
    %get3A_207 = arith.constant 0 : index
    %get3A_208 = vector.load %arg10[%get3A_205, %get3A_206, %get3A_207] : memref<2x1x128xf32, #tpu.memory_space<vmem>>, vector<1x1x128xf32>
    %get3A_209 = vector.shape_cast %get3A_208 : vector<1x1x128xf32> to vector<1x128xf32>
    %add3A_210 = vector.broadcast %get3A_209 : vector<1x128xf32> to vector<768x128xf32>
    %add3A_211 = arith.addf %dot_general3A_204, %add3A_210 : vector<768x128xf32>
    %slice3A_212 = vector.extract_strided_slice %add3A_183 {offsets = [0, 0], sizes = [768, 32], strides = [1, 1]} : vector<768x128xf32> to vector<768x32xf32>
    %slice3A_213 = vector.extract_strided_slice %add3A_197 {offsets = [0, 0], sizes = [768, 32], strides = [1, 1]} : vector<768x128xf32> to vector<768x32xf32>
    %slice3A_214 = vector.extract_strided_slice %add3A_211 {offsets = [0, 0], sizes = [768, 32], strides = [1, 1]} : vector<768x128xf32> to vector<768x32xf32>
    %dot_general3A_215 = arith.constant dense<0.000000e+00> : vector<768x768xf32>
    %dot_general3A_216 = tpu.matmul %slice3A_212, %slice3A_213, %dot_general3A_215 {dimension_numbers = #tpu.dot_dimension_numbers<[1], [1], [0], [0], [0, 0, 1, 0], [], []>, transpose_lhs_hint = false} : vector<768x32xf32>, vector<768x32xf32>, vector<768x768xf32> -> vector<768x768xf32>
    %mul3A_217 = arith.constant 0.176776692 : f32
    %mul3A_218 = vector.broadcast %mul3A_217 : f32 to vector<768x768xf32>
    %mul3A_219 = arith.mulf %dot_general3A_216, %mul3A_218 : vector<768x768xf32>
    %jit3A_220 = arith.constant -1.000000e+09 : f32
    %broadcast_in_dim3A_221 = vector.broadcast %jit3A_220 : f32 to vector<768x768xf32>
    %select_n3A_222 = arith.select %and3A, %mul3A_219, %broadcast_in_dim3A_221 : vector<768x768xi1>, vector<768x768xf32>
    %reduce_max3A_223 = arith.constant dense<0xFF800000> : vector<768xf32>
    %reduce_max3A_224 = vector.multi_reduction <maximumf>, %select_n3A_222, %reduce_max3A_223 [1] : vector<768x768xf32> to vector<768xf32>
    %broadcast_in_dim3A_225 = vector.shape_cast %reduce_max3A_224 : vector<768xf32> to vector<768x1xf32>
    %sub3A_226 = vector.broadcast %broadcast_in_dim3A_225 : vector<768x1xf32> to vector<768x768xf32>
    %sub3A_227 = arith.subf %select_n3A_222, %sub3A_226 : vector<768x768xf32>
    %exp3A_228 = math.exp %sub3A_227 : vector<768x768xf32>
    %reduce_sum3A_229 = arith.constant dense<0.000000e+00> : vector<768xf32>
    %reduce_sum3A_230 = vector.multi_reduction <add>, %exp3A_228, %reduce_sum3A_229 [1] : vector<768x768xf32> to vector<768xf32>
    %broadcast_in_dim3A_231 = vector.shape_cast %reduce_sum3A_230 : vector<768xf32> to vector<768x1xf32>
    %div3A_232 = vector.broadcast %broadcast_in_dim3A_231 : vector<768x1xf32> to vector<768x768xf32>
    %div3A_233 = arith.divf %exp3A_228, %div3A_232 : vector<768x768xf32>
    %dot_general3A_234 = arith.constant dense<0.000000e+00> : vector<768x32xf32>
    %dot_general3A_235 = tpu.matmul %div3A_233, %slice3A_214, %dot_general3A_234 {dimension_numbers = #tpu.dot_dimension_numbers<[1], [0], [0], [1], [0, 0, 1, 1], [], []>, transpose_lhs_hint = false} : vector<768x768xf32>, vector<768x32xf32>, vector<768x32xf32> -> vector<768x32xf32>
    %slice3A_236 = vector.extract_strided_slice %add3A_183 {offsets = [0, 32], sizes = [768, 32], strides = [1, 1]} : vector<768x128xf32> to vector<768x32xf32>
    %slice3A_237 = vector.extract_strided_slice %add3A_197 {offsets = [0, 32], sizes = [768, 32], strides = [1, 1]} : vector<768x128xf32> to vector<768x32xf32>
    %slice3A_238 = vector.extract_strided_slice %add3A_211 {offsets = [0, 32], sizes = [768, 32], strides = [1, 1]} : vector<768x128xf32> to vector<768x32xf32>
    %dot_general3A_239 = arith.constant dense<0.000000e+00> : vector<768x768xf32>
    %dot_general3A_240 = tpu.matmul %slice3A_236, %slice3A_237, %dot_general3A_239 {dimension_numbers = #tpu.dot_dimension_numbers<[1], [1], [0], [0], [0, 0, 1, 0], [], []>, transpose_lhs_hint = false} : vector<768x32xf32>, vector<768x32xf32>, vector<768x768xf32> -> vector<768x768xf32>
    %mul3A_241 = arith.constant 0.176776692 : f32
    %mul3A_242 = vector.broadcast %mul3A_241 : f32 to vector<768x768xf32>
    %mul3A_243 = arith.mulf %dot_general3A_240, %mul3A_242 : vector<768x768xf32>
    %jit3A_244 = arith.constant -1.000000e+09 : f32
    %broadcast_in_dim3A_245 = vector.broadcast %jit3A_244 : f32 to vector<768x768xf32>
    %select_n3A_246 = arith.select %and3A, %mul3A_243, %broadcast_in_dim3A_245 : vector<768x768xi1>, vector<768x768xf32>
    %reduce_max3A_247 = arith.constant dense<0xFF800000> : vector<768xf32>
    %reduce_max3A_248 = vector.multi_reduction <maximumf>, %select_n3A_246, %reduce_max3A_247 [1] : vector<768x768xf32> to vector<768xf32>
    %broadcast_in_dim3A_249 = vector.shape_cast %reduce_max3A_248 : vector<768xf32> to vector<768x1xf32>
    %sub3A_250 = vector.broadcast %broadcast_in_dim3A_249 : vector<768x1xf32> to vector<768x768xf32>
    %sub3A_251 = arith.subf %select_n3A_246, %sub3A_250 : vector<768x768xf32>
    %exp3A_252 = math.exp %sub3A_251 : vector<768x768xf32>
    %reduce_sum3A_253 = arith.constant dense<0.000000e+00> : vector<768xf32>
    %reduce_sum3A_254 = vector.multi_reduction <add>, %exp3A_252, %reduce_sum3A_253 [1] : vector<768x768xf32> to vector<768xf32>
    %broadcast_in_dim3A_255 = vector.shape_cast %reduce_sum3A_254 : vector<768xf32> to vector<768x1xf32>
    %div3A_256 = vector.broadcast %broadcast_in_dim3A_255 : vector<768x1xf32> to vector<768x768xf32>
    %div3A_257 = arith.divf %exp3A_252, %div3A_256 : vector<768x768xf32>
    %dot_general3A_258 = arith.constant dense<0.000000e+00> : vector<768x32xf32>
    %dot_general3A_259 = tpu.matmul %div3A_257, %slice3A_238, %dot_general3A_258 {dimension_numbers = #tpu.dot_dimension_numbers<[1], [0], [0], [1], [0, 0, 1, 1], [], []>, transpose_lhs_hint = false} : vector<768x768xf32>, vector<768x32xf32>, vector<768x32xf32> -> vector<768x32xf32>
    %slice3A_260 = vector.extract_strided_slice %add3A_183 {offsets = [0, 64], sizes = [768, 32], strides = [1, 1]} : vector<768x128xf32> to vector<768x32xf32>
    %slice3A_261 = vector.extract_strided_slice %add3A_197 {offsets = [0, 64], sizes = [768, 32], strides = [1, 1]} : vector<768x128xf32> to vector<768x32xf32>
    %slice3A_262 = vector.extract_strided_slice %add3A_211 {offsets = [0, 64], sizes = [768, 32], strides = [1, 1]} : vector<768x128xf32> to vector<768x32xf32>
    %dot_general3A_263 = arith.constant dense<0.000000e+00> : vector<768x768xf32>
    %dot_general3A_264 = tpu.matmul %slice3A_260, %slice3A_261, %dot_general3A_263 {dimension_numbers = #tpu.dot_dimension_numbers<[1], [1], [0], [0], [0, 0, 1, 0], [], []>, transpose_lhs_hint = false} : vector<768x32xf32>, vector<768x32xf32>, vector<768x768xf32> -> vector<768x768xf32>
    %mul3A_265 = arith.constant 0.176776692 : f32
    %mul3A_266 = vector.broadcast %mul3A_265 : f32 to vector<768x768xf32>
    %mul3A_267 = arith.mulf %dot_general3A_264, %mul3A_266 : vector<768x768xf32>
    %jit3A_268 = arith.constant -1.000000e+09 : f32
    %broadcast_in_dim3A_269 = vector.broadcast %jit3A_268 : f32 to vector<768x768xf32>
    %select_n3A_270 = arith.select %and3A, %mul3A_267, %broadcast_in_dim3A_269 : vector<768x768xi1>, vector<768x768xf32>
    %reduce_max3A_271 = arith.constant dense<0xFF800000> : vector<768xf32>
    %reduce_max3A_272 = vector.multi_reduction <maximumf>, %select_n3A_270, %reduce_max3A_271 [1] : vector<768x768xf32> to vector<768xf32>
    %broadcast_in_dim3A_273 = vector.shape_cast %reduce_max3A_272 : vector<768xf32> to vector<768x1xf32>
    %sub3A_274 = vector.broadcast %broadcast_in_dim3A_273 : vector<768x1xf32> to vector<768x768xf32>
    %sub3A_275 = arith.subf %select_n3A_270, %sub3A_274 : vector<768x768xf32>
    %exp3A_276 = math.exp %sub3A_275 : vector<768x768xf32>
    %reduce_sum3A_277 = arith.constant dense<0.000000e+00> : vector<768xf32>
    %reduce_sum3A_278 = vector.multi_reduction <add>, %exp3A_276, %reduce_sum3A_277 [1] : vector<768x768xf32> to vector<768xf32>
    %broadcast_in_dim3A_279 = vector.shape_cast %reduce_sum3A_278 : vector<768xf32> to vector<768x1xf32>
    %div3A_280 = vector.broadcast %broadcast_in_dim3A_279 : vector<768x1xf32> to vector<768x768xf32>
    %div3A_281 = arith.divf %exp3A_276, %div3A_280 : vector<768x768xf32>
    %dot_general3A_282 = arith.constant dense<0.000000e+00> : vector<768x32xf32>
    %dot_general3A_283 = tpu.matmul %div3A_281, %slice3A_262, %dot_general3A_282 {dimension_numbers = #tpu.dot_dimension_numbers<[1], [0], [0], [1], [0, 0, 1, 1], [], []>, transpose_lhs_hint = false} : vector<768x768xf32>, vector<768x32xf32>, vector<768x32xf32> -> vector<768x32xf32>
    %slice3A_284 = vector.extract_strided_slice %add3A_183 {offsets = [0, 96], sizes = [768, 32], strides = [1, 1]} : vector<768x128xf32> to vector<768x32xf32>
    %slice3A_285 = vector.extract_strided_slice %add3A_197 {offsets = [0, 96], sizes = [768, 32], strides = [1, 1]} : vector<768x128xf32> to vector<768x32xf32>
    %slice3A_286 = vector.extract_strided_slice %add3A_211 {offsets = [0, 96], sizes = [768, 32], strides = [1, 1]} : vector<768x128xf32> to vector<768x32xf32>
    %dot_general3A_287 = arith.constant dense<0.000000e+00> : vector<768x768xf32>
    %dot_general3A_288 = tpu.matmul %slice3A_284, %slice3A_285, %dot_general3A_287 {dimension_numbers = #tpu.dot_dimension_numbers<[1], [1], [0], [0], [0, 0, 1, 0], [], []>, transpose_lhs_hint = false} : vector<768x32xf32>, vector<768x32xf32>, vector<768x768xf32> -> vector<768x768xf32>
    %mul3A_289 = arith.constant 0.176776692 : f32
    %mul3A_290 = vector.broadcast %mul3A_289 : f32 to vector<768x768xf32>
    %mul3A_291 = arith.mulf %dot_general3A_288, %mul3A_290 : vector<768x768xf32>
    %jit3A_292 = arith.constant -1.000000e+09 : f32
    %broadcast_in_dim3A_293 = vector.broadcast %jit3A_292 : f32 to vector<768x768xf32>
    %select_n3A_294 = arith.select %and3A, %mul3A_291, %broadcast_in_dim3A_293 : vector<768x768xi1>, vector<768x768xf32>
    %reduce_max3A_295 = arith.constant dense<0xFF800000> : vector<768xf32>
    %reduce_max3A_296 = vector.multi_reduction <maximumf>, %select_n3A_294, %reduce_max3A_295 [1] : vector<768x768xf32> to vector<768xf32>
    %broadcast_in_dim3A_297 = vector.shape_cast %reduce_max3A_296 : vector<768xf32> to vector<768x1xf32>
    %sub3A_298 = vector.broadcast %broadcast_in_dim3A_297 : vector<768x1xf32> to vector<768x768xf32>
    %sub3A_299 = arith.subf %select_n3A_294, %sub3A_298 : vector<768x768xf32>
    %exp3A_300 = math.exp %sub3A_299 : vector<768x768xf32>
    %reduce_sum3A_301 = arith.constant dense<0.000000e+00> : vector<768xf32>
    %reduce_sum3A_302 = vector.multi_reduction <add>, %exp3A_300, %reduce_sum3A_301 [1] : vector<768x768xf32> to vector<768xf32>
    %broadcast_in_dim3A_303 = vector.shape_cast %reduce_sum3A_302 : vector<768xf32> to vector<768x1xf32>
    %div3A_304 = vector.broadcast %broadcast_in_dim3A_303 : vector<768x1xf32> to vector<768x768xf32>
    %div3A_305 = arith.divf %exp3A_300, %div3A_304 : vector<768x768xf32>
    %dot_general3A_306 = arith.constant dense<0.000000e+00> : vector<768x32xf32>
    %dot_general3A_307 = tpu.matmul %div3A_305, %slice3A_286, %dot_general3A_306 {dimension_numbers = #tpu.dot_dimension_numbers<[1], [0], [0], [1], [0, 0, 1, 1], [], []>, transpose_lhs_hint = false} : vector<768x768xf32>, vector<768x32xf32>, vector<768x32xf32> -> vector<768x32xf32>
    %concatenate3A_308 = tpu.concatenate %dot_general3A_235, %dot_general3A_259, %dot_general3A_283, %dot_general3A_307 in 1 : vector<768x32xf32>, vector<768x32xf32>, vector<768x32xf32>, vector<768x32xf32> -> vector<768x128xf32>
    %get3A_309 = arith.constant 1 : index
    %get3A_310 = arith.constant 0 : index
    %get3A_311 = vector.load %arg13[%get3A_309, %get3A_310] : memref<2x1xf32, #tpu.memory_space<vmem>>, vector<1x1xf32>
    %get3A_312 = vector.extract %get3A_311[0, 0] : f32 from vector<1x1xf32>
    %get3A_313 = arith.constant 1 : index
    %get3A_314 = arith.constant 0 : index
    %get3A_315 = arith.constant 0 : index
    %get3A_316 = vector.load %arg11[%get3A_313, %get3A_314, %get3A_315] : memref<2x128x128xf32, #tpu.memory_space<vmem>>, vector<1x128x128xf32>
    %get3A_317 = vector.shape_cast %get3A_316 : vector<1x128x128xf32> to vector<128x128xf32>
    %dot_general3A_318 = arith.constant dense<0.000000e+00> : vector<768x128xf32>
    %dot_general3A_319 = tpu.matmul %concatenate3A_308, %get3A_317, %dot_general3A_318 {dimension_numbers = #tpu.dot_dimension_numbers<[1], [0], [0], [1], [0, 0, 1, 1], [], []>, transpose_lhs_hint = false} : vector<768x128xf32>, vector<128x128xf32>, vector<768x128xf32> -> vector<768x128xf32>
    %get3A_320 = arith.constant 1 : index
    %get3A_321 = arith.constant 0 : index
    %get3A_322 = arith.constant 0 : index
    %get3A_323 = vector.load %arg12[%get3A_320, %get3A_321, %get3A_322] : memref<2x1x128xf32, #tpu.memory_space<vmem>>, vector<1x1x128xf32>
    %get3A_324 = vector.shape_cast %get3A_323 : vector<1x1x128xf32> to vector<1x128xf32>
    %add3A_325 = vector.broadcast %get3A_324 : vector<1x128xf32> to vector<768x128xf32>
    %add3A_326 = arith.addf %dot_general3A_319, %add3A_325 : vector<768x128xf32>
    %mul3A_327 = vector.broadcast %get3A_312 : f32 to vector<768x128xf32>
    %mul3A_328 = arith.mulf %mul3A_327, %add3A_326 : vector<768x128xf32>
    %add3A_329 = arith.addf %add3A_169, %mul3A_328 : vector<768x128xf32>
    %sub3A_330 = arith.subf %add3A_329, %max3A_11 : vector<768x128xf32>
    %mul3A_331 = arith.mulf %sub3A_330, %sub3A_330 : vector<768x128xf32>
    %get3A_332 = arith.constant 0 : index
    %get3A_333 = arith.constant 0 : index
    %get3A_334 = vector.load %arg14[%get3A_332, %get3A_333] : memref<128x1xf32, #tpu.memory_space<vmem>>, vector<128x1xf32>
    %dot_general3A_335 = arith.constant dense<0.000000e+00> : vector<768x1xf32>
    %dot_general3A_336 = tpu.matmul %mul3A_331, %get3A_334, %dot_general3A_335 {dimension_numbers = #tpu.dot_dimension_numbers<[1], [0], [0], [1], [0, 0, 1, 1], [], []>, transpose_lhs_hint = false} : vector<768x128xf32>, vector<128x1xf32>, vector<768x1xf32> -> vector<768x1xf32>
    %get3A_337 = arith.constant 0 : index
    %get3A_338 = arith.constant 0 : index
    %get3A_339 = vector.load %arg15[%get3A_337, %get3A_338] : memref<1x1xf32, #tpu.memory_space<vmem>>, vector<1x1xf32>
    %add3A_340 = vector.broadcast %get3A_339 : vector<1x1xf32> to vector<768x1xf32>
    %add3A_341 = arith.addf %dot_general3A_336, %add3A_340 : vector<768x1xf32>
    %iota3A_342 = tpu.iota {dimensions = array<i32: 1>} : vector<768x256xi32>
    %convert_element_type3A = arith.sitofp %iota3A_342 : vector<768x256xi32> to vector<768x256xf32>
    %eq3A_343 = vector.broadcast %get3A_14 : vector<768x1xf32> to vector<768x256xf32>
    %eq3A_344 = arith.cmpf oeq, %eq3A_343, %convert_element_type3A : vector<768x256xf32>
    %convert_element_type3A_345 = arith.extui %eq3A_344 : vector<768x256xi1> to vector<768x256xi32>
    %convert_element_type3A_346 = arith.sitofp %convert_element_type3A_345 : vector<768x256xi32> to vector<768x256xf32>
    %dot_general3A_347 = arith.constant dense<0.000000e+00> : vector<256x1xf32>
    %dot_general3A_348 = tpu.matmul %convert_element_type3A_346, %add3A_341, %dot_general3A_347 {dimension_numbers = #tpu.dot_dimension_numbers<[0], [0], [1], [1], [0, 1, 1, 1], [], []>, transpose_lhs_hint = false} : vector<768x256xf32>, vector<768x1xf32>, vector<256x1xf32> -> vector<256x1xf32>
    %broadcast_in_dim3A_349 = arith.constant 1.000000e+00 : f32
    %broadcast_in_dim3A_350 = vector.broadcast %broadcast_in_dim3A_349 : f32 to vector<768x1xf32>
    %dot_general3A_351 = arith.constant dense<0.000000e+00> : vector<256x1xf32>
    %dot_general3A_352 = tpu.matmul %convert_element_type3A_346, %broadcast_in_dim3A_350, %dot_general3A_351 {dimension_numbers = #tpu.dot_dimension_numbers<[0], [0], [1], [1], [0, 1, 1, 1], [], []>, transpose_lhs_hint = false} : vector<768x256xf32>, vector<768x1xf32>, vector<256x1xf32> -> vector<256x1xf32>
    %max3A_353 = arith.constant 1.000000e+00 : f32
    %max3A_354 = vector.broadcast %max3A_353 : f32 to vector<256x1xf32>
    %max3A_355 = arith.maximumf %dot_general3A_352, %max3A_354 : vector<256x1xf32>
    %div3A_356 = arith.divf %dot_general3A_348, %max3A_355 : vector<256x1xf32>
    %swap3A = arith.constant 0 : index
    %swap3A_357 = arith.constant 0 : index
    %swap3A_358 = vector.load %arg16[%swap3A, %swap3A_357] : memref<256x1xf32, #tpu.memory_space<vmem>>, vector<256x1xf32>
    tpu.vector_store %arg16[%swap3A, %swap3A_357], %div3A_356 {strides = array<i32>} : memref<256x1xf32, #tpu.memory_space<vmem>>, vector<256x1xf32>,
    return
  }
}

</mosaic_0001>

<sc_bundles>
// kernel: kernel.11.cloned.1.call-start
scs
__scs_entry_jumppad:
0x0: {  	(pc) =	sbr.rel $0x88, $3  }
0x1: {  	(tag) =	ssettag $0x0;
	lr =	simm.s32 $0x1  }
0x2: {  	[smem:$0x3F87] =	sst lr;
	_ =	strace $0xD0000000  }
0x3: {  	_ = 	snop  }
0x4: {  	_ = 	snop  }
0x5: {  	_ = 	snop  }
0x6: {  	_ = 	snop  }
0x7: {  	_ = 	snop  }
__scs_overlays_trampoline_lowered:
0x8: {  	[smem:$0x3F96] =	sst s0  }
0x9: {  	[smem:$0x3F97] =	sst s1  }
0xa: {  	[smem:$0x3F98] =	sst s2  }
0xb: {  	[smem:$0x3F99] =	sst s3  }
0xc: {  	[smem:$0x3F9A] =	sst s4  }
0xd: {  	[smem:$0x3F9B] =	sst s5  }
0xe: {  	[smem:$0x3F9C] =	sst s6  }
0xf: {  	[smem:$0x3F9D] =	sst s7  }
0x10: {  	[smem:$0x3F9E] =	sst s8  }
0x11: {  	[smem:$0x3F9F] =	sst s9;
	s0 =	simm.s32 @!p0 $0x0  }
0x12: {  	s1 =	sld [smem:$0x3F85];
	s0 =	simm.s32 @p0 $0x1  }
0x13: {  	[smem:$0x3FA0] =	sst s0;
	s0 =	simm.s32 @!p1 $0x0  }
0x14: {  	s2 =	sld [smem:$0x3F84];
	s0 =	simm.s32 @p1 $0x1  }
0x15: {  	[smem:$0x3FA1] =	sst s0;
	s0 =	simm.s32 @!p2 $0x0  }
0x16: {  	s3 =	sld [smem:$0x3FDB];
	s0 =	simm.s32 @p2 $0x1  }
0x17: {  	s4 =	simm.s32 $0x1BF5;
	[smem:$0x3FA3] =	sst s0  }
0x18: {  	s0 =	sld [smem:$0x3F86];
	_ =	swait.ge [sflag:s4], $0x0  }
0x19: {  	s7 =	sld [smem:$0x3F87]  }
0x1a: {  	s8 =	sadd.s32 $0xFFFFE003, lr  }
0x1b: {  	s9 =	sadd.s32 $0xFFFFFEF7, lr;
	s5 =	simm.s32 $0xFFFFFFFF;
	p2 =	slt.u32 s8, $0xFFFFF086  }
0x1c: {  	p1 =	slt.u32 s9, $0xF7A;
	s5 =	simm.s32 @!p2 $0x0  }
0x1d: {  	s5 =	simm.s32 @p1 $0x1;
	p0 =	seq.s32 s7, s2  }
0x1e: {  	s7 =	smul.u32 @!p0 $0xF7A, s2;
	p2 =	seq.s32 @!p0 s5, $0x0  }
0x1f: {  	s9 =	smul.u32 $0xF7A, s1;
	s8 =	simm.s32 @!p0 $0x1BF5;
	p2 =	por !p2, p0  }
0x20: {  	[sflag:s8] =	ssyncset.s32 @!p0 $0xFFFFF086;
	s6 =	sadd.s32 @!p0 s3, s7;
	s7 =	simm.s32 @!p0 $0x108  }
0x21: {  	s3 =	sadd.s32 s3, s9;
	s6 =	sadd.s32 @!p0 $0x88, s6;
	s7 =	simm.s32 @p2 $0x1082  }
0x22: {  	[simem:s7], [sflag:s8] =	dma.local @!p0 [hbm:s6], $0xF7A  }
0x23: {  	s9 =	sor.u32 $0xD0000000, s2;
	s6 =	simm.s32 $0x108;
	_ =	swait.ge @!p0 [sflag:s8], $0x0  }
0x24: {  	s3 =	sadd.s32 $0x88, s3;
	s6 =	simm.s32 @!p1 $0x1082;
	[sflag:s4] =	ssyncset.s32 $0xFFFFF086  }
0x25: {  	[simem:s6], [sflag:s4] =	dma.local [hbm:s3], $0xF7A  }
0x26: {  	[smem:$0x3F87] =	sst s1;
	(tag) =	ssettag s2;
	_ =	strace s9  }
0x27: {  	s1 =	sld [smem:$0x3F97]  }
0x28: {  	s2 =	sld [smem:$0x3F98]  }
0x29: {  	s4 =	sld [smem:$0x3F9A]  }
0x2a: {  	p0 =	seq.s32 s5, $0x0;
	s5 =	sld [smem:$0x3F9B]  }
0x2b: {  	s6 =	sld [smem:$0x3F9C]  }
0x2c: {  	s7 =	sld [smem:$0x3F9D]  }
0x2d: {  	s3 =	simm.s32 $0x108;
	s8 =	sld [smem:$0x3F9E]  }
0x2e: {  	s3 =	simm.s32 @!p0 $0x1082;
	s9 =	sld [smem:$0x3F9F]  }
0x2f: {  	lr =	sadd.s32 s0, s3;
	s0 =	sld [smem:$0x3F96]  }
0x30: {  	s3 =	sld [smem:$0x3F99]  }
0x31: {  	[smem:$0x3FA2] =	sst s10  }
0x32: {  	s10 =	sld [smem:$0x3FA0];
	_ =	sdelay $0x3  }
0x33: {  	p0 =	seq.s32 s10, $0x1;
	s10 =	sld [smem:$0x3FA2];
	_ =	sdelay $0x3  }
0x34: {  	[smem:$0x3FA2] =	sst s10  }
0x35: {  	s10 =	sld [smem:$0x3FA1];
	_ =	sdelay $0x3  }
0x36: {  	p1 =	seq.s32 s10, $0x1;
	s10 =	sld [smem:$0x3FA2];
	_ =	sdelay $0x3  }
0x37: {  	[smem:$0x3FA2] =	sst s10  }
0x38: {  	s10 =	sld [smem:$0x3FA3]  }
0x39: {  	_ = 	snop;
	(pc) =	sbr.ind lr, $3  }
0x3a: {  	_ = 	snop  }
0x3b: {  	_ = 	snop  }
0x3c: {  	p2 =	seq.s32 s10, $0x1;
	s10 =	sld [smem:$0x3FA2]  }
0x3d: {  	_ =	shalt  }
0x3e: {  	_ =	shalt  }
0x3f: {  	_ =	shalt  }
0x40: {  	_ =	shalt  }
0x41: {  	_ =	shalt  }
0x42: {  	_ =	shalt  }
0x43: {  	_ =	shalt  }
0x44: {  	_ =	shalt  }
0x45: {  	_ =	shalt  }
0x46: {  	_ =	shalt  }
0x47: {  	_ =	shalt  }
0x48: {  	_ =	shalt  }
0x49: {  	_ =	shalt  }
0x4a: {  	_ =	shalt  }
0x4b: {  	_ =	shalt  }
0x4c: {  	_ =	shalt  }
0x4d: {  	_ =	shalt  }
0x4e: {  	_ =	shalt  }
0x4f: {  	_ =	shalt  }
0x50: {  	_ =	shalt  }
0x51: {  	_ =	shalt  }
0x52: {  	_ =	shalt  }
0x53: {  	_ =	shalt  }
0x54: {  	_ =	shalt  }
0x55: {  	_ =	shalt  }
0x56: {  	_ =	shalt  }
0x57: {  	_ =	shalt  }
0x58: {  	_ =	shalt  }
0x59: {  	_ =	shalt  }
0x5a: {  	_ =	shalt  }
0x5b: {  	_ =	shalt  }
0x5c: {  	_ =	shalt  }
0x5d: {  	_ =	shalt  }
0x5e: {  	_ =	shalt  }
0x5f: {  	_ =	shalt  }
0x60: {  	_ =	shalt  }
0x61: {  	_ =	shalt  }
0x62: {  	_ =	shalt  }
0x63: {  	_ =	shalt  }
0x64: {  	_ =	shalt  }
0x65: {  	_ =	shalt  }
0x66: {  	_ =	shalt  }
0x67: {  	_ =	shalt  }
0x68: {  	_ =	shalt  }
0x69: {  	_ =	shalt  }
0x6a: {  	_ =	shalt  }
0x6b: {  	_ =	shalt  }
0x6c: {  	_ =	shalt  }
0x6d: {  	_ =	shalt  }
0x6e: {  	_ =	shalt  }
0x6f: {  	_ =	shalt  }
0x70: {  	_ =	shalt  }
0x71: {  	_ =	shalt  }
0x72: {  	_ =	shalt  }
0x73: {  	_ =	shalt  }
0x74: {  	_ =	shalt  }
0x75: {  	_ =	shalt  }
0x76: {  	_ =	shalt  }
0x77: {  	_ =	shalt  }
0x78: {  	_ =	shalt  }
0x79: {  	_ =	shalt  }
0x7a: {  	_ =	shalt  }
0x7b: {  	_ =	shalt  }
0x7c: {  	_ =	shalt  }
0x7d: {  	_ =	shalt  }
0x7e: {  	_ =	shalt  }
0x7f: {  	_ =	shalt  }
0x80: {  	_ =	shalt  }
0x81: {  	_ =	shalt  }
0x82: {  	_ =	shalt  }
0x83: {  	_ =	shalt  }
0x84: {  	_ =	shalt  }
0x85: {  	_ =	shalt  }
0x86: {  	_ =	shalt  }
0x87: {  	_ =	shalt  }
.Lfunc_end0:
.L_simem_size_0:
called_computation_lowered:
.L_overlay_start_0:
0x88: {  	s2 =	sld [smem:$0x3FD9]  }
0x89: {  	s3 =	sld [smem:$0x3FFE];
	_ =	sdelay $0x1  }
0x8a: {  	s1 =	srdreg.scid  }
0x8b: {  	s0 =	sand.u32 $0x1, s1  }
0x8c: {  	s17 =	sshll.u32 s0, $0xA;
	s2 =	sadd.s32 s3, s2  }
0x8d: {  	s2 =	sadd.s32 s2, s17  }
0x8e: {  	[smem:$0x3FAE] =	sst s2  }
0x8f: {  	_ = 	snop  }
0x90: {  	s18 =	sld [smem:$0x3FC6];
	(tm) =	ssettm $0x1  }
0x91: {  	s19 =	sld [smem:$0x3FFB];
	_ =	sdelay $0x3  }
0x92: {  	_ =	strace s19  }
0x93: {  	s2 =	sld [smem:$0x3FFC];
	_ =	sdelay $0x3  }
0x94: {  	_ =	strace s2  }
0x95: {  	s2 =	sld [smem:$0x3FFD];
	_ =	sdelay $0x3  }
0x96: {  	_ =	strace s2  }
0x97: {  	_ =	strace $0x8FFFFFFF  }
0x98: {  	s20 =	sld [smem:$0x3FDB];
	_ =	sdelay $0x1  }
0x99: {  	s4 =	simm.s32 $_scs_section_size  }
0x9a: {  	s5 =	simm.s32 $_size__tile_overlayer_lowered;
	s6 =	simm.s32 $_tile_overlayer_lowered  }
0x9b: {  	s7 =	simm.s32 $0x1BFF;
	s21 =	sshll.u32 s6, $0x1;
	s4 =	sadd.s32 s4, s20  }
0x9c: {  	s22 =	simm.s32 $0x0;
	s5 =	sshll.u32 s5, $0x1;
	s6 =	sadd.s32 s21, s4  }
0x9d: {  	[timem:s22], [sflag:s7] =	dma.local [hbm:s6], s5  }
0x9e: {  	_ =	swait.ge [sflag:s7], s5  }
0x9f: {  	s5 =	ssub.s32 $0x0, s5;
	[sflag:s7] =	ssyncset.done $0x0  }
0xa0: {  	[sflag:s7] =	ssyncadd.s32 s5;
	_ =	sdelay $0x1  }
0xa1: {  	s23 =	simm.s32 $0x1B8B  }
0xa2: {  	_ =	swait.ge [sflag:s23], $0x1  }
0xa3: {  	[sflag:s23] =	ssyncset.done $0x0  }
0xa4: {  	[sflag:s23] =	ssyncadd.s32 $0xFFFFFFFF  }
0xa5: {  	s5 =	sld [smem:$0x0]  }
0xa6: {  	s6 =	sand.u32 $0xFFFFFFFE, s1  }
0xa7: {  	p0 =	sne.s32 s1, s6  }
0xa8: {  	s6 =	sshll.u32 @p0 s6, $0xE  }
0xa9: {  	s6 =	sadd.s32 @p0 $0x11B8D, s6;
	s7 =	sshll.u32 @p0 s5, $0x11  }
0xaa: {  	s6 =	sor.u32 @p0 s7, s6  }
0xab: {  	[sflag:s6] =	ssyncadd.remote.s32 @p0 $0x1;
	_ =	sdelay $0x1  }
0xac: {  	s6 =	simm.s32 @p0 $0x1B8D  }
0xad: {  	_ =	swait.eq @p0 [sflag:s6], $0x1  }
0xae: {  	[sflag:s6] =	ssyncadd.s32 @p0 $0xFFFFFFFF  }
0xaf: {  	s7 =	sshll.u32 @!p0 s1, $0xE  }
0xb0: {  	s7 =	sor.u32 @!p0 $0x4000, s7;
	s6 =	simm.s32 @!p0 $0x1B8D  }
0xb1: {  	s5 =	sshll.u32 @!p0 s5, $0x11;
	s7 =	sadd.s32 @!p0 $0x11B8D, s7;
	_ =	swait.eq @!p0 [sflag:s6], $0x1  }
0xb2: {  	s5 =	sor.u32 @!p0 s5, s7;
	[sflag:s6] =	ssyncadd.s32 @!p0 $0xFFFFFFFF  }
0xb3: {  	s25 =	simm.s32 $0x1B8E;
	s24 =	sld [smem:$0x3FFE];
	[sflag:s5] =	ssyncadd.remote.s32 @!p0 $0x1  }
0xb4: {  	s26 =	simm.s32 $execute0_lowered;
	[smem:$0x3FD2] =	sst s25  }
0xb5: {  	s6 =	sshll.u32 s26, $0x1;
	_ =	strace $0x80000049;
	[dreg:$0x1] =	wrdreg $0xFFFFFFFF  }
0xb6: {  	s28 =	simm.s32 $_size_execute0_lowered;
	s4 =	sadd.s32 s4, s6;
	[dreg:$0x0] =	wrdreg $0x0  }
0xb7: {  	s6 =	sshll.u32 s28, $0x1;
	[dreg:$0x2] =	wrdreg s4  }
0xb8: {  	[dreg:$0x3] =	wrdreg s6  }
0xb9: {  	[dreg:$0x4] =	wrdreg $0xC0  }
0xba: {  	_ =	task [dreg:s22], $0x5FFFF  }
0xbb: {  	[dreg:$0x1] =	wrdreg $0xFFFFFFFF  }
0xbc: {  	[dreg:$0x0] =	wrdreg $0x60  }
0xbd: {  	[dreg:$0x2] =	wrdreg s18  }
0xbe: {  	[dreg:$0x3] =	wrdreg s24  }
0xbf: {  	[dreg:$0x4] =	wrdreg $0x90800  }
0xc0: {  	[dreg:$0x5] =	wrdreg $0x1D0800  }
0xc1: {  	[dreg:$0x6] =	wrdreg $0x9  }
0xc2: {  	_ =	task.clear_ibuf [dreg:s22], $0x7FFFF;
	_ =	strace $0x90000049  }
0xc3: {  	s29 =	simm.s32 $0x9;
	_ =	strace $0x8000004B  }
0xc4: {  	_ =	swait.ge [sflag:s29], $0x1  }
0xc5: {  	[sflag:s29] =	ssyncadd.s32 $0xFFFFFFFF  }
0xc6: {  	_ =	strace $0x9000004B  }
0xc7: {  	_ =	sfence  }
0xc8: {  	s30 =	sld [smem:$0x0];
	_ =	sdelay $0x2  }
0xc9: {  	s31 =	sshll.u32 s1, $0xD;
	s1 =	sshrl.u32 s1, $0x2  }
0xca: {  	s4 =	sand.u32 $0x4000, s31;
	s1 =	sadd.s32 s1, s30  }
0xcb: {  	s0 =	sor.u32 s4, s0;
	s1 =	sshll.u32 s1, $0x11  }
0xcc: {  	s0 =	sor.u32 s1, s0  }
0xcd: {  	s0 =	sadd.s32 $0x8F2B, s0  }
0xce: {  	[sflag:s0] =	ssyncadd.remote.s32 $0x1  }
0xcf: {  	_ =	sfence.sel $0xFFFF  }
0xd0: {  	[dreg:$0x0] =	wrdreg $0xFFFFFFFF;
	(pc) =	sbr.abs _section_cstart, $3  }
0xd1: {  	[dreg:$0x1] =	wrdreg $0xFFFFFFFF  }
0xd2: {  	_ =	task.clear_ibuf [dreg:s22], $0x2FFFF;
	_ =	strace $0x9FFFFFFF  }
0xd3: {  	(tm) =	ssettm $0x7FFFFFFF  }
tec
execute0_lowered:
.L_overlay_start_1:
0x0: {  	(tag) =	ssettag $0x1  }
0x1: {  	s1 =	rddreg [dreg:$0x0]  }
0x2: {  	s2 =	srdreg.scid;
	s6 =	rddreg [dreg:$0x1]  }
0x3: {  	s0 =	stileid.u32;
	s3 =	rddreg [dreg:$0x2]  }
0x4: {  	s4 =	rddreg [dreg:$0x3];
	s10 =	smul.u32 $0x14000, s0  }
0x5: {  	s5 =	simm.s32 $0x0;
	s28 =	simm.s32 $0x20;
	s11 =	smul.u32 $0x500, s0  }
0x6: {  	s29 =	simm.s32 $0x10;
	s7 =	sand.u32 $0x1, s2;
	s16 =	smul.u32 $0x280, s0  }
0x7: {  	s13 =	sshll.u32 s0, $0x1;
	[smem:$0x7FF] =	sst s5;
	s22 =	smul.u32 $0x50000, s0  }
0x8: {  	s2 =	sor.u32 s7, s13;
	s9 =	smul.u32 $0x140000, s7;
	_ =	strace $0x8000004A  }
0x9: {  	s15 =	sshll.u32 s7, $0x7;
	s23 =	ssub.s32 $0x2, s7;
	s8 =	smul.u32 $0x500, s2  }
0xa: {  	s12 =	sadd.s32 $0x80, s16;
	s7 =	sshrl.u32 s23, $0x1;
	s24 =	sshrl.u32 s22, $0x2  }
0xb: {  	s13 =	sadd.s32 $0x100, s16;
	s22 =	simm.s32 $0x2;
	s14 =	sadd.s32 s10, s9  }
0xc: {  	s9 =	sor.u32 s15, s11;
	s25 =	sshll.u32 s12, $0x7;
	s20 =	ssub.s32 s23, s7  }
0xd: {  	s15 =	sadd.s32 $0x200, s16;
	s26 =	sshll.u32 s13, $0x7;
	s11 =	sadd.s32 s16, s4  }
0xe: {  	s12 =	sadd.s32 s12, s4;
	s13 =	sadd.s32 s13, s4;
	s23 =	simm.s32 $0x2800  }
0xf: {  	s17 =	sadd.s32 s8, s6;
	s8 =	sshrl.u32 s14, $0x3;
	s21 =	sshrl.u32 s9, $0x3  }
0x10: {  	s7 =	sadd.s32 s25, s3;
	s14 =	sadd.s32 $0x180, s16;
	s31 =	sshll.u32 s15, $0x7  }
0x11: {  	s15 =	sadd.s32 s15, s4;
	s20 =	smax.u32 s20, $0x1;
	s25 =	simm.s32 $0x1  }
0x12: {  	s18 =	sadd.s32 s8, s6;
	s19 =	sadd.s32 s21, s6;
	s6 =	sadd.s32 s24, s3  }
0x13: {  	s30 =	sshll.u32 s14, $0x7;
	s8 =	sadd.s32 s26, s3;
	s10 =	sadd.s32 s31, s3  }
0x14: {  	s14 =	sadd.s32 s14, s4;
	s16 =	sadd.s32 $0x69000, s17;
	s17 =	sadd.s32 $0x73000, s17  }
0x15: {  	s21 =	simm.s32 $0x5000;
	s24 =	simm.s32 $0x80;
	s26 =	simm.s32 $0x9000  }
0x16: {  	v0 =	vimm.f32 $0.0e+00;
	v1 =	vimm.f32 $1.000000000e+00;
	s9 =	sadd.s32 s30, s3;
	s18 =	sadd.s32 $0x7DA00, s18;
	s19 =	sadd.s32 $0x7D000, s19  }
.LBB2_1:
0x17: {  	s30 =	simm.s32 $0x0;
	s31 =	simm.s32 $0x200  }
.LBB2_2:
0x18: {  	p0 =	sne.s32 s31, $0xFE00;
	[tilespmem:s30+$0x5070] =	vst v0  }
0x19: {  	[tilespmem:s30+$0x5000] =	vst v0  }
0x1a: {  	[tilespmem:s30+$0x5010] =	vst v0  }
.Ltmp0:
0x1b: {  	[tilespmem:s30+$0x5020] =	vst v0;
	(pc) =	sbr.rel @p0 .LBB2_2-.Ltmp0, $4  }
0x1c: {  	[tilespmem:s30+$0x5030] =	vst v0  }
0x1d: {  	[tilespmem:s30+$0x5040] =	vst v0  }
0x1e: {  	[tilespmem:s30+$0x5050] =	vst v0  }
0x1f: {  	[tilespmem:s30+$0x5060] =	vst v0;
	s30 =	sshra.s32 s31, $0x2;
	s31 =	sadd.s32 $0x200, s31  }
0x20: {  	[tilespmem:s30+$0x5070] =	vst v0  }
0x21: {  	[tilespmem:s30+$0x5000] =	vst v0  }
0x22: {  	[tilespmem:s30+$0x5010] =	vst v0  }
0x23: {  	[tilespmem:s30+$0x5020] =	vst v0  }
0x24: {  	[tilespmem:s30+$0x5030] =	vst v0  }
0x25: {  	[tilespmem:s30+$0x5040] =	vst v0  }
0x26: {  	[tilespmem:s30+$0x5050] =	vst v0  }
0x27: {  	[tilespmem:s30+$0x5060] =	vst v0  }
0x28: {  	[tilespmem:$0x9000] =	vst v1  }
0x29: {  	[tilespmem:$0x9010] =	vst v1  }
0x2a: {  	[tilespmem:$0x9020] =	vst v1  }
0x2b: {  	[tilespmem:$0x9030] =	vst v1  }
0x2c: {  	[tilespmem:$0x9040] =	vst v1  }
0x2d: {  	[tilespmem:$0x9050] =	vst v1  }
0x2e: {  	[tilespmem:$0x9060] =	vst v1  }
0x2f: {  	[tilespmem:$0x9070] =	vst v1  }
0x30: {  	[spmem:s6] =	stream.linear.scatter [tilespmem:s21], [sflag:$0x2], $0x4000, $0x38;
	[tilespmem:$0x1D300] =	vst v63  }
0x31: {  	_ =	swait.ge [sflag:s22], $0x4000  }
0x32: {  	[sflag:s22] =	ssyncset.done $0x0  }
0x33: {  	[sflag:s22] =	ssyncadd.s32 $0xFFFFC000  }
0x34: {  	[spmem:s7] =	stream.linear.scatter [tilespmem:s21], [sflag:$0x2], $0x4000, $0x38;
	[tilespmem:$0x1D300] =	vst v63  }
0x35: {  	_ =	swait.ge [sflag:s22], $0x4000  }
0x36: {  	[sflag:s22] =	ssyncset.done $0x0  }
0x37: {  	[sflag:s22] =	ssyncadd.s32 $0xFFFFC000  }
0x38: {  	[spmem:s8] =	stream.linear.scatter [tilespmem:s21], [sflag:$0x2], $0x4000, $0x38;
	[tilespmem:$0x1D300] =	vst v63  }
0x39: {  	_ =	swait.ge [sflag:s22], $0x4000  }
0x3a: {  	[sflag:s22] =	ssyncset.done $0x0  }
0x3b: {  	[sflag:s22] =	ssyncadd.s32 $0xFFFFC000  }
0x3c: {  	[spmem:s9] =	stream.linear.scatter [tilespmem:s21], [sflag:$0x2], $0x4000, $0x38;
	[tilespmem:$0x1D300] =	vst v63  }
0x3d: {  	_ =	swait.ge [sflag:s22], $0x4000  }
0x3e: {  	[sflag:s22] =	ssyncset.done $0x0  }
0x3f: {  	[sflag:s22] =	ssyncadd.s32 $0xFFFFC000  }
0x40: {  	[spmem:s10] =	stream.linear.scatter [tilespmem:s21], [sflag:$0x2], $0x4000, $0x38;
	[tilespmem:$0x1D300] =	vst v63  }
0x41: {  	_ =	swait.ge [sflag:s22], $0x4000  }
0x42: {  	[sflag:s22] =	ssyncset.done $0x0  }
0x43: {  	[sflag:s22] =	ssyncadd.s32 $0xFFFFC000  }
0x44: {  	[spmem:s11] =	stream.linear.scatter [tilespmem:s21], [sflag:$0x2], $0x80, $0x38;
	[tilespmem:$0x1D300] =	vst v63  }
0x45: {  	_ =	swait.ge [sflag:s22], $0x80  }
0x46: {  	[sflag:s22] =	ssyncset.done $0x0  }
0x47: {  	[sflag:s22] =	ssyncadd.s32 $0xFFFFFF80  }
0x48: {  	[spmem:s12] =	stream.linear.scatter [tilespmem:s21], [sflag:$0x2], $0x80, $0x38;
	[tilespmem:$0x1D300] =	vst v63  }
0x49: {  	_ =	swait.ge [sflag:s22], $0x80  }
0x4a: {  	[sflag:s22] =	ssyncset.done $0x0  }
0x4b: {  	[sflag:s22] =	ssyncadd.s32 $0xFFFFFF80  }
0x4c: {  	[spmem:s13] =	stream.linear.scatter [tilespmem:s21], [sflag:$0x2], $0x80, $0x38;
	[tilespmem:$0x1D300] =	vst v63  }
0x4d: {  	_ =	swait.ge [sflag:s22], $0x80  }
0x4e: {  	[sflag:s22] =	ssyncset.done $0x0  }
0x4f: {  	[sflag:s22] =	ssyncadd.s32 $0xFFFFFF80  }
0x50: {  	[spmem:s14] =	stream.linear.scatter [tilespmem:s21], [sflag:$0x2], $0x80, $0x38;
	[tilespmem:$0x1D300] =	vst v63  }
0x51: {  	_ =	swait.ge [sflag:s22], $0x80  }
0x52: {  	[sflag:s22] =	ssyncset.done $0x0  }
0x53: {  	[sflag:s22] =	ssyncadd.s32 $0xFFFFFF80  }
0x54: {  	[spmem:s15] =	stream.linear.scatter [tilespmem:s21], [sflag:$0x2], $0x80, $0x38;
	[tilespmem:$0x1D300] =	vst v63  }
0x55: {  	_ =	swait.ge [sflag:s22], $0x80  }
0x56: {  	[sflag:s22] =	ssyncset.done $0x0  }
0x57: {  	[sflag:s22] =	ssyncadd.s32 $0xFFFFFF80  }
0x58: {  	s30 =	simm.s32 $0x0;
	[bflag:$0x0] =	sbarrier.arrive $0xFFFF  }
0x59: {  	[tilespmem:s30], [sflag:$0x2] =	stream.linear.gather [hbm4b:s16+s30], $0x2780, $0x38;
	[tilespmem:$0x1D300] =	vst v63  }
0x5a: {  	_ =	swait.ge [sflag:s22], $0x2780  }
0x5b: {  	[sflag:s22] =	ssyncset.done $0x0  }
0x5c: {  	[sflag:s22] =	ssyncadd.s32 $0xFFFFD880  }
0x5d: {  	[tilespmem:s23], [sflag:$0x2] =	stream.linear.gather [hbm4b:s17+s30], $0x2780, $0x38;
	[tilespmem:$0x1D300] =	vst v63  }
0x5e: {  	_ =	swait.ge [sflag:s22], $0x2780  }
0x5f: {  	[sflag:s22] =	ssyncset.done $0x0  }
0x60: {  	s30 =	simm.s32 $0x0;
	[sflag:s22] =	ssyncadd.s32 $0xFFFFD880  }
0x61: {  	[tilespmem:s21], [sflag:$0x1] =	stream.indirect.gather [hbm4b:s1+s24], $0x80, s30, s24, $0xb8;
	[tilespmem:$0x1D300] =	vst v63  }
0x62: {  	_ =	swait.ge [sflag:s25], $0x4000  }
0x63: {  	[sflag:s25] =	ssyncset.done $0x0  }
0x64: {  	s30 =	simm.s32 $0x2800;
	[sflag:s25] =	ssyncadd.s32 $0xFFFFC000  }
0x65: {  	[spmem:s3] =	stream.indirect.scatter.add.f32 [tilespmem:s21], [sflag:$0x2], $0x80, s30, s24, $0xb8;
	[tilespmem:$0x1D300] =	vst v63  }
0x66: {  	_ =	swait.ge [sflag:s22], $0x4000  }
0x67: {  	[sflag:s22] =	ssyncset.done $0x0  }
0x68: {  	[sflag:s22] =	ssyncadd.s32 $0xFFFFC000  }
0x69: {  	[spmem:s4] =	stream.indirect.scatter.add.f32 [tilespmem:s26], [sflag:$0x2], $0x1, s30, s24, $0xb8;
	[tilespmem:$0x1D300] =	vst v63  }
0x6a: {  	_ =	swait.ge [sflag:s22], $0x80  }
0x6b: {  	s31 =	simm.s32 $0x400;
	s30 =	simm.s32 $0x200;
	[sflag:s22] =	ssyncset.done $0x0  }
.LBB2_4:
0x6c: {  	s2 =	sshra.s32 s30, $0x2  }
0x6d: {  	[sflag:s22] =	ssyncadd.s32 $0xFFFFFF80;
	s30 =	smov.u32 s31;
	s0 =	sadd.s32 $0x200, s31  }
0x6e: {  	[tilespmem:s21], [sflag:$0x1] =	stream.indirect.gather [hbm4b:s1+s24], $0x80, s2, s24, $0xb8;
	[tilespmem:$0x1D300] =	vst v63  }
0x6f: {  	p0 =	sne.s32 s31, $0x9C00;
	_ =	swait.ge [sflag:s25], $0x4000  }
0x70: {  	[sflag:s25] =	ssyncset.done $0x0  }
0x71: {  	s2 =	sadd.s32 $0x2800, s2;
	[sflag:s25] =	ssyncadd.s32 $0xFFFFC000  }
0x72: {  	[spmem:s3] =	stream.indirect.scatter.add.f32 [tilespmem:s21], [sflag:$0x2], $0x80, s2, s24, $0xb8;
	[tilespmem:$0x1D300] =	vst v63  }
0x73: {  	_ =	swait.ge [sflag:s22], $0x4000  }
.Ltmp1:
0x74: {  	[sflag:s22] =	ssyncset.done $0x0;
	(pc) =	sbr.rel @p0 .LBB2_4-.Ltmp1, $4  }
0x75: {  	[sflag:s22] =	ssyncadd.s32 $0xFFFFC000  }
0x76: {  	[spmem:s4] =	stream.indirect.scatter.add.f32 [tilespmem:s26], [sflag:$0x2], $0x1, s2, s24, $0xb8;
	[tilespmem:$0x1D300] =	vst v63  }
0x77: {  	_ =	swait.ge [sflag:s22], $0x80  }
0x78: {  	s31 =	smov.u32 s0;
	[sflag:s22] =	ssyncset.done $0x0  }
0x79: {  	s0 =	sshra.s32 s30, $0x2;
	[sflag:s22] =	ssyncadd.s32 $0xFFFFFF80  }
0x7a: {  	[tilespmem:s21], [sflag:$0x1] =	stream.indirect.gather [hbm4b:s1+s24], $0x80, s0, s24, $0xb8;
	[tilespmem:$0x1D300] =	vst v63  }
0x7b: {  	_ =	swait.ge [sflag:s25], $0x4000  }
0x7c: {  	[sflag:s25] =	ssyncset.done $0x0  }
0x7d: {  	s0 =	sadd.s32 $0x2800, s0;
	[sflag:s25] =	ssyncadd.s32 $0xFFFFC000  }
0x7e: {  	[spmem:s3] =	stream.indirect.scatter.add.f32 [tilespmem:s21], [sflag:$0x2], $0x80, s0, s24, $0xb8;
	[tilespmem:$0x1D300] =	vst v63  }
0x7f: {  	_ =	swait.ge [sflag:s22], $0x4000  }
0x80: {  	[sflag:s22] =	ssyncset.done $0x0  }
0x81: {  	[sflag:s22] =	ssyncadd.s32 $0xFFFFC000  }
0x82: {  	[spmem:s4] =	stream.indirect.scatter.add.f32 [tilespmem:s26], [sflag:$0x2], $0x1, s0, s24, $0xb8;
	[tilespmem:$0x1D300] =	vst v63  }
0x83: {  	_ =	swait.ge [sflag:s22], $0x80  }
0x84: {  	s30 =	stileid.u32;
	[sflag:s22] =	ssyncset.done $0x0  }
0x85: {  	s0 =	sshll.u32 s30, $0x6;
	[sflag:s22] =	ssyncadd.s32 $0xFFFFFF80  }
0x86: {  	s2 =	sshrl.u32 s6, $0x3;
	s0 =	sor.u32 $0x1C02, s0;
	[bflag:$0x0] =	sbarrier.arrive $0xFFFF  }
0x87: {  	[hbm:s18], [sflag:s0] =	dma.local [spmem:s2], $0x2800  }
0x88: {  	s5 =	sadd.s32 $0x1, s5;
	_ =	swait.ge [sflag:s22], $0x2800  }
0x89: {  	p0 =	sne.s32 s5, s20;
	[sflag:s22] =	ssyncset.done $0x0  }
.Ltmp2:
0x8a: {  	s31 =	sshrl.u32 s11, $0x3;
	[sflag:s22] =	ssyncadd.s32 $0xFFFFD800;
	(pc) =	sbr.rel @p0 .LBB2_1-.Ltmp2, $4  }
0x8b: {  	[hbm:s19@s28], [sflag:s0] =	dma.strided [spmem:s31@s29], $0x50, s25, $0x10   }
0x8c: {  	_ =	swait.ge [sflag:s22], $0x50  }
0x8d: {  	[sflag:s22] =	ssyncset.done $0x0  }
0x8e: {  	[sflag:s22] =	ssyncadd.s32 $0xFFFFFFB0  }
0x8f: {  	_ =	sfence.sel $0x180000  }
0x90: {  	[bflag:$0x0] =	sbarrier.arrive $0xFFFF  }
0x91: {  	_ =	strace $0x9000004A  }
0x92: {  	s0 =	stileid.u32;
	[bflag:$0x2] =	sbarrier.arrive $0xFFFF  }
0x93: {  	p0 =	sne.s32 s0, $0x0;
	s0 =	rddreg [dreg:$0x4]  }
0x94: {  	s0 =	sadd.s32 @!p0 $0x100000, s0  }
0x95: {  	[sflag:s0] =	ssyncadd.tile.s32 @!p0 $0x1;
	_ =	shalt  }
.Lfunc_end2:
_tile_overlayer_lowered:
.L_overlay_start_2:
0x96: {  	(tag) =	ssettag $0x2  }
0x97: {  	s0 =	rddreg [dreg:$0x0];
	s2 =	stileid.u32  }
0x98: {  	s1 =	rddreg [dreg:$0x1];
	p0 =	sne.s32 s2, $0x0  }
0x99: {  	s3 =	rddreg [dreg:$0x2];
	[bflag:$0x3] =	sbarrier.arrive $0xFFFF;
	s2 =	simm.s32 @!p0 $0x1C02  }
0x9a: {  	[timem:s3], [sflag:s2] =	dma.local @!p0 [hbm:s0], s1  }
0x9b: {  	s0 =	simm.s32 @!p0 $0x2  }
0x9c: {  	_ =	swait.ge @!p0 [sflag:s0], s1  }
0x9d: {  	s1 =	ssub.s32 @!p0 $0x0, s1;
	[sflag:s0] =	ssyncset.done @!p0 $0x0  }
0x9e: {  	[sflag:s0] =	ssyncadd.s32 @!p0 s1  }
0x9f: {  	[bflag:$0x3] =	sbarrier.arrive $0xFFFF  }
0xa0: {  	_ =	shalt  }

// kernel: kernel.14.cloned.1.call-start
scs
__scs_entry_jumppad:
0x0: {  	(pc) =	sbr.rel $0x88, $3  }
0x1: {  	(tag) =	ssettag $0x0;
	lr =	simm.s32 $0x1  }
0x2: {  	[smem:$0x3F87] =	sst lr;
	_ =	strace $0xD0000000  }
0x3: {  	_ = 	snop  }
0x4: {  	_ = 	snop  }
0x5: {  	_ = 	snop  }
0x6: {  	_ = 	snop  }
0x7: {  	_ = 	snop  }
__scs_overlays_trampoline_lowered:
0x8: {  	[smem:$0x3F96] =	sst s0  }
0x9: {  	[smem:$0x3F97] =	sst s1  }
0xa: {  	[smem:$0x3F98] =	sst s2  }
0xb: {  	[smem:$0x3F99] =	sst s3  }
0xc: {  	[smem:$0x3F9A] =	sst s4  }
0xd: {  	[smem:$0x3F9B] =	sst s5  }
0xe: {  	[smem:$0x3F9C] =	sst s6  }
0xf: {  	[smem:$0x3F9D] =	sst s7  }
0x10: {  	[smem:$0x3F9E] =	sst s8  }
0x11: {  	[smem:$0x3F9F] =	sst s9;
	s0 =	simm.s32 @!p0 $0x0  }
0x12: {  	s1 =	sld [smem:$0x3F85];
	s0 =	simm.s32 @p0 $0x1  }
0x13: {  	[smem:$0x3FA0] =	sst s0;
	s0 =	simm.s32 @!p1 $0x0  }
0x14: {  	s2 =	sld [smem:$0x3F84];
	s0 =	simm.s32 @p1 $0x1  }
0x15: {  	[smem:$0x3FA1] =	sst s0;
	s0 =	simm.s32 @!p2 $0x0  }
0x16: {  	s3 =	sld [smem:$0x3FDB];
	s0 =	simm.s32 @p2 $0x1  }
0x17: {  	s4 =	simm.s32 $0x1BF5;
	[smem:$0x3FA3] =	sst s0  }
0x18: {  	s0 =	sld [smem:$0x3F86];
	_ =	swait.ge [sflag:s4], $0x0  }
0x19: {  	s7 =	sld [smem:$0x3F87]  }
0x1a: {  	s8 =	sadd.s32 $0xFFFFE003, lr  }
0x1b: {  	s9 =	sadd.s32 $0xFFFFFEF7, lr;
	s5 =	simm.s32 $0xFFFFFFFF;
	p2 =	slt.u32 s8, $0xFFFFF086  }
0x1c: {  	p1 =	slt.u32 s9, $0xF7A;
	s5 =	simm.s32 @!p2 $0x0  }
0x1d: {  	s5 =	simm.s32 @p1 $0x1;
	p0 =	seq.s32 s7, s2  }
0x1e: {  	s7 =	smul.u32 @!p0 $0xF7A, s2;
	p2 =	seq.s32 @!p0 s5, $0x0  }
0x1f: {  	s9 =	smul.u32 $0xF7A, s1;
	s8 =	simm.s32 @!p0 $0x1BF5;
	p2 =	por !p2, p0  }
0x20: {  	[sflag:s8] =	ssyncset.s32 @!p0 $0xFFFFF086;
	s6 =	sadd.s32 @!p0 s3, s7;
	s7 =	simm.s32 @!p0 $0x108  }
0x21: {  	s3 =	sadd.s32 s3, s9;
	s6 =	sadd.s32 @!p0 $0x88, s6;
	s7 =	simm.s32 @p2 $0x1082  }
0x22: {  	[simem:s7], [sflag:s8] =	dma.local @!p0 [hbm:s6], $0xF7A  }
0x23: {  	s9 =	sor.u32 $0xD0000000, s2;
	s6 =	simm.s32 $0x108;
	_ =	swait.ge @!p0 [sflag:s8], $0x0  }
0x24: {  	s3 =	sadd.s32 $0x88, s3;
	s6 =	simm.s32 @!p1 $0x1082;
	[sflag:s4] =	ssyncset.s32 $0xFFFFF086  }
0x25: {  	[simem:s6], [sflag:s4] =	dma.local [hbm:s3], $0xF7A  }
0x26: {  	[smem:$0x3F87] =	sst s1;
	(tag) =	ssettag s2;
	_ =	strace s9  }
0x27: {  	s1 =	sld [smem:$0x3F97]  }
0x28: {  	s2 =	sld [smem:$0x3F98]  }
0x29: {  	s4 =	sld [smem:$0x3F9A]  }
0x2a: {  	p0 =	seq.s32 s5, $0x0;
	s5 =	sld [smem:$0x3F9B]  }
0x2b: {  	s6 =	sld [smem:$0x3F9C]  }
0x2c: {  	s7 =	sld [smem:$0x3F9D]  }
0x2d: {  	s3 =	simm.s32 $0x108;
	s8 =	sld [smem:$0x3F9E]  }
0x2e: {  	s3 =	simm.s32 @!p0 $0x1082;
	s9 =	sld [smem:$0x3F9F]  }
0x2f: {  	lr =	sadd.s32 s0, s3;
	s0 =	sld [smem:$0x3F96]  }
0x30: {  	s3 =	sld [smem:$0x3F99]  }
0x31: {  	[smem:$0x3FA2] =	sst s10  }
0x32: {  	s10 =	sld [smem:$0x3FA0];
	_ =	sdelay $0x3  }
0x33: {  	p0 =	seq.s32 s10, $0x1;
	s10 =	sld [smem:$0x3FA2];
	_ =	sdelay $0x3  }
0x34: {  	[smem:$0x3FA2] =	sst s10  }
0x35: {  	s10 =	sld [smem:$0x3FA1];
	_ =	sdelay $0x3  }
0x36: {  	p1 =	seq.s32 s10, $0x1;
	s10 =	sld [smem:$0x3FA2];
	_ =	sdelay $0x3  }
0x37: {  	[smem:$0x3FA2] =	sst s10  }
0x38: {  	s10 =	sld [smem:$0x3FA3]  }
0x39: {  	_ = 	snop;
	(pc) =	sbr.ind lr, $3  }
0x3a: {  	_ = 	snop  }
0x3b: {  	_ = 	snop  }
0x3c: {  	p2 =	seq.s32 s10, $0x1;
	s10 =	sld [smem:$0x3FA2]  }
0x3d: {  	_ =	shalt  }
0x3e: {  	_ =	shalt  }
0x3f: {  	_ =	shalt  }
0x40: {  	_ =	shalt  }
0x41: {  	_ =	shalt  }
0x42: {  	_ =	shalt  }
0x43: {  	_ =	shalt  }
0x44: {  	_ =	shalt  }
0x45: {  	_ =	shalt  }
0x46: {  	_ =	shalt  }
0x47: {  	_ =	shalt  }
0x48: {  	_ =	shalt  }
0x49: {  	_ =	shalt  }
0x4a: {  	_ =	shalt  }
0x4b: {  	_ =	shalt  }
0x4c: {  	_ =	shalt  }
0x4d: {  	_ =	shalt  }
0x4e: {  	_ =	shalt  }
0x4f: {  	_ =	shalt  }
0x50: {  	_ =	shalt  }
0x51: {  	_ =	shalt  }
0x52: {  	_ =	shalt  }
0x53: {  	_ =	shalt  }
0x54: {  	_ =	shalt  }
0x55: {  	_ =	shalt  }
0x56: {  	_ =	shalt  }
0x57: {  	_ =	shalt  }
0x58: {  	_ =	shalt  }
0x59: {  	_ =	shalt  }
0x5a: {  	_ =	shalt  }
0x5b: {  	_ =	shalt  }
0x5c: {  	_ =	shalt  }
0x5d: {  	_ =	shalt  }
0x5e: {  	_ =	shalt  }
0x5f: {  	_ =	shalt  }
0x60: {  	_ =	shalt  }
0x61: {  	_ =	shalt  }
0x62: {  	_ =	shalt  }
0x63: {  	_ =	shalt  }
0x64: {  	_ =	shalt  }
0x65: {  	_ =	shalt  }
0x66: {  	_ =	shalt  }
0x67: {  	_ =	shalt  }
0x68: {  	_ =	shalt  }
0x69: {  	_ =	shalt  }
0x6a: {  	_ =	shalt  }
0x6b: {  	_ =	shalt  }
0x6c: {  	_ =	shalt  }
0x6d: {  	_ =	shalt  }
0x6e: {  	_ =	shalt  }
0x6f: {  	_ =	shalt  }
0x70: {  	_ =	shalt  }
0x71: {  	_ =	shalt  }
0x72: {  	_ =	shalt  }
0x73: {  	_ =	shalt  }
0x74: {  	_ =	shalt  }
0x75: {  	_ =	shalt  }
0x76: {  	_ =	shalt  }
0x77: {  	_ =	shalt  }
0x78: {  	_ =	shalt  }
0x79: {  	_ =	shalt  }
0x7a: {  	_ =	shalt  }
0x7b: {  	_ =	shalt  }
0x7c: {  	_ =	shalt  }
0x7d: {  	_ =	shalt  }
0x7e: {  	_ =	shalt  }
0x7f: {  	_ =	shalt  }
0x80: {  	_ =	shalt  }
0x81: {  	_ =	shalt  }
0x82: {  	_ =	shalt  }
0x83: {  	_ =	shalt  }
0x84: {  	_ =	shalt  }
0x85: {  	_ =	shalt  }
0x86: {  	_ =	shalt  }
0x87: {  	_ =	shalt  }
.Lfunc_end0:
.L_simem_size_0:
called_computation.1_lowered:
.L_overlay_start_0:
0x88: {  	s2 =	sld [smem:$0x3FD9]  }
0x89: {  	s3 =	sld [smem:$0x3FFE];
	_ =	sdelay $0x1  }
0x8a: {  	s1 =	srdreg.scid  }
0x8b: {  	s0 =	sand.u32 $0x1, s1  }
0x8c: {  	s17 =	sshll.u32 s0, $0xA;
	s2 =	sadd.s32 s3, s2  }
0x8d: {  	s2 =	sadd.s32 s2, s17  }
0x8e: {  	[smem:$0x3FAE] =	sst s2  }
0x8f: {  	_ = 	snop  }
0x90: {  	s2 =	sld [smem:$0x3FC6];
	(tm) =	ssettm $0x1  }
0x91: {  	s18 =	sld [smem:$0x3FFB];
	_ =	sdelay $0x3  }
0x92: {  	_ =	strace s18  }
0x93: {  	s3 =	sld [smem:$0x3FFC];
	_ =	sdelay $0x3  }
0x94: {  	_ =	strace s3  }
0x95: {  	s3 =	sld [smem:$0x3FFD];
	_ =	sdelay $0x3  }
0x96: {  	_ =	strace s3  }
0x97: {  	_ =	strace $0x8FFFFFFF  }
0x98: {  	s19 =	sld [smem:$0x3FDB];
	_ =	sdelay $0x1  }
0x99: {  	s4 =	simm.s32 $_scs_section_size  }
0x9a: {  	s5 =	simm.s32 $_size__tile_overlayer_lowered;
	s6 =	simm.s32 $_tile_overlayer_lowered  }
0x9b: {  	s22 =	simm.s32 $0x1BFF;
	s21 =	sshll.u32 s6, $0x1;
	s3 =	sadd.s32 s4, s19  }
0x9c: {  	s7 =	simm.s32 $0x0;
	s20 =	sshll.u32 s5, $0x1;
	s5 =	sadd.s32 s21, s3  }
0x9d: {  	[timem:s7], [sflag:s22] =	dma.local [hbm:s5], s20  }
0x9e: {  	_ =	swait.ge [sflag:s22], s20  }
0x9f: {  	s4 =	ssub.s32 $0x0, s20;
	[sflag:s22] =	ssyncset.done $0x0  }
0xa0: {  	[sflag:s22] =	ssyncadd.s32 s4;
	_ =	sdelay $0x1  }
0xa1: {  	s23 =	simm.s32 $0x1B8B  }
0xa2: {  	_ =	swait.ge [sflag:s23], $0x1  }
0xa3: {  	[sflag:s23] =	ssyncset.done $0x0  }
0xa4: {  	s25 =	simm.s32 $0x1B8E;
	s24 =	sld [smem:$0x3FFE];
	[sflag:s23] =	ssyncadd.s32 $0xFFFFFFFF  }
0xa5: {  	s26 =	simm.s32 $execute0_lowered;
	[smem:$0x3FD2] =	sst s25  }
0xa6: {  	s5 =	sshll.u32 s26, $0x1;
	_ =	strace $0x80000046;
	[dreg:$0x1] =	wrdreg $0xFFFFFFFF  }
0xa7: {  	s28 =	simm.s32 $_size_execute0_lowered;
	s3 =	sadd.s32 s3, s5;
	[dreg:$0x0] =	wrdreg $0x0  }
0xa8: {  	s5 =	sshll.u32 s28, $0x1;
	[dreg:$0x2] =	wrdreg s3  }
0xa9: {  	[dreg:$0x3] =	wrdreg s5  }
0xaa: {  	[dreg:$0x4] =	wrdreg $0xC0  }
0xab: {  	_ =	task [dreg:s7], $0x5FFFF  }
0xac: {  	[dreg:$0x1] =	wrdreg $0xFFFFFFFF  }
0xad: {  	[dreg:$0x0] =	wrdreg $0x60  }
0xae: {  	[dreg:$0x2] =	wrdreg s2  }
0xaf: {  	[dreg:$0x3] =	wrdreg s24  }
0xb0: {  	[dreg:$0x4] =	wrdreg $0x90800  }
0xb1: {  	[dreg:$0x5] =	wrdreg $0x1D0800  }
0xb2: {  	[dreg:$0x6] =	wrdreg $0xA  }
0xb3: {  	_ =	task.clear_ibuf [dreg:s7], $0x7FFFF;
	_ =	strace $0x90000046  }
0xb4: {  	s29 =	simm.s32 $0xA;
	_ =	strace $0x80000048  }
0xb5: {  	_ =	swait.ge [sflag:s29], $0x1  }
0xb6: {  	[sflag:s29] =	ssyncadd.s32 $0xFFFFFFFF  }
0xb7: {  	_ =	strace $0x90000048  }
0xb8: {  	_ =	sfence  }
0xb9: {  	s30 =	sld [smem:$0x0];
	_ =	sdelay $0x2  }
0xba: {  	s31 =	sshll.u32 s1, $0xD;
	s1 =	sshrl.u32 s1, $0x2  }
0xbb: {  	s3 =	sand.u32 $0x4000, s31;
	s1 =	sadd.s32 s1, s30  }
0xbc: {  	s0 =	sor.u32 s3, s0;
	s1 =	sshll.u32 s1, $0x11  }
0xbd: {  	s0 =	sor.u32 s1, s0  }
0xbe: {  	s0 =	sadd.s32 $0x8F2B, s0  }
0xbf: {  	[sflag:s0] =	ssyncadd.remote.s32 $0x1  }
0xc0: {  	_ =	sfence.sel $0xFFFF  }
0xc1: {  	[dreg:$0x0] =	wrdreg $0xFFFFFFFF;
	(pc) =	sbr.abs _section_cstart, $3  }
0xc2: {  	[dreg:$0x1] =	wrdreg $0xFFFFFFFF  }
0xc3: {  	_ =	task.clear_ibuf [dreg:s7], $0x2FFFF;
	_ =	strace $0x9FFFFFFF  }
0xc4: {  	(tm) =	ssettm $0x7FFFFFFF  }
0xc5: {  	_ =	shalt  }
tec
execute0_lowered:
.L_overlay_start_1:
0x0: {  	(tag) =	ssettag $0x1  }
0x1: {  	s1 =	rddreg [dreg:$0x0]  }
0x2: {  	s2 =	srdreg.scid;
	s6 =	rddreg [dreg:$0x1]  }
0x3: {  	s0 =	stileid.u32;
	s3 =	rddreg [dreg:$0x2]  }
0x4: {  	s4 =	rddreg [dreg:$0x3];
	s10 =	smul.u32 $0x14000, s0  }
0x5: {  	s5 =	simm.s32 $0x0;
	s28 =	simm.s32 $0x20;
	s11 =	smul.u32 $0x500, s0  }
0x6: {  	s29 =	simm.s32 $0x10;
	s7 =	sand.u32 $0x1, s2;
	s16 =	smul.u32 $0x280, s0  }
0x7: {  	s13 =	sshll.u32 s0, $0x1;
	[smem:$0x7FF] =	sst s5;
	s22 =	smul.u32 $0x50000, s0  }
0x8: {  	s2 =	sor.u32 s7, s13;
	s9 =	smul.u32 $0x140000, s7;
	_ =	strace $0x80000047  }
0x9: {  	s15 =	sshll.u32 s7, $0x7;
	s23 =	ssub.s32 $0x2, s7;
	s8 =	smul.u32 $0x500, s2  }
0xa: {  	s12 =	sadd.s32 $0x80, s16;
	s7 =	sshrl.u32 s23, $0x1;
	s24 =	sshrl.u32 s22, $0x2  }
0xb: {  	s13 =	sadd.s32 $0x100, s16;
	s22 =	simm.s32 $0x2;
	s14 =	sadd.s32 s10, s9  }
0xc: {  	s9 =	sor.u32 s15, s11;
	s25 =	sshll.u32 s12, $0x7;
	s20 =	ssub.s32 s23, s7  }
0xd: {  	s15 =	sadd.s32 $0x200, s16;
	s26 =	sshll.u32 s13, $0x7;
	s11 =	sadd.s32 s16, s4  }
0xe: {  	s12 =	sadd.s32 s12, s4;
	s13 =	sadd.s32 s13, s4;
	s23 =	simm.s32 $0x2800  }
0xf: {  	s17 =	sadd.s32 s8, s6;
	s8 =	sshrl.u32 s14, $0x3;
	s21 =	sshrl.u32 s9, $0x3  }
0x10: {  	s7 =	sadd.s32 s25, s3;
	s14 =	sadd.s32 $0x180, s16;
	s31 =	sshll.u32 s15, $0x7  }
0x11: {  	s15 =	sadd.s32 s15, s4;
	s20 =	smax.u32 s20, $0x1;
	s25 =	simm.s32 $0x1  }
0x12: {  	s18 =	sadd.s32 s8, s6;
	s19 =	sadd.s32 s21, s6;
	s6 =	sadd.s32 s24, s3  }
0x13: {  	s30 =	sshll.u32 s14, $0x7;
	s8 =	sadd.s32 s26, s3;
	s10 =	sadd.s32 s31, s3  }
0x14: {  	s14 =	sadd.s32 s14, s4;
	s16 =	sadd.s32 $0x4600, s17;
	s17 =	sadd.s32 $0xE600, s17  }
0x15: {  	s21 =	simm.s32 $0x5000;
	s24 =	simm.s32 $0x80;
	s26 =	simm.s32 $0x9000  }
0x16: {  	v0 =	vimm.f32 $0.0e+00;
	v1 =	vimm.f32 $1.000000000e+00;
	s9 =	sadd.s32 s30, s3;
	s18 =	sadd.s32 $0x19000, s18;
	s19 =	sadd.s32 $0x18600, s19  }
.LBB2_1:
0x17: {  	s30 =	simm.s32 $0x0;
	s31 =	simm.s32 $0x200  }
.LBB2_2:
0x18: {  	p0 =	sne.s32 s31, $0xFE00;
	[tilespmem:s30+$0x5070] =	vst v0  }
0x19: {  	[tilespmem:s30+$0x5000] =	vst v0  }
0x1a: {  	[tilespmem:s30+$0x5010] =	vst v0  }
.Ltmp0:
0x1b: {  	[tilespmem:s30+$0x5020] =	vst v0;
	(pc) =	sbr.rel @p0 .LBB2_2-.Ltmp0, $4  }
0x1c: {  	[tilespmem:s30+$0x5030] =	vst v0  }
0x1d: {  	[tilespmem:s30+$0x5040] =	vst v0  }
0x1e: {  	[tilespmem:s30+$0x5050] =	vst v0  }
0x1f: {  	[tilespmem:s30+$0x5060] =	vst v0;
	s30 =	sshra.s32 s31, $0x2;
	s31 =	sadd.s32 $0x200, s31  }
0x20: {  	[tilespmem:s30+$0x5070] =	vst v0  }
0x21: {  	[tilespmem:s30+$0x5000] =	vst v0  }
0x22: {  	[tilespmem:s30+$0x5010] =	vst v0  }
0x23: {  	[tilespmem:s30+$0x5020] =	vst v0  }
0x24: {  	[tilespmem:s30+$0x5030] =	vst v0  }
0x25: {  	[tilespmem:s30+$0x5040] =	vst v0  }
0x26: {  	[tilespmem:s30+$0x5050] =	vst v0  }
0x27: {  	[tilespmem:s30+$0x5060] =	vst v0  }
0x28: {  	[tilespmem:$0x9000] =	vst v1  }
0x29: {  	[tilespmem:$0x9010] =	vst v1  }
0x2a: {  	[tilespmem:$0x9020] =	vst v1  }
0x2b: {  	[tilespmem:$0x9030] =	vst v1  }
0x2c: {  	[tilespmem:$0x9040] =	vst v1  }
0x2d: {  	[tilespmem:$0x9050] =	vst v1  }
0x2e: {  	[tilespmem:$0x9060] =	vst v1  }
0x2f: {  	[tilespmem:$0x9070] =	vst v1  }
0x30: {  	[spmem:s6] =	stream.linear.scatter [tilespmem:s21], [sflag:$0x2], $0x4000, $0x38;
	[tilespmem:$0x1D300] =	vst v63  }
0x31: {  	_ =	swait.ge [sflag:s22], $0x4000  }
0x32: {  	[sflag:s22] =	ssyncset.done $0x0  }
0x33: {  	[sflag:s22] =	ssyncadd.s32 $0xFFFFC000  }
0x34: {  	[spmem:s7] =	stream.linear.scatter [tilespmem:s21], [sflag:$0x2], $0x4000, $0x38;
	[tilespmem:$0x1D300] =	vst v63  }
0x35: {  	_ =	swait.ge [sflag:s22], $0x4000  }
0x36: {  	[sflag:s22] =	ssyncset.done $0x0  }
0x37: {  	[sflag:s22] =	ssyncadd.s32 $0xFFFFC000  }
0x38: {  	[spmem:s8] =	stream.linear.scatter [tilespmem:s21], [sflag:$0x2], $0x4000, $0x38;
	[tilespmem:$0x1D300] =	vst v63  }
0x39: {  	_ =	swait.ge [sflag:s22], $0x4000  }
0x3a: {  	[sflag:s22] =	ssyncset.done $0x0  }
0x3b: {  	[sflag:s22] =	ssyncadd.s32 $0xFFFFC000  }
0x3c: {  	[spmem:s9] =	stream.linear.scatter [tilespmem:s21], [sflag:$0x2], $0x4000, $0x38;
	[tilespmem:$0x1D300] =	vst v63  }
0x3d: {  	_ =	swait.ge [sflag:s22], $0x4000  }
0x3e: {  	[sflag:s22] =	ssyncset.done $0x0  }
0x3f: {  	[sflag:s22] =	ssyncadd.s32 $0xFFFFC000  }
0x40: {  	[spmem:s10] =	stream.linear.scatter [tilespmem:s21], [sflag:$0x2], $0x4000, $0x38;
	[tilespmem:$0x1D300] =	vst v63  }
0x41: {  	_ =	swait.ge [sflag:s22], $0x4000  }
0x42: {  	[sflag:s22] =	ssyncset.done $0x0  }
0x43: {  	[sflag:s22] =	ssyncadd.s32 $0xFFFFC000  }
0x44: {  	[spmem:s11] =	stream.linear.scatter [tilespmem:s21], [sflag:$0x2], $0x80, $0x38;
	[tilespmem:$0x1D300] =	vst v63  }
0x45: {  	_ =	swait.ge [sflag:s22], $0x80  }
0x46: {  	[sflag:s22] =	ssyncset.done $0x0  }
0x47: {  	[sflag:s22] =	ssyncadd.s32 $0xFFFFFF80  }
0x48: {  	[spmem:s12] =	stream.linear.scatter [tilespmem:s21], [sflag:$0x2], $0x80, $0x38;
	[tilespmem:$0x1D300] =	vst v63  }
0x49: {  	_ =	swait.ge [sflag:s22], $0x80  }
0x4a: {  	[sflag:s22] =	ssyncset.done $0x0  }
0x4b: {  	[sflag:s22] =	ssyncadd.s32 $0xFFFFFF80  }
0x4c: {  	[spmem:s13] =	stream.linear.scatter [tilespmem:s21], [sflag:$0x2], $0x80, $0x38;
	[tilespmem:$0x1D300] =	vst v63  }
0x4d: {  	_ =	swait.ge [sflag:s22], $0x80  }
0x4e: {  	[sflag:s22] =	ssyncset.done $0x0  }
0x4f: {  	[sflag:s22] =	ssyncadd.s32 $0xFFFFFF80  }
0x50: {  	[spmem:s14] =	stream.linear.scatter [tilespmem:s21], [sflag:$0x2], $0x80, $0x38;
	[tilespmem:$0x1D300] =	vst v63  }
0x51: {  	_ =	swait.ge [sflag:s22], $0x80  }
0x52: {  	[sflag:s22] =	ssyncset.done $0x0  }
0x53: {  	[sflag:s22] =	ssyncadd.s32 $0xFFFFFF80  }
0x54: {  	[spmem:s15] =	stream.linear.scatter [tilespmem:s21], [sflag:$0x2], $0x80, $0x38;
	[tilespmem:$0x1D300] =	vst v63  }
0x55: {  	_ =	swait.ge [sflag:s22], $0x80  }
0x56: {  	[sflag:s22] =	ssyncset.done $0x0  }
0x57: {  	[sflag:s22] =	ssyncadd.s32 $0xFFFFFF80  }
0x58: {  	s30 =	simm.s32 $0x0;
	[bflag:$0x0] =	sbarrier.arrive $0xFFFF  }
0x59: {  	[tilespmem:s30], [sflag:$0x2] =	stream.linear.gather [hbm4b:s16+s30], $0x2780, $0x38;
	[tilespmem:$0x1D300] =	vst v63  }
0x5a: {  	_ =	swait.ge [sflag:s22], $0x2780  }
0x5b: {  	[sflag:s22] =	ssyncset.done $0x0  }
0x5c: {  	[sflag:s22] =	ssyncadd.s32 $0xFFFFD880  }
0x5d: {  	[tilespmem:s23], [sflag:$0x2] =	stream.linear.gather [hbm4b:s17+s30], $0x2780, $0x38;
	[tilespmem:$0x1D300] =	vst v63  }
0x5e: {  	_ =	swait.ge [sflag:s22], $0x2780  }
0x5f: {  	[sflag:s22] =	ssyncset.done $0x0  }
0x60: {  	s30 =	simm.s32 $0x0;
	[sflag:s22] =	ssyncadd.s32 $0xFFFFD880  }
0x61: {  	[tilespmem:s21], [sflag:$0x1] =	stream.indirect.gather [hbm4b:s1+s24], $0x80, s30, s24, $0xb8;
	[tilespmem:$0x1D300] =	vst v63  }
0x62: {  	_ =	swait.ge [sflag:s25], $0x4000  }
0x63: {  	[sflag:s25] =	ssyncset.done $0x0  }
0x64: {  	s30 =	simm.s32 $0x2800;
	[sflag:s25] =	ssyncadd.s32 $0xFFFFC000  }
0x65: {  	[spmem:s3] =	stream.indirect.scatter.add.f32 [tilespmem:s21], [sflag:$0x2], $0x80, s30, s24, $0xb8;
	[tilespmem:$0x1D300] =	vst v63  }
0x66: {  	_ =	swait.ge [sflag:s22], $0x4000  }
0x67: {  	[sflag:s22] =	ssyncset.done $0x0  }
0x68: {  	[sflag:s22] =	ssyncadd.s32 $0xFFFFC000  }
0x69: {  	[spmem:s4] =	stream.indirect.scatter.add.f32 [tilespmem:s26], [sflag:$0x2], $0x1, s30, s24, $0xb8;
	[tilespmem:$0x1D300] =	vst v63  }
0x6a: {  	_ =	swait.ge [sflag:s22], $0x80  }
0x6b: {  	s31 =	simm.s32 $0x400;
	s30 =	simm.s32 $0x200;
	[sflag:s22] =	ssyncset.done $0x0  }
.LBB2_4:
0x6c: {  	s2 =	sshra.s32 s30, $0x2  }
0x6d: {  	[sflag:s22] =	ssyncadd.s32 $0xFFFFFF80;
	s30 =	smov.u32 s31;
	s0 =	sadd.s32 $0x200, s31  }
0x6e: {  	[tilespmem:s21], [sflag:$0x1] =	stream.indirect.gather [hbm4b:s1+s24], $0x80, s2, s24, $0xb8;
	[tilespmem:$0x1D300] =	vst v63  }
0x6f: {  	p0 =	sne.s32 s31, $0x9C00;
	_ =	swait.ge [sflag:s25], $0x4000  }
0x70: {  	[sflag:s25] =	ssyncset.done $0x0  }
0x71: {  	s2 =	sadd.s32 $0x2800, s2;
	[sflag:s25] =	ssyncadd.s32 $0xFFFFC000  }
0x72: {  	[spmem:s3] =	stream.indirect.scatter.add.f32 [tilespmem:s21], [sflag:$0x2], $0x80, s2, s24, $0xb8;
	[tilespmem:$0x1D300] =	vst v63  }
0x73: {  	_ =	swait.ge [sflag:s22], $0x4000  }
.Ltmp1:
0x74: {  	[sflag:s22] =	ssyncset.done $0x0;
	(pc) =	sbr.rel @p0 .LBB2_4-.Ltmp1, $4  }
0x75: {  	[sflag:s22] =	ssyncadd.s32 $0xFFFFC000  }
0x76: {  	[spmem:s4] =	stream.indirect.scatter.add.f32 [tilespmem:s26], [sflag:$0x2], $0x1, s2, s24, $0xb8;
	[tilespmem:$0x1D300] =	vst v63  }
0x77: {  	_ =	swait.ge [sflag:s22], $0x80  }
0x78: {  	s31 =	smov.u32 s0;
	[sflag:s22] =	ssyncset.done $0x0  }
0x79: {  	s0 =	sshra.s32 s30, $0x2;
	[sflag:s22] =	ssyncadd.s32 $0xFFFFFF80  }
0x7a: {  	[tilespmem:s21], [sflag:$0x1] =	stream.indirect.gather [hbm4b:s1+s24], $0x80, s0, s24, $0xb8;
	[tilespmem:$0x1D300] =	vst v63  }
0x7b: {  	_ =	swait.ge [sflag:s25], $0x4000  }
0x7c: {  	[sflag:s25] =	ssyncset.done $0x0  }
0x7d: {  	s0 =	sadd.s32 $0x2800, s0;
	[sflag:s25] =	ssyncadd.s32 $0xFFFFC000  }
0x7e: {  	[spmem:s3] =	stream.indirect.scatter.add.f32 [tilespmem:s21], [sflag:$0x2], $0x80, s0, s24, $0xb8;
	[tilespmem:$0x1D300] =	vst v63  }
0x7f: {  	_ =	swait.ge [sflag:s22], $0x4000  }
0x80: {  	[sflag:s22] =	ssyncset.done $0x0  }
0x81: {  	[sflag:s22] =	ssyncadd.s32 $0xFFFFC000  }
0x82: {  	[spmem:s4] =	stream.indirect.scatter.add.f32 [tilespmem:s26], [sflag:$0x2], $0x1, s0, s24, $0xb8;
	[tilespmem:$0x1D300] =	vst v63  }
0x83: {  	_ =	swait.ge [sflag:s22], $0x80  }
0x84: {  	s30 =	stileid.u32;
	[sflag:s22] =	ssyncset.done $0x0  }
0x85: {  	s0 =	sshll.u32 s30, $0x6;
	[sflag:s22] =	ssyncadd.s32 $0xFFFFFF80  }
0x86: {  	s2 =	sshrl.u32 s6, $0x3;
	s0 =	sor.u32 $0x1C02, s0;
	[bflag:$0x0] =	sbarrier.arrive $0xFFFF  }
0x87: {  	[hbm:s18], [sflag:s0] =	dma.local [spmem:s2], $0x2800  }
0x88: {  	s5 =	sadd.s32 $0x1, s5;
	_ =	swait.ge [sflag:s22], $0x2800  }
0x89: {  	p0 =	sne.s32 s5, s20;
	[sflag:s22] =	ssyncset.done $0x0  }
.Ltmp2:
0x8a: {  	s31 =	sshrl.u32 s11, $0x3;
	[sflag:s22] =	ssyncadd.s32 $0xFFFFD800;
	(pc) =	sbr.rel @p0 .LBB2_1-.Ltmp2, $4  }
0x8b: {  	[hbm:s19@s28], [sflag:s0] =	dma.strided [spmem:s31@s29], $0x50, s25, $0x10   }
0x8c: {  	_ =	swait.ge [sflag:s22], $0x50  }
0x8d: {  	[sflag:s22] =	ssyncset.done $0x0  }
0x8e: {  	[sflag:s22] =	ssyncadd.s32 $0xFFFFFFB0  }
0x8f: {  	_ =	sfence.sel $0x180000  }
0x90: {  	[bflag:$0x0] =	sbarrier.arrive $0xFFFF  }
0x91: {  	_ =	strace $0x90000047  }
0x92: {  	s0 =	stileid.u32;
	[bflag:$0x2] =	sbarrier.arrive $0xFFFF  }
0x93: {  	p0 =	sne.s32 s0, $0x0;
	s0 =	rddreg [dreg:$0x4]  }
0x94: {  	s0 =	sadd.s32 @!p0 $0x100000, s0  }
0x95: {  	[sflag:s0] =	ssyncadd.tile.s32 @!p0 $0x1;
	_ =	shalt  }
.Lfunc_end2:
_tile_overlayer_lowered:
.L_overlay_start_2:
0x96: {  	(tag) =	ssettag $0x2  }
0x97: {  	s0 =	rddreg [dreg:$0x0];
	s2 =	stileid.u32  }
0x98: {  	s1 =	rddreg [dreg:$0x1];
	p0 =	sne.s32 s2, $0x0  }
0x99: {  	s3 =	rddreg [dreg:$0x2];
	[bflag:$0x3] =	sbarrier.arrive $0xFFFF;
	s2 =	simm.s32 @!p0 $0x1C02  }
0x9a: {  	[timem:s3], [sflag:s2] =	dma.local @!p0 [hbm:s0], s1  }
0x9b: {  	s0 =	simm.s32 @!p0 $0x2  }
0x9c: {  	_ =	swait.ge @!p0 [sflag:s0], s1  }
0x9d: {  	s1 =	ssub.s32 @!p0 $0x0, s1;
	[sflag:s0] =	ssyncset.done @!p0 $0x0  }
0x9e: {  	[sflag:s0] =	ssyncadd.s32 @!p0 s1  }
0x9f: {  	[bflag:$0x3] =	sbarrier.arrive $0xFFFF  }
0xa0: {  	_ =	shalt  }

// kernel: kernel.17.cloned.1.call-start
scs
__scs_entry_jumppad:
0x0: {  	(pc) =	sbr.rel $0x88, $3  }
0x1: {  	(tag) =	ssettag $0x0;
	lr =	simm.s32 $0x1  }
0x2: {  	[smem:$0x3F87] =	sst lr;
	_ =	strace $0xD0000000  }
0x3: {  	_ = 	snop  }
0x4: {  	_ = 	snop  }
0x5: {  	_ = 	snop  }
0x6: {  	_ = 	snop  }
0x7: {  	_ = 	snop  }
__scs_overlays_trampoline_lowered:
0x8: {  	[smem:$0x3F96] =	sst s0  }
0x9: {  	[smem:$0x3F97] =	sst s1  }
0xa: {  	[smem:$0x3F98] =	sst s2  }
0xb: {  	[smem:$0x3F99] =	sst s3  }
0xc: {  	[smem:$0x3F9A] =	sst s4  }
0xd: {  	[smem:$0x3F9B] =	sst s5  }
0xe: {  	[smem:$0x3F9C] =	sst s6  }
0xf: {  	[smem:$0x3F9D] =	sst s7  }
0x10: {  	[smem:$0x3F9E] =	sst s8  }
0x11: {  	[smem:$0x3F9F] =	sst s9;
	s0 =	simm.s32 @!p0 $0x0  }
0x12: {  	s1 =	sld [smem:$0x3F85];
	s0 =	simm.s32 @p0 $0x1  }
0x13: {  	[smem:$0x3FA0] =	sst s0;
	s0 =	simm.s32 @!p1 $0x0  }
0x14: {  	s2 =	sld [smem:$0x3F84];
	s0 =	simm.s32 @p1 $0x1  }
0x15: {  	[smem:$0x3FA1] =	sst s0;
	s0 =	simm.s32 @!p2 $0x0  }
0x16: {  	s3 =	sld [smem:$0x3FDB];
	s0 =	simm.s32 @p2 $0x1  }
0x17: {  	s4 =	simm.s32 $0x1BF5;
	[smem:$0x3FA3] =	sst s0  }
0x18: {  	s0 =	sld [smem:$0x3F86];
	_ =	swait.ge [sflag:s4], $0x0  }
0x19: {  	s7 =	sld [smem:$0x3F87]  }
0x1a: {  	s8 =	sadd.s32 $0xFFFFE003, lr  }
0x1b: {  	s9 =	sadd.s32 $0xFFFFFEF7, lr;
	s5 =	simm.s32 $0xFFFFFFFF;
	p2 =	slt.u32 s8, $0xFFFFF086  }
0x1c: {  	p1 =	slt.u32 s9, $0xF7A;
	s5 =	simm.s32 @!p2 $0x0  }
0x1d: {  	s5 =	simm.s32 @p1 $0x1;
	p0 =	seq.s32 s7, s2  }
0x1e: {  	s7 =	smul.u32 @!p0 $0xF7A, s2;
	p2 =	seq.s32 @!p0 s5, $0x0  }
0x1f: {  	s9 =	smul.u32 $0xF7A, s1;
	s8 =	simm.s32 @!p0 $0x1BF5;
	p2 =	por !p2, p0  }
0x20: {  	[sflag:s8] =	ssyncset.s32 @!p0 $0xFFFFF086;
	s6 =	sadd.s32 @!p0 s3, s7;
	s7 =	simm.s32 @!p0 $0x108  }
0x21: {  	s3 =	sadd.s32 s3, s9;
	s6 =	sadd.s32 @!p0 $0x88, s6;
	s7 =	simm.s32 @p2 $0x1082  }
0x22: {  	[simem:s7], [sflag:s8] =	dma.local @!p0 [hbm:s6], $0xF7A  }
0x23: {  	s9 =	sor.u32 $0xD0000000, s2;
	s6 =	simm.s32 $0x108;
	_ =	swait.ge @!p0 [sflag:s8], $0x0  }
0x24: {  	s3 =	sadd.s32 $0x88, s3;
	s6 =	simm.s32 @!p1 $0x1082;
	[sflag:s4] =	ssyncset.s32 $0xFFFFF086  }
0x25: {  	[simem:s6], [sflag:s4] =	dma.local [hbm:s3], $0xF7A  }
0x26: {  	[smem:$0x3F87] =	sst s1;
	(tag) =	ssettag s2;
	_ =	strace s9  }
0x27: {  	s1 =	sld [smem:$0x3F97]  }
0x28: {  	s2 =	sld [smem:$0x3F98]  }
0x29: {  	s4 =	sld [smem:$0x3F9A]  }
0x2a: {  	p0 =	seq.s32 s5, $0x0;
	s5 =	sld [smem:$0x3F9B]  }
0x2b: {  	s6 =	sld [smem:$0x3F9C]  }
0x2c: {  	s7 =	sld [smem:$0x3F9D]  }
0x2d: {  	s3 =	simm.s32 $0x108;
	s8 =	sld [smem:$0x3F9E]  }
0x2e: {  	s3 =	simm.s32 @!p0 $0x1082;
	s9 =	sld [smem:$0x3F9F]  }
0x2f: {  	lr =	sadd.s32 s0, s3;
	s0 =	sld [smem:$0x3F96]  }
0x30: {  	s3 =	sld [smem:$0x3F99]  }
0x31: {  	[smem:$0x3FA2] =	sst s10  }
0x32: {  	s10 =	sld [smem:$0x3FA0];
	_ =	sdelay $0x3  }
0x33: {  	p0 =	seq.s32 s10, $0x1;
	s10 =	sld [smem:$0x3FA2];
	_ =	sdelay $0x3  }
0x34: {  	[smem:$0x3FA2] =	sst s10  }
0x35: {  	s10 =	sld [smem:$0x3FA1];
	_ =	sdelay $0x3  }
0x36: {  	p1 =	seq.s32 s10, $0x1;
	s10 =	sld [smem:$0x3FA2];
	_ =	sdelay $0x3  }
0x37: {  	[smem:$0x3FA2] =	sst s10  }
0x38: {  	s10 =	sld [smem:$0x3FA3]  }
0x39: {  	_ = 	snop;
	(pc) =	sbr.ind lr, $3  }
0x3a: {  	_ = 	snop  }
0x3b: {  	_ = 	snop  }
0x3c: {  	p2 =	seq.s32 s10, $0x1;
	s10 =	sld [smem:$0x3FA2]  }
0x3d: {  	_ =	shalt  }
0x3e: {  	_ =	shalt  }
0x3f: {  	_ =	shalt  }
0x40: {  	_ =	shalt  }
0x41: {  	_ =	shalt  }
0x42: {  	_ =	shalt  }
0x43: {  	_ =	shalt  }
0x44: {  	_ =	shalt  }
0x45: {  	_ =	shalt  }
0x46: {  	_ =	shalt  }
0x47: {  	_ =	shalt  }
0x48: {  	_ =	shalt  }
0x49: {  	_ =	shalt  }
0x4a: {  	_ =	shalt  }
0x4b: {  	_ =	shalt  }
0x4c: {  	_ =	shalt  }
0x4d: {  	_ =	shalt  }
0x4e: {  	_ =	shalt  }
0x4f: {  	_ =	shalt  }
0x50: {  	_ =	shalt  }
0x51: {  	_ =	shalt  }
0x52: {  	_ =	shalt  }
0x53: {  	_ =	shalt  }
0x54: {  	_ =	shalt  }
0x55: {  	_ =	shalt  }
0x56: {  	_ =	shalt  }
0x57: {  	_ =	shalt  }
0x58: {  	_ =	shalt  }
0x59: {  	_ =	shalt  }
0x5a: {  	_ =	shalt  }
0x5b: {  	_ =	shalt  }
0x5c: {  	_ =	shalt  }
0x5d: {  	_ =	shalt  }
0x5e: {  	_ =	shalt  }
0x5f: {  	_ =	shalt  }
0x60: {  	_ =	shalt  }
0x61: {  	_ =	shalt  }
0x62: {  	_ =	shalt  }
0x63: {  	_ =	shalt  }
0x64: {  	_ =	shalt  }
0x65: {  	_ =	shalt  }
0x66: {  	_ =	shalt  }
0x67: {  	_ =	shalt  }
0x68: {  	_ =	shalt  }
0x69: {  	_ =	shalt  }
0x6a: {  	_ =	shalt  }
0x6b: {  	_ =	shalt  }
0x6c: {  	_ =	shalt  }
0x6d: {  	_ =	shalt  }
0x6e: {  	_ =	shalt  }
0x6f: {  	_ =	shalt  }
0x70: {  	_ =	shalt  }
0x71: {  	_ =	shalt  }
0x72: {  	_ =	shalt  }
0x73: {  	_ =	shalt  }
0x74: {  	_ =	shalt  }
0x75: {  	_ =	shalt  }
0x76: {  	_ =	shalt  }
0x77: {  	_ =	shalt  }
0x78: {  	_ =	shalt  }
0x79: {  	_ =	shalt  }
0x7a: {  	_ =	shalt  }
0x7b: {  	_ =	shalt  }
0x7c: {  	_ =	shalt  }
0x7d: {  	_ =	shalt  }
0x7e: {  	_ =	shalt  }
0x7f: {  	_ =	shalt  }
0x80: {  	_ =	shalt  }
0x81: {  	_ =	shalt  }
0x82: {  	_ =	shalt  }
0x83: {  	_ =	shalt  }
0x84: {  	_ =	shalt  }
0x85: {  	_ =	shalt  }
0x86: {  	_ =	shalt  }
0x87: {  	_ =	shalt  }
.Lfunc_end0:
.L_simem_size_0:
called_computation.2_lowered:
.L_overlay_start_0:
0x88: {  	s2 =	sld [smem:$0x3FD9]  }
0x89: {  	s3 =	sld [smem:$0x3FFE];
	_ =	sdelay $0x1  }
0x8a: {  	s1 =	srdreg.scid  }
0x8b: {  	s0 =	sand.u32 $0x1, s1  }
0x8c: {  	s17 =	sshll.u32 s0, $0xA;
	s2 =	sadd.s32 s3, s2  }
0x8d: {  	s2 =	sadd.s32 s2, s17  }
0x8e: {  	[smem:$0x3FAE] =	sst s2  }
0x8f: {  	_ = 	snop  }
0x90: {  	(tm) =	ssettm $0x1  }
0x91: {  	s18 =	sld [smem:$0x3FFB];
	_ =	sdelay $0x3  }
0x92: {  	_ =	strace s18  }
0x93: {  	s2 =	sld [smem:$0x3FFC];
	_ =	sdelay $0x3  }
0x94: {  	_ =	strace s2  }
0x95: {  	s2 =	sld [smem:$0x3FFD];
	_ =	sdelay $0x3  }
0x96: {  	_ =	strace s2  }
0x97: {  	_ =	strace $0x8FFFFFFF  }
0x98: {  	s19 =	sld [smem:$0x3FDB];
	_ =	sdelay $0x1  }
0x99: {  	s20 =	simm.s32 $_scs_section_size  }
0x9a: {  	s4 =	simm.s32 $_size__tile_overlayer_lowered;
	s5 =	simm.s32 $_tile_overlayer_lowered  }
0x9b: {  	s6 =	simm.s32 $0x1BFF;
	s21 =	sshll.u32 s5, $0x1;
	s3 =	sadd.s32 s20, s19  }
0x9c: {  	s22 =	simm.s32 $0x0;
	s4 =	sshll.u32 s4, $0x1;
	s5 =	sadd.s32 s21, s3  }
0x9d: {  	[timem:s22], [sflag:s6] =	dma.local [hbm:s5], s4  }
0x9e: {  	_ =	swait.ge [sflag:s6], s4  }
0x9f: {  	s4 =	ssub.s32 $0x0, s4;
	[sflag:s6] =	ssyncset.done $0x0  }
0xa0: {  	[sflag:s6] =	ssyncadd.s32 s4;
	_ =	sdelay $0x1  }
0xa1: {  	s23 =	simm.s32 $0x1B8B  }
0xa2: {  	_ =	swait.ge [sflag:s23], $0x1  }
0xa3: {  	[sflag:s23] =	ssyncset.done $0x0  }
0xa4: {  	[sflag:s23] =	ssyncadd.s32 $0xFFFFFFFF  }
0xa5: {  	s4 =	sld [smem:$0x0]  }
0xa6: {  	s5 =	sand.u32 $0xFFFFFFFE, s1  }
0xa7: {  	p0 =	sne.s32 s1, s5  }
0xa8: {  	s5 =	sshll.u32 @p0 s5, $0xE  }
0xa9: {  	s5 =	sadd.s32 @p0 $0x11B8D, s5;
	s6 =	sshll.u32 @p0 s4, $0x11  }
0xaa: {  	s5 =	sor.u32 @p0 s6, s5  }
0xab: {  	[sflag:s5] =	ssyncadd.remote.s32 @p0 $0x1;
	_ =	sdelay $0x1  }
0xac: {  	s5 =	simm.s32 @p0 $0x1B8D  }
0xad: {  	_ =	swait.eq @p0 [sflag:s5], $0x1  }
0xae: {  	[sflag:s5] =	ssyncadd.s32 @p0 $0xFFFFFFFF  }
0xaf: {  	s6 =	sshll.u32 @!p0 s1, $0xE  }
0xb0: {  	s6 =	sor.u32 @!p0 $0x4000, s6;
	s5 =	simm.s32 @!p0 $0x1B8D  }
0xb1: {  	s4 =	sshll.u32 @!p0 s4, $0x11;
	s6 =	sadd.s32 @!p0 $0x11B8D, s6;
	_ =	swait.eq @!p0 [sflag:s5], $0x1  }
0xb2: {  	s4 =	sor.u32 @!p0 s4, s6;
	[sflag:s5] =	ssyncadd.s32 @!p0 $0xFFFFFFFF  }
0xb3: {  	s25 =	simm.s32 $0x1B8E;
	s24 =	sld [smem:$0x3FFE];
	[sflag:s4] =	ssyncadd.remote.s32 @!p0 $0x1  }
0xb4: {  	s26 =	simm.s32 $execute0_lowered;
	[smem:$0x3FD2] =	sst s25  }
0xb5: {  	s5 =	sshll.u32 s26, $0x1;
	_ =	strace $0x8000004F;
	[dreg:$0x1] =	wrdreg $0xFFFFFFFF  }
0xb6: {  	s28 =	simm.s32 $_size_execute0_lowered;
	s3 =	sadd.s32 s3, s5;
	[dreg:$0x0] =	wrdreg $0x0  }
0xb7: {  	s5 =	sshll.u32 s28, $0x1;
	[dreg:$0x2] =	wrdreg s3  }
0xb8: {  	[dreg:$0x3] =	wrdreg s5  }
0xb9: {  	[dreg:$0x4] =	wrdreg $0xC0  }
0xba: {  	_ =	task [dreg:s22], $0x5FFFF  }
0xbb: {  	[dreg:$0x1] =	wrdreg $0xFFFFFFFF  }
0xbc: {  	[dreg:$0x0] =	wrdreg $0x60  }
0xbd: {  	[dreg:$0x2] =	wrdreg s24  }
0xbe: {  	[dreg:$0x3] =	wrdreg $0x90000  }
0xbf: {  	[dreg:$0x4] =	wrdreg $0x9  }
0xc0: {  	_ =	task.clear_ibuf [dreg:s22], $0x5FFFF;
	_ =	strace $0x9000004F  }
0xc1: {  	s29 =	simm.s32 $0x9;
	_ =	strace $0x80000051  }
0xc2: {  	_ =	swait.ge [sflag:s29], $0x1  }
0xc3: {  	[sflag:s29] =	ssyncadd.s32 $0xFFFFFFFF  }
0xc4: {  	_ =	strace $0x90000051  }
0xc5: {  	_ =	sfence  }
0xc6: {  	s30 =	sld [smem:$0x0];
	_ =	sdelay $0x2  }
0xc7: {  	s31 =	sshll.u32 s1, $0xD;
	s1 =	sshrl.u32 s1, $0x2  }
0xc8: {  	s4 =	sand.u32 $0x4000, s31;
	s1 =	sadd.s32 s1, s30  }
0xc9: {  	s0 =	sor.u32 s4, s0;
	s1 =	sshll.u32 s1, $0x11  }
0xca: {  	s0 =	sor.u32 s1, s0  }
0xcb: {  	s0 =	sadd.s32 $0x8F2B, s0  }
0xcc: {  	[sflag:s0] =	ssyncadd.remote.s32 $0x1  }
0xcd: {  	_ =	sfence.sel $0xFFFF  }
0xce: {  	[dreg:$0x0] =	wrdreg $0xFFFFFFFF;
	(pc) =	sbr.abs _section_cstart, $3  }
0xcf: {  	[dreg:$0x1] =	wrdreg $0xFFFFFFFF  }
0xd0: {  	_ =	task.clear_ibuf [dreg:s22], $0x2FFFF;
	_ =	strace $0x9FFFFFFF  }
0xd1: {  	(tm) =	ssettm $0x7FFFFFFF  }
tec
execute0_lowered:
.L_overlay_start_1:
0x0: {  	(tag) =	ssettag $0x1  }
0x1: {  	s1 =	srdreg.scid;
	s6 =	rddreg [dreg:$0x0]  }
0x2: {  	s0 =	stileid.u32;
	s2 =	rddreg [dreg:$0x1];
	s3 =	simm.s32 $0x0  }
0x3: {  	s14 =	simm.s32 $0x5000;
	s15 =	simm.s32 $0x2;
	s16 =	simm.s32 $0x2800  }
0x4: {  	s17 =	simm.s32 $0x80;
	s18 =	simm.s32 $0x1;
	s5 =	sand.u32 $0x1, s1  }
0x5: {  	s26 =	sshll.u32 s0, $0x1;
	s9 =	smul.u32 $0x14000, s0;
	[smem:$0x7FF] =	sst s3  }
0x6: {  	s10 =	smul.u32 $0x50000, s0;
	s4 =	sadd.s32 $0x40200, s6;
	s19 =	sshll.u32 s0, $0x6  }
0x7: {  	s1 =	sor.u32 s5, s26;
	s8 =	smul.u32 $0x140000, s5;
	s29 =	ssub.s32 $0x2, s5  }
0x8: {  	s19 =	sor.u32 $0x1C02, s19;
	s7 =	smul.u32 $0x500, s1;
	s1 =	rddreg [dreg:$0x2]  }
0x9: {  	_ =	strace $0x80000050;
	s30 =	sshrl.u32 s10, $0x2;
	s31 =	sshrl.u32 s29, $0x1  }
0xa: {  	s28 =	sadd.s32 s9, s8;
	s5 =	sadd.s32 s30, s2;
	s13 =	ssub.s32 s29, s31  }
0xb: {  	s11 =	sadd.s32 s7, s6;
	s7 =	sshrl.u32 s28, $0x3;
	s8 =	sadd.s32 $0xC000, s5  }
0xc: {  	s9 =	sadd.s32 $0x10000, s5;
	s13 =	smax.u32 s13, $0x1;
	s20 =	sshrl.u32 s5, $0x3  }
0xd: {  	s12 =	sadd.s32 s7, s6;
	s6 =	sadd.s32 $0x4000, s5;
	s7 =	sadd.s32 $0x8000, s5  }
0xe: {  	v0 =	vimm.f32 $0.0e+00;
	s10 =	sadd.s32 $0x69000, s11;
	s11 =	sadd.s32 $0x73000, s11;
	s12 =	sadd.s32 $0x7D000, s12  }
.LBB2_1:
0xf: {  	s21 =	simm.s32 $0x0;
	s22 =	simm.s32 $0x200  }
.LBB2_2:
0x10: {  	p0 =	sne.s32 s22, $0xFE00;
	[tilespmem:s21+$0x5070] =	vst v0  }
0x11: {  	[tilespmem:s21+$0x5000] =	vst v0  }
0x12: {  	[tilespmem:s21+$0x5010] =	vst v0  }
.Ltmp0:
0x13: {  	[tilespmem:s21+$0x5020] =	vst v0;
	(pc) =	sbr.rel @p0 .LBB2_2-.Ltmp0, $4  }
0x14: {  	[tilespmem:s21+$0x5030] =	vst v0  }
0x15: {  	[tilespmem:s21+$0x5040] =	vst v0  }
0x16: {  	[tilespmem:s21+$0x5050] =	vst v0  }
0x17: {  	[tilespmem:s21+$0x5060] =	vst v0;
	s21 =	sshra.s32 s22, $0x2;
	s22 =	sadd.s32 $0x200, s22  }
0x18: {  	[tilespmem:s21+$0x5070] =	vst v0  }
0x19: {  	[tilespmem:s21+$0x5000] =	vst v0  }
0x1a: {  	[tilespmem:s21+$0x5010] =	vst v0  }
0x1b: {  	[tilespmem:s21+$0x5020] =	vst v0  }
0x1c: {  	[tilespmem:s21+$0x5030] =	vst v0  }
0x1d: {  	[tilespmem:s21+$0x5040] =	vst v0  }
0x1e: {  	[tilespmem:s21+$0x5050] =	vst v0  }
0x1f: {  	[tilespmem:s21+$0x5060] =	vst v0  }
0x20: {  	[spmem:s5] =	stream.linear.scatter [tilespmem:s14], [sflag:$0x2], $0x4000, $0x38;
	[tilespmem:$0x1D000] =	vst v63  }
0x21: {  	_ =	swait.ge [sflag:s15], $0x4000  }
0x22: {  	[sflag:s15] =	ssyncset.done $0x0  }
0x23: {  	[sflag:s15] =	ssyncadd.s32 $0xFFFFC000  }
0x24: {  	[spmem:s6] =	stream.linear.scatter [tilespmem:s14], [sflag:$0x2], $0x4000, $0x38;
	[tilespmem:$0x1D000] =	vst v63  }
0x25: {  	_ =	swait.ge [sflag:s15], $0x4000  }
0x26: {  	[sflag:s15] =	ssyncset.done $0x0  }
0x27: {  	[sflag:s15] =	ssyncadd.s32 $0xFFFFC000  }
0x28: {  	[spmem:s7] =	stream.linear.scatter [tilespmem:s14], [sflag:$0x2], $0x4000, $0x38;
	[tilespmem:$0x1D000] =	vst v63  }
0x29: {  	_ =	swait.ge [sflag:s15], $0x4000  }
0x2a: {  	[sflag:s15] =	ssyncset.done $0x0  }
0x2b: {  	[sflag:s15] =	ssyncadd.s32 $0xFFFFC000  }
0x2c: {  	[spmem:s8] =	stream.linear.scatter [tilespmem:s14], [sflag:$0x2], $0x4000, $0x38;
	[tilespmem:$0x1D000] =	vst v63  }
0x2d: {  	_ =	swait.ge [sflag:s15], $0x4000  }
0x2e: {  	[sflag:s15] =	ssyncset.done $0x0  }
0x2f: {  	[sflag:s15] =	ssyncadd.s32 $0xFFFFC000  }
0x30: {  	[spmem:s9] =	stream.linear.scatter [tilespmem:s14], [sflag:$0x2], $0x4000, $0x38;
	[tilespmem:$0x1D000] =	vst v63  }
0x31: {  	_ =	swait.ge [sflag:s15], $0x4000  }
0x32: {  	[sflag:s15] =	ssyncset.done $0x0  }
0x33: {  	[sflag:s15] =	ssyncadd.s32 $0xFFFFC000  }
0x34: {  	s29 =	simm.s32 $0x0;
	[bflag:$0x0] =	sbarrier.arrive $0xFFFF  }
0x35: {  	[tilespmem:s29], [sflag:$0x2] =	stream.linear.gather [hbm4b:s10+s29], $0x2780, $0x38;
	[tilespmem:$0x1D000] =	vst v63  }
0x36: {  	_ =	swait.ge [sflag:s15], $0x2780  }
0x37: {  	[sflag:s15] =	ssyncset.done $0x0  }
0x38: {  	[sflag:s15] =	ssyncadd.s32 $0xFFFFD880  }
0x39: {  	[tilespmem:s16], [sflag:$0x2] =	stream.linear.gather [hbm4b:s11+s29], $0x2780, $0x38;
	[tilespmem:$0x1D000] =	vst v63  }
0x3a: {  	_ =	swait.ge [sflag:s15], $0x2780  }
0x3b: {  	[sflag:s15] =	ssyncset.done $0x0  }
0x3c: {  	s30 =	simm.s32 $0x0;
	[sflag:s15] =	ssyncadd.s32 $0xFFFFD880  }
0x3d: {  	[tilespmem:s14], [sflag:$0x1] =	stream.indirect.gather [hbm4b:s4+s17], $0x80, s30, s17, $0xb8;
	[tilespmem:$0x1D000] =	vst v63  }
0x3e: {  	_ =	swait.ge [sflag:s18], $0x4000  }
0x3f: {  	[sflag:s18] =	ssyncset.done $0x0  }
0x40: {  	s31 =	simm.s32 $0x2800;
	[sflag:s18] =	ssyncadd.s32 $0xFFFFC000  }
0x41: {  	[spmem:s2] =	stream.indirect.scatter.add.f32 [tilespmem:s14], [sflag:$0x2], $0x80, s31, s17, $0xb8;
	[tilespmem:$0x1D000] =	vst v63  }
0x42: {  	_ =	swait.ge [sflag:s15], $0x4000  }
0x43: {  	s21 =	simm.s32 $0x200;
	s22 =	simm.s32 $0x400;
	[sflag:s15] =	ssyncset.done $0x0  }
.LBB2_4:
0x44: {  	s23 =	sshra.s32 s21, $0x2  }
0x45: {  	[sflag:s15] =	ssyncadd.s32 $0xFFFFC000;
	s21 =	smov.u32 s22;
	s24 =	sadd.s32 $0x200, s22  }
0x46: {  	[tilespmem:s14], [sflag:$0x1] =	stream.indirect.gather [hbm4b:s4+s17], $0x80, s23, s17, $0xb8;
	[tilespmem:$0x1D000] =	vst v63  }
0x47: {  	p0 =	sne.s32 s22, $0x9C00;
	_ =	swait.ge [sflag:s18], $0x4000  }
.Ltmp1:
0x48: {  	[sflag:s18] =	ssyncset.done $0x0;
	(pc) =	sbr.rel @p0 .LBB2_4-.Ltmp1, $4  }
0x49: {  	s22 =	sadd.s32 $0x2800, s23;
	[sflag:s18] =	ssyncadd.s32 $0xFFFFC000  }
0x4a: {  	[spmem:s2] =	stream.indirect.scatter.add.f32 [tilespmem:s14], [sflag:$0x2], $0x80, s22, s17, $0xb8;
	[tilespmem:$0x1D000] =	vst v63  }
0x4b: {  	_ =	swait.ge [sflag:s15], $0x4000  }
0x4c: {  	s22 =	smov.u32 s24;
	[sflag:s15] =	ssyncset.done $0x0  }
0x4d: {  	s21 =	sshra.s32 s21, $0x2;
	[sflag:s15] =	ssyncadd.s32 $0xFFFFC000  }
0x4e: {  	[tilespmem:s14], [sflag:$0x1] =	stream.indirect.gather [hbm4b:s4+s17], $0x80, s21, s17, $0xb8;
	[tilespmem:$0x1D000] =	vst v63  }
0x4f: {  	_ =	swait.ge [sflag:s18], $0x4000  }
0x50: {  	[sflag:s18] =	ssyncset.done $0x0  }
0x51: {  	s21 =	sadd.s32 $0x2800, s21;
	[sflag:s18] =	ssyncadd.s32 $0xFFFFC000  }
0x52: {  	[spmem:s2] =	stream.indirect.scatter.add.f32 [tilespmem:s14], [sflag:$0x2], $0x80, s21, s17, $0xb8;
	[tilespmem:$0x1D000] =	vst v63  }
0x53: {  	_ =	swait.ge [sflag:s15], $0x4000  }
0x54: {  	s3 =	sadd.s32 $0x1, s3;
	[sflag:s15] =	ssyncset.done $0x0  }
0x55: {  	p0 =	sne.s32 s3, s13;
	[sflag:s15] =	ssyncadd.s32 $0xFFFFC000  }
.Ltmp2:
0x56: {  	[bflag:$0x0] =	sbarrier.arrive $0xFFFF;
	(pc) =	sbr.rel @p0 .LBB2_1-.Ltmp2, $4  }
0x57: {  	[hbm:s12], [sflag:s19] =	dma.local [spmem:s20], $0x2800  }
0x58: {  	_ =	swait.ge [sflag:s15], $0x2800  }
0x59: {  	[sflag:s15] =	ssyncset.done $0x0  }
0x5a: {  	[sflag:s15] =	ssyncadd.s32 $0xFFFFD800  }
0x5b: {  	_ =	sfence.sel $0x180000  }
0x5c: {  	[bflag:$0x0] =	sbarrier.arrive $0xFFFF  }
0x5d: {  	p0 =	sne.s32 s0, $0x0;
	_ =	strace $0x90000050  }
0x5e: {  	s0 =	sadd.s32 @!p0 $0x100000, s1;
	[bflag:$0x2] =	sbarrier.arrive $0xFFFF  }
0x5f: {  	[sflag:s0] =	ssyncadd.tile.s32 @!p0 $0x1;
	_ =	shalt  }
.Lfunc_end2:
_tile_overlayer_lowered:
.L_overlay_start_2:
0x60: {  	(tag) =	ssettag $0x2  }
0x61: {  	s0 =	rddreg [dreg:$0x0];
	s2 =	stileid.u32  }
0x62: {  	s1 =	rddreg [dreg:$0x1];
	p0 =	sne.s32 s2, $0x0  }
0x63: {  	s3 =	rddreg [dreg:$0x2];
	[bflag:$0x3] =	sbarrier.arrive $0xFFFF;
	s2 =	simm.s32 @!p0 $0x1C02  }
0x64: {  	[timem:s3], [sflag:s2] =	dma.local @!p0 [hbm:s0], s1  }
0x65: {  	s0 =	simm.s32 @!p0 $0x2  }
0x66: {  	_ =	swait.ge @!p0 [sflag:s0], s1  }
0x67: {  	s1 =	ssub.s32 @!p0 $0x0, s1;
	[sflag:s0] =	ssyncset.done @!p0 $0x0  }
0x68: {  	[sflag:s0] =	ssyncadd.s32 @!p0 s1  }
0x69: {  	[bflag:$0x3] =	sbarrier.arrive $0xFFFF  }
0x6a: {  	_ =	shalt  }

// kernel: kernel.20.cloned.1.call-start
scs
__scs_entry_jumppad:
0x0: {  	(pc) =	sbr.rel $0x88, $3  }
0x1: {  	(tag) =	ssettag $0x0;
	lr =	simm.s32 $0x1  }
0x2: {  	[smem:$0x3F87] =	sst lr;
	_ =	strace $0xD0000000  }
0x3: {  	_ = 	snop  }
0x4: {  	_ = 	snop  }
0x5: {  	_ = 	snop  }
0x6: {  	_ = 	snop  }
0x7: {  	_ = 	snop  }
__scs_overlays_trampoline_lowered:
0x8: {  	[smem:$0x3F96] =	sst s0  }
0x9: {  	[smem:$0x3F97] =	sst s1  }
0xa: {  	[smem:$0x3F98] =	sst s2  }
0xb: {  	[smem:$0x3F99] =	sst s3  }
0xc: {  	[smem:$0x3F9A] =	sst s4  }
0xd: {  	[smem:$0x3F9B] =	sst s5  }
0xe: {  	[smem:$0x3F9C] =	sst s6  }
0xf: {  	[smem:$0x3F9D] =	sst s7  }
0x10: {  	[smem:$0x3F9E] =	sst s8  }
0x11: {  	[smem:$0x3F9F] =	sst s9;
	s0 =	simm.s32 @!p0 $0x0  }
0x12: {  	s1 =	sld [smem:$0x3F85];
	s0 =	simm.s32 @p0 $0x1  }
0x13: {  	[smem:$0x3FA0] =	sst s0;
	s0 =	simm.s32 @!p1 $0x0  }
0x14: {  	s2 =	sld [smem:$0x3F84];
	s0 =	simm.s32 @p1 $0x1  }
0x15: {  	[smem:$0x3FA1] =	sst s0;
	s0 =	simm.s32 @!p2 $0x0  }
0x16: {  	s3 =	sld [smem:$0x3FDB];
	s0 =	simm.s32 @p2 $0x1  }
0x17: {  	s4 =	simm.s32 $0x1BF5;
	[smem:$0x3FA3] =	sst s0  }
0x18: {  	s0 =	sld [smem:$0x3F86];
	_ =	swait.ge [sflag:s4], $0x0  }
0x19: {  	s7 =	sld [smem:$0x3F87]  }
0x1a: {  	s8 =	sadd.s32 $0xFFFFE003, lr  }
0x1b: {  	s9 =	sadd.s32 $0xFFFFFEF7, lr;
	s5 =	simm.s32 $0xFFFFFFFF;
	p2 =	slt.u32 s8, $0xFFFFF086  }
0x1c: {  	p1 =	slt.u32 s9, $0xF7A;
	s5 =	simm.s32 @!p2 $0x0  }
0x1d: {  	s5 =	simm.s32 @p1 $0x1;
	p0 =	seq.s32 s7, s2  }
0x1e: {  	s7 =	smul.u32 @!p0 $0xF7A, s2;
	p2 =	seq.s32 @!p0 s5, $0x0  }
0x1f: {  	s9 =	smul.u32 $0xF7A, s1;
	s8 =	simm.s32 @!p0 $0x1BF5;
	p2 =	por !p2, p0  }
0x20: {  	[sflag:s8] =	ssyncset.s32 @!p0 $0xFFFFF086;
	s6 =	sadd.s32 @!p0 s3, s7;
	s7 =	simm.s32 @!p0 $0x108  }
0x21: {  	s3 =	sadd.s32 s3, s9;
	s6 =	sadd.s32 @!p0 $0x88, s6;
	s7 =	simm.s32 @p2 $0x1082  }
0x22: {  	[simem:s7], [sflag:s8] =	dma.local @!p0 [hbm:s6], $0xF7A  }
0x23: {  	s9 =	sor.u32 $0xD0000000, s2;
	s6 =	simm.s32 $0x108;
	_ =	swait.ge @!p0 [sflag:s8], $0x0  }
0x24: {  	s3 =	sadd.s32 $0x88, s3;
	s6 =	simm.s32 @!p1 $0x1082;
	[sflag:s4] =	ssyncset.s32 $0xFFFFF086  }
0x25: {  	[simem:s6], [sflag:s4] =	dma.local [hbm:s3], $0xF7A  }
0x26: {  	[smem:$0x3F87] =	sst s1;
	(tag) =	ssettag s2;
	_ =	strace s9  }
0x27: {  	s1 =	sld [smem:$0x3F97]  }
0x28: {  	s2 =	sld [smem:$0x3F98]  }
0x29: {  	s4 =	sld [smem:$0x3F9A]  }
0x2a: {  	p0 =	seq.s32 s5, $0x0;
	s5 =	sld [smem:$0x3F9B]  }
0x2b: {  	s6 =	sld [smem:$0x3F9C]  }
0x2c: {  	s7 =	sld [smem:$0x3F9D]  }
0x2d: {  	s3 =	simm.s32 $0x108;
	s8 =	sld [smem:$0x3F9E]  }
0x2e: {  	s3 =	simm.s32 @!p0 $0x1082;
	s9 =	sld [smem:$0x3F9F]  }
0x2f: {  	lr =	sadd.s32 s0, s3;
	s0 =	sld [smem:$0x3F96]  }
0x30: {  	s3 =	sld [smem:$0x3F99]  }
0x31: {  	[smem:$0x3FA2] =	sst s10  }
0x32: {  	s10 =	sld [smem:$0x3FA0];
	_ =	sdelay $0x3  }
0x33: {  	p0 =	seq.s32 s10, $0x1;
	s10 =	sld [smem:$0x3FA2];
	_ =	sdelay $0x3  }
0x34: {  	[smem:$0x3FA2] =	sst s10  }
0x35: {  	s10 =	sld [smem:$0x3FA1];
	_ =	sdelay $0x3  }
0x36: {  	p1 =	seq.s32 s10, $0x1;
	s10 =	sld [smem:$0x3FA2];
	_ =	sdelay $0x3  }
0x37: {  	[smem:$0x3FA2] =	sst s10  }
0x38: {  	s10 =	sld [smem:$0x3FA3]  }
0x39: {  	_ = 	snop;
	(pc) =	sbr.ind lr, $3  }
0x3a: {  	_ = 	snop  }
0x3b: {  	_ = 	snop  }
0x3c: {  	p2 =	seq.s32 s10, $0x1;
	s10 =	sld [smem:$0x3FA2]  }
0x3d: {  	_ =	shalt  }
0x3e: {  	_ =	shalt  }
0x3f: {  	_ =	shalt  }
0x40: {  	_ =	shalt  }
0x41: {  	_ =	shalt  }
0x42: {  	_ =	shalt  }
0x43: {  	_ =	shalt  }
0x44: {  	_ =	shalt  }
0x45: {  	_ =	shalt  }
0x46: {  	_ =	shalt  }
0x47: {  	_ =	shalt  }
0x48: {  	_ =	shalt  }
0x49: {  	_ =	shalt  }
0x4a: {  	_ =	shalt  }
0x4b: {  	_ =	shalt  }
0x4c: {  	_ =	shalt  }
0x4d: {  	_ =	shalt  }
0x4e: {  	_ =	shalt  }
0x4f: {  	_ =	shalt  }
0x50: {  	_ =	shalt  }
0x51: {  	_ =	shalt  }
0x52: {  	_ =	shalt  }
0x53: {  	_ =	shalt  }
0x54: {  	_ =	shalt  }
0x55: {  	_ =	shalt  }
0x56: {  	_ =	shalt  }
0x57: {  	_ =	shalt  }
0x58: {  	_ =	shalt  }
0x59: {  	_ =	shalt  }
0x5a: {  	_ =	shalt  }
0x5b: {  	_ =	shalt  }
0x5c: {  	_ =	shalt  }
0x5d: {  	_ =	shalt  }
0x5e: {  	_ =	shalt  }
0x5f: {  	_ =	shalt  }
0x60: {  	_ =	shalt  }
0x61: {  	_ =	shalt  }
0x62: {  	_ =	shalt  }
0x63: {  	_ =	shalt  }
0x64: {  	_ =	shalt  }
0x65: {  	_ =	shalt  }
0x66: {  	_ =	shalt  }
0x67: {  	_ =	shalt  }
0x68: {  	_ =	shalt  }
0x69: {  	_ =	shalt  }
0x6a: {  	_ =	shalt  }
0x6b: {  	_ =	shalt  }
0x6c: {  	_ =	shalt  }
0x6d: {  	_ =	shalt  }
0x6e: {  	_ =	shalt  }
0x6f: {  	_ =	shalt  }
0x70: {  	_ =	shalt  }
0x71: {  	_ =	shalt  }
0x72: {  	_ =	shalt  }
0x73: {  	_ =	shalt  }
0x74: {  	_ =	shalt  }
0x75: {  	_ =	shalt  }
0x76: {  	_ =	shalt  }
0x77: {  	_ =	shalt  }
0x78: {  	_ =	shalt  }
0x79: {  	_ =	shalt  }
0x7a: {  	_ =	shalt  }
0x7b: {  	_ =	shalt  }
0x7c: {  	_ =	shalt  }
0x7d: {  	_ =	shalt  }
0x7e: {  	_ =	shalt  }
0x7f: {  	_ =	shalt  }
0x80: {  	_ =	shalt  }
0x81: {  	_ =	shalt  }
0x82: {  	_ =	shalt  }
0x83: {  	_ =	shalt  }
0x84: {  	_ =	shalt  }
0x85: {  	_ =	shalt  }
0x86: {  	_ =	shalt  }
0x87: {  	_ =	shalt  }
.Lfunc_end0:
.L_simem_size_0:
called_computation.3_lowered:
.L_overlay_start_0:
0x88: {  	s2 =	sld [smem:$0x3FD9]  }
0x89: {  	s3 =	sld [smem:$0x3FFE];
	_ =	sdelay $0x1  }
0x8a: {  	s1 =	srdreg.scid  }
0x8b: {  	s0 =	sand.u32 $0x1, s1  }
0x8c: {  	s17 =	sshll.u32 s0, $0xA;
	s2 =	sadd.s32 s3, s2  }
0x8d: {  	s2 =	sadd.s32 s2, s17  }
0x8e: {  	[smem:$0x3FAE] =	sst s2  }
0x8f: {  	_ = 	snop  }
0x90: {  	(tm) =	ssettm $0x1  }
0x91: {  	s18 =	sld [smem:$0x3FFB];
	_ =	sdelay $0x3  }
0x92: {  	_ =	strace s18  }
0x93: {  	s2 =	sld [smem:$0x3FFC];
	_ =	sdelay $0x3  }
0x94: {  	_ =	strace s2  }
0x95: {  	s2 =	sld [smem:$0x3FFD];
	_ =	sdelay $0x3  }
0x96: {  	_ =	strace s2  }
0x97: {  	_ =	strace $0x8FFFFFFF  }
0x98: {  	s19 =	sld [smem:$0x3FDB];
	_ =	sdelay $0x1  }
0x99: {  	s20 =	simm.s32 $_scs_section_size  }
0x9a: {  	s4 =	simm.s32 $_size__tile_overlayer_lowered;
	s5 =	simm.s32 $_tile_overlayer_lowered  }
0x9b: {  	s6 =	simm.s32 $0x1BFF;
	s21 =	sshll.u32 s5, $0x1;
	s3 =	sadd.s32 s20, s19  }
0x9c: {  	s22 =	simm.s32 $0x0;
	s4 =	sshll.u32 s4, $0x1;
	s5 =	sadd.s32 s21, s3  }
0x9d: {  	[timem:s22], [sflag:s6] =	dma.local [hbm:s5], s4  }
0x9e: {  	_ =	swait.ge [sflag:s6], s4  }
0x9f: {  	s4 =	ssub.s32 $0x0, s4;
	[sflag:s6] =	ssyncset.done $0x0  }
0xa0: {  	[sflag:s6] =	ssyncadd.s32 s4;
	_ =	sdelay $0x1  }
0xa1: {  	s23 =	simm.s32 $0x1B8B  }
0xa2: {  	_ =	swait.ge [sflag:s23], $0x1  }
0xa3: {  	[sflag:s23] =	ssyncset.done $0x0  }
0xa4: {  	[sflag:s23] =	ssyncadd.s32 $0xFFFFFFFF  }
0xa5: {  	s4 =	sld [smem:$0x0]  }
0xa6: {  	s5 =	sand.u32 $0xFFFFFFFE, s1  }
0xa7: {  	p0 =	sne.s32 s1, s5  }
0xa8: {  	s5 =	sshll.u32 @p0 s5, $0xE  }
0xa9: {  	s5 =	sadd.s32 @p0 $0x11B8D, s5;
	s6 =	sshll.u32 @p0 s4, $0x11  }
0xaa: {  	s5 =	sor.u32 @p0 s6, s5  }
0xab: {  	[sflag:s5] =	ssyncadd.remote.s32 @p0 $0x1;
	_ =	sdelay $0x1  }
0xac: {  	s5 =	simm.s32 @p0 $0x1B8D  }
0xad: {  	_ =	swait.eq @p0 [sflag:s5], $0x1  }
0xae: {  	[sflag:s5] =	ssyncadd.s32 @p0 $0xFFFFFFFF  }
0xaf: {  	s6 =	sshll.u32 @!p0 s1, $0xE  }
0xb0: {  	s6 =	sor.u32 @!p0 $0x4000, s6;
	s5 =	simm.s32 @!p0 $0x1B8D  }
0xb1: {  	s4 =	sshll.u32 @!p0 s4, $0x11;
	s6 =	sadd.s32 @!p0 $0x11B8D, s6;
	_ =	swait.eq @!p0 [sflag:s5], $0x1  }
0xb2: {  	s4 =	sor.u32 @!p0 s4, s6;
	[sflag:s5] =	ssyncadd.s32 @!p0 $0xFFFFFFFF  }
0xb3: {  	s25 =	simm.s32 $0x1B8E;
	s24 =	sld [smem:$0x3FFE];
	[sflag:s4] =	ssyncadd.remote.s32 @!p0 $0x1  }
0xb4: {  	s26 =	simm.s32 $execute0_lowered;
	[smem:$0x3FD2] =	sst s25  }
0xb5: {  	s5 =	sshll.u32 s26, $0x1;
	_ =	strace $0x8000004C;
	[dreg:$0x1] =	wrdreg $0xFFFFFFFF  }
0xb6: {  	s28 =	simm.s32 $_size_execute0_lowered;
	s3 =	sadd.s32 s3, s5;
	[dreg:$0x0] =	wrdreg $0x0  }
0xb7: {  	s5 =	sshll.u32 s28, $0x1;
	[dreg:$0x2] =	wrdreg s3  }
0xb8: {  	[dreg:$0x3] =	wrdreg s5  }
0xb9: {  	[dreg:$0x4] =	wrdreg $0xC0  }
0xba: {  	_ =	task [dreg:s22], $0x5FFFF  }
0xbb: {  	[dreg:$0x1] =	wrdreg $0xFFFFFFFF  }
0xbc: {  	[dreg:$0x0] =	wrdreg $0x60  }
0xbd: {  	[dreg:$0x2] =	wrdreg s24  }
0xbe: {  	[dreg:$0x3] =	wrdreg $0x90000  }
0xbf: {  	[dreg:$0x4] =	wrdreg $0xA  }
0xc0: {  	_ =	task.clear_ibuf [dreg:s22], $0x5FFFF;
	_ =	strace $0x9000004C  }
0xc1: {  	s29 =	simm.s32 $0xA;
	_ =	strace $0x8000004E  }
0xc2: {  	_ =	swait.ge [sflag:s29], $0x1  }
0xc3: {  	[sflag:s29] =	ssyncadd.s32 $0xFFFFFFFF  }
0xc4: {  	_ =	strace $0x9000004E  }
0xc5: {  	_ =	sfence  }
0xc6: {  	s30 =	sld [smem:$0x0];
	_ =	sdelay $0x2  }
0xc7: {  	s31 =	sshll.u32 s1, $0xD;
	s1 =	sshrl.u32 s1, $0x2  }
0xc8: {  	s4 =	sand.u32 $0x4000, s31;
	s1 =	sadd.s32 s1, s30  }
0xc9: {  	s0 =	sor.u32 s4, s0;
	s1 =	sshll.u32 s1, $0x11  }
0xca: {  	s0 =	sor.u32 s1, s0  }
0xcb: {  	s0 =	sadd.s32 $0x8F2B, s0  }
0xcc: {  	[sflag:s0] =	ssyncadd.remote.s32 $0x1  }
0xcd: {  	_ =	sfence.sel $0xFFFF  }
0xce: {  	[dreg:$0x0] =	wrdreg $0xFFFFFFFF;
	(pc) =	sbr.abs _section_cstart, $3  }
0xcf: {  	[dreg:$0x1] =	wrdreg $0xFFFFFFFF  }
0xd0: {  	_ =	task.clear_ibuf [dreg:s22], $0x2FFFF;
	_ =	strace $0x9FFFFFFF  }
0xd1: {  	(tm) =	ssettm $0x7FFFFFFF  }
tec
execute0_lowered:
.L_overlay_start_1:
0x0: {  	(tag) =	ssettag $0x1  }
0x1: {  	s1 =	srdreg.scid;
	s6 =	rddreg [dreg:$0x0]  }
0x2: {  	s0 =	stileid.u32;
	s2 =	rddreg [dreg:$0x1];
	s3 =	simm.s32 $0x0  }
0x3: {  	s14 =	simm.s32 $0x5000;
	s15 =	simm.s32 $0x2;
	s16 =	simm.s32 $0x2800  }
0x4: {  	s17 =	simm.s32 $0x80;
	s18 =	simm.s32 $0x1;
	s5 =	sand.u32 $0x1, s1  }
0x5: {  	s26 =	sshll.u32 s0, $0x1;
	s9 =	smul.u32 $0x14000, s0;
	[smem:$0x7FF] =	sst s3  }
0x6: {  	s10 =	smul.u32 $0x50000, s0;
	s4 =	sadd.s32 $0x18600, s6;
	s19 =	sshll.u32 s0, $0x6  }
0x7: {  	s1 =	sor.u32 s5, s26;
	s8 =	smul.u32 $0x140000, s5;
	s29 =	ssub.s32 $0x2, s5  }
0x8: {  	s19 =	sor.u32 $0x1C02, s19;
	s7 =	smul.u32 $0x500, s1;
	s1 =	rddreg [dreg:$0x2]  }
0x9: {  	_ =	strace $0x8000004D;
	s30 =	sshrl.u32 s10, $0x2;
	s31 =	sshrl.u32 s29, $0x1  }
0xa: {  	s28 =	sadd.s32 s9, s8;
	s5 =	sadd.s32 s30, s2;
	s13 =	ssub.s32 s29, s31  }
0xb: {  	s11 =	sadd.s32 s7, s6;
	s7 =	sshrl.u32 s28, $0x3;
	s8 =	sadd.s32 $0xC000, s5  }
0xc: {  	s9 =	sadd.s32 $0x10000, s5;
	s13 =	smax.u32 s13, $0x1;
	s20 =	sshrl.u32 s5, $0x3  }
0xd: {  	s12 =	sadd.s32 s7, s6;
	s6 =	sadd.s32 $0x4000, s5;
	s7 =	sadd.s32 $0x8000, s5  }
0xe: {  	v0 =	vimm.f32 $0.0e+00;
	s10 =	sadd.s32 $0x4600, s11;
	s11 =	sadd.s32 $0xE600, s11;
	s12 =	sadd.s32 $0xF5A00, s12  }
.LBB2_1:
0xf: {  	s21 =	simm.s32 $0x0;
	s22 =	simm.s32 $0x200  }
.LBB2_2:
0x10: {  	p0 =	sne.s32 s22, $0xFE00;
	[tilespmem:s21+$0x5070] =	vst v0  }
0x11: {  	[tilespmem:s21+$0x5000] =	vst v0  }
0x12: {  	[tilespmem:s21+$0x5010] =	vst v0  }
.Ltmp0:
0x13: {  	[tilespmem:s21+$0x5020] =	vst v0;
	(pc) =	sbr.rel @p0 .LBB2_2-.Ltmp0, $4  }
0x14: {  	[tilespmem:s21+$0x5030] =	vst v0  }
0x15: {  	[tilespmem:s21+$0x5040] =	vst v0  }
0x16: {  	[tilespmem:s21+$0x5050] =	vst v0  }
0x17: {  	[tilespmem:s21+$0x5060] =	vst v0;
	s21 =	sshra.s32 s22, $0x2;
	s22 =	sadd.s32 $0x200, s22  }
0x18: {  	[tilespmem:s21+$0x5070] =	vst v0  }
0x19: {  	[tilespmem:s21+$0x5000] =	vst v0  }
0x1a: {  	[tilespmem:s21+$0x5010] =	vst v0  }
0x1b: {  	[tilespmem:s21+$0x5020] =	vst v0  }
0x1c: {  	[tilespmem:s21+$0x5030] =	vst v0  }
0x1d: {  	[tilespmem:s21+$0x5040] =	vst v0  }
0x1e: {  	[tilespmem:s21+$0x5050] =	vst v0  }
0x1f: {  	[tilespmem:s21+$0x5060] =	vst v0  }
0x20: {  	[spmem:s5] =	stream.linear.scatter [tilespmem:s14], [sflag:$0x2], $0x4000, $0x38;
	[tilespmem:$0x1D000] =	vst v63  }
0x21: {  	_ =	swait.ge [sflag:s15], $0x4000  }
0x22: {  	[sflag:s15] =	ssyncset.done $0x0  }
0x23: {  	[sflag:s15] =	ssyncadd.s32 $0xFFFFC000  }
0x24: {  	[spmem:s6] =	stream.linear.scatter [tilespmem:s14], [sflag:$0x2], $0x4000, $0x38;
	[tilespmem:$0x1D000] =	vst v63  }
0x25: {  	_ =	swait.ge [sflag:s15], $0x4000  }
0x26: {  	[sflag:s15] =	ssyncset.done $0x0  }
0x27: {  	[sflag:s15] =	ssyncadd.s32 $0xFFFFC000  }
0x28: {  	[spmem:s7] =	stream.linear.scatter [tilespmem:s14], [sflag:$0x2], $0x4000, $0x38;
	[tilespmem:$0x1D000] =	vst v63  }
0x29: {  	_ =	swait.ge [sflag:s15], $0x4000  }
0x2a: {  	[sflag:s15] =	ssyncset.done $0x0  }
0x2b: {  	[sflag:s15] =	ssyncadd.s32 $0xFFFFC000  }
0x2c: {  	[spmem:s8] =	stream.linear.scatter [tilespmem:s14], [sflag:$0x2], $0x4000, $0x38;
	[tilespmem:$0x1D000] =	vst v63  }
0x2d: {  	_ =	swait.ge [sflag:s15], $0x4000  }
0x2e: {  	[sflag:s15] =	ssyncset.done $0x0  }
0x2f: {  	[sflag:s15] =	ssyncadd.s32 $0xFFFFC000  }
0x30: {  	[spmem:s9] =	stream.linear.scatter [tilespmem:s14], [sflag:$0x2], $0x4000, $0x38;
	[tilespmem:$0x1D000] =	vst v63  }
0x31: {  	_ =	swait.ge [sflag:s15], $0x4000  }
0x32: {  	[sflag:s15] =	ssyncset.done $0x0  }
0x33: {  	[sflag:s15] =	ssyncadd.s32 $0xFFFFC000  }
0x34: {  	s29 =	simm.s32 $0x0;
	[bflag:$0x0] =	sbarrier.arrive $0xFFFF  }
0x35: {  	[tilespmem:s29], [sflag:$0x2] =	stream.linear.gather [hbm4b:s10+s29], $0x2780, $0x38;
	[tilespmem:$0x1D000] =	vst v63  }
0x36: {  	_ =	swait.ge [sflag:s15], $0x2780  }
0x37: {  	[sflag:s15] =	ssyncset.done $0x0  }
0x38: {  	[sflag:s15] =	ssyncadd.s32 $0xFFFFD880  }
0x39: {  	[tilespmem:s16], [sflag:$0x2] =	stream.linear.gather [hbm4b:s11+s29], $0x2780, $0x38;
	[tilespmem:$0x1D000] =	vst v63  }
0x3a: {  	_ =	swait.ge [sflag:s15], $0x2780  }
0x3b: {  	[sflag:s15] =	ssyncset.done $0x0  }
0x3c: {  	s30 =	simm.s32 $0x0;
	[sflag:s15] =	ssyncadd.s32 $0xFFFFD880  }
0x3d: {  	[tilespmem:s14], [sflag:$0x1] =	stream.indirect.gather [hbm4b:s4+s17], $0x80, s30, s17, $0xb8;
	[tilespmem:$0x1D000] =	vst v63  }
0x3e: {  	_ =	swait.ge [sflag:s18], $0x4000  }
0x3f: {  	[sflag:s18] =	ssyncset.done $0x0  }
0x40: {  	s31 =	simm.s32 $0x2800;
	[sflag:s18] =	ssyncadd.s32 $0xFFFFC000  }
0x41: {  	[spmem:s2] =	stream.indirect.scatter.add.f32 [tilespmem:s14], [sflag:$0x2], $0x80, s31, s17, $0xb8;
	[tilespmem:$0x1D000] =	vst v63  }
0x42: {  	_ =	swait.ge [sflag:s15], $0x4000  }
0x43: {  	s21 =	simm.s32 $0x200;
	s22 =	simm.s32 $0x400;
	[sflag:s15] =	ssyncset.done $0x0  }
.LBB2_4:
0x44: {  	s23 =	sshra.s32 s21, $0x2  }
0x45: {  	[sflag:s15] =	ssyncadd.s32 $0xFFFFC000;
	s21 =	smov.u32 s22;
	s24 =	sadd.s32 $0x200, s22  }
0x46: {  	[tilespmem:s14], [sflag:$0x1] =	stream.indirect.gather [hbm4b:s4+s17], $0x80, s23, s17, $0xb8;
	[tilespmem:$0x1D000] =	vst v63  }
0x47: {  	p0 =	sne.s32 s22, $0x9C00;
	_ =	swait.ge [sflag:s18], $0x4000  }
.Ltmp1:
0x48: {  	[sflag:s18] =	ssyncset.done $0x0;
	(pc) =	sbr.rel @p0 .LBB2_4-.Ltmp1, $4  }
0x49: {  	s22 =	sadd.s32 $0x2800, s23;
	[sflag:s18] =	ssyncadd.s32 $0xFFFFC000  }
0x4a: {  	[spmem:s2] =	stream.indirect.scatter.add.f32 [tilespmem:s14], [sflag:$0x2], $0x80, s22, s17, $0xb8;
	[tilespmem:$0x1D000] =	vst v63  }
0x4b: {  	_ =	swait.ge [sflag:s15], $0x4000  }
0x4c: {  	s22 =	smov.u32 s24;
	[sflag:s15] =	ssyncset.done $0x0  }
0x4d: {  	s21 =	sshra.s32 s21, $0x2;
	[sflag:s15] =	ssyncadd.s32 $0xFFFFC000  }
0x4e: {  	[tilespmem:s14], [sflag:$0x1] =	stream.indirect.gather [hbm4b:s4+s17], $0x80, s21, s17, $0xb8;
	[tilespmem:$0x1D000] =	vst v63  }
0x4f: {  	_ =	swait.ge [sflag:s18], $0x4000  }
0x50: {  	[sflag:s18] =	ssyncset.done $0x0  }
0x51: {  	s21 =	sadd.s32 $0x2800, s21;
	[sflag:s18] =	ssyncadd.s32 $0xFFFFC000  }
0x52: {  	[spmem:s2] =	stream.indirect.scatter.add.f32 [tilespmem:s14], [sflag:$0x2], $0x80, s21, s17, $0xb8;
	[tilespmem:$0x1D000] =	vst v63  }
0x53: {  	_ =	swait.ge [sflag:s15], $0x4000  }
0x54: {  	s3 =	sadd.s32 $0x1, s3;
	[sflag:s15] =	ssyncset.done $0x0  }
0x55: {  	p0 =	sne.s32 s3, s13;
	[sflag:s15] =	ssyncadd.s32 $0xFFFFC000  }
.Ltmp2:
0x56: {  	[bflag:$0x0] =	sbarrier.arrive $0xFFFF;
	(pc) =	sbr.rel @p0 .LBB2_1-.Ltmp2, $4  }
0x57: {  	[hbm:s12], [sflag:s19] =	dma.local [spmem:s20], $0x2800  }
0x58: {  	_ =	swait.ge [sflag:s15], $0x2800  }
0x59: {  	[sflag:s15] =	ssyncset.done $0x0  }
0x5a: {  	[sflag:s15] =	ssyncadd.s32 $0xFFFFD800  }
0x5b: {  	_ =	sfence.sel $0x180000  }
0x5c: {  	[bflag:$0x0] =	sbarrier.arrive $0xFFFF  }
0x5d: {  	p0 =	sne.s32 s0, $0x0;
	_ =	strace $0x9000004D  }
0x5e: {  	s0 =	sadd.s32 @!p0 $0x100000, s1;
	[bflag:$0x2] =	sbarrier.arrive $0xFFFF  }
0x5f: {  	[sflag:s0] =	ssyncadd.tile.s32 @!p0 $0x1;
	_ =	shalt  }
.Lfunc_end2:
_tile_overlayer_lowered:
.L_overlay_start_2:
0x60: {  	(tag) =	ssettag $0x2  }
0x61: {  	s0 =	rddreg [dreg:$0x0];
	s2 =	stileid.u32  }
0x62: {  	s1 =	rddreg [dreg:$0x1];
	p0 =	sne.s32 s2, $0x0  }
0x63: {  	s3 =	rddreg [dreg:$0x2];
	[bflag:$0x3] =	sbarrier.arrive $0xFFFF;
	s2 =	simm.s32 @!p0 $0x1C02  }
0x64: {  	[timem:s3], [sflag:s2] =	dma.local @!p0 [hbm:s0], s1  }
0x65: {  	s0 =	simm.s32 @!p0 $0x2  }
0x66: {  	_ =	swait.ge @!p0 [sflag:s0], s1  }
0x67: {  	s1 =	ssub.s32 @!p0 $0x0, s1;
	[sflag:s0] =	ssyncset.done @!p0 $0x0  }
0x68: {  	[sflag:s0] =	ssyncadd.s32 @!p0 s1  }
0x69: {  	[bflag:$0x3] =	sbarrier.arrive $0xFFFF  }
0x6a: {  	_ =	shalt  }

// kernel: kernel.23.cloned.1.call-start
scs
__scs_entry_jumppad:
0x0: {  	(pc) =	sbr.rel $0x88, $3  }
0x1: {  	(tag) =	ssettag $0x0;
	lr =	simm.s32 $0x1  }
0x2: {  	[smem:$0x3F87] =	sst lr;
	_ =	strace $0xD0000000  }
0x3: {  	_ = 	snop  }
0x4: {  	_ = 	snop  }
0x5: {  	_ = 	snop  }
0x6: {  	_ = 	snop  }
0x7: {  	_ = 	snop  }
__scs_overlays_trampoline_lowered:
0x8: {  	[smem:$0x3F96] =	sst s0  }
0x9: {  	[smem:$0x3F97] =	sst s1  }
0xa: {  	[smem:$0x3F98] =	sst s2  }
0xb: {  	[smem:$0x3F99] =	sst s3  }
0xc: {  	[smem:$0x3F9A] =	sst s4  }
0xd: {  	[smem:$0x3F9B] =	sst s5  }
0xe: {  	[smem:$0x3F9C] =	sst s6  }
0xf: {  	[smem:$0x3F9D] =	sst s7  }
0x10: {  	[smem:$0x3F9E] =	sst s8  }
0x11: {  	[smem:$0x3F9F] =	sst s9;
	s0 =	simm.s32 @!p0 $0x0  }
0x12: {  	s1 =	sld [smem:$0x3F85];
	s0 =	simm.s32 @p0 $0x1  }
0x13: {  	[smem:$0x3FA0] =	sst s0;
	s0 =	simm.s32 @!p1 $0x0  }
0x14: {  	s2 =	sld [smem:$0x3F84];
	s0 =	simm.s32 @p1 $0x1  }
0x15: {  	[smem:$0x3FA1] =	sst s0;
	s0 =	simm.s32 @!p2 $0x0  }
0x16: {  	s3 =	sld [smem:$0x3FDB];
	s0 =	simm.s32 @p2 $0x1  }
0x17: {  	s4 =	simm.s32 $0x1BF5;
	[smem:$0x3FA3] =	sst s0  }
0x18: {  	s0 =	sld [smem:$0x3F86];
	_ =	swait.ge [sflag:s4], $0x0  }
0x19: {  	s7 =	sld [smem:$0x3F87]  }
0x1a: {  	s8 =	sadd.s32 $0xFFFFE003, lr  }
0x1b: {  	s9 =	sadd.s32 $0xFFFFFEF7, lr;
	s5 =	simm.s32 $0xFFFFFFFF;
	p2 =	slt.u32 s8, $0xFFFFF086  }
0x1c: {  	p1 =	slt.u32 s9, $0xF7A;
	s5 =	simm.s32 @!p2 $0x0  }
0x1d: {  	s5 =	simm.s32 @p1 $0x1;
	p0 =	seq.s32 s7, s2  }
0x1e: {  	s7 =	smul.u32 @!p0 $0xF7A, s2;
	p2 =	seq.s32 @!p0 s5, $0x0  }
0x1f: {  	s9 =	smul.u32 $0xF7A, s1;
	s8 =	simm.s32 @!p0 $0x1BF5;
	p2 =	por !p2, p0  }
0x20: {  	[sflag:s8] =	ssyncset.s32 @!p0 $0xFFFFF086;
	s6 =	sadd.s32 @!p0 s3, s7;
	s7 =	simm.s32 @!p0 $0x108  }
0x21: {  	s3 =	sadd.s32 s3, s9;
	s6 =	sadd.s32 @!p0 $0x88, s6;
	s7 =	simm.s32 @p2 $0x1082  }
0x22: {  	[simem:s7], [sflag:s8] =	dma.local @!p0 [hbm:s6], $0xF7A  }
0x23: {  	s9 =	sor.u32 $0xD0000000, s2;
	s6 =	simm.s32 $0x108;
	_ =	swait.ge @!p0 [sflag:s8], $0x0  }
0x24: {  	s3 =	sadd.s32 $0x88, s3;
	s6 =	simm.s32 @!p1 $0x1082;
	[sflag:s4] =	ssyncset.s32 $0xFFFFF086  }
0x25: {  	[simem:s6], [sflag:s4] =	dma.local [hbm:s3], $0xF7A  }
0x26: {  	[smem:$0x3F87] =	sst s1;
	(tag) =	ssettag s2;
	_ =	strace s9  }
0x27: {  	s1 =	sld [smem:$0x3F97]  }
0x28: {  	s2 =	sld [smem:$0x3F98]  }
0x29: {  	s4 =	sld [smem:$0x3F9A]  }
0x2a: {  	p0 =	seq.s32 s5, $0x0;
	s5 =	sld [smem:$0x3F9B]  }
0x2b: {  	s6 =	sld [smem:$0x3F9C]  }
0x2c: {  	s7 =	sld [smem:$0x3F9D]  }
0x2d: {  	s3 =	simm.s32 $0x108;
	s8 =	sld [smem:$0x3F9E]  }
0x2e: {  	s3 =	simm.s32 @!p0 $0x1082;
	s9 =	sld [smem:$0x3F9F]  }
0x2f: {  	lr =	sadd.s32 s0, s3;
	s0 =	sld [smem:$0x3F96]  }
0x30: {  	s3 =	sld [smem:$0x3F99]  }
0x31: {  	[smem:$0x3FA2] =	sst s10  }
0x32: {  	s10 =	sld [smem:$0x3FA0];
	_ =	sdelay $0x3  }
0x33: {  	p0 =	seq.s32 s10, $0x1;
	s10 =	sld [smem:$0x3FA2];
	_ =	sdelay $0x3  }
0x34: {  	[smem:$0x3FA2] =	sst s10  }
0x35: {  	s10 =	sld [smem:$0x3FA1];
	_ =	sdelay $0x3  }
0x36: {  	p1 =	seq.s32 s10, $0x1;
	s10 =	sld [smem:$0x3FA2];
	_ =	sdelay $0x3  }
0x37: {  	[smem:$0x3FA2] =	sst s10  }
0x38: {  	s10 =	sld [smem:$0x3FA3]  }
0x39: {  	_ = 	snop;
	(pc) =	sbr.ind lr, $3  }
0x3a: {  	_ = 	snop  }
0x3b: {  	_ = 	snop  }
0x3c: {  	p2 =	seq.s32 s10, $0x1;
	s10 =	sld [smem:$0x3FA2]  }
0x3d: {  	_ =	shalt  }
0x3e: {  	_ =	shalt  }
0x3f: {  	_ =	shalt  }
0x40: {  	_ =	shalt  }
0x41: {  	_ =	shalt  }
0x42: {  	_ =	shalt  }
0x43: {  	_ =	shalt  }
0x44: {  	_ =	shalt  }
0x45: {  	_ =	shalt  }
0x46: {  	_ =	shalt  }
0x47: {  	_ =	shalt  }
0x48: {  	_ =	shalt  }
0x49: {  	_ =	shalt  }
0x4a: {  	_ =	shalt  }
0x4b: {  	_ =	shalt  }
0x4c: {  	_ =	shalt  }
0x4d: {  	_ =	shalt  }
0x4e: {  	_ =	shalt  }
0x4f: {  	_ =	shalt  }
0x50: {  	_ =	shalt  }
0x51: {  	_ =	shalt  }
0x52: {  	_ =	shalt  }
0x53: {  	_ =	shalt  }
0x54: {  	_ =	shalt  }
0x55: {  	_ =	shalt  }
0x56: {  	_ =	shalt  }
0x57: {  	_ =	shalt  }
0x58: {  	_ =	shalt  }
0x59: {  	_ =	shalt  }
0x5a: {  	_ =	shalt  }
0x5b: {  	_ =	shalt  }
0x5c: {  	_ =	shalt  }
0x5d: {  	_ =	shalt  }
0x5e: {  	_ =	shalt  }
0x5f: {  	_ =	shalt  }
0x60: {  	_ =	shalt  }
0x61: {  	_ =	shalt  }
0x62: {  	_ =	shalt  }
0x63: {  	_ =	shalt  }
0x64: {  	_ =	shalt  }
0x65: {  	_ =	shalt  }
0x66: {  	_ =	shalt  }
0x67: {  	_ =	shalt  }
0x68: {  	_ =	shalt  }
0x69: {  	_ =	shalt  }
0x6a: {  	_ =	shalt  }
0x6b: {  	_ =	shalt  }
0x6c: {  	_ =	shalt  }
0x6d: {  	_ =	shalt  }
0x6e: {  	_ =	shalt  }
0x6f: {  	_ =	shalt  }
0x70: {  	_ =	shalt  }
0x71: {  	_ =	shalt  }
0x72: {  	_ =	shalt  }
0x73: {  	_ =	shalt  }
0x74: {  	_ =	shalt  }
0x75: {  	_ =	shalt  }
0x76: {  	_ =	shalt  }
0x77: {  	_ =	shalt  }
0x78: {  	_ =	shalt  }
0x79: {  	_ =	shalt  }
0x7a: {  	_ =	shalt  }
0x7b: {  	_ =	shalt  }
0x7c: {  	_ =	shalt  }
0x7d: {  	_ =	shalt  }
0x7e: {  	_ =	shalt  }
0x7f: {  	_ =	shalt  }
0x80: {  	_ =	shalt  }
0x81: {  	_ =	shalt  }
0x82: {  	_ =	shalt  }
0x83: {  	_ =	shalt  }
0x84: {  	_ =	shalt  }
0x85: {  	_ =	shalt  }
0x86: {  	_ =	shalt  }
0x87: {  	_ =	shalt  }
.Lfunc_end0:
.L_simem_size_0:
called_computation.4_lowered:
.L_overlay_start_0:
0x88: {  	s2 =	sld [smem:$0x3FD9]  }
0x89: {  	s3 =	sld [smem:$0x3FFE];
	_ =	sdelay $0x1  }
0x8a: {  	s1 =	srdreg.scid  }
0x8b: {  	s0 =	sand.u32 $0x1, s1  }
0x8c: {  	s17 =	sshll.u32 s0, $0xA;
	s2 =	sadd.s32 s3, s2  }
0x8d: {  	s2 =	sadd.s32 s2, s17  }
0x8e: {  	[smem:$0x3FAE] =	sst s2  }
0x8f: {  	_ = 	snop  }
0x90: {  	s2 =	sld [smem:$0x3FC8];
	(tm) =	ssettm $0x1  }
0x91: {  	s18 =	sld [smem:$0x3FFB];
	_ =	sdelay $0x3  }
0x92: {  	_ =	strace s18  }
0x93: {  	s3 =	sld [smem:$0x3FFC];
	_ =	sdelay $0x3  }
0x94: {  	_ =	strace s3  }
0x95: {  	s3 =	sld [smem:$0x3FFD];
	_ =	sdelay $0x3  }
0x96: {  	_ =	strace s3  }
0x97: {  	_ =	strace $0x8FFFFFFF  }
0x98: {  	s19 =	sld [smem:$0x3FDB];
	_ =	sdelay $0x1  }
0x99: {  	s4 =	simm.s32 $_scs_section_size  }
0x9a: {  	s5 =	simm.s32 $_size__tile_overlayer_lowered;
	s6 =	simm.s32 $_tile_overlayer_lowered  }
0x9b: {  	s22 =	simm.s32 $0x1BFF;
	s21 =	sshll.u32 s6, $0x1;
	s3 =	sadd.s32 s4, s19  }
0x9c: {  	s7 =	simm.s32 $0x0;
	s20 =	sshll.u32 s5, $0x1;
	s5 =	sadd.s32 s21, s3  }
0x9d: {  	[timem:s7], [sflag:s22] =	dma.local [hbm:s5], s20  }
0x9e: {  	_ =	swait.ge [sflag:s22], s20  }
0x9f: {  	s4 =	ssub.s32 $0x0, s20;
	[sflag:s22] =	ssyncset.done $0x0  }
0xa0: {  	[sflag:s22] =	ssyncadd.s32 s4;
	_ =	sdelay $0x1  }
0xa1: {  	s23 =	simm.s32 $0x1B8B  }
0xa2: {  	_ =	swait.ge [sflag:s23], $0x1  }
0xa3: {  	[sflag:s23] =	ssyncset.done $0x0  }
0xa4: {  	s25 =	simm.s32 $0x1B8E;
	s24 =	sld [smem:$0x3FFE];
	[sflag:s23] =	ssyncadd.s32 $0xFFFFFFFF  }
0xa5: {  	s26 =	simm.s32 $execute0_lowered;
	[smem:$0x3FD2] =	sst s25  }
0xa6: {  	s5 =	sshll.u32 s26, $0x1;
	_ =	strace $0x80000052;
	[dreg:$0x1] =	wrdreg $0xFFFFFFFF  }
0xa7: {  	s28 =	simm.s32 $_size_execute0_lowered;
	s3 =	sadd.s32 s3, s5;
	[dreg:$0x0] =	wrdreg $0x0  }
0xa8: {  	s5 =	sshll.u32 s28, $0x1;
	[dreg:$0x2] =	wrdreg s3  }
0xa9: {  	[dreg:$0x3] =	wrdreg s5  }
0xaa: {  	[dreg:$0x4] =	wrdreg $0xC0  }
0xab: {  	_ =	task [dreg:s7], $0x5FFFF  }
0xac: {  	[dreg:$0x1] =	wrdreg $0xFFFFFFFF  }
0xad: {  	[dreg:$0x0] =	wrdreg $0x60  }
0xae: {  	[dreg:$0x2] =	wrdreg s24  }
0xaf: {  	[dreg:$0x3] =	wrdreg s2  }
0xb0: {  	[dreg:$0x4] =	wrdreg $0x9  }
0xb1: {  	_ =	task.clear_ibuf [dreg:s7], $0x5FFFF;
	_ =	strace $0x90000052  }
0xb2: {  	s29 =	simm.s32 $0x9;
	_ =	strace $0x80000054  }
0xb3: {  	_ =	swait.ge [sflag:s29], $0x1  }
0xb4: {  	[sflag:s29] =	ssyncadd.s32 $0xFFFFFFFF  }
0xb5: {  	_ =	strace $0x90000054  }
0xb6: {  	_ =	sfence  }
0xb7: {  	s30 =	sld [smem:$0x0];
	_ =	sdelay $0x2  }
0xb8: {  	s31 =	sshll.u32 s1, $0xD;
	s1 =	sshrl.u32 s1, $0x2  }
0xb9: {  	s3 =	sand.u32 $0x4000, s31;
	s1 =	sadd.s32 s1, s30  }
0xba: {  	s0 =	sor.u32 s3, s0;
	s1 =	sshll.u32 s1, $0x11  }
0xbb: {  	s0 =	sor.u32 s1, s0  }
0xbc: {  	s0 =	sadd.s32 $0x8F2B, s0  }
0xbd: {  	[sflag:s0] =	ssyncadd.remote.s32 $0x1  }
0xbe: {  	_ =	sfence.sel $0xFFFF  }
0xbf: {  	[dreg:$0x0] =	wrdreg $0xFFFFFFFF;
	(pc) =	sbr.abs _section_cstart, $3  }
0xc0: {  	[dreg:$0x1] =	wrdreg $0xFFFFFFFF  }
0xc1: {  	_ =	task.clear_ibuf [dreg:s7], $0x2FFFF;
	_ =	strace $0x9FFFFFFF  }
0xc2: {  	(tm) =	ssettm $0x7FFFFFFF  }
0xc3: {  	_ =	shalt  }
tec
execute0_lowered:
.L_overlay_start_1:
0x0: {  	(tag) =	ssettag $0x1  }
0x1: {  	s1 =	srdreg.scid  }
0x2: {  	s0 =	stileid.u32;
	s9 =	rddreg [dreg:$0x0]  }
0x3: {  	s3 =	rddreg [dreg:$0x1];
	s6 =	sand.u32 $0x1, s1;
	s30 =	sshll.u32 s0, $0x1  }
0x4: {  	s2 =	simm.s32 $0x0;
	s1 =	rddreg [dreg:$0x2];
	s7 =	sor.u32 s6, s30  }
0x5: {  	s8 =	simm.s32 $0x1;
	[smem:$0x7FF] =	sst s2;
	s4 =	smul.u32 $0x3, s7  }
0x6: {  	s5 =	sadd.s32 $0x4600, s9;
	_ =	strace $0x80000053;
	s11 =	ssub.s32 $0x2, s6  }
0x7: {  	s6 =	simm.s32 $0x18;
	s4 =	sadd.s32 s3, s4;
	s3 =	simm.s32 $0x2  }
0x8: {  	[tilespmem:s2], [sflag:$0x2] =	stream.linear.gather [hbm4b:s4+s2], $0x18, $0x38;
	[tilespmem:$0xC80] =	vst v63  }
0x9: {  	s10 =	smul.u32 $0x180, s7;
	s12 =	sshrl.u32 s11, $0x1;
	_ =	swait.ge [sflag:s3], $0x18  }
0xa: {  	s7 =	simm.s32 $0x80;
	s31 =	ssub.s32 s11, s12;
	[sflag:s3] =	ssyncset.done $0x0  }
0xb: {  	s9 =	sadd.s32 s10, s9;
	s10 =	smax.u32 s31, $0x1;
	[sflag:s3] =	ssyncadd.s32 $0xFFFFFFE8  }
0xc: {  	[tilespmem:s7], [sflag:$0x1] =	stream.indirect.gather [hbm4b:s5+s6], $0x80, s2, s6, $0xb8;
	[tilespmem:$0xC80] =	vst v63  }
0xd: {  	p0 =	sne.s32 s10, $0x1;
	_ =	swait.ge [sflag:s8], $0xC00  }
.Ltmp0:
0xe: {  	[sflag:s8] =	ssyncset.done $0x0;
	(pc) =	sbr.rel @!p0 .LBB2_2-.Ltmp0, $4  }
0xf: {  	s9 =	sadd.s32 $0x2B800, s9;
	[sflag:s8] =	ssyncadd.s32 $0xFFFFF400  }
0x10: {  	[hbm4b:s9+s2] =	stream.linear.scatter [tilespmem:s7], [sflag:$0x2], $0xC00, $0x38;
	[tilespmem:$0xC80] =	vst v63  }
0x11: {  	_ =	swait.ge [sflag:s3], $0xC00  }
0x12: {  	s10 =	sadd.s32 $0xFFFFFFFF, s10;
	[sflag:s3] =	ssyncset.done $0x0  }
.LBB2_1:
0x13: {  	p0 =	sne.s32 s10, $0x1;
	s10 =	sadd.s32 $0xFFFFFFFF, s10;
	[sflag:s3] =	ssyncadd.s32 $0xFFFFF400  }
0x14: {  	[tilespmem:s2], [sflag:$0x2] =	stream.linear.gather [hbm4b:s4+s2], $0x18, $0x38;
	[tilespmem:$0xC80] =	vst v63  }
0x15: {  	_ =	swait.ge [sflag:s3], $0x18  }
0x16: {  	[sflag:s3] =	ssyncset.done $0x0  }
0x17: {  	[sflag:s3] =	ssyncadd.s32 $0xFFFFFFE8  }
0x18: {  	[tilespmem:s7], [sflag:$0x1] =	stream.indirect.gather [hbm4b:s5+s6], $0x80, s2, s6, $0xb8;
	[tilespmem:$0xC80] =	vst v63  }
0x19: {  	_ =	swait.ge [sflag:s8], $0xC00  }
.Ltmp1:
0x1a: {  	[sflag:s8] =	ssyncset.done $0x0;
	(pc) =	sbr.rel @p0 .LBB2_1-.Ltmp1, $4  }
0x1b: {  	[sflag:s8] =	ssyncadd.s32 $0xFFFFF400  }
0x1c: {  	[hbm4b:s9+s2] =	stream.linear.scatter [tilespmem:s7], [sflag:$0x2], $0xC00, $0x38;
	[tilespmem:$0xC80] =	vst v63  }
0x1d: {  	_ =	swait.ge [sflag:s3], $0xC00  }
0x1e: {  	[sflag:s3] =	ssyncset.done $0x0  }
.LBB2_2:
0x1f: {  	[sflag:s3] =	ssyncadd.s32 $0xFFFFF400  }
0x20: {  	_ =	sfence.sel $0x180000  }
0x21: {  	[bflag:$0x0] =	sbarrier.arrive $0xFFFF  }
0x22: {  	p0 =	sne.s32 s0, $0x0;
	_ =	strace $0x90000053  }
0x23: {  	s0 =	sadd.s32 @!p0 $0x100000, s1;
	[bflag:$0x2] =	sbarrier.arrive $0xFFFF  }
0x24: {  	[sflag:s0] =	ssyncadd.tile.s32 @!p0 $0x1;
	_ =	shalt  }
.Lfunc_end2:
_tile_overlayer_lowered:
.L_overlay_start_2:
0x25: {  	(tag) =	ssettag $0x2  }
0x26: {  	s0 =	rddreg [dreg:$0x0];
	s2 =	stileid.u32  }
0x27: {  	s1 =	rddreg [dreg:$0x1];
	p0 =	sne.s32 s2, $0x0  }
0x28: {  	s3 =	rddreg [dreg:$0x2];
	[bflag:$0x3] =	sbarrier.arrive $0xFFFF;
	s2 =	simm.s32 @!p0 $0x1C02  }
0x29: {  	[timem:s3], [sflag:s2] =	dma.local @!p0 [hbm:s0], s1  }
0x2a: {  	s0 =	simm.s32 @!p0 $0x2  }
0x2b: {  	_ =	swait.ge @!p0 [sflag:s0], s1  }
0x2c: {  	s1 =	ssub.s32 @!p0 $0x0, s1;
	[sflag:s0] =	ssyncset.done @!p0 $0x0  }
0x2d: {  	[sflag:s0] =	ssyncadd.s32 @!p0 s1  }
0x2e: {  	[bflag:$0x3] =	sbarrier.arrive $0xFFFF  }
0x2f: {  	_ =	shalt  }

</sc_bundles>
